<compile_context>
chip_gen: v7x
topology: tpu7x:2x2x1
jax: 0.10.2.dev20260603
libtpu: 0.0.44.dev20260713+nightly
codegen_flags: <defaults>
</compile_context>

<pallas_src>
import jax
import jax.numpy as jnp
from jax import lax
from jax.experimental import pallas as pl
from jax.experimental.pallas import tpu as pltpu
from jax.experimental.pallas import tpu_sc as plsc

_N, _C, _H, _W = 16, 3, 512, 512
_SLICE = _H * _W
_NSLICES = _N * _C
_HALF = _SLICE // 2
_NHALF = 2 * _NSLICES
_ROWS = 64
_CHUNK = _ROWS * _W
_NCHUNK = _HALF // _CHUNK
_UNROLL = 8
_LANES = 16
_BINS = 256


def _hist_kernel_body(pred_hbm, targ_hbm, out_hbm, buf0, buf1, buf2,
                      hist0, hist1, sem0, sem1, sem2, osem0, osem1):
    nc = lax.axis_size("c")
    wid = lax.axis_index("s") * nc + lax.axis_index("c")
    lane = lax.iota(jnp.int32, _LANES)
    ones = jnp.ones((_LANES,), jnp.float32)
    zeros = jnp.zeros((_LANES,), jnp.float32)
    per_w = _NHALF // 32
    bufs = (buf0, buf1, buf2)
    sems = (sem0, sem1, sem2)
    hists = (hist0, hist1)
    osems = (osem0, osem1)

    nseg = 2 * per_w
    nchunks = nseg * _NCHUNK
    desc = []
    for t, tref in enumerate((pred_hbm, targ_hbm)):
        for j in range(per_w):
            hs = wid * per_w + j
            sl = hs // 2
            n = sl // _C
            c = sl % _C
            row0 = (hs % 2) * (_H // 2)
            out_row = t * _NHALF + (hs % 2) * _NSLICES + hs // 2
            for g in range(_NCHUNK):
                desc.append((tref, n, c, row0 + g * _ROWS, out_row))

    def issue(m):
        tref, n, c, r0, _ = desc[m]
        return pltpu.async_copy(
            tref.at[n, c, pl.ds(r0, _ROWS), :], bufs[m % 3], sems[m % 3])

    copies = [None] * nchunks
    outcopies = [None] * nseg
    copies[0] = issue(0)
    copies[1] = issue(1)

    for m in range(nchunks):
        if m + 2 < nchunks:
            copies[m + 2] = issue(m + 2)
        seg, phase = divmod(m, _NCHUNK)
        hist = hists[seg % 2]
        if phase == 0:
            if seg >= 2:
                outcopies[seg - 2].wait()

            @plsc.parallel_loop(0, _LANES * _BINS, _LANES, unroll=_UNROLL)
            def zero_body(i, hist=hist):
                hist[pl.ds(i, _LANES)] = zeros

        copies[m].wait()
        cur = bufs[m % 3]

        @plsc.parallel_loop(0, _CHUNK, _LANES, unroll=_UNROLL)
        def vec_body(i, cur=cur, hist=hist):
            r = i // _W
            k = i % _W
            v = cur[r, pl.ds(k, _LANES)]
            b = (v * 255.0).astype(jnp.int32)
            plsc.addupdate_scatter(hist, [b * _LANES + lane], ones)

        if phase == _NCHUNK - 1:
            outcopies[seg] = pltpu.async_copy(
                hist, out_hbm.at[desc[m][4]], osems[seg % 2])

    outcopies[nseg - 2].wait()
    outcopies[nseg - 1].wait()


def _loss_body(h_ref, o_ref):
    scale = 1.0 / float(_SLICE)
    hl = h_ref[...]
    ii = lax.broadcasted_iota(jnp.int32, (_LANES * _BINS, _BINS), 0)
    jj = lax.broadcasted_iota(jnp.int32, (_LANES * _BINS, _BINS), 1)
    m = (ii // _LANES == jj).astype(jnp.float32)
    h = lax.dot_general(hl, m, (((1,), (0,)), ((), ())),
                        preferred_element_type=jnp.float32)
    h1 = (h[0:48] + h[48:96]) * scale
    h2 = (h[96:144] + h[144:192]) * scale
    dot = jnp.sum(h1 * h2, axis=-1)
    n1 = jnp.maximum(jnp.sqrt(jnp.sum(h1 * h1, axis=-1)), 1e-8)
    n2 = jnp.maximum(jnp.sqrt(jnp.sum(h2 * h2, axis=-1)), 1e-8)
    cos = dot / (n1 * n2)
    o_ref[...] = jnp.mean(1.0 - cos).reshape(1, 1)


def kernel(pred, target):
    mesh = plsc.VectorSubcoreMesh(core_axis_name="c", subcore_axis_name="s")
    hist_fn = pl.kernel(
        _hist_kernel_body,
        out_type=jax.ShapeDtypeStruct((2 * _NHALF, _LANES * _BINS),
                                      jnp.float32),
        mesh=mesh,
        scratch_types=[
            pltpu.VMEM((_ROWS, _W), jnp.float32),
            pltpu.VMEM((_ROWS, _W), jnp.float32),
            pltpu.VMEM((_ROWS, _W), jnp.float32),
            pltpu.VMEM((_LANES * _BINS,), jnp.float32),
            pltpu.VMEM((_LANES * _BINS,), jnp.float32),
            pltpu.SemaphoreType.DMA,
            pltpu.SemaphoreType.DMA,
            pltpu.SemaphoreType.DMA,
            pltpu.SemaphoreType.DMA,
            pltpu.SemaphoreType.DMA,
        ],
        compiler_params=pltpu.CompilerParams(needs_layout_passes=False),
    )
    hists = hist_fn(pred, target)
    loss = pl.pallas_call(
        _loss_body,
        out_shape=jax.ShapeDtypeStruct((1, 1), jnp.float32),
    )(hists)
    return loss[0, 0]

# --- scband reference (transcript-rebuilt; emitter-appended) ---
"""Pipeline reference for scband-color-hist-loss-56839597195519 (READ-ONLY COPY).

The authoritative reference and input builder live on the scoring server;
editing this copy changes nothing except your own understanding.
"""

import jax, jax.numpy as jnp
import numpy as np


def setup_inputs(seed: int = 0) -> dict:
    key = jax.random.key(seed)
    k1, k2 = jax.random.split(key)
    pred = jax.random.uniform(k1, (16, 3, 512, 512), dtype=jnp.float32)
    target = jax.random.uniform(k2, (16, 3, 512, 512), dtype=jnp.float32)
    return {"pred": pred, "target": target}


def _hist(x):
    # Emulates torch.histc(x[n, c], bins=255, min=0, max=1) for every (n, c) slice.
    # Inputs are in [0, 1); values == 1.0 fall into the last bin, matching histc.
    B, C = x.shape[0], x.shape[1]
    flat = x.reshape(B * C, -1)
    bins = jnp.clip(jnp.floor(flat * 255.0).astype(jnp.int32), 0, 254)
    row = jnp.arange(B * C)[:, None]
    hist = jnp.zeros((B * C, 255), jnp.float32).at[row, bins].add(1.0)
    return hist.reshape(B, C, 255)


def reference(pred, target):
    loss_weight = 1.0
    hist1 = _hist(pred)
    hist2 = _hist(target)
    hist1 = hist1 / hist1.sum(axis=-1, keepdims=True)
    hist2 = hist2 / hist2.sum(axis=-1, keepdims=True)
    # F.cosine_similarity(dim=-1, eps=1e-8)
    eps = 1e-8
    dot = jnp.sum(hist1 * hist2, axis=-1)
    n1 = jnp.maximum(jnp.sqrt(jnp.sum(hist1 * hist1, axis=-1)), eps)
    n2 = jnp.maximum(jnp.sqrt(jnp.sum(hist2 * hist2, axis=-1)), eps)
    cos_sim = dot / (n1 * n2)
    loss = jnp.mean(1.0 - cos_sim)
    return loss_weight * loss

if __name__ == "__main__":
    import jax
    _d = setup_inputs()
    print(jax.jit(kernel)(*tuple(_d.values())))

</pallas_src>

<mosaic_0001>
#map = affine_map<(d0, d1) -> (0, 0, 0, 0)>
#map1 = affine_map<(d0, d1) -> (0, 0)>
module attributes {stable_mosaic.version = 14 : i64} {
  func.func @_hist_kernel_body(%arg0: i32, %arg1: i32, %arg2: memref<16x3x512x512xf32, #tpu.memory_space<hbm>>, %arg3: memref<16x3x512x512xf32, #tpu.memory_space<hbm>>, %arg4: memref<192x4096xf32, #tpu.memory_space<hbm>>, %arg5: memref<64x512xf32, #tpu.memory_space<vmem>>, %arg6: memref<64x512xf32, #tpu.memory_space<vmem>>, %arg7: memref<64x512xf32, #tpu.memory_space<vmem>>, %arg8: memref<4096xf32, #tpu.memory_space<vmem>>, %arg9: memref<4096xf32, #tpu.memory_space<vmem>>, %arg10: memref<!tpu.dma_semaphore, #tpu.memory_space<semaphore_mem>>, %arg11: memref<!tpu.dma_semaphore, #tpu.memory_space<semaphore_mem>>, %arg12: memref<!tpu.dma_semaphore, #tpu.memory_space<semaphore_mem>>, %arg13: memref<!tpu.dma_semaphore, #tpu.memory_space<semaphore_mem>>, %arg14: memref<!tpu.dma_semaphore, #tpu.memory_space<semaphore_mem>>) attributes {dimension_semantics = [#tpu.dimension_semantics<core_parallel>, #tpu.dimension_semantics<subcore_parallel>], iteration_bounds = array<i64: 2, 16>, scalar_prefetch = 0 : i64, scratch_operands = 10 : i64, tpu.core_type = #tpu.core_type<sc_vector_subcore>, window_params = [{transform_indices = #map}, {transform_indices = #map}, {transform_indices = #map1}]} {
    %mul3A = arith.constant 2 : i32
    %mul3A_0 = arith.muli %arg1, %mul3A : i32
    %add3A = arith.addi %mul3A_0, %arg0 : i32
    %iota3A = tpu.iota {dimensions = array<i32: 0>} : vector<16xi32>
    %broadcast_in_dim3A = arith.constant 1.000000e+00 : f32
    %broadcast_in_dim3A_1 = vector.broadcast %broadcast_in_dim3A : f32 to vector<16xf32>
    %broadcast_in_dim3A_2 = arith.constant 0.000000e+00 : f32
    %broadcast_in_dim3A_3 = vector.broadcast %broadcast_in_dim3A_2 : f32 to vector<16xf32>
    %mul3A_4 = arith.constant 3 : i32
    %mul3A_5 = arith.muli %add3A, %mul3A_4 : i32
    %add3A_6 = arith.constant 0 : i32
    %add3A_7 = arith.addi %mul3A_5, %add3A_6 : i32
    %jit3A = arith.constant 2 : i32
    %div3A = arith.divsi %add3A_7, %jit3A : i32
    %sign3A = arith.constant 0 : i32
    %sign3A_8 = arith.cmpi sgt, %add3A_7, %sign3A : i32
    %sign3A_9 = arith.extui %sign3A_8 : i1 to i32
    %sign3A_10 = arith.constant 0 : i32
    %sign3A_11 = arith.cmpi slt, %add3A_7, %sign3A_10 : i32
    %sign3A_12 = arith.extui %sign3A_11 : i1 to i32
    %sign3A_13 = arith.subi %sign3A_9, %sign3A_12 : i32
    %sign3A_14 = arith.constant 0 : i32
    %sign3A_15 = arith.cmpi sgt, %jit3A, %sign3A_14 : i32
    %sign3A_16 = arith.extui %sign3A_15 : i1 to i32
    %sign3A_17 = arith.constant 0 : i32
    %sign3A_18 = arith.cmpi slt, %jit3A, %sign3A_17 : i32
    %sign3A_19 = arith.extui %sign3A_18 : i1 to i32
    %sign3A_20 = arith.subi %sign3A_16, %sign3A_19 : i32
    %ne3A = arith.cmpi ne, %sign3A_13, %sign3A_20 : i32
    %rem3A = arith.remsi %add3A_7, %jit3A : i32
    %ne3A_21 = arith.constant 0 : i32
    %ne3A_22 = arith.cmpi ne, %rem3A, %ne3A_21 : i32
    %and3A = arith.andi %ne3A, %ne3A_22 : i1
    %sub3A = arith.constant 1 : i32
    %sub3A_23 = arith.subi %div3A, %sub3A : i32
    %select_n3A = arith.select %and3A, %sub3A_23, %div3A : i32
    %jit3A_24 = arith.constant 3 : i32
    %div3A_25 = arith.divsi %select_n3A, %jit3A_24 : i32
    %sign3A_26 = arith.constant 0 : i32
    %sign3A_27 = arith.cmpi sgt, %select_n3A, %sign3A_26 : i32
    %sign3A_28 = arith.extui %sign3A_27 : i1 to i32
    %sign3A_29 = arith.constant 0 : i32
    %sign3A_30 = arith.cmpi slt, %select_n3A, %sign3A_29 : i32
    %sign3A_31 = arith.extui %sign3A_30 : i1 to i32
    %sign3A_32 = arith.subi %sign3A_28, %sign3A_31 : i32
    %sign3A_33 = arith.constant 0 : i32
    %sign3A_34 = arith.cmpi sgt, %jit3A_24, %sign3A_33 : i32
    %sign3A_35 = arith.extui %sign3A_34 : i1 to i32
    %sign3A_36 = arith.constant 0 : i32
    %sign3A_37 = arith.cmpi slt, %jit3A_24, %sign3A_36 : i32
    %sign3A_38 = arith.extui %sign3A_37 : i1 to i32
    %sign3A_39 = arith.subi %sign3A_35, %sign3A_38 : i32
    %ne3A_40 = arith.cmpi ne, %sign3A_32, %sign3A_39 : i32
    %rem3A_41 = arith.remsi %select_n3A, %jit3A_24 : i32
    %ne3A_42 = arith.constant 0 : i32
    %ne3A_43 = arith.cmpi ne, %rem3A_41, %ne3A_42 : i32
    %and3A_44 = arith.andi %ne3A_40, %ne3A_43 : i1
    %sub3A_45 = arith.constant 1 : i32
    %sub3A_46 = arith.subi %div3A_25, %sub3A_45 : i32
    %select_n3A_47 = arith.select %and3A_44, %sub3A_46, %div3A_25 : i32
    %jit3A_48 = arith.constant 3 : i32
    %eq3A = arith.constant 0 : i32
    %eq3A_49 = arith.cmpi eq, %jit3A_48, %eq3A : i32
    %jit3A_50 = arith.constant 1 : i32
    %select_n3A_51 = arith.select %eq3A_49, %jit3A_50, %jit3A_48 : i32
    %rem3A_52 = arith.remsi %select_n3A, %select_n3A_51 : i32
    %ne3A_53 = arith.constant 0 : i32
    %ne3A_54 = arith.cmpi ne, %rem3A_52, %ne3A_53 : i32
    %lt3A = arith.constant 0 : i32
    %lt3A_55 = arith.cmpi slt, %rem3A_52, %lt3A : i32
    %lt3A_56 = arith.constant 0 : i32
    %lt3A_57 = arith.cmpi slt, %select_n3A_51, %lt3A_56 : i32
    %ne3A_58 = arith.xori %lt3A_55, %lt3A_57 : i1
    %and3A_59 = arith.andi %ne3A_58, %ne3A_54 : i1
    %add3A_60 = arith.addi %rem3A_52, %select_n3A_51 : i32
    %select_n3A_61 = arith.select %and3A_59, %add3A_60, %rem3A_52 : i32
    %jit3A_62 = arith.constant 2 : i32
    %eq3A_63 = arith.constant 0 : i32
    %eq3A_64 = arith.cmpi eq, %jit3A_62, %eq3A_63 : i32
    %jit3A_65 = arith.constant 1 : i32
    %select_n3A_66 = arith.select %eq3A_64, %jit3A_65, %jit3A_62 : i32
    %rem3A_67 = arith.remsi %add3A_7, %select_n3A_66 : i32
    %ne3A_68 = arith.constant 0 : i32
    %ne3A_69 = arith.cmpi ne, %rem3A_67, %ne3A_68 : i32
    %lt3A_70 = arith.constant 0 : i32
    %lt3A_71 = arith.cmpi slt, %rem3A_67, %lt3A_70 : i32
    %lt3A_72 = arith.constant 0 : i32
    %lt3A_73 = arith.cmpi slt, %select_n3A_66, %lt3A_72 : i32
    %ne3A_74 = arith.xori %lt3A_71, %lt3A_73 : i1
    %and3A_75 = arith.andi %ne3A_74, %ne3A_69 : i1
    %add3A_76 = arith.addi %rem3A_67, %select_n3A_66 : i32
    %select_n3A_77 = arith.select %and3A_75, %add3A_76, %rem3A_67 : i32
    %mul3A_78 = arith.constant 256 : i32
    %mul3A_79 = arith.muli %select_n3A_77, %mul3A_78 : i32
    %jit3A_80 = arith.constant 2 : i32
    %eq3A_81 = arith.constant 0 : i32
    %eq3A_82 = arith.cmpi eq, %jit3A_80, %eq3A_81 : i32
    %jit3A_83 = arith.constant 1 : i32
    %select_n3A_84 = arith.select %eq3A_82, %jit3A_83, %jit3A_80 : i32
    %rem3A_85 = arith.remsi %add3A_7, %select_n3A_84 : i32
    %ne3A_86 = arith.constant 0 : i32
    %ne3A_87 = arith.cmpi ne, %rem3A_85, %ne3A_86 : i32
    %lt3A_88 = arith.constant 0 : i32
    %lt3A_89 = arith.cmpi slt, %rem3A_85, %lt3A_88 : i32
    %lt3A_90 = arith.constant 0 : i32
    %lt3A_91 = arith.cmpi slt, %select_n3A_84, %lt3A_90 : i32
    %ne3A_92 = arith.xori %lt3A_89, %lt3A_91 : i1
    %and3A_93 = arith.andi %ne3A_92, %ne3A_87 : i1
    %add3A_94 = arith.addi %rem3A_85, %select_n3A_84 : i32
    %select_n3A_95 = arith.select %and3A_93, %add3A_94, %rem3A_85 : i32
    %mul3A_96 = arith.constant 48 : i32
    %mul3A_97 = arith.muli %select_n3A_95, %mul3A_96 : i32
    %add3A_98 = arith.constant 0 : i32
    %add3A_99 = arith.addi %add3A_98, %mul3A_97 : i32
    %jit3A_100 = arith.constant 2 : i32
    %div3A_101 = arith.divsi %add3A_7, %jit3A_100 : i32
    %sign3A_102 = arith.constant 0 : i32
    %sign3A_103 = arith.cmpi sgt, %add3A_7, %sign3A_102 : i32
    %sign3A_104 = arith.extui %sign3A_103 : i1 to i32
    %sign3A_105 = arith.constant 0 : i32
    %sign3A_106 = arith.cmpi slt, %add3A_7, %sign3A_105 : i32
    %sign3A_107 = arith.extui %sign3A_106 : i1 to i32
    %sign3A_108 = arith.subi %sign3A_104, %sign3A_107 : i32
    %sign3A_109 = arith.constant 0 : i32
    %sign3A_110 = arith.cmpi sgt, %jit3A_100, %sign3A_109 : i32
    %sign3A_111 = arith.extui %sign3A_110 : i1 to i32
    %sign3A_112 = arith.constant 0 : i32
    %sign3A_113 = arith.cmpi slt, %jit3A_100, %sign3A_112 : i32
    %sign3A_114 = arith.extui %sign3A_113 : i1 to i32
    %sign3A_115 = arith.subi %sign3A_111, %sign3A_114 : i32
    %ne3A_116 = arith.cmpi ne, %sign3A_108, %sign3A_115 : i32
    %rem3A_117 = arith.remsi %add3A_7, %jit3A_100 : i32
    %ne3A_118 = arith.constant 0 : i32
    %ne3A_119 = arith.cmpi ne, %rem3A_117, %ne3A_118 : i32
    %and3A_120 = arith.andi %ne3A_116, %ne3A_119 : i1
    %sub3A_121 = arith.constant 1 : i32
    %sub3A_122 = arith.subi %div3A_101, %sub3A_121 : i32
    %select_n3A_123 = arith.select %and3A_120, %sub3A_122, %div3A_101 : i32
    %add3A_124 = arith.addi %add3A_99, %select_n3A_123 : i32
    %add3A_125 = arith.constant 0 : i32
    %add3A_126 = arith.addi %mul3A_79, %add3A_125 : i32
    %add3A_127 = arith.constant 64 : i32
    %add3A_128 = arith.addi %mul3A_79, %add3A_127 : i32
    %add3A_129 = arith.constant 128 : i32
    %add3A_130 = arith.addi %mul3A_79, %add3A_129 : i32
    %add3A_131 = arith.constant 192 : i32
    %add3A_132 = arith.addi %mul3A_79, %add3A_131 : i32
    %mul3A_133 = arith.constant 3 : i32
    %mul3A_134 = arith.muli %add3A, %mul3A_133 : i32
    %add3A_135 = arith.constant 1 : i32
    %add3A_136 = arith.addi %mul3A_134, %add3A_135 : i32
    %jit3A_137 = arith.constant 2 : i32
    %div3A_138 = arith.divsi %add3A_136, %jit3A_137 : i32
    %sign3A_139 = arith.constant 0 : i32
    %sign3A_140 = arith.cmpi sgt, %add3A_136, %sign3A_139 : i32
    %sign3A_141 = arith.extui %sign3A_140 : i1 to i32
    %sign3A_142 = arith.constant 0 : i32
    %sign3A_143 = arith.cmpi slt, %add3A_136, %sign3A_142 : i32
    %sign3A_144 = arith.extui %sign3A_143 : i1 to i32
    %sign3A_145 = arith.subi %sign3A_141, %sign3A_144 : i32
    %sign3A_146 = arith.constant 0 : i32
    %sign3A_147 = arith.cmpi sgt, %jit3A_137, %sign3A_146 : i32
    %sign3A_148 = arith.extui %sign3A_147 : i1 to i32
    %sign3A_149 = arith.constant 0 : i32
    %sign3A_150 = arith.cmpi slt, %jit3A_137, %sign3A_149 : i32
    %sign3A_151 = arith.extui %sign3A_150 : i1 to i32
    %sign3A_152 = arith.subi %sign3A_148, %sign3A_151 : i32
    %ne3A_153 = arith.cmpi ne, %sign3A_145, %sign3A_152 : i32
    %rem3A_154 = arith.remsi %add3A_136, %jit3A_137 : i32
    %ne3A_155 = arith.constant 0 : i32
    %ne3A_156 = arith.cmpi ne, %rem3A_154, %ne3A_155 : i32
    %and3A_157 = arith.andi %ne3A_153, %ne3A_156 : i1
    %sub3A_158 = arith.constant 1 : i32
    %sub3A_159 = arith.subi %div3A_138, %sub3A_158 : i32
    %select_n3A_160 = arith.select %and3A_157, %sub3A_159, %div3A_138 : i32
    %jit3A_161 = arith.constant 3 : i32
    %div3A_162 = arith.divsi %select_n3A_160, %jit3A_161 : i32
    %sign3A_163 = arith.constant 0 : i32
    %sign3A_164 = arith.cmpi sgt, %select_n3A_160, %sign3A_163 : i32
    %sign3A_165 = arith.extui %sign3A_164 : i1 to i32
    %sign3A_166 = arith.constant 0 : i32
    %sign3A_167 = arith.cmpi slt, %select_n3A_160, %sign3A_166 : i32
    %sign3A_168 = arith.extui %sign3A_167 : i1 to i32
    %sign3A_169 = arith.subi %sign3A_165, %sign3A_168 : i32
    %sign3A_170 = arith.constant 0 : i32
    %sign3A_171 = arith.cmpi sgt, %jit3A_161, %sign3A_170 : i32
    %sign3A_172 = arith.extui %sign3A_171 : i1 to i32
    %sign3A_173 = arith.constant 0 : i32
    %sign3A_174 = arith.cmpi slt, %jit3A_161, %sign3A_173 : i32
    %sign3A_175 = arith.extui %sign3A_174 : i1 to i32
    %sign3A_176 = arith.subi %sign3A_172, %sign3A_175 : i32
    %ne3A_177 = arith.cmpi ne, %sign3A_169, %sign3A_176 : i32
    %rem3A_178 = arith.remsi %select_n3A_160, %jit3A_161 : i32
    %ne3A_179 = arith.constant 0 : i32
    %ne3A_180 = arith.cmpi ne, %rem3A_178, %ne3A_179 : i32
    %and3A_181 = arith.andi %ne3A_177, %ne3A_180 : i1
    %sub3A_182 = arith.constant 1 : i32
    %sub3A_183 = arith.subi %div3A_162, %sub3A_182 : i32
    %select_n3A_184 = arith.select %and3A_181, %sub3A_183, %div3A_162 : i32
    %jit3A_185 = arith.constant 3 : i32
    %eq3A_186 = arith.constant 0 : i32
    %eq3A_187 = arith.cmpi eq, %jit3A_185, %eq3A_186 : i32
    %jit3A_188 = arith.constant 1 : i32
    %select_n3A_189 = arith.select %eq3A_187, %jit3A_188, %jit3A_185 : i32
    %rem3A_190 = arith.remsi %select_n3A_160, %select_n3A_189 : i32
    %ne3A_191 = arith.constant 0 : i32
    %ne3A_192 = arith.cmpi ne, %rem3A_190, %ne3A_191 : i32
    %lt3A_193 = arith.constant 0 : i32
    %lt3A_194 = arith.cmpi slt, %rem3A_190, %lt3A_193 : i32
    %lt3A_195 = arith.constant 0 : i32
    %lt3A_196 = arith.cmpi slt, %select_n3A_189, %lt3A_195 : i32
    %ne3A_197 = arith.xori %lt3A_194, %lt3A_196 : i1
    %and3A_198 = arith.andi %ne3A_197, %ne3A_192 : i1
    %add3A_199 = arith.addi %rem3A_190, %select_n3A_189 : i32
    %select_n3A_200 = arith.select %and3A_198, %add3A_199, %rem3A_190 : i32
    %jit3A_201 = arith.constant 2 : i32
    %eq3A_202 = arith.constant 0 : i32
    %eq3A_203 = arith.cmpi eq, %jit3A_201, %eq3A_202 : i32
    %jit3A_204 = arith.constant 1 : i32
    %select_n3A_205 = arith.select %eq3A_203, %jit3A_204, %jit3A_201 : i32
    %rem3A_206 = arith.remsi %add3A_136, %select_n3A_205 : i32
    %ne3A_207 = arith.constant 0 : i32
    %ne3A_208 = arith.cmpi ne, %rem3A_206, %ne3A_207 : i32
    %lt3A_209 = arith.constant 0 : i32
    %lt3A_210 = arith.cmpi slt, %rem3A_206, %lt3A_209 : i32
    %lt3A_211 = arith.constant 0 : i32
    %lt3A_212 = arith.cmpi slt, %select_n3A_205, %lt3A_211 : i32
    %ne3A_213 = arith.xori %lt3A_210, %lt3A_212 : i1
    %and3A_214 = arith.andi %ne3A_213, %ne3A_208 : i1
    %add3A_215 = arith.addi %rem3A_206, %select_n3A_205 : i32
    %select_n3A_216 = arith.select %and3A_214, %add3A_215, %rem3A_206 : i32
    %mul3A_217 = arith.constant 256 : i32
    %mul3A_218 = arith.muli %select_n3A_216, %mul3A_217 : i32
    %jit3A_219 = arith.constant 2 : i32
    %eq3A_220 = arith.constant 0 : i32
    %eq3A_221 = arith.cmpi eq, %jit3A_219, %eq3A_220 : i32
    %jit3A_222 = arith.constant 1 : i32
    %select_n3A_223 = arith.select %eq3A_221, %jit3A_222, %jit3A_219 : i32
    %rem3A_224 = arith.remsi %add3A_136, %select_n3A_223 : i32
    %ne3A_225 = arith.constant 0 : i32
    %ne3A_226 = arith.cmpi ne, %rem3A_224, %ne3A_225 : i32
    %lt3A_227 = arith.constant 0 : i32
    %lt3A_228 = arith.cmpi slt, %rem3A_224, %lt3A_227 : i32
    %lt3A_229 = arith.constant 0 : i32
    %lt3A_230 = arith.cmpi slt, %select_n3A_223, %lt3A_229 : i32
    %ne3A_231 = arith.xori %lt3A_228, %lt3A_230 : i1
    %and3A_232 = arith.andi %ne3A_231, %ne3A_226 : i1
    %add3A_233 = arith.addi %rem3A_224, %select_n3A_223 : i32
    %select_n3A_234 = arith.select %and3A_232, %add3A_233, %rem3A_224 : i32
    %mul3A_235 = arith.constant 48 : i32
    %mul3A_236 = arith.muli %select_n3A_234, %mul3A_235 : i32
    %add3A_237 = arith.constant 0 : i32
    %add3A_238 = arith.addi %add3A_237, %mul3A_236 : i32
    %jit3A_239 = arith.constant 2 : i32
    %div3A_240 = arith.divsi %add3A_136, %jit3A_239 : i32
    %sign3A_241 = arith.constant 0 : i32
    %sign3A_242 = arith.cmpi sgt, %add3A_136, %sign3A_241 : i32
    %sign3A_243 = arith.extui %sign3A_242 : i1 to i32
    %sign3A_244 = arith.constant 0 : i32
    %sign3A_245 = arith.cmpi slt, %add3A_136, %sign3A_244 : i32
    %sign3A_246 = arith.extui %sign3A_245 : i1 to i32
    %sign3A_247 = arith.subi %sign3A_243, %sign3A_246 : i32
    %sign3A_248 = arith.constant 0 : i32
    %sign3A_249 = arith.cmpi sgt, %jit3A_239, %sign3A_248 : i32
    %sign3A_250 = arith.extui %sign3A_249 : i1 to i32
    %sign3A_251 = arith.constant 0 : i32
    %sign3A_252 = arith.cmpi slt, %jit3A_239, %sign3A_251 : i32
    %sign3A_253 = arith.extui %sign3A_252 : i1 to i32
    %sign3A_254 = arith.subi %sign3A_250, %sign3A_253 : i32
    %ne3A_255 = arith.cmpi ne, %sign3A_247, %sign3A_254 : i32
    %rem3A_256 = arith.remsi %add3A_136, %jit3A_239 : i32
    %ne3A_257 = arith.constant 0 : i32
    %ne3A_258 = arith.cmpi ne, %rem3A_256, %ne3A_257 : i32
    %and3A_259 = arith.andi %ne3A_255, %ne3A_258 : i1
    %sub3A_260 = arith.constant 1 : i32
    %sub3A_261 = arith.subi %div3A_240, %sub3A_260 : i32
    %select_n3A_262 = arith.select %and3A_259, %sub3A_261, %div3A_240 : i32
    %add3A_263 = arith.addi %add3A_238, %select_n3A_262 : i32
    %add3A_264 = arith.constant 0 : i32
    %add3A_265 = arith.addi %mul3A_218, %add3A_264 : i32
    %add3A_266 = arith.constant 64 : i32
    %add3A_267 = arith.addi %mul3A_218, %add3A_266 : i32
    %add3A_268 = arith.constant 128 : i32
    %add3A_269 = arith.addi %mul3A_218, %add3A_268 : i32
    %add3A_270 = arith.constant 192 : i32
    %add3A_271 = arith.addi %mul3A_218, %add3A_270 : i32
    %mul3A_272 = arith.constant 3 : i32
    %mul3A_273 = arith.muli %add3A, %mul3A_272 : i32
    %add3A_274 = arith.constant 2 : i32
    %add3A_275 = arith.addi %mul3A_273, %add3A_274 : i32
    %jit3A_276 = arith.constant 2 : i32
    %div3A_277 = arith.divsi %add3A_275, %jit3A_276 : i32
    %sign3A_278 = arith.constant 0 : i32
    %sign3A_279 = arith.cmpi sgt, %add3A_275, %sign3A_278 : i32
    %sign3A_280 = arith.extui %sign3A_279 : i1 to i32
    %sign3A_281 = arith.constant 0 : i32
    %sign3A_282 = arith.cmpi slt, %add3A_275, %sign3A_281 : i32
    %sign3A_283 = arith.extui %sign3A_282 : i1 to i32
    %sign3A_284 = arith.subi %sign3A_280, %sign3A_283 : i32
    %sign3A_285 = arith.constant 0 : i32
    %sign3A_286 = arith.cmpi sgt, %jit3A_276, %sign3A_285 : i32
    %sign3A_287 = arith.extui %sign3A_286 : i1 to i32
    %sign3A_288 = arith.constant 0 : i32
    %sign3A_289 = arith.cmpi slt, %jit3A_276, %sign3A_288 : i32
    %sign3A_290 = arith.extui %sign3A_289 : i1 to i32
    %sign3A_291 = arith.subi %sign3A_287, %sign3A_290 : i32
    %ne3A_292 = arith.cmpi ne, %sign3A_284, %sign3A_291 : i32
    %rem3A_293 = arith.remsi %add3A_275, %jit3A_276 : i32
    %ne3A_294 = arith.constant 0 : i32
    %ne3A_295 = arith.cmpi ne, %rem3A_293, %ne3A_294 : i32
    %and3A_296 = arith.andi %ne3A_292, %ne3A_295 : i1
    %sub3A_297 = arith.constant 1 : i32
    %sub3A_298 = arith.subi %div3A_277, %sub3A_297 : i32
    %select_n3A_299 = arith.select %and3A_296, %sub3A_298, %div3A_277 : i32
    %jit3A_300 = arith.constant 3 : i32
    %div3A_301 = arith.divsi %select_n3A_299, %jit3A_300 : i32
    %sign3A_302 = arith.constant 0 : i32
    %sign3A_303 = arith.cmpi sgt, %select_n3A_299, %sign3A_302 : i32
    %sign3A_304 = arith.extui %sign3A_303 : i1 to i32
    %sign3A_305 = arith.constant 0 : i32
    %sign3A_306 = arith.cmpi slt, %select_n3A_299, %sign3A_305 : i32
    %sign3A_307 = arith.extui %sign3A_306 : i1 to i32
    %sign3A_308 = arith.subi %sign3A_304, %sign3A_307 : i32
    %sign3A_309 = arith.constant 0 : i32
    %sign3A_310 = arith.cmpi sgt, %jit3A_300, %sign3A_309 : i32
    %sign3A_311 = arith.extui %sign3A_310 : i1 to i32
    %sign3A_312 = arith.constant 0 : i32
    %sign3A_313 = arith.cmpi slt, %jit3A_300, %sign3A_312 : i32
    %sign3A_314 = arith.extui %sign3A_313 : i1 to i32
    %sign3A_315 = arith.subi %sign3A_311, %sign3A_314 : i32
    %ne3A_316 = arith.cmpi ne, %sign3A_308, %sign3A_315 : i32
    %rem3A_317 = arith.remsi %select_n3A_299, %jit3A_300 : i32
    %ne3A_318 = arith.constant 0 : i32
    %ne3A_319 = arith.cmpi ne, %rem3A_317, %ne3A_318 : i32
    %and3A_320 = arith.andi %ne3A_316, %ne3A_319 : i1
    %sub3A_321 = arith.constant 1 : i32
    %sub3A_322 = arith.subi %div3A_301, %sub3A_321 : i32
    %select_n3A_323 = arith.select %and3A_320, %sub3A_322, %div3A_301 : i32
    %jit3A_324 = arith.constant 3 : i32
    %eq3A_325 = arith.constant 0 : i32
    %eq3A_326 = arith.cmpi eq, %jit3A_324, %eq3A_325 : i32
    %jit3A_327 = arith.constant 1 : i32
    %select_n3A_328 = arith.select %eq3A_326, %jit3A_327, %jit3A_324 : i32
    %rem3A_329 = arith.remsi %select_n3A_299, %select_n3A_328 : i32
    %ne3A_330 = arith.constant 0 : i32
    %ne3A_331 = arith.cmpi ne, %rem3A_329, %ne3A_330 : i32
    %lt3A_332 = arith.constant 0 : i32
    %lt3A_333 = arith.cmpi slt, %rem3A_329, %lt3A_332 : i32
    %lt3A_334 = arith.constant 0 : i32
    %lt3A_335 = arith.cmpi slt, %select_n3A_328, %lt3A_334 : i32
    %ne3A_336 = arith.xori %lt3A_333, %lt3A_335 : i1
    %and3A_337 = arith.andi %ne3A_336, %ne3A_331 : i1
    %add3A_338 = arith.addi %rem3A_329, %select_n3A_328 : i32
    %select_n3A_339 = arith.select %and3A_337, %add3A_338, %rem3A_329 : i32
    %jit3A_340 = arith.constant 2 : i32
    %eq3A_341 = arith.constant 0 : i32
    %eq3A_342 = arith.cmpi eq, %jit3A_340, %eq3A_341 : i32
    %jit3A_343 = arith.constant 1 : i32
    %select_n3A_344 = arith.select %eq3A_342, %jit3A_343, %jit3A_340 : i32
    %rem3A_345 = arith.remsi %add3A_275, %select_n3A_344 : i32
    %ne3A_346 = arith.constant 0 : i32
    %ne3A_347 = arith.cmpi ne, %rem3A_345, %ne3A_346 : i32
    %lt3A_348 = arith.constant 0 : i32
    %lt3A_349 = arith.cmpi slt, %rem3A_345, %lt3A_348 : i32
    %lt3A_350 = arith.constant 0 : i32
    %lt3A_351 = arith.cmpi slt, %select_n3A_344, %lt3A_350 : i32
    %ne3A_352 = arith.xori %lt3A_349, %lt3A_351 : i1
    %and3A_353 = arith.andi %ne3A_352, %ne3A_347 : i1
    %add3A_354 = arith.addi %rem3A_345, %select_n3A_344 : i32
    %select_n3A_355 = arith.select %and3A_353, %add3A_354, %rem3A_345 : i32
    %mul3A_356 = arith.constant 256 : i32
    %mul3A_357 = arith.muli %select_n3A_355, %mul3A_356 : i32
    %jit3A_358 = arith.constant 2 : i32
    %eq3A_359 = arith.constant 0 : i32
    %eq3A_360 = arith.cmpi eq, %jit3A_358, %eq3A_359 : i32
    %jit3A_361 = arith.constant 1 : i32
    %select_n3A_362 = arith.select %eq3A_360, %jit3A_361, %jit3A_358 : i32
    %rem3A_363 = arith.remsi %add3A_275, %select_n3A_362 : i32
    %ne3A_364 = arith.constant 0 : i32
    %ne3A_365 = arith.cmpi ne, %rem3A_363, %ne3A_364 : i32
    %lt3A_366 = arith.constant 0 : i32
    %lt3A_367 = arith.cmpi slt, %rem3A_363, %lt3A_366 : i32
    %lt3A_368 = arith.constant 0 : i32
    %lt3A_369 = arith.cmpi slt, %select_n3A_362, %lt3A_368 : i32
    %ne3A_370 = arith.xori %lt3A_367, %lt3A_369 : i1
    %and3A_371 = arith.andi %ne3A_370, %ne3A_365 : i1
    %add3A_372 = arith.addi %rem3A_363, %select_n3A_362 : i32
    %select_n3A_373 = arith.select %and3A_371, %add3A_372, %rem3A_363 : i32
    %mul3A_374 = arith.constant 48 : i32
    %mul3A_375 = arith.muli %select_n3A_373, %mul3A_374 : i32
    %add3A_376 = arith.constant 0 : i32
    %add3A_377 = arith.addi %add3A_376, %mul3A_375 : i32
    %jit3A_378 = arith.constant 2 : i32
    %div3A_379 = arith.divsi %add3A_275, %jit3A_378 : i32
    %sign3A_380 = arith.constant 0 : i32
    %sign3A_381 = arith.cmpi sgt, %add3A_275, %sign3A_380 : i32
    %sign3A_382 = arith.extui %sign3A_381 : i1 to i32
    %sign3A_383 = arith.constant 0 : i32
    %sign3A_384 = arith.cmpi slt, %add3A_275, %sign3A_383 : i32
    %sign3A_385 = arith.extui %sign3A_384 : i1 to i32
    %sign3A_386 = arith.subi %sign3A_382, %sign3A_385 : i32
    %sign3A_387 = arith.constant 0 : i32
    %sign3A_388 = arith.cmpi sgt, %jit3A_378, %sign3A_387 : i32
    %sign3A_389 = arith.extui %sign3A_388 : i1 to i32
    %sign3A_390 = arith.constant 0 : i32
    %sign3A_391 = arith.cmpi slt, %jit3A_378, %sign3A_390 : i32
    %sign3A_392 = arith.extui %sign3A_391 : i1 to i32
    %sign3A_393 = arith.subi %sign3A_389, %sign3A_392 : i32
    %ne3A_394 = arith.cmpi ne, %sign3A_386, %sign3A_393 : i32
    %rem3A_395 = arith.remsi %add3A_275, %jit3A_378 : i32
    %ne3A_396 = arith.constant 0 : i32
    %ne3A_397 = arith.cmpi ne, %rem3A_395, %ne3A_396 : i32
    %and3A_398 = arith.andi %ne3A_394, %ne3A_397 : i1
    %sub3A_399 = arith.constant 1 : i32
    %sub3A_400 = arith.subi %div3A_379, %sub3A_399 : i32
    %select_n3A_401 = arith.select %and3A_398, %sub3A_400, %div3A_379 : i32
    %add3A_402 = arith.addi %add3A_377, %select_n3A_401 : i32
    %add3A_403 = arith.constant 0 : i32
    %add3A_404 = arith.addi %mul3A_357, %add3A_403 : i32
    %add3A_405 = arith.constant 64 : i32
    %add3A_406 = arith.addi %mul3A_357, %add3A_405 : i32
    %add3A_407 = arith.constant 128 : i32
    %add3A_408 = arith.addi %mul3A_357, %add3A_407 : i32
    %add3A_409 = arith.constant 192 : i32
    %add3A_410 = arith.addi %mul3A_357, %add3A_409 : i32
    %mul3A_411 = arith.constant 3 : i32
    %mul3A_412 = arith.muli %add3A, %mul3A_411 : i32
    %add3A_413 = arith.constant 0 : i32
    %add3A_414 = arith.addi %mul3A_412, %add3A_413 : i32
    %jit3A_415 = arith.constant 2 : i32
    %div3A_416 = arith.divsi %add3A_414, %jit3A_415 : i32
    %sign3A_417 = arith.constant 0 : i32
    %sign3A_418 = arith.cmpi sgt, %add3A_414, %sign3A_417 : i32
    %sign3A_419 = arith.extui %sign3A_418 : i1 to i32
    %sign3A_420 = arith.constant 0 : i32
    %sign3A_421 = arith.cmpi slt, %add3A_414, %sign3A_420 : i32
    %sign3A_422 = arith.extui %sign3A_421 : i1 to i32
    %sign3A_423 = arith.subi %sign3A_419, %sign3A_422 : i32
    %sign3A_424 = arith.constant 0 : i32
    %sign3A_425 = arith.cmpi sgt, %jit3A_415, %sign3A_424 : i32
    %sign3A_426 = arith.extui %sign3A_425 : i1 to i32
    %sign3A_427 = arith.constant 0 : i32
    %sign3A_428 = arith.cmpi slt, %jit3A_415, %sign3A_427 : i32
    %sign3A_429 = arith.extui %sign3A_428 : i1 to i32
    %sign3A_430 = arith.subi %sign3A_426, %sign3A_429 : i32
    %ne3A_431 = arith.cmpi ne, %sign3A_423, %sign3A_430 : i32
    %rem3A_432 = arith.remsi %add3A_414, %jit3A_415 : i32
    %ne3A_433 = arith.constant 0 : i32
    %ne3A_434 = arith.cmpi ne, %rem3A_432, %ne3A_433 : i32
    %and3A_435 = arith.andi %ne3A_431, %ne3A_434 : i1
    %sub3A_436 = arith.constant 1 : i32
    %sub3A_437 = arith.subi %div3A_416, %sub3A_436 : i32
    %select_n3A_438 = arith.select %and3A_435, %sub3A_437, %div3A_416 : i32
    %jit3A_439 = arith.constant 3 : i32
    %div3A_440 = arith.divsi %select_n3A_438, %jit3A_439 : i32
    %sign3A_441 = arith.constant 0 : i32
    %sign3A_442 = arith.cmpi sgt, %select_n3A_438, %sign3A_441 : i32
    %sign3A_443 = arith.extui %sign3A_442 : i1 to i32
    %sign3A_444 = arith.constant 0 : i32
    %sign3A_445 = arith.cmpi slt, %select_n3A_438, %sign3A_444 : i32
    %sign3A_446 = arith.extui %sign3A_445 : i1 to i32
    %sign3A_447 = arith.subi %sign3A_443, %sign3A_446 : i32
    %sign3A_448 = arith.constant 0 : i32
    %sign3A_449 = arith.cmpi sgt, %jit3A_439, %sign3A_448 : i32
    %sign3A_450 = arith.extui %sign3A_449 : i1 to i32
    %sign3A_451 = arith.constant 0 : i32
    %sign3A_452 = arith.cmpi slt, %jit3A_439, %sign3A_451 : i32
    %sign3A_453 = arith.extui %sign3A_452 : i1 to i32
    %sign3A_454 = arith.subi %sign3A_450, %sign3A_453 : i32
    %ne3A_455 = arith.cmpi ne, %sign3A_447, %sign3A_454 : i32
    %rem3A_456 = arith.remsi %select_n3A_438, %jit3A_439 : i32
    %ne3A_457 = arith.constant 0 : i32
    %ne3A_458 = arith.cmpi ne, %rem3A_456, %ne3A_457 : i32
    %and3A_459 = arith.andi %ne3A_455, %ne3A_458 : i1
    %sub3A_460 = arith.constant 1 : i32
    %sub3A_461 = arith.subi %div3A_440, %sub3A_460 : i32
    %select_n3A_462 = arith.select %and3A_459, %sub3A_461, %div3A_440 : i32
    %jit3A_463 = arith.constant 3 : i32
    %eq3A_464 = arith.constant 0 : i32
    %eq3A_465 = arith.cmpi eq, %jit3A_463, %eq3A_464 : i32
    %jit3A_466 = arith.constant 1 : i32
    %select_n3A_467 = arith.select %eq3A_465, %jit3A_466, %jit3A_463 : i32
    %rem3A_468 = arith.remsi %select_n3A_438, %select_n3A_467 : i32
    %ne3A_469 = arith.constant 0 : i32
    %ne3A_470 = arith.cmpi ne, %rem3A_468, %ne3A_469 : i32
    %lt3A_471 = arith.constant 0 : i32
    %lt3A_472 = arith.cmpi slt, %rem3A_468, %lt3A_471 : i32
    %lt3A_473 = arith.constant 0 : i32
    %lt3A_474 = arith.cmpi slt, %select_n3A_467, %lt3A_473 : i32
    %ne3A_475 = arith.xori %lt3A_472, %lt3A_474 : i1
    %and3A_476 = arith.andi %ne3A_475, %ne3A_470 : i1
    %add3A_477 = arith.addi %rem3A_468, %select_n3A_467 : i32
    %select_n3A_478 = arith.select %and3A_476, %add3A_477, %rem3A_468 : i32
    %jit3A_479 = arith.constant 2 : i32
    %eq3A_480 = arith.constant 0 : i32
    %eq3A_481 = arith.cmpi eq, %jit3A_479, %eq3A_480 : i32
    %jit3A_482 = arith.constant 1 : i32
    %select_n3A_483 = arith.select %eq3A_481, %jit3A_482, %jit3A_479 : i32
    %rem3A_484 = arith.remsi %add3A_414, %select_n3A_483 : i32
    %ne3A_485 = arith.constant 0 : i32
    %ne3A_486 = arith.cmpi ne, %rem3A_484, %ne3A_485 : i32
    %lt3A_487 = arith.constant 0 : i32
    %lt3A_488 = arith.cmpi slt, %rem3A_484, %lt3A_487 : i32
    %lt3A_489 = arith.constant 0 : i32
    %lt3A_490 = arith.cmpi slt, %select_n3A_483, %lt3A_489 : i32
    %ne3A_491 = arith.xori %lt3A_488, %lt3A_490 : i1
    %and3A_492 = arith.andi %ne3A_491, %ne3A_486 : i1
    %add3A_493 = arith.addi %rem3A_484, %select_n3A_483 : i32
    %select_n3A_494 = arith.select %and3A_492, %add3A_493, %rem3A_484 : i32
    %mul3A_495 = arith.constant 256 : i32
    %mul3A_496 = arith.muli %select_n3A_494, %mul3A_495 : i32
    %jit3A_497 = arith.constant 2 : i32
    %eq3A_498 = arith.constant 0 : i32
    %eq3A_499 = arith.cmpi eq, %jit3A_497, %eq3A_498 : i32
    %jit3A_500 = arith.constant 1 : i32
    %select_n3A_501 = arith.select %eq3A_499, %jit3A_500, %jit3A_497 : i32
    %rem3A_502 = arith.remsi %add3A_414, %select_n3A_501 : i32
    %ne3A_503 = arith.constant 0 : i32
    %ne3A_504 = arith.cmpi ne, %rem3A_502, %ne3A_503 : i32
    %lt3A_505 = arith.constant 0 : i32
    %lt3A_506 = arith.cmpi slt, %rem3A_502, %lt3A_505 : i32
    %lt3A_507 = arith.constant 0 : i32
    %lt3A_508 = arith.cmpi slt, %select_n3A_501, %lt3A_507 : i32
    %ne3A_509 = arith.xori %lt3A_506, %lt3A_508 : i1
    %and3A_510 = arith.andi %ne3A_509, %ne3A_504 : i1
    %add3A_511 = arith.addi %rem3A_502, %select_n3A_501 : i32
    %select_n3A_512 = arith.select %and3A_510, %add3A_511, %rem3A_502 : i32
    %mul3A_513 = arith.constant 48 : i32
    %mul3A_514 = arith.muli %select_n3A_512, %mul3A_513 : i32
    %add3A_515 = arith.constant 96 : i32
    %add3A_516 = arith.addi %add3A_515, %mul3A_514 : i32
    %jit3A_517 = arith.constant 2 : i32
    %div3A_518 = arith.divsi %add3A_414, %jit3A_517 : i32
    %sign3A_519 = arith.constant 0 : i32
    %sign3A_520 = arith.cmpi sgt, %add3A_414, %sign3A_519 : i32
    %sign3A_521 = arith.extui %sign3A_520 : i1 to i32
    %sign3A_522 = arith.constant 0 : i32
    %sign3A_523 = arith.cmpi slt, %add3A_414, %sign3A_522 : i32
    %sign3A_524 = arith.extui %sign3A_523 : i1 to i32
    %sign3A_525 = arith.subi %sign3A_521, %sign3A_524 : i32
    %sign3A_526 = arith.constant 0 : i32
    %sign3A_527 = arith.cmpi sgt, %jit3A_517, %sign3A_526 : i32
    %sign3A_528 = arith.extui %sign3A_527 : i1 to i32
    %sign3A_529 = arith.constant 0 : i32
    %sign3A_530 = arith.cmpi slt, %jit3A_517, %sign3A_529 : i32
    %sign3A_531 = arith.extui %sign3A_530 : i1 to i32
    %sign3A_532 = arith.subi %sign3A_528, %sign3A_531 : i32
    %ne3A_533 = arith.cmpi ne, %sign3A_525, %sign3A_532 : i32
    %rem3A_534 = arith.remsi %add3A_414, %jit3A_517 : i32
    %ne3A_535 = arith.constant 0 : i32
    %ne3A_536 = arith.cmpi ne, %rem3A_534, %ne3A_535 : i32
    %and3A_537 = arith.andi %ne3A_533, %ne3A_536 : i1
    %sub3A_538 = arith.constant 1 : i32
    %sub3A_539 = arith.subi %div3A_518, %sub3A_538 : i32
    %select_n3A_540 = arith.select %and3A_537, %sub3A_539, %div3A_518 : i32
    %add3A_541 = arith.addi %add3A_516, %select_n3A_540 : i32
    %add3A_542 = arith.constant 0 : i32
    %add3A_543 = arith.addi %mul3A_496, %add3A_542 : i32
    %add3A_544 = arith.constant 64 : i32
    %add3A_545 = arith.addi %mul3A_496, %add3A_544 : i32
    %add3A_546 = arith.constant 128 : i32
    %add3A_547 = arith.addi %mul3A_496, %add3A_546 : i32
    %add3A_548 = arith.constant 192 : i32
    %add3A_549 = arith.addi %mul3A_496, %add3A_548 : i32
    %mul3A_550 = arith.constant 3 : i32
    %mul3A_551 = arith.muli %add3A, %mul3A_550 : i32
    %add3A_552 = arith.constant 1 : i32
    %add3A_553 = arith.addi %mul3A_551, %add3A_552 : i32
    %jit3A_554 = arith.constant 2 : i32
    %div3A_555 = arith.divsi %add3A_553, %jit3A_554 : i32
    %sign3A_556 = arith.constant 0 : i32
    %sign3A_557 = arith.cmpi sgt, %add3A_553, %sign3A_556 : i32
    %sign3A_558 = arith.extui %sign3A_557 : i1 to i32
    %sign3A_559 = arith.constant 0 : i32
    %sign3A_560 = arith.cmpi slt, %add3A_553, %sign3A_559 : i32
    %sign3A_561 = arith.extui %sign3A_560 : i1 to i32
    %sign3A_562 = arith.subi %sign3A_558, %sign3A_561 : i32
    %sign3A_563 = arith.constant 0 : i32
    %sign3A_564 = arith.cmpi sgt, %jit3A_554, %sign3A_563 : i32
    %sign3A_565 = arith.extui %sign3A_564 : i1 to i32
    %sign3A_566 = arith.constant 0 : i32
    %sign3A_567 = arith.cmpi slt, %jit3A_554, %sign3A_566 : i32
    %sign3A_568 = arith.extui %sign3A_567 : i1 to i32
    %sign3A_569 = arith.subi %sign3A_565, %sign3A_568 : i32
    %ne3A_570 = arith.cmpi ne, %sign3A_562, %sign3A_569 : i32
    %rem3A_571 = arith.remsi %add3A_553, %jit3A_554 : i32
    %ne3A_572 = arith.constant 0 : i32
    %ne3A_573 = arith.cmpi ne, %rem3A_571, %ne3A_572 : i32
    %and3A_574 = arith.andi %ne3A_570, %ne3A_573 : i1
    %sub3A_575 = arith.constant 1 : i32
    %sub3A_576 = arith.subi %div3A_555, %sub3A_575 : i32
    %select_n3A_577 = arith.select %and3A_574, %sub3A_576, %div3A_555 : i32
    %jit3A_578 = arith.constant 3 : i32
    %div3A_579 = arith.divsi %select_n3A_577, %jit3A_578 : i32
    %sign3A_580 = arith.constant 0 : i32
    %sign3A_581 = arith.cmpi sgt, %select_n3A_577, %sign3A_580 : i32
    %sign3A_582 = arith.extui %sign3A_581 : i1 to i32
    %sign3A_583 = arith.constant 0 : i32
    %sign3A_584 = arith.cmpi slt, %select_n3A_577, %sign3A_583 : i32
    %sign3A_585 = arith.extui %sign3A_584 : i1 to i32
    %sign3A_586 = arith.subi %sign3A_582, %sign3A_585 : i32
    %sign3A_587 = arith.constant 0 : i32
    %sign3A_588 = arith.cmpi sgt, %jit3A_578, %sign3A_587 : i32
    %sign3A_589 = arith.extui %sign3A_588 : i1 to i32
    %sign3A_590 = arith.constant 0 : i32
    %sign3A_591 = arith.cmpi slt, %jit3A_578, %sign3A_590 : i32
    %sign3A_592 = arith.extui %sign3A_591 : i1 to i32
    %sign3A_593 = arith.subi %sign3A_589, %sign3A_592 : i32
    %ne3A_594 = arith.cmpi ne, %sign3A_586, %sign3A_593 : i32
    %rem3A_595 = arith.remsi %select_n3A_577, %jit3A_578 : i32
    %ne3A_596 = arith.constant 0 : i32
    %ne3A_597 = arith.cmpi ne, %rem3A_595, %ne3A_596 : i32
    %and3A_598 = arith.andi %ne3A_594, %ne3A_597 : i1
    %sub3A_599 = arith.constant 1 : i32
    %sub3A_600 = arith.subi %div3A_579, %sub3A_599 : i32
    %select_n3A_601 = arith.select %and3A_598, %sub3A_600, %div3A_579 : i32
    %jit3A_602 = arith.constant 3 : i32
    %eq3A_603 = arith.constant 0 : i32
    %eq3A_604 = arith.cmpi eq, %jit3A_602, %eq3A_603 : i32
    %jit3A_605 = arith.constant 1 : i32
    %select_n3A_606 = arith.select %eq3A_604, %jit3A_605, %jit3A_602 : i32
    %rem3A_607 = arith.remsi %select_n3A_577, %select_n3A_606 : i32
    %ne3A_608 = arith.constant 0 : i32
    %ne3A_609 = arith.cmpi ne, %rem3A_607, %ne3A_608 : i32
    %lt3A_610 = arith.constant 0 : i32
    %lt3A_611 = arith.cmpi slt, %rem3A_607, %lt3A_610 : i32
    %lt3A_612 = arith.constant 0 : i32
    %lt3A_613 = arith.cmpi slt, %select_n3A_606, %lt3A_612 : i32
    %ne3A_614 = arith.xori %lt3A_611, %lt3A_613 : i1
    %and3A_615 = arith.andi %ne3A_614, %ne3A_609 : i1
    %add3A_616 = arith.addi %rem3A_607, %select_n3A_606 : i32
    %select_n3A_617 = arith.select %and3A_615, %add3A_616, %rem3A_607 : i32
    %jit3A_618 = arith.constant 2 : i32
    %eq3A_619 = arith.constant 0 : i32
    %eq3A_620 = arith.cmpi eq, %jit3A_618, %eq3A_619 : i32
    %jit3A_621 = arith.constant 1 : i32
    %select_n3A_622 = arith.select %eq3A_620, %jit3A_621, %jit3A_618 : i32
    %rem3A_623 = arith.remsi %add3A_553, %select_n3A_622 : i32
    %ne3A_624 = arith.constant 0 : i32
    %ne3A_625 = arith.cmpi ne, %rem3A_623, %ne3A_624 : i32
    %lt3A_626 = arith.constant 0 : i32
    %lt3A_627 = arith.cmpi slt, %rem3A_623, %lt3A_626 : i32
    %lt3A_628 = arith.constant 0 : i32
    %lt3A_629 = arith.cmpi slt, %select_n3A_622, %lt3A_628 : i32
    %ne3A_630 = arith.xori %lt3A_627, %lt3A_629 : i1
    %and3A_631 = arith.andi %ne3A_630, %ne3A_625 : i1
    %add3A_632 = arith.addi %rem3A_623, %select_n3A_622 : i32
    %select_n3A_633 = arith.select %and3A_631, %add3A_632, %rem3A_623 : i32
    %mul3A_634 = arith.constant 256 : i32
    %mul3A_635 = arith.muli %select_n3A_633, %mul3A_634 : i32
    %jit3A_636 = arith.constant 2 : i32
    %eq3A_637 = arith.constant 0 : i32
    %eq3A_638 = arith.cmpi eq, %jit3A_636, %eq3A_637 : i32
    %jit3A_639 = arith.constant 1 : i32
    %select_n3A_640 = arith.select %eq3A_638, %jit3A_639, %jit3A_636 : i32
    %rem3A_641 = arith.remsi %add3A_553, %select_n3A_640 : i32
    %ne3A_642 = arith.constant 0 : i32
    %ne3A_643 = arith.cmpi ne, %rem3A_641, %ne3A_642 : i32
    %lt3A_644 = arith.constant 0 : i32
    %lt3A_645 = arith.cmpi slt, %rem3A_641, %lt3A_644 : i32
    %lt3A_646 = arith.constant 0 : i32
    %lt3A_647 = arith.cmpi slt, %select_n3A_640, %lt3A_646 : i32
    %ne3A_648 = arith.xori %lt3A_645, %lt3A_647 : i1
    %and3A_649 = arith.andi %ne3A_648, %ne3A_643 : i1
    %add3A_650 = arith.addi %rem3A_641, %select_n3A_640 : i32
    %select_n3A_651 = arith.select %and3A_649, %add3A_650, %rem3A_641 : i32
    %mul3A_652 = arith.constant 48 : i32
    %mul3A_653 = arith.muli %select_n3A_651, %mul3A_652 : i32
    %add3A_654 = arith.constant 96 : i32
    %add3A_655 = arith.addi %add3A_654, %mul3A_653 : i32
    %jit3A_656 = arith.constant 2 : i32
    %div3A_657 = arith.divsi %add3A_553, %jit3A_656 : i32
    %sign3A_658 = arith.constant 0 : i32
    %sign3A_659 = arith.cmpi sgt, %add3A_553, %sign3A_658 : i32
    %sign3A_660 = arith.extui %sign3A_659 : i1 to i32
    %sign3A_661 = arith.constant 0 : i32
    %sign3A_662 = arith.cmpi slt, %add3A_553, %sign3A_661 : i32
    %sign3A_663 = arith.extui %sign3A_662 : i1 to i32
    %sign3A_664 = arith.subi %sign3A_660, %sign3A_663 : i32
    %sign3A_665 = arith.constant 0 : i32
    %sign3A_666 = arith.cmpi sgt, %jit3A_656, %sign3A_665 : i32
    %sign3A_667 = arith.extui %sign3A_666 : i1 to i32
    %sign3A_668 = arith.constant 0 : i32
    %sign3A_669 = arith.cmpi slt, %jit3A_656, %sign3A_668 : i32
    %sign3A_670 = arith.extui %sign3A_669 : i1 to i32
    %sign3A_671 = arith.subi %sign3A_667, %sign3A_670 : i32
    %ne3A_672 = arith.cmpi ne, %sign3A_664, %sign3A_671 : i32
    %rem3A_673 = arith.remsi %add3A_553, %jit3A_656 : i32
    %ne3A_674 = arith.constant 0 : i32
    %ne3A_675 = arith.cmpi ne, %rem3A_673, %ne3A_674 : i32
    %and3A_676 = arith.andi %ne3A_672, %ne3A_675 : i1
    %sub3A_677 = arith.constant 1 : i32
    %sub3A_678 = arith.subi %div3A_657, %sub3A_677 : i32
    %select_n3A_679 = arith.select %and3A_676, %sub3A_678, %div3A_657 : i32
    %add3A_680 = arith.addi %add3A_655, %select_n3A_679 : i32
    %add3A_681 = arith.constant 0 : i32
    %add3A_682 = arith.addi %mul3A_635, %add3A_681 : i32
    %add3A_683 = arith.constant 64 : i32
    %add3A_684 = arith.addi %mul3A_635, %add3A_683 : i32
    %add3A_685 = arith.constant 128 : i32
    %add3A_686 = arith.addi %mul3A_635, %add3A_685 : i32
    %add3A_687 = arith.constant 192 : i32
    %add3A_688 = arith.addi %mul3A_635, %add3A_687 : i32
    %mul3A_689 = arith.constant 3 : i32
    %mul3A_690 = arith.muli %add3A, %mul3A_689 : i32
    %add3A_691 = arith.constant 2 : i32
    %add3A_692 = arith.addi %mul3A_690, %add3A_691 : i32
    %jit3A_693 = arith.constant 2 : i32
    %div3A_694 = arith.divsi %add3A_692, %jit3A_693 : i32
    %sign3A_695 = arith.constant 0 : i32
    %sign3A_696 = arith.cmpi sgt, %add3A_692, %sign3A_695 : i32
    %sign3A_697 = arith.extui %sign3A_696 : i1 to i32
    %sign3A_698 = arith.constant 0 : i32
    %sign3A_699 = arith.cmpi slt, %add3A_692, %sign3A_698 : i32
    %sign3A_700 = arith.extui %sign3A_699 : i1 to i32
    %sign3A_701 = arith.subi %sign3A_697, %sign3A_700 : i32
    %sign3A_702 = arith.constant 0 : i32
    %sign3A_703 = arith.cmpi sgt, %jit3A_693, %sign3A_702 : i32
    %sign3A_704 = arith.extui %sign3A_703 : i1 to i32
    %sign3A_705 = arith.constant 0 : i32
    %sign3A_706 = arith.cmpi slt, %jit3A_693, %sign3A_705 : i32
    %sign3A_707 = arith.extui %sign3A_706 : i1 to i32
    %sign3A_708 = arith.subi %sign3A_704, %sign3A_707 : i32
    %ne3A_709 = arith.cmpi ne, %sign3A_701, %sign3A_708 : i32
    %rem3A_710 = arith.remsi %add3A_692, %jit3A_693 : i32
    %ne3A_711 = arith.constant 0 : i32
    %ne3A_712 = arith.cmpi ne, %rem3A_710, %ne3A_711 : i32
    %and3A_713 = arith.andi %ne3A_709, %ne3A_712 : i1
    %sub3A_714 = arith.constant 1 : i32
    %sub3A_715 = arith.subi %div3A_694, %sub3A_714 : i32
    %select_n3A_716 = arith.select %and3A_713, %sub3A_715, %div3A_694 : i32
    %jit3A_717 = arith.constant 3 : i32
    %div3A_718 = arith.divsi %select_n3A_716, %jit3A_717 : i32
    %sign3A_719 = arith.constant 0 : i32
    %sign3A_720 = arith.cmpi sgt, %select_n3A_716, %sign3A_719 : i32
    %sign3A_721 = arith.extui %sign3A_720 : i1 to i32
    %sign3A_722 = arith.constant 0 : i32
    %sign3A_723 = arith.cmpi slt, %select_n3A_716, %sign3A_722 : i32
    %sign3A_724 = arith.extui %sign3A_723 : i1 to i32
    %sign3A_725 = arith.subi %sign3A_721, %sign3A_724 : i32
    %sign3A_726 = arith.constant 0 : i32
    %sign3A_727 = arith.cmpi sgt, %jit3A_717, %sign3A_726 : i32
    %sign3A_728 = arith.extui %sign3A_727 : i1 to i32
    %sign3A_729 = arith.constant 0 : i32
    %sign3A_730 = arith.cmpi slt, %jit3A_717, %sign3A_729 : i32
    %sign3A_731 = arith.extui %sign3A_730 : i1 to i32
    %sign3A_732 = arith.subi %sign3A_728, %sign3A_731 : i32
    %ne3A_733 = arith.cmpi ne, %sign3A_725, %sign3A_732 : i32
    %rem3A_734 = arith.remsi %select_n3A_716, %jit3A_717 : i32
    %ne3A_735 = arith.constant 0 : i32
    %ne3A_736 = arith.cmpi ne, %rem3A_734, %ne3A_735 : i32
    %and3A_737 = arith.andi %ne3A_733, %ne3A_736 : i1
    %sub3A_738 = arith.constant 1 : i32
    %sub3A_739 = arith.subi %div3A_718, %sub3A_738 : i32
    %select_n3A_740 = arith.select %and3A_737, %sub3A_739, %div3A_718 : i32
    %jit3A_741 = arith.constant 3 : i32
    %eq3A_742 = arith.constant 0 : i32
    %eq3A_743 = arith.cmpi eq, %jit3A_741, %eq3A_742 : i32
    %jit3A_744 = arith.constant 1 : i32
    %select_n3A_745 = arith.select %eq3A_743, %jit3A_744, %jit3A_741 : i32
    %rem3A_746 = arith.remsi %select_n3A_716, %select_n3A_745 : i32
    %ne3A_747 = arith.constant 0 : i32
    %ne3A_748 = arith.cmpi ne, %rem3A_746, %ne3A_747 : i32
    %lt3A_749 = arith.constant 0 : i32
    %lt3A_750 = arith.cmpi slt, %rem3A_746, %lt3A_749 : i32
    %lt3A_751 = arith.constant 0 : i32
    %lt3A_752 = arith.cmpi slt, %select_n3A_745, %lt3A_751 : i32
    %ne3A_753 = arith.xori %lt3A_750, %lt3A_752 : i1
    %and3A_754 = arith.andi %ne3A_753, %ne3A_748 : i1
    %add3A_755 = arith.addi %rem3A_746, %select_n3A_745 : i32
    %select_n3A_756 = arith.select %and3A_754, %add3A_755, %rem3A_746 : i32
    %jit3A_757 = arith.constant 2 : i32
    %eq3A_758 = arith.constant 0 : i32
    %eq3A_759 = arith.cmpi eq, %jit3A_757, %eq3A_758 : i32
    %jit3A_760 = arith.constant 1 : i32
    %select_n3A_761 = arith.select %eq3A_759, %jit3A_760, %jit3A_757 : i32
    %rem3A_762 = arith.remsi %add3A_692, %select_n3A_761 : i32
    %ne3A_763 = arith.constant 0 : i32
    %ne3A_764 = arith.cmpi ne, %rem3A_762, %ne3A_763 : i32
    %lt3A_765 = arith.constant 0 : i32
    %lt3A_766 = arith.cmpi slt, %rem3A_762, %lt3A_765 : i32
    %lt3A_767 = arith.constant 0 : i32
    %lt3A_768 = arith.cmpi slt, %select_n3A_761, %lt3A_767 : i32
    %ne3A_769 = arith.xori %lt3A_766, %lt3A_768 : i1
    %and3A_770 = arith.andi %ne3A_769, %ne3A_764 : i1
    %add3A_771 = arith.addi %rem3A_762, %select_n3A_761 : i32
    %select_n3A_772 = arith.select %and3A_770, %add3A_771, %rem3A_762 : i32
    %mul3A_773 = arith.constant 256 : i32
    %mul3A_774 = arith.muli %select_n3A_772, %mul3A_773 : i32
    %jit3A_775 = arith.constant 2 : i32
    %eq3A_776 = arith.constant 0 : i32
    %eq3A_777 = arith.cmpi eq, %jit3A_775, %eq3A_776 : i32
    %jit3A_778 = arith.constant 1 : i32
    %select_n3A_779 = arith.select %eq3A_777, %jit3A_778, %jit3A_775 : i32
    %rem3A_780 = arith.remsi %add3A_692, %select_n3A_779 : i32
    %ne3A_781 = arith.constant 0 : i32
    %ne3A_782 = arith.cmpi ne, %rem3A_780, %ne3A_781 : i32
    %lt3A_783 = arith.constant 0 : i32
    %lt3A_784 = arith.cmpi slt, %rem3A_780, %lt3A_783 : i32
    %lt3A_785 = arith.constant 0 : i32
    %lt3A_786 = arith.cmpi slt, %select_n3A_779, %lt3A_785 : i32
    %ne3A_787 = arith.xori %lt3A_784, %lt3A_786 : i1
    %and3A_788 = arith.andi %ne3A_787, %ne3A_782 : i1
    %add3A_789 = arith.addi %rem3A_780, %select_n3A_779 : i32
    %select_n3A_790 = arith.select %and3A_788, %add3A_789, %rem3A_780 : i32
    %mul3A_791 = arith.constant 48 : i32
    %mul3A_792 = arith.muli %select_n3A_790, %mul3A_791 : i32
    %add3A_793 = arith.constant 96 : i32
    %add3A_794 = arith.addi %add3A_793, %mul3A_792 : i32
    %jit3A_795 = arith.constant 2 : i32
    %div3A_796 = arith.divsi %add3A_692, %jit3A_795 : i32
    %sign3A_797 = arith.constant 0 : i32
    %sign3A_798 = arith.cmpi sgt, %add3A_692, %sign3A_797 : i32
    %sign3A_799 = arith.extui %sign3A_798 : i1 to i32
    %sign3A_800 = arith.constant 0 : i32
    %sign3A_801 = arith.cmpi slt, %add3A_692, %sign3A_800 : i32
    %sign3A_802 = arith.extui %sign3A_801 : i1 to i32
    %sign3A_803 = arith.subi %sign3A_799, %sign3A_802 : i32
    %sign3A_804 = arith.constant 0 : i32
    %sign3A_805 = arith.cmpi sgt, %jit3A_795, %sign3A_804 : i32
    %sign3A_806 = arith.extui %sign3A_805 : i1 to i32
    %sign3A_807 = arith.constant 0 : i32
    %sign3A_808 = arith.cmpi slt, %jit3A_795, %sign3A_807 : i32
    %sign3A_809 = arith.extui %sign3A_808 : i1 to i32
    %sign3A_810 = arith.subi %sign3A_806, %sign3A_809 : i32
    %ne3A_811 = arith.cmpi ne, %sign3A_803, %sign3A_810 : i32
    %rem3A_812 = arith.remsi %add3A_692, %jit3A_795 : i32
    %ne3A_813 = arith.constant 0 : i32
    %ne3A_814 = arith.cmpi ne, %rem3A_812, %ne3A_813 : i32
    %and3A_815 = arith.andi %ne3A_811, %ne3A_814 : i1
    %sub3A_816 = arith.constant 1 : i32
    %sub3A_817 = arith.subi %div3A_796, %sub3A_816 : i32
    %select_n3A_818 = arith.select %and3A_815, %sub3A_817, %div3A_796 : i32
    %add3A_819 = arith.addi %add3A_794, %select_n3A_818 : i32
    %add3A_820 = arith.constant 0 : i32
    %add3A_821 = arith.addi %mul3A_774, %add3A_820 : i32
    %add3A_822 = arith.constant 64 : i32
    %add3A_823 = arith.addi %mul3A_774, %add3A_822 : i32
    %add3A_824 = arith.constant 128 : i32
    %add3A_825 = arith.addi %mul3A_774, %add3A_824 : i32
    %add3A_826 = arith.constant 192 : i32
    %add3A_827 = arith.addi %mul3A_774, %add3A_826 : i32
    %dma_start3A = arith.constant 0 : i32
    %dma_start3A_828 = tpu.memref_slice %arg2[%select_n3A_47, %select_n3A_61, %add3A_126, %dma_start3A] : memref<16x3x512x512xf32, #tpu.memory_space<hbm>> -> memref<1x1x64x512xf32, #tpu.memory_space<hbm>>
    %dma_start3A_829 = tpu.memref_squeeze %dma_start3A_828 : memref<1x1x64x512xf32, #tpu.memory_space<hbm>> -> memref<64x512xf32, #tpu.memory_space<hbm>>
    %dma_start3A_830 = arith.constant 0 : i32
    %dma_start3A_831 = tpu.memref_slice %arg2[%select_n3A_47, %select_n3A_61, %add3A_126, %dma_start3A_830] : memref<16x3x512x512xf32, #tpu.memory_space<hbm>> -> memref<1x1x64x512xf32, #tpu.memory_space<hbm>>
    %dma_start3A_832 = tpu.memref_squeeze %dma_start3A_831 : memref<1x1x64x512xf32, #tpu.memory_space<hbm>> -> memref<64x512xf32, #tpu.memory_space<hbm>>
    tpu.enqueue_dma source(%dma_start3A_832 : memref<64x512xf32, #tpu.memory_space<hbm>>) target(%arg5 : memref<64x512xf32, #tpu.memory_space<vmem>>) target_semaphore(%arg10 : memref<!tpu.dma_semaphore, #tpu.memory_space<semaphore_mem>>)
    %dma_start3A_833 = arith.constant 0 : i32
    %dma_start3A_834 = tpu.memref_slice %arg2[%select_n3A_47, %select_n3A_61, %add3A_128, %dma_start3A_833] : memref<16x3x512x512xf32, #tpu.memory_space<hbm>> -> memref<1x1x64x512xf32, #tpu.memory_space<hbm>>
    %dma_start3A_835 = tpu.memref_squeeze %dma_start3A_834 : memref<1x1x64x512xf32, #tpu.memory_space<hbm>> -> memref<64x512xf32, #tpu.memory_space<hbm>>
    %dma_start3A_836 = arith.constant 0 : i32
    %dma_start3A_837 = tpu.memref_slice %arg2[%select_n3A_47, %select_n3A_61, %add3A_128, %dma_start3A_836] : memref<16x3x512x512xf32, #tpu.memory_space<hbm>> -> memref<1x1x64x512xf32, #tpu.memory_space<hbm>>
    %dma_start3A_838 = tpu.memref_squeeze %dma_start3A_837 : memref<1x1x64x512xf32, #tpu.memory_space<hbm>> -> memref<64x512xf32, #tpu.memory_space<hbm>>
    tpu.enqueue_dma source(%dma_start3A_838 : memref<64x512xf32, #tpu.memory_space<hbm>>) target(%arg6 : memref<64x512xf32, #tpu.memory_space<vmem>>) target_semaphore(%arg11 : memref<!tpu.dma_semaphore, #tpu.memory_space<semaphore_mem>>)
    %dma_start3A_839 = arith.constant 0 : i32
    %dma_start3A_840 = tpu.memref_slice %arg2[%select_n3A_47, %select_n3A_61, %add3A_130, %dma_start3A_839] : memref<16x3x512x512xf32, #tpu.memory_space<hbm>> -> memref<1x1x64x512xf32, #tpu.memory_space<hbm>>
    %dma_start3A_841 = tpu.memref_squeeze %dma_start3A_840 : memref<1x1x64x512xf32, #tpu.memory_space<hbm>> -> memref<64x512xf32, #tpu.memory_space<hbm>>
    %dma_start3A_842 = arith.constant 0 : i32
    %dma_start3A_843 = tpu.memref_slice %arg2[%select_n3A_47, %select_n3A_61, %add3A_130, %dma_start3A_842] : memref<16x3x512x512xf32, #tpu.memory_space<hbm>> -> memref<1x1x64x512xf32, #tpu.memory_space<hbm>>
    %dma_start3A_844 = tpu.memref_squeeze %dma_start3A_843 : memref<1x1x64x512xf32, #tpu.memory_space<hbm>> -> memref<64x512xf32, #tpu.memory_space<hbm>>
    tpu.enqueue_dma source(%dma_start3A_844 : memref<64x512xf32, #tpu.memory_space<hbm>>) target(%arg7 : memref<64x512xf32, #tpu.memory_space<vmem>>) target_semaphore(%arg12 : memref<!tpu.dma_semaphore, #tpu.memory_space<semaphore_mem>>)
    %parallel_loop3A = arith.constant 0 : i32
    %parallel_loop3A_845 = arith.constant 4096 : i32
    %parallel_loop3A_846 = arith.constant 16 : i32
    scf.for %parallel_loop3A_1275 = %parallel_loop3A to %parallel_loop3A_845 step %parallel_loop3A_846  : i32 {
      %parallel_loop3A_1276 = arith.index_cast %parallel_loop3A_1275 : i32 to index
      %parallel_loop3A_1277 = tpu.vector_load %arg8[%parallel_loop3A_1276] {strides = array<i32>} : memref<4096xf32, #tpu.memory_space<vmem>>, vector<16xf32>,
      tpu.vector_store %arg8[%parallel_loop3A_1276], %broadcast_in_dim3A_3 {strides = array<i32>} : memref<4096xf32, #tpu.memory_space<vmem>>, vector<16xf32>,
    } {sc.loop_unroll_factor = 8 : i64, sc.parallel_access}
    %dma_wait3A = arith.constant 0 : i32
    %dma_wait3A_847 = tpu.memref_slice %arg2[%select_n3A_47, %select_n3A_61, %add3A_126, %dma_wait3A] : memref<16x3x512x512xf32, #tpu.memory_space<hbm>> -> memref<1x1x64x512xf32, #tpu.memory_space<hbm>>
    %dma_wait3A_848 = tpu.memref_squeeze %dma_wait3A_847 : memref<1x1x64x512xf32, #tpu.memory_space<hbm>> -> memref<64x512xf32, #tpu.memory_space<hbm>>
    %dma_wait3A_849 = arith.constant 0 : i32
    %dma_wait3A_850 = tpu.memref_slice %arg2[%select_n3A_47, %select_n3A_61, %add3A_126, %dma_wait3A_849] : memref<16x3x512x512xf32, #tpu.memory_space<hbm>> -> memref<1x1x64x512xf32, #tpu.memory_space<hbm>>
    %dma_wait3A_851 = tpu.memref_squeeze %dma_wait3A_850 : memref<1x1x64x512xf32, #tpu.memory_space<hbm>> -> memref<64x512xf32, #tpu.memory_space<hbm>>
    tpu.wait_dma2 semaphore(%arg10 : memref<!tpu.dma_semaphore, #tpu.memory_space<semaphore_mem>>) src(%dma_wait3A_851 : memref<64x512xf32, #tpu.memory_space<hbm>>) dst(%arg5 : memref<64x512xf32, #tpu.memory_space<vmem>>)
    %parallel_loop3A_852 = arith.constant 0 : i32
    %parallel_loop3A_853 = arith.constant 32768 : i32
    %parallel_loop3A_854 = arith.constant 16 : i32
    scf.for %parallel_loop3A_1275 = %parallel_loop3A_852 to %parallel_loop3A_853 step %parallel_loop3A_854  : i32 {
      %parallel_loop3A_1276 = arith.constant 512 : i32
      %parallel_loop3A_1277 = arith.divsi %parallel_loop3A_1275, %parallel_loop3A_1276 : i32
      %parallel_loop3A_1278 = arith.constant 0 : i32
      %parallel_loop3A_1279 = arith.cmpi sgt, %parallel_loop3A_1275, %parallel_loop3A_1278 : i32
      %parallel_loop3A_1280 = arith.extui %parallel_loop3A_1279 : i1 to i32
      %parallel_loop3A_1281 = arith.constant 0 : i32
      %parallel_loop3A_1282 = arith.cmpi slt, %parallel_loop3A_1275, %parallel_loop3A_1281 : i32
      %parallel_loop3A_1283 = arith.extui %parallel_loop3A_1282 : i1 to i32
      %parallel_loop3A_1284 = arith.subi %parallel_loop3A_1280, %parallel_loop3A_1283 : i32
      %parallel_loop3A_1285 = arith.constant 0 : i32
      %parallel_loop3A_1286 = arith.cmpi sgt, %parallel_loop3A_1276, %parallel_loop3A_1285 : i32
      %parallel_loop3A_1287 = arith.extui %parallel_loop3A_1286 : i1 to i32
      %parallel_loop3A_1288 = arith.constant 0 : i32
      %parallel_loop3A_1289 = arith.cmpi slt, %parallel_loop3A_1276, %parallel_loop3A_1288 : i32
      %parallel_loop3A_1290 = arith.extui %parallel_loop3A_1289 : i1 to i32
      %parallel_loop3A_1291 = arith.subi %parallel_loop3A_1287, %parallel_loop3A_1290 : i32
      %parallel_loop3A_1292 = arith.cmpi ne, %parallel_loop3A_1284, %parallel_loop3A_1291 : i32
      %parallel_loop3A_1293 = arith.remsi %parallel_loop3A_1275, %parallel_loop3A_1276 : i32
      %parallel_loop3A_1294 = arith.constant 0 : i32
      %parallel_loop3A_1295 = arith.cmpi ne, %parallel_loop3A_1293, %parallel_loop3A_1294 : i32
      %parallel_loop3A_1296 = arith.andi %parallel_loop3A_1292, %parallel_loop3A_1295 : i1
      %parallel_loop3A_1297 = arith.constant 1 : i32
      %parallel_loop3A_1298 = arith.subi %parallel_loop3A_1277, %parallel_loop3A_1297 : i32
      %parallel_loop3A_1299 = arith.select %parallel_loop3A_1296, %parallel_loop3A_1298, %parallel_loop3A_1277 : i32
      %parallel_loop3A_1300 = arith.constant 512 : i32
      %parallel_loop3A_1301 = arith.constant 0 : i32
      %parallel_loop3A_1302 = arith.cmpi eq, %parallel_loop3A_1300, %parallel_loop3A_1301 : i32
      %parallel_loop3A_1303 = arith.constant 1 : i32
      %parallel_loop3A_1304 = arith.select %parallel_loop3A_1302, %parallel_loop3A_1303, %parallel_loop3A_1300 : i32
      %parallel_loop3A_1305 = arith.remsi %parallel_loop3A_1275, %parallel_loop3A_1304 : i32
      %parallel_loop3A_1306 = arith.constant 0 : i32
      %parallel_loop3A_1307 = arith.cmpi ne, %parallel_loop3A_1305, %parallel_loop3A_1306 : i32
      %parallel_loop3A_1308 = arith.constant 0 : i32
      %parallel_loop3A_1309 = arith.cmpi slt, %parallel_loop3A_1305, %parallel_loop3A_1308 : i32
      %parallel_loop3A_1310 = arith.constant 0 : i32
      %parallel_loop3A_1311 = arith.cmpi slt, %parallel_loop3A_1304, %parallel_loop3A_1310 : i32
      %parallel_loop3A_1312 = arith.xori %parallel_loop3A_1309, %parallel_loop3A_1311 : i1
      %parallel_loop3A_1313 = arith.andi %parallel_loop3A_1312, %parallel_loop3A_1307 : i1
      %parallel_loop3A_1314 = arith.addi %parallel_loop3A_1305, %parallel_loop3A_1304 : i32
      %parallel_loop3A_1315 = arith.select %parallel_loop3A_1313, %parallel_loop3A_1314, %parallel_loop3A_1305 : i32
      %parallel_loop3A_1316 = arith.index_cast %parallel_loop3A_1299 : i32 to index
      %parallel_loop3A_1317 = arith.index_cast %parallel_loop3A_1315 : i32 to index
      %parallel_loop3A_1318 = tpu.vector_load %arg5[%parallel_loop3A_1316, %parallel_loop3A_1317] {strides = array<i32>} : memref<64x512xf32, #tpu.memory_space<vmem>>, vector<16xf32>,
      %parallel_loop3A_1319 = arith.constant 2.550000e+02 : f32
      %parallel_loop3A_1320 = vector.broadcast %parallel_loop3A_1319 : f32 to vector<16xf32>
      %parallel_loop3A_1321 = arith.mulf %parallel_loop3A_1318, %parallel_loop3A_1320 : vector<16xf32>
      %parallel_loop3A_1322 = arith.fptosi %parallel_loop3A_1321 : vector<16xf32> to vector<16xi32>
      %parallel_loop3A_1323 = arith.constant 16 : i32
      %parallel_loop3A_1324 = vector.broadcast %parallel_loop3A_1323 : i32 to vector<16xi32>
      %parallel_loop3A_1325 = arith.muli %parallel_loop3A_1322, %parallel_loop3A_1324 : vector<16xi32>
      %parallel_loop3A_1326 = arith.addi %parallel_loop3A_1325, %iota3A : vector<16xi32>
      tpu.vector_store_idx %arg8[%parallel_loop3A_1326], %broadcast_in_dim3A_1 {add = true} : memref<4096xf32, #tpu.memory_space<vmem>>[vector<16xi32>], vector<16xf32>,
    } {sc.loop_unroll_factor = 8 : i64, sc.parallel_access}
    %dma_start3A_855 = arith.constant 0 : i32
    %dma_start3A_856 = tpu.memref_slice %arg2[%select_n3A_47, %select_n3A_61, %add3A_132, %dma_start3A_855] : memref<16x3x512x512xf32, #tpu.memory_space<hbm>> -> memref<1x1x64x512xf32, #tpu.memory_space<hbm>>
    %dma_start3A_857 = tpu.memref_squeeze %dma_start3A_856 : memref<1x1x64x512xf32, #tpu.memory_space<hbm>> -> memref<64x512xf32, #tpu.memory_space<hbm>>
    %dma_start3A_858 = arith.constant 0 : i32
    %dma_start3A_859 = tpu.memref_slice %arg2[%select_n3A_47, %select_n3A_61, %add3A_132, %dma_start3A_858] : memref<16x3x512x512xf32, #tpu.memory_space<hbm>> -> memref<1x1x64x512xf32, #tpu.memory_space<hbm>>
    %dma_start3A_860 = tpu.memref_squeeze %dma_start3A_859 : memref<1x1x64x512xf32, #tpu.memory_space<hbm>> -> memref<64x512xf32, #tpu.memory_space<hbm>>
    tpu.enqueue_dma source(%dma_start3A_860 : memref<64x512xf32, #tpu.memory_space<hbm>>) target(%arg5 : memref<64x512xf32, #tpu.memory_space<vmem>>) target_semaphore(%arg10 : memref<!tpu.dma_semaphore, #tpu.memory_space<semaphore_mem>>)
    %dma_wait3A_861 = arith.constant 0 : i32
    %dma_wait3A_862 = tpu.memref_slice %arg2[%select_n3A_47, %select_n3A_61, %add3A_128, %dma_wait3A_861] : memref<16x3x512x512xf32, #tpu.memory_space<hbm>> -> memref<1x1x64x512xf32, #tpu.memory_space<hbm>>
    %dma_wait3A_863 = tpu.memref_squeeze %dma_wait3A_862 : memref<1x1x64x512xf32, #tpu.memory_space<hbm>> -> memref<64x512xf32, #tpu.memory_space<hbm>>
    %dma_wait3A_864 = arith.constant 0 : i32
    %dma_wait3A_865 = tpu.memref_slice %arg2[%select_n3A_47, %select_n3A_61, %add3A_128, %dma_wait3A_864] : memref<16x3x512x512xf32, #tpu.memory_space<hbm>> -> memref<1x1x64x512xf32, #tpu.memory_space<hbm>>
    %dma_wait3A_866 = tpu.memref_squeeze %dma_wait3A_865 : memref<1x1x64x512xf32, #tpu.memory_space<hbm>> -> memref<64x512xf32, #tpu.memory_space<hbm>>
    tpu.wait_dma2 semaphore(%arg11 : memref<!tpu.dma_semaphore, #tpu.memory_space<semaphore_mem>>) src(%dma_wait3A_866 : memref<64x512xf32, #tpu.memory_space<hbm>>) dst(%arg6 : memref<64x512xf32, #tpu.memory_space<vmem>>)
    %parallel_loop3A_867 = arith.constant 0 : i32
    %parallel_loop3A_868 = arith.constant 32768 : i32
    %parallel_loop3A_869 = arith.constant 16 : i32
    scf.for %parallel_loop3A_1275 = %parallel_loop3A_867 to %parallel_loop3A_868 step %parallel_loop3A_869  : i32 {
      %parallel_loop3A_1276 = arith.constant 512 : i32
      %parallel_loop3A_1277 = arith.divsi %parallel_loop3A_1275, %parallel_loop3A_1276 : i32
      %parallel_loop3A_1278 = arith.constant 0 : i32
      %parallel_loop3A_1279 = arith.cmpi sgt, %parallel_loop3A_1275, %parallel_loop3A_1278 : i32
      %parallel_loop3A_1280 = arith.extui %parallel_loop3A_1279 : i1 to i32
      %parallel_loop3A_1281 = arith.constant 0 : i32
      %parallel_loop3A_1282 = arith.cmpi slt, %parallel_loop3A_1275, %parallel_loop3A_1281 : i32
      %parallel_loop3A_1283 = arith.extui %parallel_loop3A_1282 : i1 to i32
      %parallel_loop3A_1284 = arith.subi %parallel_loop3A_1280, %parallel_loop3A_1283 : i32
      %parallel_loop3A_1285 = arith.constant 0 : i32
      %parallel_loop3A_1286 = arith.cmpi sgt, %parallel_loop3A_1276, %parallel_loop3A_1285 : i32
      %parallel_loop3A_1287 = arith.extui %parallel_loop3A_1286 : i1 to i32
      %parallel_loop3A_1288 = arith.constant 0 : i32
      %parallel_loop3A_1289 = arith.cmpi slt, %parallel_loop3A_1276, %parallel_loop3A_1288 : i32
      %parallel_loop3A_1290 = arith.extui %parallel_loop3A_1289 : i1 to i32
      %parallel_loop3A_1291 = arith.subi %parallel_loop3A_1287, %parallel_loop3A_1290 : i32
      %parallel_loop3A_1292 = arith.cmpi ne, %parallel_loop3A_1284, %parallel_loop3A_1291 : i32
      %parallel_loop3A_1293 = arith.remsi %parallel_loop3A_1275, %parallel_loop3A_1276 : i32
      %parallel_loop3A_1294 = arith.constant 0 : i32
      %parallel_loop3A_1295 = arith.cmpi ne, %parallel_loop3A_1293, %parallel_loop3A_1294 : i32
      %parallel_loop3A_1296 = arith.andi %parallel_loop3A_1292, %parallel_loop3A_1295 : i1
      %parallel_loop3A_1297 = arith.constant 1 : i32
      %parallel_loop3A_1298 = arith.subi %parallel_loop3A_1277, %parallel_loop3A_1297 : i32
      %parallel_loop3A_1299 = arith.select %parallel_loop3A_1296, %parallel_loop3A_1298, %parallel_loop3A_1277 : i32
      %parallel_loop3A_1300 = arith.constant 512 : i32
      %parallel_loop3A_1301 = arith.constant 0 : i32
      %parallel_loop3A_1302 = arith.cmpi eq, %parallel_loop3A_1300, %parallel_loop3A_1301 : i32
      %parallel_loop3A_1303 = arith.constant 1 : i32
      %parallel_loop3A_1304 = arith.select %parallel_loop3A_1302, %parallel_loop3A_1303, %parallel_loop3A_1300 : i32
      %parallel_loop3A_1305 = arith.remsi %parallel_loop3A_1275, %parallel_loop3A_1304 : i32
      %parallel_loop3A_1306 = arith.constant 0 : i32
      %parallel_loop3A_1307 = arith.cmpi ne, %parallel_loop3A_1305, %parallel_loop3A_1306 : i32
      %parallel_loop3A_1308 = arith.constant 0 : i32
      %parallel_loop3A_1309 = arith.cmpi slt, %parallel_loop3A_1305, %parallel_loop3A_1308 : i32
      %parallel_loop3A_1310 = arith.constant 0 : i32
      %parallel_loop3A_1311 = arith.cmpi slt, %parallel_loop3A_1304, %parallel_loop3A_1310 : i32
      %parallel_loop3A_1312 = arith.xori %parallel_loop3A_1309, %parallel_loop3A_1311 : i1
      %parallel_loop3A_1313 = arith.andi %parallel_loop3A_1312, %parallel_loop3A_1307 : i1
      %parallel_loop3A_1314 = arith.addi %parallel_loop3A_1305, %parallel_loop3A_1304 : i32
      %parallel_loop3A_1315 = arith.select %parallel_loop3A_1313, %parallel_loop3A_1314, %parallel_loop3A_1305 : i32
      %parallel_loop3A_1316 = arith.index_cast %parallel_loop3A_1299 : i32 to index
      %parallel_loop3A_1317 = arith.index_cast %parallel_loop3A_1315 : i32 to index
      %parallel_loop3A_1318 = tpu.vector_load %arg6[%parallel_loop3A_1316, %parallel_loop3A_1317] {strides = array<i32>} : memref<64x512xf32, #tpu.memory_space<vmem>>, vector<16xf32>,
      %parallel_loop3A_1319 = arith.constant 2.550000e+02 : f32
      %parallel_loop3A_1320 = vector.broadcast %parallel_loop3A_1319 : f32 to vector<16xf32>
      %parallel_loop3A_1321 = arith.mulf %parallel_loop3A_1318, %parallel_loop3A_1320 : vector<16xf32>
      %parallel_loop3A_1322 = arith.fptosi %parallel_loop3A_1321 : vector<16xf32> to vector<16xi32>
      %parallel_loop3A_1323 = arith.constant 16 : i32
      %parallel_loop3A_1324 = vector.broadcast %parallel_loop3A_1323 : i32 to vector<16xi32>
      %parallel_loop3A_1325 = arith.muli %parallel_loop3A_1322, %parallel_loop3A_1324 : vector<16xi32>
      %parallel_loop3A_1326 = arith.addi %parallel_loop3A_1325, %iota3A : vector<16xi32>
      tpu.vector_store_idx %arg8[%parallel_loop3A_1326], %broadcast_in_dim3A_1 {add = true} : memref<4096xf32, #tpu.memory_space<vmem>>[vector<16xi32>], vector<16xf32>,
    } {sc.loop_unroll_factor = 8 : i64, sc.parallel_access}
    %dma_start3A_870 = arith.constant 0 : i32
    %dma_start3A_871 = tpu.memref_slice %arg2[%select_n3A_184, %select_n3A_200, %add3A_265, %dma_start3A_870] : memref<16x3x512x512xf32, #tpu.memory_space<hbm>> -> memref<1x1x64x512xf32, #tpu.memory_space<hbm>>
    %dma_start3A_872 = tpu.memref_squeeze %dma_start3A_871 : memref<1x1x64x512xf32, #tpu.memory_space<hbm>> -> memref<64x512xf32, #tpu.memory_space<hbm>>
    %dma_start3A_873 = arith.constant 0 : i32
    %dma_start3A_874 = tpu.memref_slice %arg2[%select_n3A_184, %select_n3A_200, %add3A_265, %dma_start3A_873] : memref<16x3x512x512xf32, #tpu.memory_space<hbm>> -> memref<1x1x64x512xf32, #tpu.memory_space<hbm>>
    %dma_start3A_875 = tpu.memref_squeeze %dma_start3A_874 : memref<1x1x64x512xf32, #tpu.memory_space<hbm>> -> memref<64x512xf32, #tpu.memory_space<hbm>>
    tpu.enqueue_dma source(%dma_start3A_875 : memref<64x512xf32, #tpu.memory_space<hbm>>) target(%arg6 : memref<64x512xf32, #tpu.memory_space<vmem>>) target_semaphore(%arg11 : memref<!tpu.dma_semaphore, #tpu.memory_space<semaphore_mem>>)
    %dma_wait3A_876 = arith.constant 0 : i32
    %dma_wait3A_877 = tpu.memref_slice %arg2[%select_n3A_47, %select_n3A_61, %add3A_130, %dma_wait3A_876] : memref<16x3x512x512xf32, #tpu.memory_space<hbm>> -> memref<1x1x64x512xf32, #tpu.memory_space<hbm>>
    %dma_wait3A_878 = tpu.memref_squeeze %dma_wait3A_877 : memref<1x1x64x512xf32, #tpu.memory_space<hbm>> -> memref<64x512xf32, #tpu.memory_space<hbm>>
    %dma_wait3A_879 = arith.constant 0 : i32
    %dma_wait3A_880 = tpu.memref_slice %arg2[%select_n3A_47, %select_n3A_61, %add3A_130, %dma_wait3A_879] : memref<16x3x512x512xf32, #tpu.memory_space<hbm>> -> memref<1x1x64x512xf32, #tpu.memory_space<hbm>>
    %dma_wait3A_881 = tpu.memref_squeeze %dma_wait3A_880 : memref<1x1x64x512xf32, #tpu.memory_space<hbm>> -> memref<64x512xf32, #tpu.memory_space<hbm>>
    tpu.wait_dma2 semaphore(%arg12 : memref<!tpu.dma_semaphore, #tpu.memory_space<semaphore_mem>>) src(%dma_wait3A_881 : memref<64x512xf32, #tpu.memory_space<hbm>>) dst(%arg7 : memref<64x512xf32, #tpu.memory_space<vmem>>)
    %parallel_loop3A_882 = arith.constant 0 : i32
    %parallel_loop3A_883 = arith.constant 32768 : i32
    %parallel_loop3A_884 = arith.constant 16 : i32
    scf.for %parallel_loop3A_1275 = %parallel_loop3A_882 to %parallel_loop3A_883 step %parallel_loop3A_884  : i32 {
      %parallel_loop3A_1276 = arith.constant 512 : i32
      %parallel_loop3A_1277 = arith.divsi %parallel_loop3A_1275, %parallel_loop3A_1276 : i32
      %parallel_loop3A_1278 = arith.constant 0 : i32
      %parallel_loop3A_1279 = arith.cmpi sgt, %parallel_loop3A_1275, %parallel_loop3A_1278 : i32
      %parallel_loop3A_1280 = arith.extui %parallel_loop3A_1279 : i1 to i32
      %parallel_loop3A_1281 = arith.constant 0 : i32
      %parallel_loop3A_1282 = arith.cmpi slt, %parallel_loop3A_1275, %parallel_loop3A_1281 : i32
      %parallel_loop3A_1283 = arith.extui %parallel_loop3A_1282 : i1 to i32
      %parallel_loop3A_1284 = arith.subi %parallel_loop3A_1280, %parallel_loop3A_1283 : i32
      %parallel_loop3A_1285 = arith.constant 0 : i32
      %parallel_loop3A_1286 = arith.cmpi sgt, %parallel_loop3A_1276, %parallel_loop3A_1285 : i32
      %parallel_loop3A_1287 = arith.extui %parallel_loop3A_1286 : i1 to i32
      %parallel_loop3A_1288 = arith.constant 0 : i32
      %parallel_loop3A_1289 = arith.cmpi slt, %parallel_loop3A_1276, %parallel_loop3A_1288 : i32
      %parallel_loop3A_1290 = arith.extui %parallel_loop3A_1289 : i1 to i32
      %parallel_loop3A_1291 = arith.subi %parallel_loop3A_1287, %parallel_loop3A_1290 : i32
      %parallel_loop3A_1292 = arith.cmpi ne, %parallel_loop3A_1284, %parallel_loop3A_1291 : i32
      %parallel_loop3A_1293 = arith.remsi %parallel_loop3A_1275, %parallel_loop3A_1276 : i32
      %parallel_loop3A_1294 = arith.constant 0 : i32
      %parallel_loop3A_1295 = arith.cmpi ne, %parallel_loop3A_1293, %parallel_loop3A_1294 : i32
      %parallel_loop3A_1296 = arith.andi %parallel_loop3A_1292, %parallel_loop3A_1295 : i1
      %parallel_loop3A_1297 = arith.constant 1 : i32
      %parallel_loop3A_1298 = arith.subi %parallel_loop3A_1277, %parallel_loop3A_1297 : i32
      %parallel_loop3A_1299 = arith.select %parallel_loop3A_1296, %parallel_loop3A_1298, %parallel_loop3A_1277 : i32
      %parallel_loop3A_1300 = arith.constant 512 : i32
      %parallel_loop3A_1301 = arith.constant 0 : i32
      %parallel_loop3A_1302 = arith.cmpi eq, %parallel_loop3A_1300, %parallel_loop3A_1301 : i32
      %parallel_loop3A_1303 = arith.constant 1 : i32
      %parallel_loop3A_1304 = arith.select %parallel_loop3A_1302, %parallel_loop3A_1303, %parallel_loop3A_1300 : i32
      %parallel_loop3A_1305 = arith.remsi %parallel_loop3A_1275, %parallel_loop3A_1304 : i32
      %parallel_loop3A_1306 = arith.constant 0 : i32
      %parallel_loop3A_1307 = arith.cmpi ne, %parallel_loop3A_1305, %parallel_loop3A_1306 : i32
      %parallel_loop3A_1308 = arith.constant 0 : i32
      %parallel_loop3A_1309 = arith.cmpi slt, %parallel_loop3A_1305, %parallel_loop3A_1308 : i32
      %parallel_loop3A_1310 = arith.constant 0 : i32
      %parallel_loop3A_1311 = arith.cmpi slt, %parallel_loop3A_1304, %parallel_loop3A_1310 : i32
      %parallel_loop3A_1312 = arith.xori %parallel_loop3A_1309, %parallel_loop3A_1311 : i1
      %parallel_loop3A_1313 = arith.andi %parallel_loop3A_1312, %parallel_loop3A_1307 : i1
      %parallel_loop3A_1314 = arith.addi %parallel_loop3A_1305, %parallel_loop3A_1304 : i32
      %parallel_loop3A_1315 = arith.select %parallel_loop3A_1313, %parallel_loop3A_1314, %parallel_loop3A_1305 : i32
      %parallel_loop3A_1316 = arith.index_cast %parallel_loop3A_1299 : i32 to index
      %parallel_loop3A_1317 = arith.index_cast %parallel_loop3A_1315 : i32 to index
      %parallel_loop3A_1318 = tpu.vector_load %arg7[%parallel_loop3A_1316, %parallel_loop3A_1317] {strides = array<i32>} : memref<64x512xf32, #tpu.memory_space<vmem>>, vector<16xf32>,
      %parallel_loop3A_1319 = arith.constant 2.550000e+02 : f32
      %parallel_loop3A_1320 = vector.broadcast %parallel_loop3A_1319 : f32 to vector<16xf32>
      %parallel_loop3A_1321 = arith.mulf %parallel_loop3A_1318, %parallel_loop3A_1320 : vector<16xf32>
      %parallel_loop3A_1322 = arith.fptosi %parallel_loop3A_1321 : vector<16xf32> to vector<16xi32>
      %parallel_loop3A_1323 = arith.constant 16 : i32
      %parallel_loop3A_1324 = vector.broadcast %parallel_loop3A_1323 : i32 to vector<16xi32>
      %parallel_loop3A_1325 = arith.muli %parallel_loop3A_1322, %parallel_loop3A_1324 : vector<16xi32>
      %parallel_loop3A_1326 = arith.addi %parallel_loop3A_1325, %iota3A : vector<16xi32>
      tpu.vector_store_idx %arg8[%parallel_loop3A_1326], %broadcast_in_dim3A_1 {add = true} : memref<4096xf32, #tpu.memory_space<vmem>>[vector<16xi32>], vector<16xf32>,
    } {sc.loop_unroll_factor = 8 : i64, sc.parallel_access}
    %dma_start3A_885 = arith.constant 0 : i32
    %dma_start3A_886 = tpu.memref_slice %arg2[%select_n3A_184, %select_n3A_200, %add3A_267, %dma_start3A_885] : memref<16x3x512x512xf32, #tpu.memory_space<hbm>> -> memref<1x1x64x512xf32, #tpu.memory_space<hbm>>
    %dma_start3A_887 = tpu.memref_squeeze %dma_start3A_886 : memref<1x1x64x512xf32, #tpu.memory_space<hbm>> -> memref<64x512xf32, #tpu.memory_space<hbm>>
    %dma_start3A_888 = arith.constant 0 : i32
    %dma_start3A_889 = tpu.memref_slice %arg2[%select_n3A_184, %select_n3A_200, %add3A_267, %dma_start3A_888] : memref<16x3x512x512xf32, #tpu.memory_space<hbm>> -> memref<1x1x64x512xf32, #tpu.memory_space<hbm>>
    %dma_start3A_890 = tpu.memref_squeeze %dma_start3A_889 : memref<1x1x64x512xf32, #tpu.memory_space<hbm>> -> memref<64x512xf32, #tpu.memory_space<hbm>>
    tpu.enqueue_dma source(%dma_start3A_890 : memref<64x512xf32, #tpu.memory_space<hbm>>) target(%arg7 : memref<64x512xf32, #tpu.memory_space<vmem>>) target_semaphore(%arg12 : memref<!tpu.dma_semaphore, #tpu.memory_space<semaphore_mem>>)
    %dma_wait3A_891 = arith.constant 0 : i32
    %dma_wait3A_892 = tpu.memref_slice %arg2[%select_n3A_47, %select_n3A_61, %add3A_132, %dma_wait3A_891] : memref<16x3x512x512xf32, #tpu.memory_space<hbm>> -> memref<1x1x64x512xf32, #tpu.memory_space<hbm>>
    %dma_wait3A_893 = tpu.memref_squeeze %dma_wait3A_892 : memref<1x1x64x512xf32, #tpu.memory_space<hbm>> -> memref<64x512xf32, #tpu.memory_space<hbm>>
    %dma_wait3A_894 = arith.constant 0 : i32
    %dma_wait3A_895 = tpu.memref_slice %arg2[%select_n3A_47, %select_n3A_61, %add3A_132, %dma_wait3A_894] : memref<16x3x512x512xf32, #tpu.memory_space<hbm>> -> memref<1x1x64x512xf32, #tpu.memory_space<hbm>>
    %dma_wait3A_896 = tpu.memref_squeeze %dma_wait3A_895 : memref<1x1x64x512xf32, #tpu.memory_space<hbm>> -> memref<64x512xf32, #tpu.memory_space<hbm>>
    tpu.wait_dma2 semaphore(%arg10 : memref<!tpu.dma_semaphore, #tpu.memory_space<semaphore_mem>>) src(%dma_wait3A_896 : memref<64x512xf32, #tpu.memory_space<hbm>>) dst(%arg5 : memref<64x512xf32, #tpu.memory_space<vmem>>)
    %parallel_loop3A_897 = arith.constant 0 : i32
    %parallel_loop3A_898 = arith.constant 32768 : i32
    %parallel_loop3A_899 = arith.constant 16 : i32
    scf.for %parallel_loop3A_1275 = %parallel_loop3A_897 to %parallel_loop3A_898 step %parallel_loop3A_899  : i32 {
      %parallel_loop3A_1276 = arith.constant 512 : i32
      %parallel_loop3A_1277 = arith.divsi %parallel_loop3A_1275, %parallel_loop3A_1276 : i32
      %parallel_loop3A_1278 = arith.constant 0 : i32
      %parallel_loop3A_1279 = arith.cmpi sgt, %parallel_loop3A_1275, %parallel_loop3A_1278 : i32
      %parallel_loop3A_1280 = arith.extui %parallel_loop3A_1279 : i1 to i32
      %parallel_loop3A_1281 = arith.constant 0 : i32
      %parallel_loop3A_1282 = arith.cmpi slt, %parallel_loop3A_1275, %parallel_loop3A_1281 : i32
      %parallel_loop3A_1283 = arith.extui %parallel_loop3A_1282 : i1 to i32
      %parallel_loop3A_1284 = arith.subi %parallel_loop3A_1280, %parallel_loop3A_1283 : i32
      %parallel_loop3A_1285 = arith.constant 0 : i32
      %parallel_loop3A_1286 = arith.cmpi sgt, %parallel_loop3A_1276, %parallel_loop3A_1285 : i32
      %parallel_loop3A_1287 = arith.extui %parallel_loop3A_1286 : i1 to i32
      %parallel_loop3A_1288 = arith.constant 0 : i32
      %parallel_loop3A_1289 = arith.cmpi slt, %parallel_loop3A_1276, %parallel_loop3A_1288 : i32
      %parallel_loop3A_1290 = arith.extui %parallel_loop3A_1289 : i1 to i32
      %parallel_loop3A_1291 = arith.subi %parallel_loop3A_1287, %parallel_loop3A_1290 : i32
      %parallel_loop3A_1292 = arith.cmpi ne, %parallel_loop3A_1284, %parallel_loop3A_1291 : i32
      %parallel_loop3A_1293 = arith.remsi %parallel_loop3A_1275, %parallel_loop3A_1276 : i32
      %parallel_loop3A_1294 = arith.constant 0 : i32
      %parallel_loop3A_1295 = arith.cmpi ne, %parallel_loop3A_1293, %parallel_loop3A_1294 : i32
      %parallel_loop3A_1296 = arith.andi %parallel_loop3A_1292, %parallel_loop3A_1295 : i1
      %parallel_loop3A_1297 = arith.constant 1 : i32
      %parallel_loop3A_1298 = arith.subi %parallel_loop3A_1277, %parallel_loop3A_1297 : i32
      %parallel_loop3A_1299 = arith.select %parallel_loop3A_1296, %parallel_loop3A_1298, %parallel_loop3A_1277 : i32
      %parallel_loop3A_1300 = arith.constant 512 : i32
      %parallel_loop3A_1301 = arith.constant 0 : i32
      %parallel_loop3A_1302 = arith.cmpi eq, %parallel_loop3A_1300, %parallel_loop3A_1301 : i32
      %parallel_loop3A_1303 = arith.constant 1 : i32
      %parallel_loop3A_1304 = arith.select %parallel_loop3A_1302, %parallel_loop3A_1303, %parallel_loop3A_1300 : i32
      %parallel_loop3A_1305 = arith.remsi %parallel_loop3A_1275, %parallel_loop3A_1304 : i32
      %parallel_loop3A_1306 = arith.constant 0 : i32
      %parallel_loop3A_1307 = arith.cmpi ne, %parallel_loop3A_1305, %parallel_loop3A_1306 : i32
      %parallel_loop3A_1308 = arith.constant 0 : i32
      %parallel_loop3A_1309 = arith.cmpi slt, %parallel_loop3A_1305, %parallel_loop3A_1308 : i32
      %parallel_loop3A_1310 = arith.constant 0 : i32
      %parallel_loop3A_1311 = arith.cmpi slt, %parallel_loop3A_1304, %parallel_loop3A_1310 : i32
      %parallel_loop3A_1312 = arith.xori %parallel_loop3A_1309, %parallel_loop3A_1311 : i1
      %parallel_loop3A_1313 = arith.andi %parallel_loop3A_1312, %parallel_loop3A_1307 : i1
      %parallel_loop3A_1314 = arith.addi %parallel_loop3A_1305, %parallel_loop3A_1304 : i32
      %parallel_loop3A_1315 = arith.select %parallel_loop3A_1313, %parallel_loop3A_1314, %parallel_loop3A_1305 : i32
      %parallel_loop3A_1316 = arith.index_cast %parallel_loop3A_1299 : i32 to index
      %parallel_loop3A_1317 = arith.index_cast %parallel_loop3A_1315 : i32 to index
      %parallel_loop3A_1318 = tpu.vector_load %arg5[%parallel_loop3A_1316, %parallel_loop3A_1317] {strides = array<i32>} : memref<64x512xf32, #tpu.memory_space<vmem>>, vector<16xf32>,
      %parallel_loop3A_1319 = arith.constant 2.550000e+02 : f32
      %parallel_loop3A_1320 = vector.broadcast %parallel_loop3A_1319 : f32 to vector<16xf32>
      %parallel_loop3A_1321 = arith.mulf %parallel_loop3A_1318, %parallel_loop3A_1320 : vector<16xf32>
      %parallel_loop3A_1322 = arith.fptosi %parallel_loop3A_1321 : vector<16xf32> to vector<16xi32>
      %parallel_loop3A_1323 = arith.constant 16 : i32
      %parallel_loop3A_1324 = vector.broadcast %parallel_loop3A_1323 : i32 to vector<16xi32>
      %parallel_loop3A_1325 = arith.muli %parallel_loop3A_1322, %parallel_loop3A_1324 : vector<16xi32>
      %parallel_loop3A_1326 = arith.addi %parallel_loop3A_1325, %iota3A : vector<16xi32>
      tpu.vector_store_idx %arg8[%parallel_loop3A_1326], %broadcast_in_dim3A_1 {add = true} : memref<4096xf32, #tpu.memory_space<vmem>>[vector<16xi32>], vector<16xf32>,
    } {sc.loop_unroll_factor = 8 : i64, sc.parallel_access}
    %dma_start3A_900 = arith.constant 0 : i32
    %dma_start3A_901 = tpu.memref_slice %arg4[%add3A_124, %dma_start3A_900] : memref<192x4096xf32, #tpu.memory_space<hbm>> -> memref<1x4096xf32, #tpu.memory_space<hbm>>
    %dma_start3A_902 = tpu.memref_squeeze %dma_start3A_901 : memref<1x4096xf32, #tpu.memory_space<hbm>> -> memref<4096xf32, #tpu.memory_space<hbm>>
    %dma_start3A_903 = arith.constant 0 : i32
    %dma_start3A_904 = tpu.memref_slice %arg4[%add3A_124, %dma_start3A_903] : memref<192x4096xf32, #tpu.memory_space<hbm>> -> memref<1x4096xf32, #tpu.memory_space<hbm>>
    %dma_start3A_905 = tpu.memref_squeeze %dma_start3A_904 : memref<1x4096xf32, #tpu.memory_space<hbm>> -> memref<4096xf32, #tpu.memory_space<hbm>>
    tpu.enqueue_dma source(%arg8 : memref<4096xf32, #tpu.memory_space<vmem>>) target(%dma_start3A_905 : memref<4096xf32, #tpu.memory_space<hbm>>) target_semaphore(%arg13 : memref<!tpu.dma_semaphore, #tpu.memory_space<semaphore_mem>>)
    %dma_start3A_906 = arith.constant 0 : i32
    %dma_start3A_907 = tpu.memref_slice %arg2[%select_n3A_184, %select_n3A_200, %add3A_269, %dma_start3A_906] : memref<16x3x512x512xf32, #tpu.memory_space<hbm>> -> memref<1x1x64x512xf32, #tpu.memory_space<hbm>>
    %dma_start3A_908 = tpu.memref_squeeze %dma_start3A_907 : memref<1x1x64x512xf32, #tpu.memory_space<hbm>> -> memref<64x512xf32, #tpu.memory_space<hbm>>
    %dma_start3A_909 = arith.constant 0 : i32
    %dma_start3A_910 = tpu.memref_slice %arg2[%select_n3A_184, %select_n3A_200, %add3A_269, %dma_start3A_909] : memref<16x3x512x512xf32, #tpu.memory_space<hbm>> -> memref<1x1x64x512xf32, #tpu.memory_space<hbm>>
    %dma_start3A_911 = tpu.memref_squeeze %dma_start3A_910 : memref<1x1x64x512xf32, #tpu.memory_space<hbm>> -> memref<64x512xf32, #tpu.memory_space<hbm>>
    tpu.enqueue_dma source(%dma_start3A_911 : memref<64x512xf32, #tpu.memory_space<hbm>>) target(%arg5 : memref<64x512xf32, #tpu.memory_space<vmem>>) target_semaphore(%arg10 : memref<!tpu.dma_semaphore, #tpu.memory_space<semaphore_mem>>)
    %parallel_loop3A_912 = arith.constant 0 : i32
    %parallel_loop3A_913 = arith.constant 4096 : i32
    %parallel_loop3A_914 = arith.constant 16 : i32
    scf.for %parallel_loop3A_1275 = %parallel_loop3A_912 to %parallel_loop3A_913 step %parallel_loop3A_914  : i32 {
      %parallel_loop3A_1276 = arith.index_cast %parallel_loop3A_1275 : i32 to index
      %parallel_loop3A_1277 = tpu.vector_load %arg9[%parallel_loop3A_1276] {strides = array<i32>} : memref<4096xf32, #tpu.memory_space<vmem>>, vector<16xf32>,
      tpu.vector_store %arg9[%parallel_loop3A_1276], %broadcast_in_dim3A_3 {strides = array<i32>} : memref<4096xf32, #tpu.memory_space<vmem>>, vector<16xf32>,
    } {sc.loop_unroll_factor = 8 : i64, sc.parallel_access}
    %dma_wait3A_915 = arith.constant 0 : i32
    %dma_wait3A_916 = tpu.memref_slice %arg2[%select_n3A_184, %select_n3A_200, %add3A_265, %dma_wait3A_915] : memref<16x3x512x512xf32, #tpu.memory_space<hbm>> -> memref<1x1x64x512xf32, #tpu.memory_space<hbm>>
    %dma_wait3A_917 = tpu.memref_squeeze %dma_wait3A_916 : memref<1x1x64x512xf32, #tpu.memory_space<hbm>> -> memref<64x512xf32, #tpu.memory_space<hbm>>
    %dma_wait3A_918 = arith.constant 0 : i32
    %dma_wait3A_919 = tpu.memref_slice %arg2[%select_n3A_184, %select_n3A_200, %add3A_265, %dma_wait3A_918] : memref<16x3x512x512xf32, #tpu.memory_space<hbm>> -> memref<1x1x64x512xf32, #tpu.memory_space<hbm>>
    %dma_wait3A_920 = tpu.memref_squeeze %dma_wait3A_919 : memref<1x1x64x512xf32, #tpu.memory_space<hbm>> -> memref<64x512xf32, #tpu.memory_space<hbm>>
    tpu.wait_dma2 semaphore(%arg11 : memref<!tpu.dma_semaphore, #tpu.memory_space<semaphore_mem>>) src(%dma_wait3A_920 : memref<64x512xf32, #tpu.memory_space<hbm>>) dst(%arg6 : memref<64x512xf32, #tpu.memory_space<vmem>>)
    %parallel_loop3A_921 = arith.constant 0 : i32
    %parallel_loop3A_922 = arith.constant 32768 : i32
    %parallel_loop3A_923 = arith.constant 16 : i32
    scf.for %parallel_loop3A_1275 = %parallel_loop3A_921 to %parallel_loop3A_922 step %parallel_loop3A_923  : i32 {
      %parallel_loop3A_1276 = arith.constant 512 : i32
      %parallel_loop3A_1277 = arith.divsi %parallel_loop3A_1275, %parallel_loop3A_1276 : i32
      %parallel_loop3A_1278 = arith.constant 0 : i32
      %parallel_loop3A_1279 = arith.cmpi sgt, %parallel_loop3A_1275, %parallel_loop3A_1278 : i32
      %parallel_loop3A_1280 = arith.extui %parallel_loop3A_1279 : i1 to i32
      %parallel_loop3A_1281 = arith.constant 0 : i32
      %parallel_loop3A_1282 = arith.cmpi slt, %parallel_loop3A_1275, %parallel_loop3A_1281 : i32
      %parallel_loop3A_1283 = arith.extui %parallel_loop3A_1282 : i1 to i32
      %parallel_loop3A_1284 = arith.subi %parallel_loop3A_1280, %parallel_loop3A_1283 : i32
      %parallel_loop3A_1285 = arith.constant 0 : i32
      %parallel_loop3A_1286 = arith.cmpi sgt, %parallel_loop3A_1276, %parallel_loop3A_1285 : i32
      %parallel_loop3A_1287 = arith.extui %parallel_loop3A_1286 : i1 to i32
      %parallel_loop3A_1288 = arith.constant 0 : i32
      %parallel_loop3A_1289 = arith.cmpi slt, %parallel_loop3A_1276, %parallel_loop3A_1288 : i32
      %parallel_loop3A_1290 = arith.extui %parallel_loop3A_1289 : i1 to i32
      %parallel_loop3A_1291 = arith.subi %parallel_loop3A_1287, %parallel_loop3A_1290 : i32
      %parallel_loop3A_1292 = arith.cmpi ne, %parallel_loop3A_1284, %parallel_loop3A_1291 : i32
      %parallel_loop3A_1293 = arith.remsi %parallel_loop3A_1275, %parallel_loop3A_1276 : i32
      %parallel_loop3A_1294 = arith.constant 0 : i32
      %parallel_loop3A_1295 = arith.cmpi ne, %parallel_loop3A_1293, %parallel_loop3A_1294 : i32
      %parallel_loop3A_1296 = arith.andi %parallel_loop3A_1292, %parallel_loop3A_1295 : i1
      %parallel_loop3A_1297 = arith.constant 1 : i32
      %parallel_loop3A_1298 = arith.subi %parallel_loop3A_1277, %parallel_loop3A_1297 : i32
      %parallel_loop3A_1299 = arith.select %parallel_loop3A_1296, %parallel_loop3A_1298, %parallel_loop3A_1277 : i32
      %parallel_loop3A_1300 = arith.constant 512 : i32
      %parallel_loop3A_1301 = arith.constant 0 : i32
      %parallel_loop3A_1302 = arith.cmpi eq, %parallel_loop3A_1300, %parallel_loop3A_1301 : i32
      %parallel_loop3A_1303 = arith.constant 1 : i32
      %parallel_loop3A_1304 = arith.select %parallel_loop3A_1302, %parallel_loop3A_1303, %parallel_loop3A_1300 : i32
      %parallel_loop3A_1305 = arith.remsi %parallel_loop3A_1275, %parallel_loop3A_1304 : i32
      %parallel_loop3A_1306 = arith.constant 0 : i32
      %parallel_loop3A_1307 = arith.cmpi ne, %parallel_loop3A_1305, %parallel_loop3A_1306 : i32
      %parallel_loop3A_1308 = arith.constant 0 : i32
      %parallel_loop3A_1309 = arith.cmpi slt, %parallel_loop3A_1305, %parallel_loop3A_1308 : i32
      %parallel_loop3A_1310 = arith.constant 0 : i32
      %parallel_loop3A_1311 = arith.cmpi slt, %parallel_loop3A_1304, %parallel_loop3A_1310 : i32
      %parallel_loop3A_1312 = arith.xori %parallel_loop3A_1309, %parallel_loop3A_1311 : i1
      %parallel_loop3A_1313 = arith.andi %parallel_loop3A_1312, %parallel_loop3A_1307 : i1
      %parallel_loop3A_1314 = arith.addi %parallel_loop3A_1305, %parallel_loop3A_1304 : i32
      %parallel_loop3A_1315 = arith.select %parallel_loop3A_1313, %parallel_loop3A_1314, %parallel_loop3A_1305 : i32
      %parallel_loop3A_1316 = arith.index_cast %parallel_loop3A_1299 : i32 to index
      %parallel_loop3A_1317 = arith.index_cast %parallel_loop3A_1315 : i32 to index
      %parallel_loop3A_1318 = tpu.vector_load %arg6[%parallel_loop3A_1316, %parallel_loop3A_1317] {strides = array<i32>} : memref<64x512xf32, #tpu.memory_space<vmem>>, vector<16xf32>,
      %parallel_loop3A_1319 = arith.constant 2.550000e+02 : f32
      %parallel_loop3A_1320 = vector.broadcast %parallel_loop3A_1319 : f32 to vector<16xf32>
      %parallel_loop3A_1321 = arith.mulf %parallel_loop3A_1318, %parallel_loop3A_1320 : vector<16xf32>
      %parallel_loop3A_1322 = arith.fptosi %parallel_loop3A_1321 : vector<16xf32> to vector<16xi32>
      %parallel_loop3A_1323 = arith.constant 16 : i32
      %parallel_loop3A_1324 = vector.broadcast %parallel_loop3A_1323 : i32 to vector<16xi32>
      %parallel_loop3A_1325 = arith.muli %parallel_loop3A_1322, %parallel_loop3A_1324 : vector<16xi32>
      %parallel_loop3A_1326 = arith.addi %parallel_loop3A_1325, %iota3A : vector<16xi32>
      tpu.vector_store_idx %arg9[%parallel_loop3A_1326], %broadcast_in_dim3A_1 {add = true} : memref<4096xf32, #tpu.memory_space<vmem>>[vector<16xi32>], vector<16xf32>,
    } {sc.loop_unroll_factor = 8 : i64, sc.parallel_access}
    %dma_start3A_924 = arith.constant 0 : i32
    %dma_start3A_925 = tpu.memref_slice %arg2[%select_n3A_184, %select_n3A_200, %add3A_271, %dma_start3A_924] : memref<16x3x512x512xf32, #tpu.memory_space<hbm>> -> memref<1x1x64x512xf32, #tpu.memory_space<hbm>>
    %dma_start3A_926 = tpu.memref_squeeze %dma_start3A_925 : memref<1x1x64x512xf32, #tpu.memory_space<hbm>> -> memref<64x512xf32, #tpu.memory_space<hbm>>
    %dma_start3A_927 = arith.constant 0 : i32
    %dma_start3A_928 = tpu.memref_slice %arg2[%select_n3A_184, %select_n3A_200, %add3A_271, %dma_start3A_927] : memref<16x3x512x512xf32, #tpu.memory_space<hbm>> -> memref<1x1x64x512xf32, #tpu.memory_space<hbm>>
    %dma_start3A_929 = tpu.memref_squeeze %dma_start3A_928 : memref<1x1x64x512xf32, #tpu.memory_space<hbm>> -> memref<64x512xf32, #tpu.memory_space<hbm>>
    tpu.enqueue_dma source(%dma_start3A_929 : memref<64x512xf32, #tpu.memory_space<hbm>>) target(%arg6 : memref<64x512xf32, #tpu.memory_space<vmem>>) target_semaphore(%arg11 : memref<!tpu.dma_semaphore, #tpu.memory_space<semaphore_mem>>)
    %dma_wait3A_930 = arith.constant 0 : i32
    %dma_wait3A_931 = tpu.memref_slice %arg2[%select_n3A_184, %select_n3A_200, %add3A_267, %dma_wait3A_930] : memref<16x3x512x512xf32, #tpu.memory_space<hbm>> -> memref<1x1x64x512xf32, #tpu.memory_space<hbm>>
    %dma_wait3A_932 = tpu.memref_squeeze %dma_wait3A_931 : memref<1x1x64x512xf32, #tpu.memory_space<hbm>> -> memref<64x512xf32, #tpu.memory_space<hbm>>
    %dma_wait3A_933 = arith.constant 0 : i32
    %dma_wait3A_934 = tpu.memref_slice %arg2[%select_n3A_184, %select_n3A_200, %add3A_267, %dma_wait3A_933] : memref<16x3x512x512xf32, #tpu.memory_space<hbm>> -> memref<1x1x64x512xf32, #tpu.memory_space<hbm>>
    %dma_wait3A_935 = tpu.memref_squeeze %dma_wait3A_934 : memref<1x1x64x512xf32, #tpu.memory_space<hbm>> -> memref<64x512xf32, #tpu.memory_space<hbm>>
    tpu.wait_dma2 semaphore(%arg12 : memref<!tpu.dma_semaphore, #tpu.memory_space<semaphore_mem>>) src(%dma_wait3A_935 : memref<64x512xf32, #tpu.memory_space<hbm>>) dst(%arg7 : memref<64x512xf32, #tpu.memory_space<vmem>>)
    %parallel_loop3A_936 = arith.constant 0 : i32
    %parallel_loop3A_937 = arith.constant 32768 : i32
    %parallel_loop3A_938 = arith.constant 16 : i32
    scf.for %parallel_loop3A_1275 = %parallel_loop3A_936 to %parallel_loop3A_937 step %parallel_loop3A_938  : i32 {
      %parallel_loop3A_1276 = arith.constant 512 : i32
      %parallel_loop3A_1277 = arith.divsi %parallel_loop3A_1275, %parallel_loop3A_1276 : i32
      %parallel_loop3A_1278 = arith.constant 0 : i32
      %parallel_loop3A_1279 = arith.cmpi sgt, %parallel_loop3A_1275, %parallel_loop3A_1278 : i32
      %parallel_loop3A_1280 = arith.extui %parallel_loop3A_1279 : i1 to i32
      %parallel_loop3A_1281 = arith.constant 0 : i32
      %parallel_loop3A_1282 = arith.cmpi slt, %parallel_loop3A_1275, %parallel_loop3A_1281 : i32
      %parallel_loop3A_1283 = arith.extui %parallel_loop3A_1282 : i1 to i32
      %parallel_loop3A_1284 = arith.subi %parallel_loop3A_1280, %parallel_loop3A_1283 : i32
      %parallel_loop3A_1285 = arith.constant 0 : i32
      %parallel_loop3A_1286 = arith.cmpi sgt, %parallel_loop3A_1276, %parallel_loop3A_1285 : i32
      %parallel_loop3A_1287 = arith.extui %parallel_loop3A_1286 : i1 to i32
      %parallel_loop3A_1288 = arith.constant 0 : i32
      %parallel_loop3A_1289 = arith.cmpi slt, %parallel_loop3A_1276, %parallel_loop3A_1288 : i32
      %parallel_loop3A_1290 = arith.extui %parallel_loop3A_1289 : i1 to i32
      %parallel_loop3A_1291 = arith.subi %parallel_loop3A_1287, %parallel_loop3A_1290 : i32
      %parallel_loop3A_1292 = arith.cmpi ne, %parallel_loop3A_1284, %parallel_loop3A_1291 : i32
      %parallel_loop3A_1293 = arith.remsi %parallel_loop3A_1275, %parallel_loop3A_1276 : i32
      %parallel_loop3A_1294 = arith.constant 0 : i32
      %parallel_loop3A_1295 = arith.cmpi ne, %parallel_loop3A_1293, %parallel_loop3A_1294 : i32
      %parallel_loop3A_1296 = arith.andi %parallel_loop3A_1292, %parallel_loop3A_1295 : i1
      %parallel_loop3A_1297 = arith.constant 1 : i32
      %parallel_loop3A_1298 = arith.subi %parallel_loop3A_1277, %parallel_loop3A_1297 : i32
      %parallel_loop3A_1299 = arith.select %parallel_loop3A_1296, %parallel_loop3A_1298, %parallel_loop3A_1277 : i32
      %parallel_loop3A_1300 = arith.constant 512 : i32
      %parallel_loop3A_1301 = arith.constant 0 : i32
      %parallel_loop3A_1302 = arith.cmpi eq, %parallel_loop3A_1300, %parallel_loop3A_1301 : i32
      %parallel_loop3A_1303 = arith.constant 1 : i32
      %parallel_loop3A_1304 = arith.select %parallel_loop3A_1302, %parallel_loop3A_1303, %parallel_loop3A_1300 : i32
      %parallel_loop3A_1305 = arith.remsi %parallel_loop3A_1275, %parallel_loop3A_1304 : i32
      %parallel_loop3A_1306 = arith.constant 0 : i32
      %parallel_loop3A_1307 = arith.cmpi ne, %parallel_loop3A_1305, %parallel_loop3A_1306 : i32
      %parallel_loop3A_1308 = arith.constant 0 : i32
      %parallel_loop3A_1309 = arith.cmpi slt, %parallel_loop3A_1305, %parallel_loop3A_1308 : i32
      %parallel_loop3A_1310 = arith.constant 0 : i32
      %parallel_loop3A_1311 = arith.cmpi slt, %parallel_loop3A_1304, %parallel_loop3A_1310 : i32
      %parallel_loop3A_1312 = arith.xori %parallel_loop3A_1309, %parallel_loop3A_1311 : i1
      %parallel_loop3A_1313 = arith.andi %parallel_loop3A_1312, %parallel_loop3A_1307 : i1
      %parallel_loop3A_1314 = arith.addi %parallel_loop3A_1305, %parallel_loop3A_1304 : i32
      %parallel_loop3A_1315 = arith.select %parallel_loop3A_1313, %parallel_loop3A_1314, %parallel_loop3A_1305 : i32
      %parallel_loop3A_1316 = arith.index_cast %parallel_loop3A_1299 : i32 to index
      %parallel_loop3A_1317 = arith.index_cast %parallel_loop3A_1315 : i32 to index
      %parallel_loop3A_1318 = tpu.vector_load %arg7[%parallel_loop3A_1316, %parallel_loop3A_1317] {strides = array<i32>} : memref<64x512xf32, #tpu.memory_space<vmem>>, vector<16xf32>,
      %parallel_loop3A_1319 = arith.constant 2.550000e+02 : f32
      %parallel_loop3A_1320 = vector.broadcast %parallel_loop3A_1319 : f32 to vector<16xf32>
      %parallel_loop3A_1321 = arith.mulf %parallel_loop3A_1318, %parallel_loop3A_1320 : vector<16xf32>
      %parallel_loop3A_1322 = arith.fptosi %parallel_loop3A_1321 : vector<16xf32> to vector<16xi32>
      %parallel_loop3A_1323 = arith.constant 16 : i32
      %parallel_loop3A_1324 = vector.broadcast %parallel_loop3A_1323 : i32 to vector<16xi32>
      %parallel_loop3A_1325 = arith.muli %parallel_loop3A_1322, %parallel_loop3A_1324 : vector<16xi32>
      %parallel_loop3A_1326 = arith.addi %parallel_loop3A_1325, %iota3A : vector<16xi32>
      tpu.vector_store_idx %arg9[%parallel_loop3A_1326], %broadcast_in_dim3A_1 {add = true} : memref<4096xf32, #tpu.memory_space<vmem>>[vector<16xi32>], vector<16xf32>,
    } {sc.loop_unroll_factor = 8 : i64, sc.parallel_access}
    %dma_start3A_939 = arith.constant 0 : i32
    %dma_start3A_940 = tpu.memref_slice %arg2[%select_n3A_323, %select_n3A_339, %add3A_404, %dma_start3A_939] : memref<16x3x512x512xf32, #tpu.memory_space<hbm>> -> memref<1x1x64x512xf32, #tpu.memory_space<hbm>>
    %dma_start3A_941 = tpu.memref_squeeze %dma_start3A_940 : memref<1x1x64x512xf32, #tpu.memory_space<hbm>> -> memref<64x512xf32, #tpu.memory_space<hbm>>
    %dma_start3A_942 = arith.constant 0 : i32
    %dma_start3A_943 = tpu.memref_slice %arg2[%select_n3A_323, %select_n3A_339, %add3A_404, %dma_start3A_942] : memref<16x3x512x512xf32, #tpu.memory_space<hbm>> -> memref<1x1x64x512xf32, #tpu.memory_space<hbm>>
    %dma_start3A_944 = tpu.memref_squeeze %dma_start3A_943 : memref<1x1x64x512xf32, #tpu.memory_space<hbm>> -> memref<64x512xf32, #tpu.memory_space<hbm>>
    tpu.enqueue_dma source(%dma_start3A_944 : memref<64x512xf32, #tpu.memory_space<hbm>>) target(%arg7 : memref<64x512xf32, #tpu.memory_space<vmem>>) target_semaphore(%arg12 : memref<!tpu.dma_semaphore, #tpu.memory_space<semaphore_mem>>)
    %dma_wait3A_945 = arith.constant 0 : i32
    %dma_wait3A_946 = tpu.memref_slice %arg2[%select_n3A_184, %select_n3A_200, %add3A_269, %dma_wait3A_945] : memref<16x3x512x512xf32, #tpu.memory_space<hbm>> -> memref<1x1x64x512xf32, #tpu.memory_space<hbm>>
    %dma_wait3A_947 = tpu.memref_squeeze %dma_wait3A_946 : memref<1x1x64x512xf32, #tpu.memory_space<hbm>> -> memref<64x512xf32, #tpu.memory_space<hbm>>
    %dma_wait3A_948 = arith.constant 0 : i32
    %dma_wait3A_949 = tpu.memref_slice %arg2[%select_n3A_184, %select_n3A_200, %add3A_269, %dma_wait3A_948] : memref<16x3x512x512xf32, #tpu.memory_space<hbm>> -> memref<1x1x64x512xf32, #tpu.memory_space<hbm>>
    %dma_wait3A_950 = tpu.memref_squeeze %dma_wait3A_949 : memref<1x1x64x512xf32, #tpu.memory_space<hbm>> -> memref<64x512xf32, #tpu.memory_space<hbm>>
    tpu.wait_dma2 semaphore(%arg10 : memref<!tpu.dma_semaphore, #tpu.memory_space<semaphore_mem>>) src(%dma_wait3A_950 : memref<64x512xf32, #tpu.memory_space<hbm>>) dst(%arg5 : memref<64x512xf32, #tpu.memory_space<vmem>>)
    %parallel_loop3A_951 = arith.constant 0 : i32
    %parallel_loop3A_952 = arith.constant 32768 : i32
    %parallel_loop3A_953 = arith.constant 16 : i32
    scf.for %parallel_loop3A_1275 = %parallel_loop3A_951 to %parallel_loop3A_952 step %parallel_loop3A_953  : i32 {
      %parallel_loop3A_1276 = arith.constant 512 : i32
      %parallel_loop3A_1277 = arith.divsi %parallel_loop3A_1275, %parallel_loop3A_1276 : i32
      %parallel_loop3A_1278 = arith.constant 0 : i32
      %parallel_loop3A_1279 = arith.cmpi sgt, %parallel_loop3A_1275, %parallel_loop3A_1278 : i32
      %parallel_loop3A_1280 = arith.extui %parallel_loop3A_1279 : i1 to i32
      %parallel_loop3A_1281 = arith.constant 0 : i32
      %parallel_loop3A_1282 = arith.cmpi slt, %parallel_loop3A_1275, %parallel_loop3A_1281 : i32
      %parallel_loop3A_1283 = arith.extui %parallel_loop3A_1282 : i1 to i32
      %parallel_loop3A_1284 = arith.subi %parallel_loop3A_1280, %parallel_loop3A_1283 : i32
      %parallel_loop3A_1285 = arith.constant 0 : i32
      %parallel_loop3A_1286 = arith.cmpi sgt, %parallel_loop3A_1276, %parallel_loop3A_1285 : i32
      %parallel_loop3A_1287 = arith.extui %parallel_loop3A_1286 : i1 to i32
      %parallel_loop3A_1288 = arith.constant 0 : i32
      %parallel_loop3A_1289 = arith.cmpi slt, %parallel_loop3A_1276, %parallel_loop3A_1288 : i32
      %parallel_loop3A_1290 = arith.extui %parallel_loop3A_1289 : i1 to i32
      %parallel_loop3A_1291 = arith.subi %parallel_loop3A_1287, %parallel_loop3A_1290 : i32
      %parallel_loop3A_1292 = arith.cmpi ne, %parallel_loop3A_1284, %parallel_loop3A_1291 : i32
      %parallel_loop3A_1293 = arith.remsi %parallel_loop3A_1275, %parallel_loop3A_1276 : i32
      %parallel_loop3A_1294 = arith.constant 0 : i32
      %parallel_loop3A_1295 = arith.cmpi ne, %parallel_loop3A_1293, %parallel_loop3A_1294 : i32
      %parallel_loop3A_1296 = arith.andi %parallel_loop3A_1292, %parallel_loop3A_1295 : i1
      %parallel_loop3A_1297 = arith.constant 1 : i32
      %parallel_loop3A_1298 = arith.subi %parallel_loop3A_1277, %parallel_loop3A_1297 : i32
      %parallel_loop3A_1299 = arith.select %parallel_loop3A_1296, %parallel_loop3A_1298, %parallel_loop3A_1277 : i32
      %parallel_loop3A_1300 = arith.constant 512 : i32
      %parallel_loop3A_1301 = arith.constant 0 : i32
      %parallel_loop3A_1302 = arith.cmpi eq, %parallel_loop3A_1300, %parallel_loop3A_1301 : i32
      %parallel_loop3A_1303 = arith.constant 1 : i32
      %parallel_loop3A_1304 = arith.select %parallel_loop3A_1302, %parallel_loop3A_1303, %parallel_loop3A_1300 : i32
      %parallel_loop3A_1305 = arith.remsi %parallel_loop3A_1275, %parallel_loop3A_1304 : i32
      %parallel_loop3A_1306 = arith.constant 0 : i32
      %parallel_loop3A_1307 = arith.cmpi ne, %parallel_loop3A_1305, %parallel_loop3A_1306 : i32
      %parallel_loop3A_1308 = arith.constant 0 : i32
      %parallel_loop3A_1309 = arith.cmpi slt, %parallel_loop3A_1305, %parallel_loop3A_1308 : i32
      %parallel_loop3A_1310 = arith.constant 0 : i32
      %parallel_loop3A_1311 = arith.cmpi slt, %parallel_loop3A_1304, %parallel_loop3A_1310 : i32
      %parallel_loop3A_1312 = arith.xori %parallel_loop3A_1309, %parallel_loop3A_1311 : i1
      %parallel_loop3A_1313 = arith.andi %parallel_loop3A_1312, %parallel_loop3A_1307 : i1
      %parallel_loop3A_1314 = arith.addi %parallel_loop3A_1305, %parallel_loop3A_1304 : i32
      %parallel_loop3A_1315 = arith.select %parallel_loop3A_1313, %parallel_loop3A_1314, %parallel_loop3A_1305 : i32
      %parallel_loop3A_1316 = arith.index_cast %parallel_loop3A_1299 : i32 to index
      %parallel_loop3A_1317 = arith.index_cast %parallel_loop3A_1315 : i32 to index
      %parallel_loop3A_1318 = tpu.vector_load %arg5[%parallel_loop3A_1316, %parallel_loop3A_1317] {strides = array<i32>} : memref<64x512xf32, #tpu.memory_space<vmem>>, vector<16xf32>,
      %parallel_loop3A_1319 = arith.constant 2.550000e+02 : f32
      %parallel_loop3A_1320 = vector.broadcast %parallel_loop3A_1319 : f32 to vector<16xf32>
      %parallel_loop3A_1321 = arith.mulf %parallel_loop3A_1318, %parallel_loop3A_1320 : vector<16xf32>
      %parallel_loop3A_1322 = arith.fptosi %parallel_loop3A_1321 : vector<16xf32> to vector<16xi32>
      %parallel_loop3A_1323 = arith.constant 16 : i32
      %parallel_loop3A_1324 = vector.broadcast %parallel_loop3A_1323 : i32 to vector<16xi32>
      %parallel_loop3A_1325 = arith.muli %parallel_loop3A_1322, %parallel_loop3A_1324 : vector<16xi32>
      %parallel_loop3A_1326 = arith.addi %parallel_loop3A_1325, %iota3A : vector<16xi32>
      tpu.vector_store_idx %arg9[%parallel_loop3A_1326], %broadcast_in_dim3A_1 {add = true} : memref<4096xf32, #tpu.memory_space<vmem>>[vector<16xi32>], vector<16xf32>,
    } {sc.loop_unroll_factor = 8 : i64, sc.parallel_access}
    %dma_start3A_954 = arith.constant 0 : i32
    %dma_start3A_955 = tpu.memref_slice %arg2[%select_n3A_323, %select_n3A_339, %add3A_406, %dma_start3A_954] : memref<16x3x512x512xf32, #tpu.memory_space<hbm>> -> memref<1x1x64x512xf32, #tpu.memory_space<hbm>>
    %dma_start3A_956 = tpu.memref_squeeze %dma_start3A_955 : memref<1x1x64x512xf32, #tpu.memory_space<hbm>> -> memref<64x512xf32, #tpu.memory_space<hbm>>
    %dma_start3A_957 = arith.constant 0 : i32
    %dma_start3A_958 = tpu.memref_slice %arg2[%select_n3A_323, %select_n3A_339, %add3A_406, %dma_start3A_957] : memref<16x3x512x512xf32, #tpu.memory_space<hbm>> -> memref<1x1x64x512xf32, #tpu.memory_space<hbm>>
    %dma_start3A_959 = tpu.memref_squeeze %dma_start3A_958 : memref<1x1x64x512xf32, #tpu.memory_space<hbm>> -> memref<64x512xf32, #tpu.memory_space<hbm>>
    tpu.enqueue_dma source(%dma_start3A_959 : memref<64x512xf32, #tpu.memory_space<hbm>>) target(%arg5 : memref<64x512xf32, #tpu.memory_space<vmem>>) target_semaphore(%arg10 : memref<!tpu.dma_semaphore, #tpu.memory_space<semaphore_mem>>)
    %dma_wait3A_960 = arith.constant 0 : i32
    %dma_wait3A_961 = tpu.memref_slice %arg2[%select_n3A_184, %select_n3A_200, %add3A_271, %dma_wait3A_960] : memref<16x3x512x512xf32, #tpu.memory_space<hbm>> -> memref<1x1x64x512xf32, #tpu.memory_space<hbm>>
    %dma_wait3A_962 = tpu.memref_squeeze %dma_wait3A_961 : memref<1x1x64x512xf32, #tpu.memory_space<hbm>> -> memref<64x512xf32, #tpu.memory_space<hbm>>
    %dma_wait3A_963 = arith.constant 0 : i32
    %dma_wait3A_964 = tpu.memref_slice %arg2[%select_n3A_184, %select_n3A_200, %add3A_271, %dma_wait3A_963] : memref<16x3x512x512xf32, #tpu.memory_space<hbm>> -> memref<1x1x64x512xf32, #tpu.memory_space<hbm>>
    %dma_wait3A_965 = tpu.memref_squeeze %dma_wait3A_964 : memref<1x1x64x512xf32, #tpu.memory_space<hbm>> -> memref<64x512xf32, #tpu.memory_space<hbm>>
    tpu.wait_dma2 semaphore(%arg11 : memref<!tpu.dma_semaphore, #tpu.memory_space<semaphore_mem>>) src(%dma_wait3A_965 : memref<64x512xf32, #tpu.memory_space<hbm>>) dst(%arg6 : memref<64x512xf32, #tpu.memory_space<vmem>>)
    %parallel_loop3A_966 = arith.constant 0 : i32
    %parallel_loop3A_967 = arith.constant 32768 : i32
    %parallel_loop3A_968 = arith.constant 16 : i32
    scf.for %parallel_loop3A_1275 = %parallel_loop3A_966 to %parallel_loop3A_967 step %parallel_loop3A_968  : i32 {
      %parallel_loop3A_1276 = arith.constant 512 : i32
      %parallel_loop3A_1277 = arith.divsi %parallel_loop3A_1275, %parallel_loop3A_1276 : i32
      %parallel_loop3A_1278 = arith.constant 0 : i32
      %parallel_loop3A_1279 = arith.cmpi sgt, %parallel_loop3A_1275, %parallel_loop3A_1278 : i32
      %parallel_loop3A_1280 = arith.extui %parallel_loop3A_1279 : i1 to i32
      %parallel_loop3A_1281 = arith.constant 0 : i32
      %parallel_loop3A_1282 = arith.cmpi slt, %parallel_loop3A_1275, %parallel_loop3A_1281 : i32
      %parallel_loop3A_1283 = arith.extui %parallel_loop3A_1282 : i1 to i32
      %parallel_loop3A_1284 = arith.subi %parallel_loop3A_1280, %parallel_loop3A_1283 : i32
      %parallel_loop3A_1285 = arith.constant 0 : i32
      %parallel_loop3A_1286 = arith.cmpi sgt, %parallel_loop3A_1276, %parallel_loop3A_1285 : i32
      %parallel_loop3A_1287 = arith.extui %parallel_loop3A_1286 : i1 to i32
      %parallel_loop3A_1288 = arith.constant 0 : i32
      %parallel_loop3A_1289 = arith.cmpi slt, %parallel_loop3A_1276, %parallel_loop3A_1288 : i32
      %parallel_loop3A_1290 = arith.extui %parallel_loop3A_1289 : i1 to i32
      %parallel_loop3A_1291 = arith.subi %parallel_loop3A_1287, %parallel_loop3A_1290 : i32
      %parallel_loop3A_1292 = arith.cmpi ne, %parallel_loop3A_1284, %parallel_loop3A_1291 : i32
      %parallel_loop3A_1293 = arith.remsi %parallel_loop3A_1275, %parallel_loop3A_1276 : i32
      %parallel_loop3A_1294 = arith.constant 0 : i32
      %parallel_loop3A_1295 = arith.cmpi ne, %parallel_loop3A_1293, %parallel_loop3A_1294 : i32
      %parallel_loop3A_1296 = arith.andi %parallel_loop3A_1292, %parallel_loop3A_1295 : i1
      %parallel_loop3A_1297 = arith.constant 1 : i32
      %parallel_loop3A_1298 = arith.subi %parallel_loop3A_1277, %parallel_loop3A_1297 : i32
      %parallel_loop3A_1299 = arith.select %parallel_loop3A_1296, %parallel_loop3A_1298, %parallel_loop3A_1277 : i32
      %parallel_loop3A_1300 = arith.constant 512 : i32
      %parallel_loop3A_1301 = arith.constant 0 : i32
      %parallel_loop3A_1302 = arith.cmpi eq, %parallel_loop3A_1300, %parallel_loop3A_1301 : i32
      %parallel_loop3A_1303 = arith.constant 1 : i32
      %parallel_loop3A_1304 = arith.select %parallel_loop3A_1302, %parallel_loop3A_1303, %parallel_loop3A_1300 : i32
      %parallel_loop3A_1305 = arith.remsi %parallel_loop3A_1275, %parallel_loop3A_1304 : i32
      %parallel_loop3A_1306 = arith.constant 0 : i32
      %parallel_loop3A_1307 = arith.cmpi ne, %parallel_loop3A_1305, %parallel_loop3A_1306 : i32
      %parallel_loop3A_1308 = arith.constant 0 : i32
      %parallel_loop3A_1309 = arith.cmpi slt, %parallel_loop3A_1305, %parallel_loop3A_1308 : i32
      %parallel_loop3A_1310 = arith.constant 0 : i32
      %parallel_loop3A_1311 = arith.cmpi slt, %parallel_loop3A_1304, %parallel_loop3A_1310 : i32
      %parallel_loop3A_1312 = arith.xori %parallel_loop3A_1309, %parallel_loop3A_1311 : i1
      %parallel_loop3A_1313 = arith.andi %parallel_loop3A_1312, %parallel_loop3A_1307 : i1
      %parallel_loop3A_1314 = arith.addi %parallel_loop3A_1305, %parallel_loop3A_1304 : i32
      %parallel_loop3A_1315 = arith.select %parallel_loop3A_1313, %parallel_loop3A_1314, %parallel_loop3A_1305 : i32
      %parallel_loop3A_1316 = arith.index_cast %parallel_loop3A_1299 : i32 to index
      %parallel_loop3A_1317 = arith.index_cast %parallel_loop3A_1315 : i32 to index
      %parallel_loop3A_1318 = tpu.vector_load %arg6[%parallel_loop3A_1316, %parallel_loop3A_1317] {strides = array<i32>} : memref<64x512xf32, #tpu.memory_space<vmem>>, vector<16xf32>,
      %parallel_loop3A_1319 = arith.constant 2.550000e+02 : f32
      %parallel_loop3A_1320 = vector.broadcast %parallel_loop3A_1319 : f32 to vector<16xf32>
      %parallel_loop3A_1321 = arith.mulf %parallel_loop3A_1318, %parallel_loop3A_1320 : vector<16xf32>
      %parallel_loop3A_1322 = arith.fptosi %parallel_loop3A_1321 : vector<16xf32> to vector<16xi32>
      %parallel_loop3A_1323 = arith.constant 16 : i32
      %parallel_loop3A_1324 = vector.broadcast %parallel_loop3A_1323 : i32 to vector<16xi32>
      %parallel_loop3A_1325 = arith.muli %parallel_loop3A_1322, %parallel_loop3A_1324 : vector<16xi32>
      %parallel_loop3A_1326 = arith.addi %parallel_loop3A_1325, %iota3A : vector<16xi32>
      tpu.vector_store_idx %arg9[%parallel_loop3A_1326], %broadcast_in_dim3A_1 {add = true} : memref<4096xf32, #tpu.memory_space<vmem>>[vector<16xi32>], vector<16xf32>,
    } {sc.loop_unroll_factor = 8 : i64, sc.parallel_access}
    %dma_start3A_969 = arith.constant 0 : i32
    %dma_start3A_970 = tpu.memref_slice %arg4[%add3A_263, %dma_start3A_969] : memref<192x4096xf32, #tpu.memory_space<hbm>> -> memref<1x4096xf32, #tpu.memory_space<hbm>>
    %dma_start3A_971 = tpu.memref_squeeze %dma_start3A_970 : memref<1x4096xf32, #tpu.memory_space<hbm>> -> memref<4096xf32, #tpu.memory_space<hbm>>
    %dma_start3A_972 = arith.constant 0 : i32
    %dma_start3A_973 = tpu.memref_slice %arg4[%add3A_263, %dma_start3A_972] : memref<192x4096xf32, #tpu.memory_space<hbm>> -> memref<1x4096xf32, #tpu.memory_space<hbm>>
    %dma_start3A_974 = tpu.memref_squeeze %dma_start3A_973 : memref<1x4096xf32, #tpu.memory_space<hbm>> -> memref<4096xf32, #tpu.memory_space<hbm>>
    tpu.enqueue_dma source(%arg9 : memref<4096xf32, #tpu.memory_space<vmem>>) target(%dma_start3A_974 : memref<4096xf32, #tpu.memory_space<hbm>>) target_semaphore(%arg14 : memref<!tpu.dma_semaphore, #tpu.memory_space<semaphore_mem>>)
    %dma_start3A_975 = arith.constant 0 : i32
    %dma_start3A_976 = tpu.memref_slice %arg2[%select_n3A_323, %select_n3A_339, %add3A_408, %dma_start3A_975] : memref<16x3x512x512xf32, #tpu.memory_space<hbm>> -> memref<1x1x64x512xf32, #tpu.memory_space<hbm>>
    %dma_start3A_977 = tpu.memref_squeeze %dma_start3A_976 : memref<1x1x64x512xf32, #tpu.memory_space<hbm>> -> memref<64x512xf32, #tpu.memory_space<hbm>>
    %dma_start3A_978 = arith.constant 0 : i32
    %dma_start3A_979 = tpu.memref_slice %arg2[%select_n3A_323, %select_n3A_339, %add3A_408, %dma_start3A_978] : memref<16x3x512x512xf32, #tpu.memory_space<hbm>> -> memref<1x1x64x512xf32, #tpu.memory_space<hbm>>
    %dma_start3A_980 = tpu.memref_squeeze %dma_start3A_979 : memref<1x1x64x512xf32, #tpu.memory_space<hbm>> -> memref<64x512xf32, #tpu.memory_space<hbm>>
    tpu.enqueue_dma source(%dma_start3A_980 : memref<64x512xf32, #tpu.memory_space<hbm>>) target(%arg6 : memref<64x512xf32, #tpu.memory_space<vmem>>) target_semaphore(%arg11 : memref<!tpu.dma_semaphore, #tpu.memory_space<semaphore_mem>>)
    %dma_wait3A_981 = arith.constant 0 : i32
    %dma_wait3A_982 = tpu.memref_slice %arg4[%add3A_124, %dma_wait3A_981] : memref<192x4096xf32, #tpu.memory_space<hbm>> -> memref<1x4096xf32, #tpu.memory_space<hbm>>
    %dma_wait3A_983 = tpu.memref_squeeze %dma_wait3A_982 : memref<1x4096xf32, #tpu.memory_space<hbm>> -> memref<4096xf32, #tpu.memory_space<hbm>>
    %dma_wait3A_984 = arith.constant 0 : i32
    %dma_wait3A_985 = tpu.memref_slice %arg4[%add3A_124, %dma_wait3A_984] : memref<192x4096xf32, #tpu.memory_space<hbm>> -> memref<1x4096xf32, #tpu.memory_space<hbm>>
    %dma_wait3A_986 = tpu.memref_squeeze %dma_wait3A_985 : memref<1x4096xf32, #tpu.memory_space<hbm>> -> memref<4096xf32, #tpu.memory_space<hbm>>
    tpu.wait_dma2 semaphore(%arg13 : memref<!tpu.dma_semaphore, #tpu.memory_space<semaphore_mem>>) src(%arg8 : memref<4096xf32, #tpu.memory_space<vmem>>) dst(%dma_wait3A_986 : memref<4096xf32, #tpu.memory_space<hbm>>)
    %parallel_loop3A_987 = arith.constant 0 : i32
    %parallel_loop3A_988 = arith.constant 4096 : i32
    %parallel_loop3A_989 = arith.constant 16 : i32
    scf.for %parallel_loop3A_1275 = %parallel_loop3A_987 to %parallel_loop3A_988 step %parallel_loop3A_989  : i32 {
      %parallel_loop3A_1276 = arith.index_cast %parallel_loop3A_1275 : i32 to index
      %parallel_loop3A_1277 = tpu.vector_load %arg8[%parallel_loop3A_1276] {strides = array<i32>} : memref<4096xf32, #tpu.memory_space<vmem>>, vector<16xf32>,
      tpu.vector_store %arg8[%parallel_loop3A_1276], %broadcast_in_dim3A_3 {strides = array<i32>} : memref<4096xf32, #tpu.memory_space<vmem>>, vector<16xf32>,
    } {sc.loop_unroll_factor = 8 : i64, sc.parallel_access}
    %dma_wait3A_990 = arith.constant 0 : i32
    %dma_wait3A_991 = tpu.memref_slice %arg2[%select_n3A_323, %select_n3A_339, %add3A_404, %dma_wait3A_990] : memref<16x3x512x512xf32, #tpu.memory_space<hbm>> -> memref<1x1x64x512xf32, #tpu.memory_space<hbm>>
    %dma_wait3A_992 = tpu.memref_squeeze %dma_wait3A_991 : memref<1x1x64x512xf32, #tpu.memory_space<hbm>> -> memref<64x512xf32, #tpu.memory_space<hbm>>
    %dma_wait3A_993 = arith.constant 0 : i32
    %dma_wait3A_994 = tpu.memref_slice %arg2[%select_n3A_323, %select_n3A_339, %add3A_404, %dma_wait3A_993] : memref<16x3x512x512xf32, #tpu.memory_space<hbm>> -> memref<1x1x64x512xf32, #tpu.memory_space<hbm>>
    %dma_wait3A_995 = tpu.memref_squeeze %dma_wait3A_994 : memref<1x1x64x512xf32, #tpu.memory_space<hbm>> -> memref<64x512xf32, #tpu.memory_space<hbm>>
    tpu.wait_dma2 semaphore(%arg12 : memref<!tpu.dma_semaphore, #tpu.memory_space<semaphore_mem>>) src(%dma_wait3A_995 : memref<64x512xf32, #tpu.memory_space<hbm>>) dst(%arg7 : memref<64x512xf32, #tpu.memory_space<vmem>>)
    %parallel_loop3A_996 = arith.constant 0 : i32
    %parallel_loop3A_997 = arith.constant 32768 : i32
    %parallel_loop3A_998 = arith.constant 16 : i32
    scf.for %parallel_loop3A_1275 = %parallel_loop3A_996 to %parallel_loop3A_997 step %parallel_loop3A_998  : i32 {
      %parallel_loop3A_1276 = arith.constant 512 : i32
      %parallel_loop3A_1277 = arith.divsi %parallel_loop3A_1275, %parallel_loop3A_1276 : i32
      %parallel_loop3A_1278 = arith.constant 0 : i32
      %parallel_loop3A_1279 = arith.cmpi sgt, %parallel_loop3A_1275, %parallel_loop3A_1278 : i32
      %parallel_loop3A_1280 = arith.extui %parallel_loop3A_1279 : i1 to i32
      %parallel_loop3A_1281 = arith.constant 0 : i32
      %parallel_loop3A_1282 = arith.cmpi slt, %parallel_loop3A_1275, %parallel_loop3A_1281 : i32
      %parallel_loop3A_1283 = arith.extui %parallel_loop3A_1282 : i1 to i32
      %parallel_loop3A_1284 = arith.subi %parallel_loop3A_1280, %parallel_loop3A_1283 : i32
      %parallel_loop3A_1285 = arith.constant 0 : i32
      %parallel_loop3A_1286 = arith.cmpi sgt, %parallel_loop3A_1276, %parallel_loop3A_1285 : i32
      %parallel_loop3A_1287 = arith.extui %parallel_loop3A_1286 : i1 to i32
      %parallel_loop3A_1288 = arith.constant 0 : i32
      %parallel_loop3A_1289 = arith.cmpi slt, %parallel_loop3A_1276, %parallel_loop3A_1288 : i32
      %parallel_loop3A_1290 = arith.extui %parallel_loop3A_1289 : i1 to i32
      %parallel_loop3A_1291 = arith.subi %parallel_loop3A_1287, %parallel_loop3A_1290 : i32
      %parallel_loop3A_1292 = arith.cmpi ne, %parallel_loop3A_1284, %parallel_loop3A_1291 : i32
      %parallel_loop3A_1293 = arith.remsi %parallel_loop3A_1275, %parallel_loop3A_1276 : i32
      %parallel_loop3A_1294 = arith.constant 0 : i32
      %parallel_loop3A_1295 = arith.cmpi ne, %parallel_loop3A_1293, %parallel_loop3A_1294 : i32
      %parallel_loop3A_1296 = arith.andi %parallel_loop3A_1292, %parallel_loop3A_1295 : i1
      %parallel_loop3A_1297 = arith.constant 1 : i32
      %parallel_loop3A_1298 = arith.subi %parallel_loop3A_1277, %parallel_loop3A_1297 : i32
      %parallel_loop3A_1299 = arith.select %parallel_loop3A_1296, %parallel_loop3A_1298, %parallel_loop3A_1277 : i32
      %parallel_loop3A_1300 = arith.constant 512 : i32
      %parallel_loop3A_1301 = arith.constant 0 : i32
      %parallel_loop3A_1302 = arith.cmpi eq, %parallel_loop3A_1300, %parallel_loop3A_1301 : i32
      %parallel_loop3A_1303 = arith.constant 1 : i32
      %parallel_loop3A_1304 = arith.select %parallel_loop3A_1302, %parallel_loop3A_1303, %parallel_loop3A_1300 : i32
      %parallel_loop3A_1305 = arith.remsi %parallel_loop3A_1275, %parallel_loop3A_1304 : i32
      %parallel_loop3A_1306 = arith.constant 0 : i32
      %parallel_loop3A_1307 = arith.cmpi ne, %parallel_loop3A_1305, %parallel_loop3A_1306 : i32
      %parallel_loop3A_1308 = arith.constant 0 : i32
      %parallel_loop3A_1309 = arith.cmpi slt, %parallel_loop3A_1305, %parallel_loop3A_1308 : i32
      %parallel_loop3A_1310 = arith.constant 0 : i32
      %parallel_loop3A_1311 = arith.cmpi slt, %parallel_loop3A_1304, %parallel_loop3A_1310 : i32
      %parallel_loop3A_1312 = arith.xori %parallel_loop3A_1309, %parallel_loop3A_1311 : i1
      %parallel_loop3A_1313 = arith.andi %parallel_loop3A_1312, %parallel_loop3A_1307 : i1
      %parallel_loop3A_1314 = arith.addi %parallel_loop3A_1305, %parallel_loop3A_1304 : i32
      %parallel_loop3A_1315 = arith.select %parallel_loop3A_1313, %parallel_loop3A_1314, %parallel_loop3A_1305 : i32
      %parallel_loop3A_1316 = arith.index_cast %parallel_loop3A_1299 : i32 to index
      %parallel_loop3A_1317 = arith.index_cast %parallel_loop3A_1315 : i32 to index
      %parallel_loop3A_1318 = tpu.vector_load %arg7[%parallel_loop3A_1316, %parallel_loop3A_1317] {strides = array<i32>} : memref<64x512xf32, #tpu.memory_space<vmem>>, vector<16xf32>,
      %parallel_loop3A_1319 = arith.constant 2.550000e+02 : f32
      %parallel_loop3A_1320 = vector.broadcast %parallel_loop3A_1319 : f32 to vector<16xf32>
      %parallel_loop3A_1321 = arith.mulf %parallel_loop3A_1318, %parallel_loop3A_1320 : vector<16xf32>
      %parallel_loop3A_1322 = arith.fptosi %parallel_loop3A_1321 : vector<16xf32> to vector<16xi32>
      %parallel_loop3A_1323 = arith.constant 16 : i32
      %parallel_loop3A_1324 = vector.broadcast %parallel_loop3A_1323 : i32 to vector<16xi32>
      %parallel_loop3A_1325 = arith.muli %parallel_loop3A_1322, %parallel_loop3A_1324 : vector<16xi32>
      %parallel_loop3A_1326 = arith.addi %parallel_loop3A_1325, %iota3A : vector<16xi32>
      tpu.vector_store_idx %arg8[%parallel_loop3A_1326], %broadcast_in_dim3A_1 {add = true} : memref<4096xf32, #tpu.memory_space<vmem>>[vector<16xi32>], vector<16xf32>,
    } {sc.loop_unroll_factor = 8 : i64, sc.parallel_access}
    %dma_start3A_999 = arith.constant 0 : i32
    %dma_start3A_1000 = tpu.memref_slice %arg2[%select_n3A_323, %select_n3A_339, %add3A_410, %dma_start3A_999] : memref<16x3x512x512xf32, #tpu.memory_space<hbm>> -> memref<1x1x64x512xf32, #tpu.memory_space<hbm>>
    %dma_start3A_1001 = tpu.memref_squeeze %dma_start3A_1000 : memref<1x1x64x512xf32, #tpu.memory_space<hbm>> -> memref<64x512xf32, #tpu.memory_space<hbm>>
    %dma_start3A_1002 = arith.constant 0 : i32
    %dma_start3A_1003 = tpu.memref_slice %arg2[%select_n3A_323, %select_n3A_339, %add3A_410, %dma_start3A_1002] : memref<16x3x512x512xf32, #tpu.memory_space<hbm>> -> memref<1x1x64x512xf32, #tpu.memory_space<hbm>>
    %dma_start3A_1004 = tpu.memref_squeeze %dma_start3A_1003 : memref<1x1x64x512xf32, #tpu.memory_space<hbm>> -> memref<64x512xf32, #tpu.memory_space<hbm>>
    tpu.enqueue_dma source(%dma_start3A_1004 : memref<64x512xf32, #tpu.memory_space<hbm>>) target(%arg7 : memref<64x512xf32, #tpu.memory_space<vmem>>) target_semaphore(%arg12 : memref<!tpu.dma_semaphore, #tpu.memory_space<semaphore_mem>>)
    %dma_wait3A_1005 = arith.constant 0 : i32
    %dma_wait3A_1006 = tpu.memref_slice %arg2[%select_n3A_323, %select_n3A_339, %add3A_406, %dma_wait3A_1005] : memref<16x3x512x512xf32, #tpu.memory_space<hbm>> -> memref<1x1x64x512xf32, #tpu.memory_space<hbm>>
    %dma_wait3A_1007 = tpu.memref_squeeze %dma_wait3A_1006 : memref<1x1x64x512xf32, #tpu.memory_space<hbm>> -> memref<64x512xf32, #tpu.memory_space<hbm>>
    %dma_wait3A_1008 = arith.constant 0 : i32
    %dma_wait3A_1009 = tpu.memref_slice %arg2[%select_n3A_323, %select_n3A_339, %add3A_406, %dma_wait3A_1008] : memref<16x3x512x512xf32, #tpu.memory_space<hbm>> -> memref<1x1x64x512xf32, #tpu.memory_space<hbm>>
    %dma_wait3A_1010 = tpu.memref_squeeze %dma_wait3A_1009 : memref<1x1x64x512xf32, #tpu.memory_space<hbm>> -> memref<64x512xf32, #tpu.memory_space<hbm>>
    tpu.wait_dma2 semaphore(%arg10 : memref<!tpu.dma_semaphore, #tpu.memory_space<semaphore_mem>>) src(%dma_wait3A_1010 : memref<64x512xf32, #tpu.memory_space<hbm>>) dst(%arg5 : memref<64x512xf32, #tpu.memory_space<vmem>>)
    %parallel_loop3A_1011 = arith.constant 0 : i32
    %parallel_loop3A_1012 = arith.constant 32768 : i32
    %parallel_loop3A_1013 = arith.constant 16 : i32
    scf.for %parallel_loop3A_1275 = %parallel_loop3A_1011 to %parallel_loop3A_1012 step %parallel_loop3A_1013  : i32 {
      %parallel_loop3A_1276 = arith.constant 512 : i32
      %parallel_loop3A_1277 = arith.divsi %parallel_loop3A_1275, %parallel_loop3A_1276 : i32
      %parallel_loop3A_1278 = arith.constant 0 : i32
      %parallel_loop3A_1279 = arith.cmpi sgt, %parallel_loop3A_1275, %parallel_loop3A_1278 : i32
      %parallel_loop3A_1280 = arith.extui %parallel_loop3A_1279 : i1 to i32
      %parallel_loop3A_1281 = arith.constant 0 : i32
      %parallel_loop3A_1282 = arith.cmpi slt, %parallel_loop3A_1275, %parallel_loop3A_1281 : i32
      %parallel_loop3A_1283 = arith.extui %parallel_loop3A_1282 : i1 to i32
      %parallel_loop3A_1284 = arith.subi %parallel_loop3A_1280, %parallel_loop3A_1283 : i32
      %parallel_loop3A_1285 = arith.constant 0 : i32
      %parallel_loop3A_1286 = arith.cmpi sgt, %parallel_loop3A_1276, %parallel_loop3A_1285 : i32
      %parallel_loop3A_1287 = arith.extui %parallel_loop3A_1286 : i1 to i32
      %parallel_loop3A_1288 = arith.constant 0 : i32
      %parallel_loop3A_1289 = arith.cmpi slt, %parallel_loop3A_1276, %parallel_loop3A_1288 : i32
      %parallel_loop3A_1290 = arith.extui %parallel_loop3A_1289 : i1 to i32
      %parallel_loop3A_1291 = arith.subi %parallel_loop3A_1287, %parallel_loop3A_1290 : i32
      %parallel_loop3A_1292 = arith.cmpi ne, %parallel_loop3A_1284, %parallel_loop3A_1291 : i32
      %parallel_loop3A_1293 = arith.remsi %parallel_loop3A_1275, %parallel_loop3A_1276 : i32
      %parallel_loop3A_1294 = arith.constant 0 : i32
      %parallel_loop3A_1295 = arith.cmpi ne, %parallel_loop3A_1293, %parallel_loop3A_1294 : i32
      %parallel_loop3A_1296 = arith.andi %parallel_loop3A_1292, %parallel_loop3A_1295 : i1
      %parallel_loop3A_1297 = arith.constant 1 : i32
      %parallel_loop3A_1298 = arith.subi %parallel_loop3A_1277, %parallel_loop3A_1297 : i32
      %parallel_loop3A_1299 = arith.select %parallel_loop3A_1296, %parallel_loop3A_1298, %parallel_loop3A_1277 : i32
      %parallel_loop3A_1300 = arith.constant 512 : i32
      %parallel_loop3A_1301 = arith.constant 0 : i32
      %parallel_loop3A_1302 = arith.cmpi eq, %parallel_loop3A_1300, %parallel_loop3A_1301 : i32
      %parallel_loop3A_1303 = arith.constant 1 : i32
      %parallel_loop3A_1304 = arith.select %parallel_loop3A_1302, %parallel_loop3A_1303, %parallel_loop3A_1300 : i32
      %parallel_loop3A_1305 = arith.remsi %parallel_loop3A_1275, %parallel_loop3A_1304 : i32
      %parallel_loop3A_1306 = arith.constant 0 : i32
      %parallel_loop3A_1307 = arith.cmpi ne, %parallel_loop3A_1305, %parallel_loop3A_1306 : i32
      %parallel_loop3A_1308 = arith.constant 0 : i32
      %parallel_loop3A_1309 = arith.cmpi slt, %parallel_loop3A_1305, %parallel_loop3A_1308 : i32
      %parallel_loop3A_1310 = arith.constant 0 : i32
      %parallel_loop3A_1311 = arith.cmpi slt, %parallel_loop3A_1304, %parallel_loop3A_1310 : i32
      %parallel_loop3A_1312 = arith.xori %parallel_loop3A_1309, %parallel_loop3A_1311 : i1
      %parallel_loop3A_1313 = arith.andi %parallel_loop3A_1312, %parallel_loop3A_1307 : i1
      %parallel_loop3A_1314 = arith.addi %parallel_loop3A_1305, %parallel_loop3A_1304 : i32
      %parallel_loop3A_1315 = arith.select %parallel_loop3A_1313, %parallel_loop3A_1314, %parallel_loop3A_1305 : i32
      %parallel_loop3A_1316 = arith.index_cast %parallel_loop3A_1299 : i32 to index
      %parallel_loop3A_1317 = arith.index_cast %parallel_loop3A_1315 : i32 to index
      %parallel_loop3A_1318 = tpu.vector_load %arg5[%parallel_loop3A_1316, %parallel_loop3A_1317] {strides = array<i32>} : memref<64x512xf32, #tpu.memory_space<vmem>>, vector<16xf32>,
      %parallel_loop3A_1319 = arith.constant 2.550000e+02 : f32
      %parallel_loop3A_1320 = vector.broadcast %parallel_loop3A_1319 : f32 to vector<16xf32>
      %parallel_loop3A_1321 = arith.mulf %parallel_loop3A_1318, %parallel_loop3A_1320 : vector<16xf32>
      %parallel_loop3A_1322 = arith.fptosi %parallel_loop3A_1321 : vector<16xf32> to vector<16xi32>
      %parallel_loop3A_1323 = arith.constant 16 : i32
      %parallel_loop3A_1324 = vector.broadcast %parallel_loop3A_1323 : i32 to vector<16xi32>
      %parallel_loop3A_1325 = arith.muli %parallel_loop3A_1322, %parallel_loop3A_1324 : vector<16xi32>
      %parallel_loop3A_1326 = arith.addi %parallel_loop3A_1325, %iota3A : vector<16xi32>
      tpu.vector_store_idx %arg8[%parallel_loop3A_1326], %broadcast_in_dim3A_1 {add = true} : memref<4096xf32, #tpu.memory_space<vmem>>[vector<16xi32>], vector<16xf32>,
    } {sc.loop_unroll_factor = 8 : i64, sc.parallel_access}
    %dma_start3A_1014 = arith.constant 0 : i32
    %dma_start3A_1015 = tpu.memref_slice %arg3[%select_n3A_462, %select_n3A_478, %add3A_543, %dma_start3A_1014] : memref<16x3x512x512xf32, #tpu.memory_space<hbm>> -> memref<1x1x64x512xf32, #tpu.memory_space<hbm>>
    %dma_start3A_1016 = tpu.memref_squeeze %dma_start3A_1015 : memref<1x1x64x512xf32, #tpu.memory_space<hbm>> -> memref<64x512xf32, #tpu.memory_space<hbm>>
    %dma_start3A_1017 = arith.constant 0 : i32
    %dma_start3A_1018 = tpu.memref_slice %arg3[%select_n3A_462, %select_n3A_478, %add3A_543, %dma_start3A_1017] : memref<16x3x512x512xf32, #tpu.memory_space<hbm>> -> memref<1x1x64x512xf32, #tpu.memory_space<hbm>>
    %dma_start3A_1019 = tpu.memref_squeeze %dma_start3A_1018 : memref<1x1x64x512xf32, #tpu.memory_space<hbm>> -> memref<64x512xf32, #tpu.memory_space<hbm>>
    tpu.enqueue_dma source(%dma_start3A_1019 : memref<64x512xf32, #tpu.memory_space<hbm>>) target(%arg5 : memref<64x512xf32, #tpu.memory_space<vmem>>) target_semaphore(%arg10 : memref<!tpu.dma_semaphore, #tpu.memory_space<semaphore_mem>>)
    %dma_wait3A_1020 = arith.constant 0 : i32
    %dma_wait3A_1021 = tpu.memref_slice %arg2[%select_n3A_323, %select_n3A_339, %add3A_408, %dma_wait3A_1020] : memref<16x3x512x512xf32, #tpu.memory_space<hbm>> -> memref<1x1x64x512xf32, #tpu.memory_space<hbm>>
    %dma_wait3A_1022 = tpu.memref_squeeze %dma_wait3A_1021 : memref<1x1x64x512xf32, #tpu.memory_space<hbm>> -> memref<64x512xf32, #tpu.memory_space<hbm>>
    %dma_wait3A_1023 = arith.constant 0 : i32
    %dma_wait3A_1024 = tpu.memref_slice %arg2[%select_n3A_323, %select_n3A_339, %add3A_408, %dma_wait3A_1023] : memref<16x3x512x512xf32, #tpu.memory_space<hbm>> -> memref<1x1x64x512xf32, #tpu.memory_space<hbm>>
    %dma_wait3A_1025 = tpu.memref_squeeze %dma_wait3A_1024 : memref<1x1x64x512xf32, #tpu.memory_space<hbm>> -> memref<64x512xf32, #tpu.memory_space<hbm>>
    tpu.wait_dma2 semaphore(%arg11 : memref<!tpu.dma_semaphore, #tpu.memory_space<semaphore_mem>>) src(%dma_wait3A_1025 : memref<64x512xf32, #tpu.memory_space<hbm>>) dst(%arg6 : memref<64x512xf32, #tpu.memory_space<vmem>>)
    %parallel_loop3A_1026 = arith.constant 0 : i32
    %parallel_loop3A_1027 = arith.constant 32768 : i32
    %parallel_loop3A_1028 = arith.constant 16 : i32
    scf.for %parallel_loop3A_1275 = %parallel_loop3A_1026 to %parallel_loop3A_1027 step %parallel_loop3A_1028  : i32 {
      %parallel_loop3A_1276 = arith.constant 512 : i32
      %parallel_loop3A_1277 = arith.divsi %parallel_loop3A_1275, %parallel_loop3A_1276 : i32
      %parallel_loop3A_1278 = arith.constant 0 : i32
      %parallel_loop3A_1279 = arith.cmpi sgt, %parallel_loop3A_1275, %parallel_loop3A_1278 : i32
      %parallel_loop3A_1280 = arith.extui %parallel_loop3A_1279 : i1 to i32
      %parallel_loop3A_1281 = arith.constant 0 : i32
      %parallel_loop3A_1282 = arith.cmpi slt, %parallel_loop3A_1275, %parallel_loop3A_1281 : i32
      %parallel_loop3A_1283 = arith.extui %parallel_loop3A_1282 : i1 to i32
      %parallel_loop3A_1284 = arith.subi %parallel_loop3A_1280, %parallel_loop3A_1283 : i32
      %parallel_loop3A_1285 = arith.constant 0 : i32
      %parallel_loop3A_1286 = arith.cmpi sgt, %parallel_loop3A_1276, %parallel_loop3A_1285 : i32
      %parallel_loop3A_1287 = arith.extui %parallel_loop3A_1286 : i1 to i32
      %parallel_loop3A_1288 = arith.constant 0 : i32
      %parallel_loop3A_1289 = arith.cmpi slt, %parallel_loop3A_1276, %parallel_loop3A_1288 : i32
      %parallel_loop3A_1290 = arith.extui %parallel_loop3A_1289 : i1 to i32
      %parallel_loop3A_1291 = arith.subi %parallel_loop3A_1287, %parallel_loop3A_1290 : i32
      %parallel_loop3A_1292 = arith.cmpi ne, %parallel_loop3A_1284, %parallel_loop3A_1291 : i32
      %parallel_loop3A_1293 = arith.remsi %parallel_loop3A_1275, %parallel_loop3A_1276 : i32
      %parallel_loop3A_1294 = arith.constant 0 : i32
      %parallel_loop3A_1295 = arith.cmpi ne, %parallel_loop3A_1293, %parallel_loop3A_1294 : i32
      %parallel_loop3A_1296 = arith.andi %parallel_loop3A_1292, %parallel_loop3A_1295 : i1
      %parallel_loop3A_1297 = arith.constant 1 : i32
      %parallel_loop3A_1298 = arith.subi %parallel_loop3A_1277, %parallel_loop3A_1297 : i32
      %parallel_loop3A_1299 = arith.select %parallel_loop3A_1296, %parallel_loop3A_1298, %parallel_loop3A_1277 : i32
      %parallel_loop3A_1300 = arith.constant 512 : i32
      %parallel_loop3A_1301 = arith.constant 0 : i32
      %parallel_loop3A_1302 = arith.cmpi eq, %parallel_loop3A_1300, %parallel_loop3A_1301 : i32
      %parallel_loop3A_1303 = arith.constant 1 : i32
      %parallel_loop3A_1304 = arith.select %parallel_loop3A_1302, %parallel_loop3A_1303, %parallel_loop3A_1300 : i32
      %parallel_loop3A_1305 = arith.remsi %parallel_loop3A_1275, %parallel_loop3A_1304 : i32
      %parallel_loop3A_1306 = arith.constant 0 : i32
      %parallel_loop3A_1307 = arith.cmpi ne, %parallel_loop3A_1305, %parallel_loop3A_1306 : i32
      %parallel_loop3A_1308 = arith.constant 0 : i32
      %parallel_loop3A_1309 = arith.cmpi slt, %parallel_loop3A_1305, %parallel_loop3A_1308 : i32
      %parallel_loop3A_1310 = arith.constant 0 : i32
      %parallel_loop3A_1311 = arith.cmpi slt, %parallel_loop3A_1304, %parallel_loop3A_1310 : i32
      %parallel_loop3A_1312 = arith.xori %parallel_loop3A_1309, %parallel_loop3A_1311 : i1
      %parallel_loop3A_1313 = arith.andi %parallel_loop3A_1312, %parallel_loop3A_1307 : i1
      %parallel_loop3A_1314 = arith.addi %parallel_loop3A_1305, %parallel_loop3A_1304 : i32
      %parallel_loop3A_1315 = arith.select %parallel_loop3A_1313, %parallel_loop3A_1314, %parallel_loop3A_1305 : i32
      %parallel_loop3A_1316 = arith.index_cast %parallel_loop3A_1299 : i32 to index
      %parallel_loop3A_1317 = arith.index_cast %parallel_loop3A_1315 : i32 to index
      %parallel_loop3A_1318 = tpu.vector_load %arg6[%parallel_loop3A_1316, %parallel_loop3A_1317] {strides = array<i32>} : memref<64x512xf32, #tpu.memory_space<vmem>>, vector<16xf32>,
      %parallel_loop3A_1319 = arith.constant 2.550000e+02 : f32
      %parallel_loop3A_1320 = vector.broadcast %parallel_loop3A_1319 : f32 to vector<16xf32>
      %parallel_loop3A_1321 = arith.mulf %parallel_loop3A_1318, %parallel_loop3A_1320 : vector<16xf32>
      %parallel_loop3A_1322 = arith.fptosi %parallel_loop3A_1321 : vector<16xf32> to vector<16xi32>
      %parallel_loop3A_1323 = arith.constant 16 : i32
      %parallel_loop3A_1324 = vector.broadcast %parallel_loop3A_1323 : i32 to vector<16xi32>
      %parallel_loop3A_1325 = arith.muli %parallel_loop3A_1322, %parallel_loop3A_1324 : vector<16xi32>
      %parallel_loop3A_1326 = arith.addi %parallel_loop3A_1325, %iota3A : vector<16xi32>
      tpu.vector_store_idx %arg8[%parallel_loop3A_1326], %broadcast_in_dim3A_1 {add = true} : memref<4096xf32, #tpu.memory_space<vmem>>[vector<16xi32>], vector<16xf32>,
    } {sc.loop_unroll_factor = 8 : i64, sc.parallel_access}
    %dma_start3A_1029 = arith.constant 0 : i32
    %dma_start3A_1030 = tpu.memref_slice %arg3[%select_n3A_462, %select_n3A_478, %add3A_545, %dma_start3A_1029] : memref<16x3x512x512xf32, #tpu.memory_space<hbm>> -> memref<1x1x64x512xf32, #tpu.memory_space<hbm>>
    %dma_start3A_1031 = tpu.memref_squeeze %dma_start3A_1030 : memref<1x1x64x512xf32, #tpu.memory_space<hbm>> -> memref<64x512xf32, #tpu.memory_space<hbm>>
    %dma_start3A_1032 = arith.constant 0 : i32
    %dma_start3A_1033 = tpu.memref_slice %arg3[%select_n3A_462, %select_n3A_478, %add3A_545, %dma_start3A_1032] : memref<16x3x512x512xf32, #tpu.memory_space<hbm>> -> memref<1x1x64x512xf32, #tpu.memory_space<hbm>>
    %dma_start3A_1034 = tpu.memref_squeeze %dma_start3A_1033 : memref<1x1x64x512xf32, #tpu.memory_space<hbm>> -> memref<64x512xf32, #tpu.memory_space<hbm>>
    tpu.enqueue_dma source(%dma_start3A_1034 : memref<64x512xf32, #tpu.memory_space<hbm>>) target(%arg6 : memref<64x512xf32, #tpu.memory_space<vmem>>) target_semaphore(%arg11 : memref<!tpu.dma_semaphore, #tpu.memory_space<semaphore_mem>>)
    %dma_wait3A_1035 = arith.constant 0 : i32
    %dma_wait3A_1036 = tpu.memref_slice %arg2[%select_n3A_323, %select_n3A_339, %add3A_410, %dma_wait3A_1035] : memref<16x3x512x512xf32, #tpu.memory_space<hbm>> -> memref<1x1x64x512xf32, #tpu.memory_space<hbm>>
    %dma_wait3A_1037 = tpu.memref_squeeze %dma_wait3A_1036 : memref<1x1x64x512xf32, #tpu.memory_space<hbm>> -> memref<64x512xf32, #tpu.memory_space<hbm>>
    %dma_wait3A_1038 = arith.constant 0 : i32
    %dma_wait3A_1039 = tpu.memref_slice %arg2[%select_n3A_323, %select_n3A_339, %add3A_410, %dma_wait3A_1038] : memref<16x3x512x512xf32, #tpu.memory_space<hbm>> -> memref<1x1x64x512xf32, #tpu.memory_space<hbm>>
    %dma_wait3A_1040 = tpu.memref_squeeze %dma_wait3A_1039 : memref<1x1x64x512xf32, #tpu.memory_space<hbm>> -> memref<64x512xf32, #tpu.memory_space<hbm>>
    tpu.wait_dma2 semaphore(%arg12 : memref<!tpu.dma_semaphore, #tpu.memory_space<semaphore_mem>>) src(%dma_wait3A_1040 : memref<64x512xf32, #tpu.memory_space<hbm>>) dst(%arg7 : memref<64x512xf32, #tpu.memory_space<vmem>>)
    %parallel_loop3A_1041 = arith.constant 0 : i32
    %parallel_loop3A_1042 = arith.constant 32768 : i32
    %parallel_loop3A_1043 = arith.constant 16 : i32
    scf.for %parallel_loop3A_1275 = %parallel_loop3A_1041 to %parallel_loop3A_1042 step %parallel_loop3A_1043  : i32 {
      %parallel_loop3A_1276 = arith.constant 512 : i32
      %parallel_loop3A_1277 = arith.divsi %parallel_loop3A_1275, %parallel_loop3A_1276 : i32
      %parallel_loop3A_1278 = arith.constant 0 : i32
      %parallel_loop3A_1279 = arith.cmpi sgt, %parallel_loop3A_1275, %parallel_loop3A_1278 : i32
      %parallel_loop3A_1280 = arith.extui %parallel_loop3A_1279 : i1 to i32
      %parallel_loop3A_1281 = arith.constant 0 : i32
      %parallel_loop3A_1282 = arith.cmpi slt, %parallel_loop3A_1275, %parallel_loop3A_1281 : i32
      %parallel_loop3A_1283 = arith.extui %parallel_loop3A_1282 : i1 to i32
      %parallel_loop3A_1284 = arith.subi %parallel_loop3A_1280, %parallel_loop3A_1283 : i32
      %parallel_loop3A_1285 = arith.constant 0 : i32
      %parallel_loop3A_1286 = arith.cmpi sgt, %parallel_loop3A_1276, %parallel_loop3A_1285 : i32
      %parallel_loop3A_1287 = arith.extui %parallel_loop3A_1286 : i1 to i32
      %parallel_loop3A_1288 = arith.constant 0 : i32
      %parallel_loop3A_1289 = arith.cmpi slt, %parallel_loop3A_1276, %parallel_loop3A_1288 : i32
      %parallel_loop3A_1290 = arith.extui %parallel_loop3A_1289 : i1 to i32
      %parallel_loop3A_1291 = arith.subi %parallel_loop3A_1287, %parallel_loop3A_1290 : i32
      %parallel_loop3A_1292 = arith.cmpi ne, %parallel_loop3A_1284, %parallel_loop3A_1291 : i32
      %parallel_loop3A_1293 = arith.remsi %parallel_loop3A_1275, %parallel_loop3A_1276 : i32
      %parallel_loop3A_1294 = arith.constant 0 : i32
      %parallel_loop3A_1295 = arith.cmpi ne, %parallel_loop3A_1293, %parallel_loop3A_1294 : i32
      %parallel_loop3A_1296 = arith.andi %parallel_loop3A_1292, %parallel_loop3A_1295 : i1
      %parallel_loop3A_1297 = arith.constant 1 : i32
      %parallel_loop3A_1298 = arith.subi %parallel_loop3A_1277, %parallel_loop3A_1297 : i32
      %parallel_loop3A_1299 = arith.select %parallel_loop3A_1296, %parallel_loop3A_1298, %parallel_loop3A_1277 : i32
      %parallel_loop3A_1300 = arith.constant 512 : i32
      %parallel_loop3A_1301 = arith.constant 0 : i32
      %parallel_loop3A_1302 = arith.cmpi eq, %parallel_loop3A_1300, %parallel_loop3A_1301 : i32
      %parallel_loop3A_1303 = arith.constant 1 : i32
      %parallel_loop3A_1304 = arith.select %parallel_loop3A_1302, %parallel_loop3A_1303, %parallel_loop3A_1300 : i32
      %parallel_loop3A_1305 = arith.remsi %parallel_loop3A_1275, %parallel_loop3A_1304 : i32
      %parallel_loop3A_1306 = arith.constant 0 : i32
      %parallel_loop3A_1307 = arith.cmpi ne, %parallel_loop3A_1305, %parallel_loop3A_1306 : i32
      %parallel_loop3A_1308 = arith.constant 0 : i32
      %parallel_loop3A_1309 = arith.cmpi slt, %parallel_loop3A_1305, %parallel_loop3A_1308 : i32
      %parallel_loop3A_1310 = arith.constant 0 : i32
      %parallel_loop3A_1311 = arith.cmpi slt, %parallel_loop3A_1304, %parallel_loop3A_1310 : i32
      %parallel_loop3A_1312 = arith.xori %parallel_loop3A_1309, %parallel_loop3A_1311 : i1
      %parallel_loop3A_1313 = arith.andi %parallel_loop3A_1312, %parallel_loop3A_1307 : i1
      %parallel_loop3A_1314 = arith.addi %parallel_loop3A_1305, %parallel_loop3A_1304 : i32
      %parallel_loop3A_1315 = arith.select %parallel_loop3A_1313, %parallel_loop3A_1314, %parallel_loop3A_1305 : i32
      %parallel_loop3A_1316 = arith.index_cast %parallel_loop3A_1299 : i32 to index
      %parallel_loop3A_1317 = arith.index_cast %parallel_loop3A_1315 : i32 to index
      %parallel_loop3A_1318 = tpu.vector_load %arg7[%parallel_loop3A_1316, %parallel_loop3A_1317] {strides = array<i32>} : memref<64x512xf32, #tpu.memory_space<vmem>>, vector<16xf32>,
      %parallel_loop3A_1319 = arith.constant 2.550000e+02 : f32
      %parallel_loop3A_1320 = vector.broadcast %parallel_loop3A_1319 : f32 to vector<16xf32>
      %parallel_loop3A_1321 = arith.mulf %parallel_loop3A_1318, %parallel_loop3A_1320 : vector<16xf32>
      %parallel_loop3A_1322 = arith.fptosi %parallel_loop3A_1321 : vector<16xf32> to vector<16xi32>
      %parallel_loop3A_1323 = arith.constant 16 : i32
      %parallel_loop3A_1324 = vector.broadcast %parallel_loop3A_1323 : i32 to vector<16xi32>
      %parallel_loop3A_1325 = arith.muli %parallel_loop3A_1322, %parallel_loop3A_1324 : vector<16xi32>
      %parallel_loop3A_1326 = arith.addi %parallel_loop3A_1325, %iota3A : vector<16xi32>
      tpu.vector_store_idx %arg8[%parallel_loop3A_1326], %broadcast_in_dim3A_1 {add = true} : memref<4096xf32, #tpu.memory_space<vmem>>[vector<16xi32>], vector<16xf32>,
    } {sc.loop_unroll_factor = 8 : i64, sc.parallel_access}
    %dma_start3A_1044 = arith.constant 0 : i32
    %dma_start3A_1045 = tpu.memref_slice %arg4[%add3A_402, %dma_start3A_1044] : memref<192x4096xf32, #tpu.memory_space<hbm>> -> memref<1x4096xf32, #tpu.memory_space<hbm>>
    %dma_start3A_1046 = tpu.memref_squeeze %dma_start3A_1045 : memref<1x4096xf32, #tpu.memory_space<hbm>> -> memref<4096xf32, #tpu.memory_space<hbm>>
    %dma_start3A_1047 = arith.constant 0 : i32
    %dma_start3A_1048 = tpu.memref_slice %arg4[%add3A_402, %dma_start3A_1047] : memref<192x4096xf32, #tpu.memory_space<hbm>> -> memref<1x4096xf32, #tpu.memory_space<hbm>>
    %dma_start3A_1049 = tpu.memref_squeeze %dma_start3A_1048 : memref<1x4096xf32, #tpu.memory_space<hbm>> -> memref<4096xf32, #tpu.memory_space<hbm>>
    tpu.enqueue_dma source(%arg8 : memref<4096xf32, #tpu.memory_space<vmem>>) target(%dma_start3A_1049 : memref<4096xf32, #tpu.memory_space<hbm>>) target_semaphore(%arg13 : memref<!tpu.dma_semaphore, #tpu.memory_space<semaphore_mem>>)
    %dma_start3A_1050 = arith.constant 0 : i32
    %dma_start3A_1051 = tpu.memref_slice %arg3[%select_n3A_462, %select_n3A_478, %add3A_547, %dma_start3A_1050] : memref<16x3x512x512xf32, #tpu.memory_space<hbm>> -> memref<1x1x64x512xf32, #tpu.memory_space<hbm>>
    %dma_start3A_1052 = tpu.memref_squeeze %dma_start3A_1051 : memref<1x1x64x512xf32, #tpu.memory_space<hbm>> -> memref<64x512xf32, #tpu.memory_space<hbm>>
    %dma_start3A_1053 = arith.constant 0 : i32
    %dma_start3A_1054 = tpu.memref_slice %arg3[%select_n3A_462, %select_n3A_478, %add3A_547, %dma_start3A_1053] : memref<16x3x512x512xf32, #tpu.memory_space<hbm>> -> memref<1x1x64x512xf32, #tpu.memory_space<hbm>>
    %dma_start3A_1055 = tpu.memref_squeeze %dma_start3A_1054 : memref<1x1x64x512xf32, #tpu.memory_space<hbm>> -> memref<64x512xf32, #tpu.memory_space<hbm>>
    tpu.enqueue_dma source(%dma_start3A_1055 : memref<64x512xf32, #tpu.memory_space<hbm>>) target(%arg7 : memref<64x512xf32, #tpu.memory_space<vmem>>) target_semaphore(%arg12 : memref<!tpu.dma_semaphore, #tpu.memory_space<semaphore_mem>>)
    %dma_wait3A_1056 = arith.constant 0 : i32
    %dma_wait3A_1057 = tpu.memref_slice %arg4[%add3A_263, %dma_wait3A_1056] : memref<192x4096xf32, #tpu.memory_space<hbm>> -> memref<1x4096xf32, #tpu.memory_space<hbm>>
    %dma_wait3A_1058 = tpu.memref_squeeze %dma_wait3A_1057 : memref<1x4096xf32, #tpu.memory_space<hbm>> -> memref<4096xf32, #tpu.memory_space<hbm>>
    %dma_wait3A_1059 = arith.constant 0 : i32
    %dma_wait3A_1060 = tpu.memref_slice %arg4[%add3A_263, %dma_wait3A_1059] : memref<192x4096xf32, #tpu.memory_space<hbm>> -> memref<1x4096xf32, #tpu.memory_space<hbm>>
    %dma_wait3A_1061 = tpu.memref_squeeze %dma_wait3A_1060 : memref<1x4096xf32, #tpu.memory_space<hbm>> -> memref<4096xf32, #tpu.memory_space<hbm>>
    tpu.wait_dma2 semaphore(%arg14 : memref<!tpu.dma_semaphore, #tpu.memory_space<semaphore_mem>>) src(%arg9 : memref<4096xf32, #tpu.memory_space<vmem>>) dst(%dma_wait3A_1061 : memref<4096xf32, #tpu.memory_space<hbm>>)
    %parallel_loop3A_1062 = arith.constant 0 : i32
    %parallel_loop3A_1063 = arith.constant 4096 : i32
    %parallel_loop3A_1064 = arith.constant 16 : i32
    scf.for %parallel_loop3A_1275 = %parallel_loop3A_1062 to %parallel_loop3A_1063 step %parallel_loop3A_1064  : i32 {
      %parallel_loop3A_1276 = arith.index_cast %parallel_loop3A_1275 : i32 to index
      %parallel_loop3A_1277 = tpu.vector_load %arg9[%parallel_loop3A_1276] {strides = array<i32>} : memref<4096xf32, #tpu.memory_space<vmem>>, vector<16xf32>,
      tpu.vector_store %arg9[%parallel_loop3A_1276], %broadcast_in_dim3A_3 {strides = array<i32>} : memref<4096xf32, #tpu.memory_space<vmem>>, vector<16xf32>,
    } {sc.loop_unroll_factor = 8 : i64, sc.parallel_access}
    %dma_wait3A_1065 = arith.constant 0 : i32
    %dma_wait3A_1066 = tpu.memref_slice %arg3[%select_n3A_462, %select_n3A_478, %add3A_543, %dma_wait3A_1065] : memref<16x3x512x512xf32, #tpu.memory_space<hbm>> -> memref<1x1x64x512xf32, #tpu.memory_space<hbm>>
    %dma_wait3A_1067 = tpu.memref_squeeze %dma_wait3A_1066 : memref<1x1x64x512xf32, #tpu.memory_space<hbm>> -> memref<64x512xf32, #tpu.memory_space<hbm>>
    %dma_wait3A_1068 = arith.constant 0 : i32
    %dma_wait3A_1069 = tpu.memref_slice %arg3[%select_n3A_462, %select_n3A_478, %add3A_543, %dma_wait3A_1068] : memref<16x3x512x512xf32, #tpu.memory_space<hbm>> -> memref<1x1x64x512xf32, #tpu.memory_space<hbm>>
    %dma_wait3A_1070 = tpu.memref_squeeze %dma_wait3A_1069 : memref<1x1x64x512xf32, #tpu.memory_space<hbm>> -> memref<64x512xf32, #tpu.memory_space<hbm>>
    tpu.wait_dma2 semaphore(%arg10 : memref<!tpu.dma_semaphore, #tpu.memory_space<semaphore_mem>>) src(%dma_wait3A_1070 : memref<64x512xf32, #tpu.memory_space<hbm>>) dst(%arg5 : memref<64x512xf32, #tpu.memory_space<vmem>>)
    %parallel_loop3A_1071 = arith.constant 0 : i32
    %parallel_loop3A_1072 = arith.constant 32768 : i32
    %parallel_loop3A_1073 = arith.constant 16 : i32
    scf.for %parallel_loop3A_1275 = %parallel_loop3A_1071 to %parallel_loop3A_1072 step %parallel_loop3A_1073  : i32 {
      %parallel_loop3A_1276 = arith.constant 512 : i32
      %parallel_loop3A_1277 = arith.divsi %parallel_loop3A_1275, %parallel_loop3A_1276 : i32
      %parallel_loop3A_1278 = arith.constant 0 : i32
      %parallel_loop3A_1279 = arith.cmpi sgt, %parallel_loop3A_1275, %parallel_loop3A_1278 : i32
      %parallel_loop3A_1280 = arith.extui %parallel_loop3A_1279 : i1 to i32
      %parallel_loop3A_1281 = arith.constant 0 : i32
      %parallel_loop3A_1282 = arith.cmpi slt, %parallel_loop3A_1275, %parallel_loop3A_1281 : i32
      %parallel_loop3A_1283 = arith.extui %parallel_loop3A_1282 : i1 to i32
      %parallel_loop3A_1284 = arith.subi %parallel_loop3A_1280, %parallel_loop3A_1283 : i32
      %parallel_loop3A_1285 = arith.constant 0 : i32
      %parallel_loop3A_1286 = arith.cmpi sgt, %parallel_loop3A_1276, %parallel_loop3A_1285 : i32
      %parallel_loop3A_1287 = arith.extui %parallel_loop3A_1286 : i1 to i32
      %parallel_loop3A_1288 = arith.constant 0 : i32
      %parallel_loop3A_1289 = arith.cmpi slt, %parallel_loop3A_1276, %parallel_loop3A_1288 : i32
      %parallel_loop3A_1290 = arith.extui %parallel_loop3A_1289 : i1 to i32
      %parallel_loop3A_1291 = arith.subi %parallel_loop3A_1287, %parallel_loop3A_1290 : i32
      %parallel_loop3A_1292 = arith.cmpi ne, %parallel_loop3A_1284, %parallel_loop3A_1291 : i32
      %parallel_loop3A_1293 = arith.remsi %parallel_loop3A_1275, %parallel_loop3A_1276 : i32
      %parallel_loop3A_1294 = arith.constant 0 : i32
      %parallel_loop3A_1295 = arith.cmpi ne, %parallel_loop3A_1293, %parallel_loop3A_1294 : i32
      %parallel_loop3A_1296 = arith.andi %parallel_loop3A_1292, %parallel_loop3A_1295 : i1
      %parallel_loop3A_1297 = arith.constant 1 : i32
      %parallel_loop3A_1298 = arith.subi %parallel_loop3A_1277, %parallel_loop3A_1297 : i32
      %parallel_loop3A_1299 = arith.select %parallel_loop3A_1296, %parallel_loop3A_1298, %parallel_loop3A_1277 : i32
      %parallel_loop3A_1300 = arith.constant 512 : i32
      %parallel_loop3A_1301 = arith.constant 0 : i32
      %parallel_loop3A_1302 = arith.cmpi eq, %parallel_loop3A_1300, %parallel_loop3A_1301 : i32
      %parallel_loop3A_1303 = arith.constant 1 : i32
      %parallel_loop3A_1304 = arith.select %parallel_loop3A_1302, %parallel_loop3A_1303, %parallel_loop3A_1300 : i32
      %parallel_loop3A_1305 = arith.remsi %parallel_loop3A_1275, %parallel_loop3A_1304 : i32
      %parallel_loop3A_1306 = arith.constant 0 : i32
      %parallel_loop3A_1307 = arith.cmpi ne, %parallel_loop3A_1305, %parallel_loop3A_1306 : i32
      %parallel_loop3A_1308 = arith.constant 0 : i32
      %parallel_loop3A_1309 = arith.cmpi slt, %parallel_loop3A_1305, %parallel_loop3A_1308 : i32
      %parallel_loop3A_1310 = arith.constant 0 : i32
      %parallel_loop3A_1311 = arith.cmpi slt, %parallel_loop3A_1304, %parallel_loop3A_1310 : i32
      %parallel_loop3A_1312 = arith.xori %parallel_loop3A_1309, %parallel_loop3A_1311 : i1
      %parallel_loop3A_1313 = arith.andi %parallel_loop3A_1312, %parallel_loop3A_1307 : i1
      %parallel_loop3A_1314 = arith.addi %parallel_loop3A_1305, %parallel_loop3A_1304 : i32
      %parallel_loop3A_1315 = arith.select %parallel_loop3A_1313, %parallel_loop3A_1314, %parallel_loop3A_1305 : i32
      %parallel_loop3A_1316 = arith.index_cast %parallel_loop3A_1299 : i32 to index
      %parallel_loop3A_1317 = arith.index_cast %parallel_loop3A_1315 : i32 to index
      %parallel_loop3A_1318 = tpu.vector_load %arg5[%parallel_loop3A_1316, %parallel_loop3A_1317] {strides = array<i32>} : memref<64x512xf32, #tpu.memory_space<vmem>>, vector<16xf32>,
      %parallel_loop3A_1319 = arith.constant 2.550000e+02 : f32
      %parallel_loop3A_1320 = vector.broadcast %parallel_loop3A_1319 : f32 to vector<16xf32>
      %parallel_loop3A_1321 = arith.mulf %parallel_loop3A_1318, %parallel_loop3A_1320 : vector<16xf32>
      %parallel_loop3A_1322 = arith.fptosi %parallel_loop3A_1321 : vector<16xf32> to vector<16xi32>
      %parallel_loop3A_1323 = arith.constant 16 : i32
      %parallel_loop3A_1324 = vector.broadcast %parallel_loop3A_1323 : i32 to vector<16xi32>
      %parallel_loop3A_1325 = arith.muli %parallel_loop3A_1322, %parallel_loop3A_1324 : vector<16xi32>
      %parallel_loop3A_1326 = arith.addi %parallel_loop3A_1325, %iota3A : vector<16xi32>
      tpu.vector_store_idx %arg9[%parallel_loop3A_1326], %broadcast_in_dim3A_1 {add = true} : memref<4096xf32, #tpu.memory_space<vmem>>[vector<16xi32>], vector<16xf32>,
    } {sc.loop_unroll_factor = 8 : i64, sc.parallel_access}
    %dma_start3A_1074 = arith.constant 0 : i32
    %dma_start3A_1075 = tpu.memref_slice %arg3[%select_n3A_462, %select_n3A_478, %add3A_549, %dma_start3A_1074] : memref<16x3x512x512xf32, #tpu.memory_space<hbm>> -> memref<1x1x64x512xf32, #tpu.memory_space<hbm>>
    %dma_start3A_1076 = tpu.memref_squeeze %dma_start3A_1075 : memref<1x1x64x512xf32, #tpu.memory_space<hbm>> -> memref<64x512xf32, #tpu.memory_space<hbm>>
    %dma_start3A_1077 = arith.constant 0 : i32
    %dma_start3A_1078 = tpu.memref_slice %arg3[%select_n3A_462, %select_n3A_478, %add3A_549, %dma_start3A_1077] : memref<16x3x512x512xf32, #tpu.memory_space<hbm>> -> memref<1x1x64x512xf32, #tpu.memory_space<hbm>>
    %dma_start3A_1079 = tpu.memref_squeeze %dma_start3A_1078 : memref<1x1x64x512xf32, #tpu.memory_space<hbm>> -> memref<64x512xf32, #tpu.memory_space<hbm>>
    tpu.enqueue_dma source(%dma_start3A_1079 : memref<64x512xf32, #tpu.memory_space<hbm>>) target(%arg5 : memref<64x512xf32, #tpu.memory_space<vmem>>) target_semaphore(%arg10 : memref<!tpu.dma_semaphore, #tpu.memory_space<semaphore_mem>>)
    %dma_wait3A_1080 = arith.constant 0 : i32
    %dma_wait3A_1081 = tpu.memref_slice %arg3[%select_n3A_462, %select_n3A_478, %add3A_545, %dma_wait3A_1080] : memref<16x3x512x512xf32, #tpu.memory_space<hbm>> -> memref<1x1x64x512xf32, #tpu.memory_space<hbm>>
    %dma_wait3A_1082 = tpu.memref_squeeze %dma_wait3A_1081 : memref<1x1x64x512xf32, #tpu.memory_space<hbm>> -> memref<64x512xf32, #tpu.memory_space<hbm>>
    %dma_wait3A_1083 = arith.constant 0 : i32
    %dma_wait3A_1084 = tpu.memref_slice %arg3[%select_n3A_462, %select_n3A_478, %add3A_545, %dma_wait3A_1083] : memref<16x3x512x512xf32, #tpu.memory_space<hbm>> -> memref<1x1x64x512xf32, #tpu.memory_space<hbm>>
    %dma_wait3A_1085 = tpu.memref_squeeze %dma_wait3A_1084 : memref<1x1x64x512xf32, #tpu.memory_space<hbm>> -> memref<64x512xf32, #tpu.memory_space<hbm>>
    tpu.wait_dma2 semaphore(%arg11 : memref<!tpu.dma_semaphore, #tpu.memory_space<semaphore_mem>>) src(%dma_wait3A_1085 : memref<64x512xf32, #tpu.memory_space<hbm>>) dst(%arg6 : memref<64x512xf32, #tpu.memory_space<vmem>>)
    %parallel_loop3A_1086 = arith.constant 0 : i32
    %parallel_loop3A_1087 = arith.constant 32768 : i32
    %parallel_loop3A_1088 = arith.constant 16 : i32
    scf.for %parallel_loop3A_1275 = %parallel_loop3A_1086 to %parallel_loop3A_1087 step %parallel_loop3A_1088  : i32 {
      %parallel_loop3A_1276 = arith.constant 512 : i32
      %parallel_loop3A_1277 = arith.divsi %parallel_loop3A_1275, %parallel_loop3A_1276 : i32
      %parallel_loop3A_1278 = arith.constant 0 : i32
      %parallel_loop3A_1279 = arith.cmpi sgt, %parallel_loop3A_1275, %parallel_loop3A_1278 : i32
      %parallel_loop3A_1280 = arith.extui %parallel_loop3A_1279 : i1 to i32
      %parallel_loop3A_1281 = arith.constant 0 : i32
      %parallel_loop3A_1282 = arith.cmpi slt, %parallel_loop3A_1275, %parallel_loop3A_1281 : i32
      %parallel_loop3A_1283 = arith.extui %parallel_loop3A_1282 : i1 to i32
      %parallel_loop3A_1284 = arith.subi %parallel_loop3A_1280, %parallel_loop3A_1283 : i32
      %parallel_loop3A_1285 = arith.constant 0 : i32
      %parallel_loop3A_1286 = arith.cmpi sgt, %parallel_loop3A_1276, %parallel_loop3A_1285 : i32
      %parallel_loop3A_1287 = arith.extui %parallel_loop3A_1286 : i1 to i32
      %parallel_loop3A_1288 = arith.constant 0 : i32
      %parallel_loop3A_1289 = arith.cmpi slt, %parallel_loop3A_1276, %parallel_loop3A_1288 : i32
      %parallel_loop3A_1290 = arith.extui %parallel_loop3A_1289 : i1 to i32
      %parallel_loop3A_1291 = arith.subi %parallel_loop3A_1287, %parallel_loop3A_1290 : i32
      %parallel_loop3A_1292 = arith.cmpi ne, %parallel_loop3A_1284, %parallel_loop3A_1291 : i32
      %parallel_loop3A_1293 = arith.remsi %parallel_loop3A_1275, %parallel_loop3A_1276 : i32
      %parallel_loop3A_1294 = arith.constant 0 : i32
      %parallel_loop3A_1295 = arith.cmpi ne, %parallel_loop3A_1293, %parallel_loop3A_1294 : i32
      %parallel_loop3A_1296 = arith.andi %parallel_loop3A_1292, %parallel_loop3A_1295 : i1
      %parallel_loop3A_1297 = arith.constant 1 : i32
      %parallel_loop3A_1298 = arith.subi %parallel_loop3A_1277, %parallel_loop3A_1297 : i32
      %parallel_loop3A_1299 = arith.select %parallel_loop3A_1296, %parallel_loop3A_1298, %parallel_loop3A_1277 : i32
      %parallel_loop3A_1300 = arith.constant 512 : i32
      %parallel_loop3A_1301 = arith.constant 0 : i32
      %parallel_loop3A_1302 = arith.cmpi eq, %parallel_loop3A_1300, %parallel_loop3A_1301 : i32
      %parallel_loop3A_1303 = arith.constant 1 : i32
      %parallel_loop3A_1304 = arith.select %parallel_loop3A_1302, %parallel_loop3A_1303, %parallel_loop3A_1300 : i32
      %parallel_loop3A_1305 = arith.remsi %parallel_loop3A_1275, %parallel_loop3A_1304 : i32
      %parallel_loop3A_1306 = arith.constant 0 : i32
      %parallel_loop3A_1307 = arith.cmpi ne, %parallel_loop3A_1305, %parallel_loop3A_1306 : i32
      %parallel_loop3A_1308 = arith.constant 0 : i32
      %parallel_loop3A_1309 = arith.cmpi slt, %parallel_loop3A_1305, %parallel_loop3A_1308 : i32
      %parallel_loop3A_1310 = arith.constant 0 : i32
      %parallel_loop3A_1311 = arith.cmpi slt, %parallel_loop3A_1304, %parallel_loop3A_1310 : i32
      %parallel_loop3A_1312 = arith.xori %parallel_loop3A_1309, %parallel_loop3A_1311 : i1
      %parallel_loop3A_1313 = arith.andi %parallel_loop3A_1312, %parallel_loop3A_1307 : i1
      %parallel_loop3A_1314 = arith.addi %parallel_loop3A_1305, %parallel_loop3A_1304 : i32
      %parallel_loop3A_1315 = arith.select %parallel_loop3A_1313, %parallel_loop3A_1314, %parallel_loop3A_1305 : i32
      %parallel_loop3A_1316 = arith.index_cast %parallel_loop3A_1299 : i32 to index
      %parallel_loop3A_1317 = arith.index_cast %parallel_loop3A_1315 : i32 to index
      %parallel_loop3A_1318 = tpu.vector_load %arg6[%parallel_loop3A_1316, %parallel_loop3A_1317] {strides = array<i32>} : memref<64x512xf32, #tpu.memory_space<vmem>>, vector<16xf32>,
      %parallel_loop3A_1319 = arith.constant 2.550000e+02 : f32
      %parallel_loop3A_1320 = vector.broadcast %parallel_loop3A_1319 : f32 to vector<16xf32>
      %parallel_loop3A_1321 = arith.mulf %parallel_loop3A_1318, %parallel_loop3A_1320 : vector<16xf32>
      %parallel_loop3A_1322 = arith.fptosi %parallel_loop3A_1321 : vector<16xf32> to vector<16xi32>
      %parallel_loop3A_1323 = arith.constant 16 : i32
      %parallel_loop3A_1324 = vector.broadcast %parallel_loop3A_1323 : i32 to vector<16xi32>
      %parallel_loop3A_1325 = arith.muli %parallel_loop3A_1322, %parallel_loop3A_1324 : vector<16xi32>
      %parallel_loop3A_1326 = arith.addi %parallel_loop3A_1325, %iota3A : vector<16xi32>
      tpu.vector_store_idx %arg9[%parallel_loop3A_1326], %broadcast_in_dim3A_1 {add = true} : memref<4096xf32, #tpu.memory_space<vmem>>[vector<16xi32>], vector<16xf32>,
    } {sc.loop_unroll_factor = 8 : i64, sc.parallel_access}
    %dma_start3A_1089 = arith.constant 0 : i32
    %dma_start3A_1090 = tpu.memref_slice %arg3[%select_n3A_601, %select_n3A_617, %add3A_682, %dma_start3A_1089] : memref<16x3x512x512xf32, #tpu.memory_space<hbm>> -> memref<1x1x64x512xf32, #tpu.memory_space<hbm>>
    %dma_start3A_1091 = tpu.memref_squeeze %dma_start3A_1090 : memref<1x1x64x512xf32, #tpu.memory_space<hbm>> -> memref<64x512xf32, #tpu.memory_space<hbm>>
    %dma_start3A_1092 = arith.constant 0 : i32
    %dma_start3A_1093 = tpu.memref_slice %arg3[%select_n3A_601, %select_n3A_617, %add3A_682, %dma_start3A_1092] : memref<16x3x512x512xf32, #tpu.memory_space<hbm>> -> memref<1x1x64x512xf32, #tpu.memory_space<hbm>>
    %dma_start3A_1094 = tpu.memref_squeeze %dma_start3A_1093 : memref<1x1x64x512xf32, #tpu.memory_space<hbm>> -> memref<64x512xf32, #tpu.memory_space<hbm>>
    tpu.enqueue_dma source(%dma_start3A_1094 : memref<64x512xf32, #tpu.memory_space<hbm>>) target(%arg6 : memref<64x512xf32, #tpu.memory_space<vmem>>) target_semaphore(%arg11 : memref<!tpu.dma_semaphore, #tpu.memory_space<semaphore_mem>>)
    %dma_wait3A_1095 = arith.constant 0 : i32
    %dma_wait3A_1096 = tpu.memref_slice %arg3[%select_n3A_462, %select_n3A_478, %add3A_547, %dma_wait3A_1095] : memref<16x3x512x512xf32, #tpu.memory_space<hbm>> -> memref<1x1x64x512xf32, #tpu.memory_space<hbm>>
    %dma_wait3A_1097 = tpu.memref_squeeze %dma_wait3A_1096 : memref<1x1x64x512xf32, #tpu.memory_space<hbm>> -> memref<64x512xf32, #tpu.memory_space<hbm>>
    %dma_wait3A_1098 = arith.constant 0 : i32
    %dma_wait3A_1099 = tpu.memref_slice %arg3[%select_n3A_462, %select_n3A_478, %add3A_547, %dma_wait3A_1098] : memref<16x3x512x512xf32, #tpu.memory_space<hbm>> -> memref<1x1x64x512xf32, #tpu.memory_space<hbm>>
    %dma_wait3A_1100 = tpu.memref_squeeze %dma_wait3A_1099 : memref<1x1x64x512xf32, #tpu.memory_space<hbm>> -> memref<64x512xf32, #tpu.memory_space<hbm>>
    tpu.wait_dma2 semaphore(%arg12 : memref<!tpu.dma_semaphore, #tpu.memory_space<semaphore_mem>>) src(%dma_wait3A_1100 : memref<64x512xf32, #tpu.memory_space<hbm>>) dst(%arg7 : memref<64x512xf32, #tpu.memory_space<vmem>>)
    %parallel_loop3A_1101 = arith.constant 0 : i32
    %parallel_loop3A_1102 = arith.constant 32768 : i32
    %parallel_loop3A_1103 = arith.constant 16 : i32
    scf.for %parallel_loop3A_1275 = %parallel_loop3A_1101 to %parallel_loop3A_1102 step %parallel_loop3A_1103  : i32 {
      %parallel_loop3A_1276 = arith.constant 512 : i32
      %parallel_loop3A_1277 = arith.divsi %parallel_loop3A_1275, %parallel_loop3A_1276 : i32
      %parallel_loop3A_1278 = arith.constant 0 : i32
      %parallel_loop3A_1279 = arith.cmpi sgt, %parallel_loop3A_1275, %parallel_loop3A_1278 : i32
      %parallel_loop3A_1280 = arith.extui %parallel_loop3A_1279 : i1 to i32
      %parallel_loop3A_1281 = arith.constant 0 : i32
      %parallel_loop3A_1282 = arith.cmpi slt, %parallel_loop3A_1275, %parallel_loop3A_1281 : i32
      %parallel_loop3A_1283 = arith.extui %parallel_loop3A_1282 : i1 to i32
      %parallel_loop3A_1284 = arith.subi %parallel_loop3A_1280, %parallel_loop3A_1283 : i32
      %parallel_loop3A_1285 = arith.constant 0 : i32
      %parallel_loop3A_1286 = arith.cmpi sgt, %parallel_loop3A_1276, %parallel_loop3A_1285 : i32
      %parallel_loop3A_1287 = arith.extui %parallel_loop3A_1286 : i1 to i32
      %parallel_loop3A_1288 = arith.constant 0 : i32
      %parallel_loop3A_1289 = arith.cmpi slt, %parallel_loop3A_1276, %parallel_loop3A_1288 : i32
      %parallel_loop3A_1290 = arith.extui %parallel_loop3A_1289 : i1 to i32
      %parallel_loop3A_1291 = arith.subi %parallel_loop3A_1287, %parallel_loop3A_1290 : i32
      %parallel_loop3A_1292 = arith.cmpi ne, %parallel_loop3A_1284, %parallel_loop3A_1291 : i32
      %parallel_loop3A_1293 = arith.remsi %parallel_loop3A_1275, %parallel_loop3A_1276 : i32
      %parallel_loop3A_1294 = arith.constant 0 : i32
      %parallel_loop3A_1295 = arith.cmpi ne, %parallel_loop3A_1293, %parallel_loop3A_1294 : i32
      %parallel_loop3A_1296 = arith.andi %parallel_loop3A_1292, %parallel_loop3A_1295 : i1
      %parallel_loop3A_1297 = arith.constant 1 : i32
      %parallel_loop3A_1298 = arith.subi %parallel_loop3A_1277, %parallel_loop3A_1297 : i32
      %parallel_loop3A_1299 = arith.select %parallel_loop3A_1296, %parallel_loop3A_1298, %parallel_loop3A_1277 : i32
      %parallel_loop3A_1300 = arith.constant 512 : i32
      %parallel_loop3A_1301 = arith.constant 0 : i32
      %parallel_loop3A_1302 = arith.cmpi eq, %parallel_loop3A_1300, %parallel_loop3A_1301 : i32
      %parallel_loop3A_1303 = arith.constant 1 : i32
      %parallel_loop3A_1304 = arith.select %parallel_loop3A_1302, %parallel_loop3A_1303, %parallel_loop3A_1300 : i32
      %parallel_loop3A_1305 = arith.remsi %parallel_loop3A_1275, %parallel_loop3A_1304 : i32
      %parallel_loop3A_1306 = arith.constant 0 : i32
      %parallel_loop3A_1307 = arith.cmpi ne, %parallel_loop3A_1305, %parallel_loop3A_1306 : i32
      %parallel_loop3A_1308 = arith.constant 0 : i32
      %parallel_loop3A_1309 = arith.cmpi slt, %parallel_loop3A_1305, %parallel_loop3A_1308 : i32
      %parallel_loop3A_1310 = arith.constant 0 : i32
      %parallel_loop3A_1311 = arith.cmpi slt, %parallel_loop3A_1304, %parallel_loop3A_1310 : i32
      %parallel_loop3A_1312 = arith.xori %parallel_loop3A_1309, %parallel_loop3A_1311 : i1
      %parallel_loop3A_1313 = arith.andi %parallel_loop3A_1312, %parallel_loop3A_1307 : i1
      %parallel_loop3A_1314 = arith.addi %parallel_loop3A_1305, %parallel_loop3A_1304 : i32
      %parallel_loop3A_1315 = arith.select %parallel_loop3A_1313, %parallel_loop3A_1314, %parallel_loop3A_1305 : i32
      %parallel_loop3A_1316 = arith.index_cast %parallel_loop3A_1299 : i32 to index
      %parallel_loop3A_1317 = arith.index_cast %parallel_loop3A_1315 : i32 to index
      %parallel_loop3A_1318 = tpu.vector_load %arg7[%parallel_loop3A_1316, %parallel_loop3A_1317] {strides = array<i32>} : memref<64x512xf32, #tpu.memory_space<vmem>>, vector<16xf32>,
      %parallel_loop3A_1319 = arith.constant 2.550000e+02 : f32
      %parallel_loop3A_1320 = vector.broadcast %parallel_loop3A_1319 : f32 to vector<16xf32>
      %parallel_loop3A_1321 = arith.mulf %parallel_loop3A_1318, %parallel_loop3A_1320 : vector<16xf32>
      %parallel_loop3A_1322 = arith.fptosi %parallel_loop3A_1321 : vector<16xf32> to vector<16xi32>
      %parallel_loop3A_1323 = arith.constant 16 : i32
      %parallel_loop3A_1324 = vector.broadcast %parallel_loop3A_1323 : i32 to vector<16xi32>
      %parallel_loop3A_1325 = arith.muli %parallel_loop3A_1322, %parallel_loop3A_1324 : vector<16xi32>
      %parallel_loop3A_1326 = arith.addi %parallel_loop3A_1325, %iota3A : vector<16xi32>
      tpu.vector_store_idx %arg9[%parallel_loop3A_1326], %broadcast_in_dim3A_1 {add = true} : memref<4096xf32, #tpu.memory_space<vmem>>[vector<16xi32>], vector<16xf32>,
    } {sc.loop_unroll_factor = 8 : i64, sc.parallel_access}
    %dma_start3A_1104 = arith.constant 0 : i32
    %dma_start3A_1105 = tpu.memref_slice %arg3[%select_n3A_601, %select_n3A_617, %add3A_684, %dma_start3A_1104] : memref<16x3x512x512xf32, #tpu.memory_space<hbm>> -> memref<1x1x64x512xf32, #tpu.memory_space<hbm>>
    %dma_start3A_1106 = tpu.memref_squeeze %dma_start3A_1105 : memref<1x1x64x512xf32, #tpu.memory_space<hbm>> -> memref<64x512xf32, #tpu.memory_space<hbm>>
    %dma_start3A_1107 = arith.constant 0 : i32
    %dma_start3A_1108 = tpu.memref_slice %arg3[%select_n3A_601, %select_n3A_617, %add3A_684, %dma_start3A_1107] : memref<16x3x512x512xf32, #tpu.memory_space<hbm>> -> memref<1x1x64x512xf32, #tpu.memory_space<hbm>>
    %dma_start3A_1109 = tpu.memref_squeeze %dma_start3A_1108 : memref<1x1x64x512xf32, #tpu.memory_space<hbm>> -> memref<64x512xf32, #tpu.memory_space<hbm>>
    tpu.enqueue_dma source(%dma_start3A_1109 : memref<64x512xf32, #tpu.memory_space<hbm>>) target(%arg7 : memref<64x512xf32, #tpu.memory_space<vmem>>) target_semaphore(%arg12 : memref<!tpu.dma_semaphore, #tpu.memory_space<semaphore_mem>>)
    %dma_wait3A_1110 = arith.constant 0 : i32
    %dma_wait3A_1111 = tpu.memref_slice %arg3[%select_n3A_462, %select_n3A_478, %add3A_549, %dma_wait3A_1110] : memref<16x3x512x512xf32, #tpu.memory_space<hbm>> -> memref<1x1x64x512xf32, #tpu.memory_space<hbm>>
    %dma_wait3A_1112 = tpu.memref_squeeze %dma_wait3A_1111 : memref<1x1x64x512xf32, #tpu.memory_space<hbm>> -> memref<64x512xf32, #tpu.memory_space<hbm>>
    %dma_wait3A_1113 = arith.constant 0 : i32
    %dma_wait3A_1114 = tpu.memref_slice %arg3[%select_n3A_462, %select_n3A_478, %add3A_549, %dma_wait3A_1113] : memref<16x3x512x512xf32, #tpu.memory_space<hbm>> -> memref<1x1x64x512xf32, #tpu.memory_space<hbm>>
    %dma_wait3A_1115 = tpu.memref_squeeze %dma_wait3A_1114 : memref<1x1x64x512xf32, #tpu.memory_space<hbm>> -> memref<64x512xf32, #tpu.memory_space<hbm>>
    tpu.wait_dma2 semaphore(%arg10 : memref<!tpu.dma_semaphore, #tpu.memory_space<semaphore_mem>>) src(%dma_wait3A_1115 : memref<64x512xf32, #tpu.memory_space<hbm>>) dst(%arg5 : memref<64x512xf32, #tpu.memory_space<vmem>>)
    %parallel_loop3A_1116 = arith.constant 0 : i32
    %parallel_loop3A_1117 = arith.constant 32768 : i32
    %parallel_loop3A_1118 = arith.constant 16 : i32
    scf.for %parallel_loop3A_1275 = %parallel_loop3A_1116 to %parallel_loop3A_1117 step %parallel_loop3A_1118  : i32 {
      %parallel_loop3A_1276 = arith.constant 512 : i32
      %parallel_loop3A_1277 = arith.divsi %parallel_loop3A_1275, %parallel_loop3A_1276 : i32
      %parallel_loop3A_1278 = arith.constant 0 : i32
      %parallel_loop3A_1279 = arith.cmpi sgt, %parallel_loop3A_1275, %parallel_loop3A_1278 : i32
      %parallel_loop3A_1280 = arith.extui %parallel_loop3A_1279 : i1 to i32
      %parallel_loop3A_1281 = arith.constant 0 : i32
      %parallel_loop3A_1282 = arith.cmpi slt, %parallel_loop3A_1275, %parallel_loop3A_1281 : i32
      %parallel_loop3A_1283 = arith.extui %parallel_loop3A_1282 : i1 to i32
      %parallel_loop3A_1284 = arith.subi %parallel_loop3A_1280, %parallel_loop3A_1283 : i32
      %parallel_loop3A_1285 = arith.constant 0 : i32
      %parallel_loop3A_1286 = arith.cmpi sgt, %parallel_loop3A_1276, %parallel_loop3A_1285 : i32
      %parallel_loop3A_1287 = arith.extui %parallel_loop3A_1286 : i1 to i32
      %parallel_loop3A_1288 = arith.constant 0 : i32
      %parallel_loop3A_1289 = arith.cmpi slt, %parallel_loop3A_1276, %parallel_loop3A_1288 : i32
      %parallel_loop3A_1290 = arith.extui %parallel_loop3A_1289 : i1 to i32
      %parallel_loop3A_1291 = arith.subi %parallel_loop3A_1287, %parallel_loop3A_1290 : i32
      %parallel_loop3A_1292 = arith.cmpi ne, %parallel_loop3A_1284, %parallel_loop3A_1291 : i32
      %parallel_loop3A_1293 = arith.remsi %parallel_loop3A_1275, %parallel_loop3A_1276 : i32
      %parallel_loop3A_1294 = arith.constant 0 : i32
      %parallel_loop3A_1295 = arith.cmpi ne, %parallel_loop3A_1293, %parallel_loop3A_1294 : i32
      %parallel_loop3A_1296 = arith.andi %parallel_loop3A_1292, %parallel_loop3A_1295 : i1
      %parallel_loop3A_1297 = arith.constant 1 : i32
      %parallel_loop3A_1298 = arith.subi %parallel_loop3A_1277, %parallel_loop3A_1297 : i32
      %parallel_loop3A_1299 = arith.select %parallel_loop3A_1296, %parallel_loop3A_1298, %parallel_loop3A_1277 : i32
      %parallel_loop3A_1300 = arith.constant 512 : i32
      %parallel_loop3A_1301 = arith.constant 0 : i32
      %parallel_loop3A_1302 = arith.cmpi eq, %parallel_loop3A_1300, %parallel_loop3A_1301 : i32
      %parallel_loop3A_1303 = arith.constant 1 : i32
      %parallel_loop3A_1304 = arith.select %parallel_loop3A_1302, %parallel_loop3A_1303, %parallel_loop3A_1300 : i32
      %parallel_loop3A_1305 = arith.remsi %parallel_loop3A_1275, %parallel_loop3A_1304 : i32
      %parallel_loop3A_1306 = arith.constant 0 : i32
      %parallel_loop3A_1307 = arith.cmpi ne, %parallel_loop3A_1305, %parallel_loop3A_1306 : i32
      %parallel_loop3A_1308 = arith.constant 0 : i32
      %parallel_loop3A_1309 = arith.cmpi slt, %parallel_loop3A_1305, %parallel_loop3A_1308 : i32
      %parallel_loop3A_1310 = arith.constant 0 : i32
      %parallel_loop3A_1311 = arith.cmpi slt, %parallel_loop3A_1304, %parallel_loop3A_1310 : i32
      %parallel_loop3A_1312 = arith.xori %parallel_loop3A_1309, %parallel_loop3A_1311 : i1
      %parallel_loop3A_1313 = arith.andi %parallel_loop3A_1312, %parallel_loop3A_1307 : i1
      %parallel_loop3A_1314 = arith.addi %parallel_loop3A_1305, %parallel_loop3A_1304 : i32
      %parallel_loop3A_1315 = arith.select %parallel_loop3A_1313, %parallel_loop3A_1314, %parallel_loop3A_1305 : i32
      %parallel_loop3A_1316 = arith.index_cast %parallel_loop3A_1299 : i32 to index
      %parallel_loop3A_1317 = arith.index_cast %parallel_loop3A_1315 : i32 to index
      %parallel_loop3A_1318 = tpu.vector_load %arg5[%parallel_loop3A_1316, %parallel_loop3A_1317] {strides = array<i32>} : memref<64x512xf32, #tpu.memory_space<vmem>>, vector<16xf32>,
      %parallel_loop3A_1319 = arith.constant 2.550000e+02 : f32
      %parallel_loop3A_1320 = vector.broadcast %parallel_loop3A_1319 : f32 to vector<16xf32>
      %parallel_loop3A_1321 = arith.mulf %parallel_loop3A_1318, %parallel_loop3A_1320 : vector<16xf32>
      %parallel_loop3A_1322 = arith.fptosi %parallel_loop3A_1321 : vector<16xf32> to vector<16xi32>
      %parallel_loop3A_1323 = arith.constant 16 : i32
      %parallel_loop3A_1324 = vector.broadcast %parallel_loop3A_1323 : i32 to vector<16xi32>
      %parallel_loop3A_1325 = arith.muli %parallel_loop3A_1322, %parallel_loop3A_1324 : vector<16xi32>
      %parallel_loop3A_1326 = arith.addi %parallel_loop3A_1325, %iota3A : vector<16xi32>
      tpu.vector_store_idx %arg9[%parallel_loop3A_1326], %broadcast_in_dim3A_1 {add = true} : memref<4096xf32, #tpu.memory_space<vmem>>[vector<16xi32>], vector<16xf32>,
    } {sc.loop_unroll_factor = 8 : i64, sc.parallel_access}
    %dma_start3A_1119 = arith.constant 0 : i32
    %dma_start3A_1120 = tpu.memref_slice %arg4[%add3A_541, %dma_start3A_1119] : memref<192x4096xf32, #tpu.memory_space<hbm>> -> memref<1x4096xf32, #tpu.memory_space<hbm>>
    %dma_start3A_1121 = tpu.memref_squeeze %dma_start3A_1120 : memref<1x4096xf32, #tpu.memory_space<hbm>> -> memref<4096xf32, #tpu.memory_space<hbm>>
    %dma_start3A_1122 = arith.constant 0 : i32
    %dma_start3A_1123 = tpu.memref_slice %arg4[%add3A_541, %dma_start3A_1122] : memref<192x4096xf32, #tpu.memory_space<hbm>> -> memref<1x4096xf32, #tpu.memory_space<hbm>>
    %dma_start3A_1124 = tpu.memref_squeeze %dma_start3A_1123 : memref<1x4096xf32, #tpu.memory_space<hbm>> -> memref<4096xf32, #tpu.memory_space<hbm>>
    tpu.enqueue_dma source(%arg9 : memref<4096xf32, #tpu.memory_space<vmem>>) target(%dma_start3A_1124 : memref<4096xf32, #tpu.memory_space<hbm>>) target_semaphore(%arg14 : memref<!tpu.dma_semaphore, #tpu.memory_space<semaphore_mem>>)
    %dma_start3A_1125 = arith.constant 0 : i32
    %dma_start3A_1126 = tpu.memref_slice %arg3[%select_n3A_601, %select_n3A_617, %add3A_686, %dma_start3A_1125] : memref<16x3x512x512xf32, #tpu.memory_space<hbm>> -> memref<1x1x64x512xf32, #tpu.memory_space<hbm>>
    %dma_start3A_1127 = tpu.memref_squeeze %dma_start3A_1126 : memref<1x1x64x512xf32, #tpu.memory_space<hbm>> -> memref<64x512xf32, #tpu.memory_space<hbm>>
    %dma_start3A_1128 = arith.constant 0 : i32
    %dma_start3A_1129 = tpu.memref_slice %arg3[%select_n3A_601, %select_n3A_617, %add3A_686, %dma_start3A_1128] : memref<16x3x512x512xf32, #tpu.memory_space<hbm>> -> memref<1x1x64x512xf32, #tpu.memory_space<hbm>>
    %dma_start3A_1130 = tpu.memref_squeeze %dma_start3A_1129 : memref<1x1x64x512xf32, #tpu.memory_space<hbm>> -> memref<64x512xf32, #tpu.memory_space<hbm>>
    tpu.enqueue_dma source(%dma_start3A_1130 : memref<64x512xf32, #tpu.memory_space<hbm>>) target(%arg5 : memref<64x512xf32, #tpu.memory_space<vmem>>) target_semaphore(%arg10 : memref<!tpu.dma_semaphore, #tpu.memory_space<semaphore_mem>>)
    %dma_wait3A_1131 = arith.constant 0 : i32
    %dma_wait3A_1132 = tpu.memref_slice %arg4[%add3A_402, %dma_wait3A_1131] : memref<192x4096xf32, #tpu.memory_space<hbm>> -> memref<1x4096xf32, #tpu.memory_space<hbm>>
    %dma_wait3A_1133 = tpu.memref_squeeze %dma_wait3A_1132 : memref<1x4096xf32, #tpu.memory_space<hbm>> -> memref<4096xf32, #tpu.memory_space<hbm>>
    %dma_wait3A_1134 = arith.constant 0 : i32
    %dma_wait3A_1135 = tpu.memref_slice %arg4[%add3A_402, %dma_wait3A_1134] : memref<192x4096xf32, #tpu.memory_space<hbm>> -> memref<1x4096xf32, #tpu.memory_space<hbm>>
    %dma_wait3A_1136 = tpu.memref_squeeze %dma_wait3A_1135 : memref<1x4096xf32, #tpu.memory_space<hbm>> -> memref<4096xf32, #tpu.memory_space<hbm>>
    tpu.wait_dma2 semaphore(%arg13 : memref<!tpu.dma_semaphore, #tpu.memory_space<semaphore_mem>>) src(%arg8 : memref<4096xf32, #tpu.memory_space<vmem>>) dst(%dma_wait3A_1136 : memref<4096xf32, #tpu.memory_space<hbm>>)
    %parallel_loop3A_1137 = arith.constant 0 : i32
    %parallel_loop3A_1138 = arith.constant 4096 : i32
    %parallel_loop3A_1139 = arith.constant 16 : i32
    scf.for %parallel_loop3A_1275 = %parallel_loop3A_1137 to %parallel_loop3A_1138 step %parallel_loop3A_1139  : i32 {
      %parallel_loop3A_1276 = arith.index_cast %parallel_loop3A_1275 : i32 to index
      %parallel_loop3A_1277 = tpu.vector_load %arg8[%parallel_loop3A_1276] {strides = array<i32>} : memref<4096xf32, #tpu.memory_space<vmem>>, vector<16xf32>,
      tpu.vector_store %arg8[%parallel_loop3A_1276], %broadcast_in_dim3A_3 {strides = array<i32>} : memref<4096xf32, #tpu.memory_space<vmem>>, vector<16xf32>,
    } {sc.loop_unroll_factor = 8 : i64, sc.parallel_access}
    %dma_wait3A_1140 = arith.constant 0 : i32
    %dma_wait3A_1141 = tpu.memref_slice %arg3[%select_n3A_601, %select_n3A_617, %add3A_682, %dma_wait3A_1140] : memref<16x3x512x512xf32, #tpu.memory_space<hbm>> -> memref<1x1x64x512xf32, #tpu.memory_space<hbm>>
    %dma_wait3A_1142 = tpu.memref_squeeze %dma_wait3A_1141 : memref<1x1x64x512xf32, #tpu.memory_space<hbm>> -> memref<64x512xf32, #tpu.memory_space<hbm>>
    %dma_wait3A_1143 = arith.constant 0 : i32
    %dma_wait3A_1144 = tpu.memref_slice %arg3[%select_n3A_601, %select_n3A_617, %add3A_682, %dma_wait3A_1143] : memref<16x3x512x512xf32, #tpu.memory_space<hbm>> -> memref<1x1x64x512xf32, #tpu.memory_space<hbm>>
    %dma_wait3A_1145 = tpu.memref_squeeze %dma_wait3A_1144 : memref<1x1x64x512xf32, #tpu.memory_space<hbm>> -> memref<64x512xf32, #tpu.memory_space<hbm>>
    tpu.wait_dma2 semaphore(%arg11 : memref<!tpu.dma_semaphore, #tpu.memory_space<semaphore_mem>>) src(%dma_wait3A_1145 : memref<64x512xf32, #tpu.memory_space<hbm>>) dst(%arg6 : memref<64x512xf32, #tpu.memory_space<vmem>>)
    %parallel_loop3A_1146 = arith.constant 0 : i32
    %parallel_loop3A_1147 = arith.constant 32768 : i32
    %parallel_loop3A_1148 = arith.constant 16 : i32
    scf.for %parallel_loop3A_1275 = %parallel_loop3A_1146 to %parallel_loop3A_1147 step %parallel_loop3A_1148  : i32 {
      %parallel_loop3A_1276 = arith.constant 512 : i32
      %parallel_loop3A_1277 = arith.divsi %parallel_loop3A_1275, %parallel_loop3A_1276 : i32
      %parallel_loop3A_1278 = arith.constant 0 : i32
      %parallel_loop3A_1279 = arith.cmpi sgt, %parallel_loop3A_1275, %parallel_loop3A_1278 : i32
      %parallel_loop3A_1280 = arith.extui %parallel_loop3A_1279 : i1 to i32
      %parallel_loop3A_1281 = arith.constant 0 : i32
      %parallel_loop3A_1282 = arith.cmpi slt, %parallel_loop3A_1275, %parallel_loop3A_1281 : i32
      %parallel_loop3A_1283 = arith.extui %parallel_loop3A_1282 : i1 to i32
      %parallel_loop3A_1284 = arith.subi %parallel_loop3A_1280, %parallel_loop3A_1283 : i32
      %parallel_loop3A_1285 = arith.constant 0 : i32
      %parallel_loop3A_1286 = arith.cmpi sgt, %parallel_loop3A_1276, %parallel_loop3A_1285 : i32
      %parallel_loop3A_1287 = arith.extui %parallel_loop3A_1286 : i1 to i32
      %parallel_loop3A_1288 = arith.constant 0 : i32
      %parallel_loop3A_1289 = arith.cmpi slt, %parallel_loop3A_1276, %parallel_loop3A_1288 : i32
      %parallel_loop3A_1290 = arith.extui %parallel_loop3A_1289 : i1 to i32
      %parallel_loop3A_1291 = arith.subi %parallel_loop3A_1287, %parallel_loop3A_1290 : i32
      %parallel_loop3A_1292 = arith.cmpi ne, %parallel_loop3A_1284, %parallel_loop3A_1291 : i32
      %parallel_loop3A_1293 = arith.remsi %parallel_loop3A_1275, %parallel_loop3A_1276 : i32
      %parallel_loop3A_1294 = arith.constant 0 : i32
      %parallel_loop3A_1295 = arith.cmpi ne, %parallel_loop3A_1293, %parallel_loop3A_1294 : i32
      %parallel_loop3A_1296 = arith.andi %parallel_loop3A_1292, %parallel_loop3A_1295 : i1
      %parallel_loop3A_1297 = arith.constant 1 : i32
      %parallel_loop3A_1298 = arith.subi %parallel_loop3A_1277, %parallel_loop3A_1297 : i32
      %parallel_loop3A_1299 = arith.select %parallel_loop3A_1296, %parallel_loop3A_1298, %parallel_loop3A_1277 : i32
      %parallel_loop3A_1300 = arith.constant 512 : i32
      %parallel_loop3A_1301 = arith.constant 0 : i32
      %parallel_loop3A_1302 = arith.cmpi eq, %parallel_loop3A_1300, %parallel_loop3A_1301 : i32
      %parallel_loop3A_1303 = arith.constant 1 : i32
      %parallel_loop3A_1304 = arith.select %parallel_loop3A_1302, %parallel_loop3A_1303, %parallel_loop3A_1300 : i32
      %parallel_loop3A_1305 = arith.remsi %parallel_loop3A_1275, %parallel_loop3A_1304 : i32
      %parallel_loop3A_1306 = arith.constant 0 : i32
      %parallel_loop3A_1307 = arith.cmpi ne, %parallel_loop3A_1305, %parallel_loop3A_1306 : i32
      %parallel_loop3A_1308 = arith.constant 0 : i32
      %parallel_loop3A_1309 = arith.cmpi slt, %parallel_loop3A_1305, %parallel_loop3A_1308 : i32
      %parallel_loop3A_1310 = arith.constant 0 : i32
      %parallel_loop3A_1311 = arith.cmpi slt, %parallel_loop3A_1304, %parallel_loop3A_1310 : i32
      %parallel_loop3A_1312 = arith.xori %parallel_loop3A_1309, %parallel_loop3A_1311 : i1
      %parallel_loop3A_1313 = arith.andi %parallel_loop3A_1312, %parallel_loop3A_1307 : i1
      %parallel_loop3A_1314 = arith.addi %parallel_loop3A_1305, %parallel_loop3A_1304 : i32
      %parallel_loop3A_1315 = arith.select %parallel_loop3A_1313, %parallel_loop3A_1314, %parallel_loop3A_1305 : i32
      %parallel_loop3A_1316 = arith.index_cast %parallel_loop3A_1299 : i32 to index
      %parallel_loop3A_1317 = arith.index_cast %parallel_loop3A_1315 : i32 to index
      %parallel_loop3A_1318 = tpu.vector_load %arg6[%parallel_loop3A_1316, %parallel_loop3A_1317] {strides = array<i32>} : memref<64x512xf32, #tpu.memory_space<vmem>>, vector<16xf32>,
      %parallel_loop3A_1319 = arith.constant 2.550000e+02 : f32
      %parallel_loop3A_1320 = vector.broadcast %parallel_loop3A_1319 : f32 to vector<16xf32>
      %parallel_loop3A_1321 = arith.mulf %parallel_loop3A_1318, %parallel_loop3A_1320 : vector<16xf32>
      %parallel_loop3A_1322 = arith.fptosi %parallel_loop3A_1321 : vector<16xf32> to vector<16xi32>
      %parallel_loop3A_1323 = arith.constant 16 : i32
      %parallel_loop3A_1324 = vector.broadcast %parallel_loop3A_1323 : i32 to vector<16xi32>
      %parallel_loop3A_1325 = arith.muli %parallel_loop3A_1322, %parallel_loop3A_1324 : vector<16xi32>
      %parallel_loop3A_1326 = arith.addi %parallel_loop3A_1325, %iota3A : vector<16xi32>
      tpu.vector_store_idx %arg8[%parallel_loop3A_1326], %broadcast_in_dim3A_1 {add = true} : memref<4096xf32, #tpu.memory_space<vmem>>[vector<16xi32>], vector<16xf32>,
    } {sc.loop_unroll_factor = 8 : i64, sc.parallel_access}
    %dma_start3A_1149 = arith.constant 0 : i32
    %dma_start3A_1150 = tpu.memref_slice %arg3[%select_n3A_601, %select_n3A_617, %add3A_688, %dma_start3A_1149] : memref<16x3x512x512xf32, #tpu.memory_space<hbm>> -> memref<1x1x64x512xf32, #tpu.memory_space<hbm>>
    %dma_start3A_1151 = tpu.memref_squeeze %dma_start3A_1150 : memref<1x1x64x512xf32, #tpu.memory_space<hbm>> -> memref<64x512xf32, #tpu.memory_space<hbm>>
    %dma_start3A_1152 = arith.constant 0 : i32
    %dma_start3A_1153 = tpu.memref_slice %arg3[%select_n3A_601, %select_n3A_617, %add3A_688, %dma_start3A_1152] : memref<16x3x512x512xf32, #tpu.memory_space<hbm>> -> memref<1x1x64x512xf32, #tpu.memory_space<hbm>>
    %dma_start3A_1154 = tpu.memref_squeeze %dma_start3A_1153 : memref<1x1x64x512xf32, #tpu.memory_space<hbm>> -> memref<64x512xf32, #tpu.memory_space<hbm>>
    tpu.enqueue_dma source(%dma_start3A_1154 : memref<64x512xf32, #tpu.memory_space<hbm>>) target(%arg6 : memref<64x512xf32, #tpu.memory_space<vmem>>) target_semaphore(%arg11 : memref<!tpu.dma_semaphore, #tpu.memory_space<semaphore_mem>>)
    %dma_wait3A_1155 = arith.constant 0 : i32
    %dma_wait3A_1156 = tpu.memref_slice %arg3[%select_n3A_601, %select_n3A_617, %add3A_684, %dma_wait3A_1155] : memref<16x3x512x512xf32, #tpu.memory_space<hbm>> -> memref<1x1x64x512xf32, #tpu.memory_space<hbm>>
    %dma_wait3A_1157 = tpu.memref_squeeze %dma_wait3A_1156 : memref<1x1x64x512xf32, #tpu.memory_space<hbm>> -> memref<64x512xf32, #tpu.memory_space<hbm>>
    %dma_wait3A_1158 = arith.constant 0 : i32
    %dma_wait3A_1159 = tpu.memref_slice %arg3[%select_n3A_601, %select_n3A_617, %add3A_684, %dma_wait3A_1158] : memref<16x3x512x512xf32, #tpu.memory_space<hbm>> -> memref<1x1x64x512xf32, #tpu.memory_space<hbm>>
    %dma_wait3A_1160 = tpu.memref_squeeze %dma_wait3A_1159 : memref<1x1x64x512xf32, #tpu.memory_space<hbm>> -> memref<64x512xf32, #tpu.memory_space<hbm>>
    tpu.wait_dma2 semaphore(%arg12 : memref<!tpu.dma_semaphore, #tpu.memory_space<semaphore_mem>>) src(%dma_wait3A_1160 : memref<64x512xf32, #tpu.memory_space<hbm>>) dst(%arg7 : memref<64x512xf32, #tpu.memory_space<vmem>>)
    %parallel_loop3A_1161 = arith.constant 0 : i32
    %parallel_loop3A_1162 = arith.constant 32768 : i32
    %parallel_loop3A_1163 = arith.constant 16 : i32
    scf.for %parallel_loop3A_1275 = %parallel_loop3A_1161 to %parallel_loop3A_1162 step %parallel_loop3A_1163  : i32 {
      %parallel_loop3A_1276 = arith.constant 512 : i32
      %parallel_loop3A_1277 = arith.divsi %parallel_loop3A_1275, %parallel_loop3A_1276 : i32
      %parallel_loop3A_1278 = arith.constant 0 : i32
      %parallel_loop3A_1279 = arith.cmpi sgt, %parallel_loop3A_1275, %parallel_loop3A_1278 : i32
      %parallel_loop3A_1280 = arith.extui %parallel_loop3A_1279 : i1 to i32
      %parallel_loop3A_1281 = arith.constant 0 : i32
      %parallel_loop3A_1282 = arith.cmpi slt, %parallel_loop3A_1275, %parallel_loop3A_1281 : i32
      %parallel_loop3A_1283 = arith.extui %parallel_loop3A_1282 : i1 to i32
      %parallel_loop3A_1284 = arith.subi %parallel_loop3A_1280, %parallel_loop3A_1283 : i32
      %parallel_loop3A_1285 = arith.constant 0 : i32
      %parallel_loop3A_1286 = arith.cmpi sgt, %parallel_loop3A_1276, %parallel_loop3A_1285 : i32
      %parallel_loop3A_1287 = arith.extui %parallel_loop3A_1286 : i1 to i32
      %parallel_loop3A_1288 = arith.constant 0 : i32
      %parallel_loop3A_1289 = arith.cmpi slt, %parallel_loop3A_1276, %parallel_loop3A_1288 : i32
      %parallel_loop3A_1290 = arith.extui %parallel_loop3A_1289 : i1 to i32
      %parallel_loop3A_1291 = arith.subi %parallel_loop3A_1287, %parallel_loop3A_1290 : i32
      %parallel_loop3A_1292 = arith.cmpi ne, %parallel_loop3A_1284, %parallel_loop3A_1291 : i32
      %parallel_loop3A_1293 = arith.remsi %parallel_loop3A_1275, %parallel_loop3A_1276 : i32
      %parallel_loop3A_1294 = arith.constant 0 : i32
      %parallel_loop3A_1295 = arith.cmpi ne, %parallel_loop3A_1293, %parallel_loop3A_1294 : i32
      %parallel_loop3A_1296 = arith.andi %parallel_loop3A_1292, %parallel_loop3A_1295 : i1
      %parallel_loop3A_1297 = arith.constant 1 : i32
      %parallel_loop3A_1298 = arith.subi %parallel_loop3A_1277, %parallel_loop3A_1297 : i32
      %parallel_loop3A_1299 = arith.select %parallel_loop3A_1296, %parallel_loop3A_1298, %parallel_loop3A_1277 : i32
      %parallel_loop3A_1300 = arith.constant 512 : i32
      %parallel_loop3A_1301 = arith.constant 0 : i32
      %parallel_loop3A_1302 = arith.cmpi eq, %parallel_loop3A_1300, %parallel_loop3A_1301 : i32
      %parallel_loop3A_1303 = arith.constant 1 : i32
      %parallel_loop3A_1304 = arith.select %parallel_loop3A_1302, %parallel_loop3A_1303, %parallel_loop3A_1300 : i32
      %parallel_loop3A_1305 = arith.remsi %parallel_loop3A_1275, %parallel_loop3A_1304 : i32
      %parallel_loop3A_1306 = arith.constant 0 : i32
      %parallel_loop3A_1307 = arith.cmpi ne, %parallel_loop3A_1305, %parallel_loop3A_1306 : i32
      %parallel_loop3A_1308 = arith.constant 0 : i32
      %parallel_loop3A_1309 = arith.cmpi slt, %parallel_loop3A_1305, %parallel_loop3A_1308 : i32
      %parallel_loop3A_1310 = arith.constant 0 : i32
      %parallel_loop3A_1311 = arith.cmpi slt, %parallel_loop3A_1304, %parallel_loop3A_1310 : i32
      %parallel_loop3A_1312 = arith.xori %parallel_loop3A_1309, %parallel_loop3A_1311 : i1
      %parallel_loop3A_1313 = arith.andi %parallel_loop3A_1312, %parallel_loop3A_1307 : i1
      %parallel_loop3A_1314 = arith.addi %parallel_loop3A_1305, %parallel_loop3A_1304 : i32
      %parallel_loop3A_1315 = arith.select %parallel_loop3A_1313, %parallel_loop3A_1314, %parallel_loop3A_1305 : i32
      %parallel_loop3A_1316 = arith.index_cast %parallel_loop3A_1299 : i32 to index
      %parallel_loop3A_1317 = arith.index_cast %parallel_loop3A_1315 : i32 to index
      %parallel_loop3A_1318 = tpu.vector_load %arg7[%parallel_loop3A_1316, %parallel_loop3A_1317] {strides = array<i32>} : memref<64x512xf32, #tpu.memory_space<vmem>>, vector<16xf32>,
      %parallel_loop3A_1319 = arith.constant 2.550000e+02 : f32
      %parallel_loop3A_1320 = vector.broadcast %parallel_loop3A_1319 : f32 to vector<16xf32>
      %parallel_loop3A_1321 = arith.mulf %parallel_loop3A_1318, %parallel_loop3A_1320 : vector<16xf32>
      %parallel_loop3A_1322 = arith.fptosi %parallel_loop3A_1321 : vector<16xf32> to vector<16xi32>
      %parallel_loop3A_1323 = arith.constant 16 : i32
      %parallel_loop3A_1324 = vector.broadcast %parallel_loop3A_1323 : i32 to vector<16xi32>
      %parallel_loop3A_1325 = arith.muli %parallel_loop3A_1322, %parallel_loop3A_1324 : vector<16xi32>
      %parallel_loop3A_1326 = arith.addi %parallel_loop3A_1325, %iota3A : vector<16xi32>
      tpu.vector_store_idx %arg8[%parallel_loop3A_1326], %broadcast_in_dim3A_1 {add = true} : memref<4096xf32, #tpu.memory_space<vmem>>[vector<16xi32>], vector<16xf32>,
    } {sc.loop_unroll_factor = 8 : i64, sc.parallel_access}
    %dma_start3A_1164 = arith.constant 0 : i32
    %dma_start3A_1165 = tpu.memref_slice %arg3[%select_n3A_740, %select_n3A_756, %add3A_821, %dma_start3A_1164] : memref<16x3x512x512xf32, #tpu.memory_space<hbm>> -> memref<1x1x64x512xf32, #tpu.memory_space<hbm>>
    %dma_start3A_1166 = tpu.memref_squeeze %dma_start3A_1165 : memref<1x1x64x512xf32, #tpu.memory_space<hbm>> -> memref<64x512xf32, #tpu.memory_space<hbm>>
    %dma_start3A_1167 = arith.constant 0 : i32
    %dma_start3A_1168 = tpu.memref_slice %arg3[%select_n3A_740, %select_n3A_756, %add3A_821, %dma_start3A_1167] : memref<16x3x512x512xf32, #tpu.memory_space<hbm>> -> memref<1x1x64x512xf32, #tpu.memory_space<hbm>>
    %dma_start3A_1169 = tpu.memref_squeeze %dma_start3A_1168 : memref<1x1x64x512xf32, #tpu.memory_space<hbm>> -> memref<64x512xf32, #tpu.memory_space<hbm>>
    tpu.enqueue_dma source(%dma_start3A_1169 : memref<64x512xf32, #tpu.memory_space<hbm>>) target(%arg7 : memref<64x512xf32, #tpu.memory_space<vmem>>) target_semaphore(%arg12 : memref<!tpu.dma_semaphore, #tpu.memory_space<semaphore_mem>>)
    %dma_wait3A_1170 = arith.constant 0 : i32
    %dma_wait3A_1171 = tpu.memref_slice %arg3[%select_n3A_601, %select_n3A_617, %add3A_686, %dma_wait3A_1170] : memref<16x3x512x512xf32, #tpu.memory_space<hbm>> -> memref<1x1x64x512xf32, #tpu.memory_space<hbm>>
    %dma_wait3A_1172 = tpu.memref_squeeze %dma_wait3A_1171 : memref<1x1x64x512xf32, #tpu.memory_space<hbm>> -> memref<64x512xf32, #tpu.memory_space<hbm>>
    %dma_wait3A_1173 = arith.constant 0 : i32
    %dma_wait3A_1174 = tpu.memref_slice %arg3[%select_n3A_601, %select_n3A_617, %add3A_686, %dma_wait3A_1173] : memref<16x3x512x512xf32, #tpu.memory_space<hbm>> -> memref<1x1x64x512xf32, #tpu.memory_space<hbm>>
    %dma_wait3A_1175 = tpu.memref_squeeze %dma_wait3A_1174 : memref<1x1x64x512xf32, #tpu.memory_space<hbm>> -> memref<64x512xf32, #tpu.memory_space<hbm>>
    tpu.wait_dma2 semaphore(%arg10 : memref<!tpu.dma_semaphore, #tpu.memory_space<semaphore_mem>>) src(%dma_wait3A_1175 : memref<64x512xf32, #tpu.memory_space<hbm>>) dst(%arg5 : memref<64x512xf32, #tpu.memory_space<vmem>>)
    %parallel_loop3A_1176 = arith.constant 0 : i32
    %parallel_loop3A_1177 = arith.constant 32768 : i32
    %parallel_loop3A_1178 = arith.constant 16 : i32
    scf.for %parallel_loop3A_1275 = %parallel_loop3A_1176 to %parallel_loop3A_1177 step %parallel_loop3A_1178  : i32 {
      %parallel_loop3A_1276 = arith.constant 512 : i32
      %parallel_loop3A_1277 = arith.divsi %parallel_loop3A_1275, %parallel_loop3A_1276 : i32
      %parallel_loop3A_1278 = arith.constant 0 : i32
      %parallel_loop3A_1279 = arith.cmpi sgt, %parallel_loop3A_1275, %parallel_loop3A_1278 : i32
      %parallel_loop3A_1280 = arith.extui %parallel_loop3A_1279 : i1 to i32
      %parallel_loop3A_1281 = arith.constant 0 : i32
      %parallel_loop3A_1282 = arith.cmpi slt, %parallel_loop3A_1275, %parallel_loop3A_1281 : i32
      %parallel_loop3A_1283 = arith.extui %parallel_loop3A_1282 : i1 to i32
      %parallel_loop3A_1284 = arith.subi %parallel_loop3A_1280, %parallel_loop3A_1283 : i32
      %parallel_loop3A_1285 = arith.constant 0 : i32
      %parallel_loop3A_1286 = arith.cmpi sgt, %parallel_loop3A_1276, %parallel_loop3A_1285 : i32
      %parallel_loop3A_1287 = arith.extui %parallel_loop3A_1286 : i1 to i32
      %parallel_loop3A_1288 = arith.constant 0 : i32
      %parallel_loop3A_1289 = arith.cmpi slt, %parallel_loop3A_1276, %parallel_loop3A_1288 : i32
      %parallel_loop3A_1290 = arith.extui %parallel_loop3A_1289 : i1 to i32
      %parallel_loop3A_1291 = arith.subi %parallel_loop3A_1287, %parallel_loop3A_1290 : i32
      %parallel_loop3A_1292 = arith.cmpi ne, %parallel_loop3A_1284, %parallel_loop3A_1291 : i32
      %parallel_loop3A_1293 = arith.remsi %parallel_loop3A_1275, %parallel_loop3A_1276 : i32
      %parallel_loop3A_1294 = arith.constant 0 : i32
      %parallel_loop3A_1295 = arith.cmpi ne, %parallel_loop3A_1293, %parallel_loop3A_1294 : i32
      %parallel_loop3A_1296 = arith.andi %parallel_loop3A_1292, %parallel_loop3A_1295 : i1
      %parallel_loop3A_1297 = arith.constant 1 : i32
      %parallel_loop3A_1298 = arith.subi %parallel_loop3A_1277, %parallel_loop3A_1297 : i32
      %parallel_loop3A_1299 = arith.select %parallel_loop3A_1296, %parallel_loop3A_1298, %parallel_loop3A_1277 : i32
      %parallel_loop3A_1300 = arith.constant 512 : i32
      %parallel_loop3A_1301 = arith.constant 0 : i32
      %parallel_loop3A_1302 = arith.cmpi eq, %parallel_loop3A_1300, %parallel_loop3A_1301 : i32
      %parallel_loop3A_1303 = arith.constant 1 : i32
      %parallel_loop3A_1304 = arith.select %parallel_loop3A_1302, %parallel_loop3A_1303, %parallel_loop3A_1300 : i32
      %parallel_loop3A_1305 = arith.remsi %parallel_loop3A_1275, %parallel_loop3A_1304 : i32
      %parallel_loop3A_1306 = arith.constant 0 : i32
      %parallel_loop3A_1307 = arith.cmpi ne, %parallel_loop3A_1305, %parallel_loop3A_1306 : i32
      %parallel_loop3A_1308 = arith.constant 0 : i32
      %parallel_loop3A_1309 = arith.cmpi slt, %parallel_loop3A_1305, %parallel_loop3A_1308 : i32
      %parallel_loop3A_1310 = arith.constant 0 : i32
      %parallel_loop3A_1311 = arith.cmpi slt, %parallel_loop3A_1304, %parallel_loop3A_1310 : i32
      %parallel_loop3A_1312 = arith.xori %parallel_loop3A_1309, %parallel_loop3A_1311 : i1
      %parallel_loop3A_1313 = arith.andi %parallel_loop3A_1312, %parallel_loop3A_1307 : i1
      %parallel_loop3A_1314 = arith.addi %parallel_loop3A_1305, %parallel_loop3A_1304 : i32
      %parallel_loop3A_1315 = arith.select %parallel_loop3A_1313, %parallel_loop3A_1314, %parallel_loop3A_1305 : i32
      %parallel_loop3A_1316 = arith.index_cast %parallel_loop3A_1299 : i32 to index
      %parallel_loop3A_1317 = arith.index_cast %parallel_loop3A_1315 : i32 to index
      %parallel_loop3A_1318 = tpu.vector_load %arg5[%parallel_loop3A_1316, %parallel_loop3A_1317] {strides = array<i32>} : memref<64x512xf32, #tpu.memory_space<vmem>>, vector<16xf32>,
      %parallel_loop3A_1319 = arith.constant 2.550000e+02 : f32
      %parallel_loop3A_1320 = vector.broadcast %parallel_loop3A_1319 : f32 to vector<16xf32>
      %parallel_loop3A_1321 = arith.mulf %parallel_loop3A_1318, %parallel_loop3A_1320 : vector<16xf32>
      %parallel_loop3A_1322 = arith.fptosi %parallel_loop3A_1321 : vector<16xf32> to vector<16xi32>
      %parallel_loop3A_1323 = arith.constant 16 : i32
      %parallel_loop3A_1324 = vector.broadcast %parallel_loop3A_1323 : i32 to vector<16xi32>
      %parallel_loop3A_1325 = arith.muli %parallel_loop3A_1322, %parallel_loop3A_1324 : vector<16xi32>
      %parallel_loop3A_1326 = arith.addi %parallel_loop3A_1325, %iota3A : vector<16xi32>
      tpu.vector_store_idx %arg8[%parallel_loop3A_1326], %broadcast_in_dim3A_1 {add = true} : memref<4096xf32, #tpu.memory_space<vmem>>[vector<16xi32>], vector<16xf32>,
    } {sc.loop_unroll_factor = 8 : i64, sc.parallel_access}
    %dma_start3A_1179 = arith.constant 0 : i32
    %dma_start3A_1180 = tpu.memref_slice %arg3[%select_n3A_740, %select_n3A_756, %add3A_823, %dma_start3A_1179] : memref<16x3x512x512xf32, #tpu.memory_space<hbm>> -> memref<1x1x64x512xf32, #tpu.memory_space<hbm>>
    %dma_start3A_1181 = tpu.memref_squeeze %dma_start3A_1180 : memref<1x1x64x512xf32, #tpu.memory_space<hbm>> -> memref<64x512xf32, #tpu.memory_space<hbm>>
    %dma_start3A_1182 = arith.constant 0 : i32
    %dma_start3A_1183 = tpu.memref_slice %arg3[%select_n3A_740, %select_n3A_756, %add3A_823, %dma_start3A_1182] : memref<16x3x512x512xf32, #tpu.memory_space<hbm>> -> memref<1x1x64x512xf32, #tpu.memory_space<hbm>>
    %dma_start3A_1184 = tpu.memref_squeeze %dma_start3A_1183 : memref<1x1x64x512xf32, #tpu.memory_space<hbm>> -> memref<64x512xf32, #tpu.memory_space<hbm>>
    tpu.enqueue_dma source(%dma_start3A_1184 : memref<64x512xf32, #tpu.memory_space<hbm>>) target(%arg5 : memref<64x512xf32, #tpu.memory_space<vmem>>) target_semaphore(%arg10 : memref<!tpu.dma_semaphore, #tpu.memory_space<semaphore_mem>>)
    %dma_wait3A_1185 = arith.constant 0 : i32
    %dma_wait3A_1186 = tpu.memref_slice %arg3[%select_n3A_601, %select_n3A_617, %add3A_688, %dma_wait3A_1185] : memref<16x3x512x512xf32, #tpu.memory_space<hbm>> -> memref<1x1x64x512xf32, #tpu.memory_space<hbm>>
    %dma_wait3A_1187 = tpu.memref_squeeze %dma_wait3A_1186 : memref<1x1x64x512xf32, #tpu.memory_space<hbm>> -> memref<64x512xf32, #tpu.memory_space<hbm>>
    %dma_wait3A_1188 = arith.constant 0 : i32
    %dma_wait3A_1189 = tpu.memref_slice %arg3[%select_n3A_601, %select_n3A_617, %add3A_688, %dma_wait3A_1188] : memref<16x3x512x512xf32, #tpu.memory_space<hbm>> -> memref<1x1x64x512xf32, #tpu.memory_space<hbm>>
    %dma_wait3A_1190 = tpu.memref_squeeze %dma_wait3A_1189 : memref<1x1x64x512xf32, #tpu.memory_space<hbm>> -> memref<64x512xf32, #tpu.memory_space<hbm>>
    tpu.wait_dma2 semaphore(%arg11 : memref<!tpu.dma_semaphore, #tpu.memory_space<semaphore_mem>>) src(%dma_wait3A_1190 : memref<64x512xf32, #tpu.memory_space<hbm>>) dst(%arg6 : memref<64x512xf32, #tpu.memory_space<vmem>>)
    %parallel_loop3A_1191 = arith.constant 0 : i32
    %parallel_loop3A_1192 = arith.constant 32768 : i32
    %parallel_loop3A_1193 = arith.constant 16 : i32
    scf.for %parallel_loop3A_1275 = %parallel_loop3A_1191 to %parallel_loop3A_1192 step %parallel_loop3A_1193  : i32 {
      %parallel_loop3A_1276 = arith.constant 512 : i32
      %parallel_loop3A_1277 = arith.divsi %parallel_loop3A_1275, %parallel_loop3A_1276 : i32
      %parallel_loop3A_1278 = arith.constant 0 : i32
      %parallel_loop3A_1279 = arith.cmpi sgt, %parallel_loop3A_1275, %parallel_loop3A_1278 : i32
      %parallel_loop3A_1280 = arith.extui %parallel_loop3A_1279 : i1 to i32
      %parallel_loop3A_1281 = arith.constant 0 : i32
      %parallel_loop3A_1282 = arith.cmpi slt, %parallel_loop3A_1275, %parallel_loop3A_1281 : i32
      %parallel_loop3A_1283 = arith.extui %parallel_loop3A_1282 : i1 to i32
      %parallel_loop3A_1284 = arith.subi %parallel_loop3A_1280, %parallel_loop3A_1283 : i32
      %parallel_loop3A_1285 = arith.constant 0 : i32
      %parallel_loop3A_1286 = arith.cmpi sgt, %parallel_loop3A_1276, %parallel_loop3A_1285 : i32
      %parallel_loop3A_1287 = arith.extui %parallel_loop3A_1286 : i1 to i32
      %parallel_loop3A_1288 = arith.constant 0 : i32
      %parallel_loop3A_1289 = arith.cmpi slt, %parallel_loop3A_1276, %parallel_loop3A_1288 : i32
      %parallel_loop3A_1290 = arith.extui %parallel_loop3A_1289 : i1 to i32
      %parallel_loop3A_1291 = arith.subi %parallel_loop3A_1287, %parallel_loop3A_1290 : i32
      %parallel_loop3A_1292 = arith.cmpi ne, %parallel_loop3A_1284, %parallel_loop3A_1291 : i32
      %parallel_loop3A_1293 = arith.remsi %parallel_loop3A_1275, %parallel_loop3A_1276 : i32
      %parallel_loop3A_1294 = arith.constant 0 : i32
      %parallel_loop3A_1295 = arith.cmpi ne, %parallel_loop3A_1293, %parallel_loop3A_1294 : i32
      %parallel_loop3A_1296 = arith.andi %parallel_loop3A_1292, %parallel_loop3A_1295 : i1
      %parallel_loop3A_1297 = arith.constant 1 : i32
      %parallel_loop3A_1298 = arith.subi %parallel_loop3A_1277, %parallel_loop3A_1297 : i32
      %parallel_loop3A_1299 = arith.select %parallel_loop3A_1296, %parallel_loop3A_1298, %parallel_loop3A_1277 : i32
      %parallel_loop3A_1300 = arith.constant 512 : i32
      %parallel_loop3A_1301 = arith.constant 0 : i32
      %parallel_loop3A_1302 = arith.cmpi eq, %parallel_loop3A_1300, %parallel_loop3A_1301 : i32
      %parallel_loop3A_1303 = arith.constant 1 : i32
      %parallel_loop3A_1304 = arith.select %parallel_loop3A_1302, %parallel_loop3A_1303, %parallel_loop3A_1300 : i32
      %parallel_loop3A_1305 = arith.remsi %parallel_loop3A_1275, %parallel_loop3A_1304 : i32
      %parallel_loop3A_1306 = arith.constant 0 : i32
      %parallel_loop3A_1307 = arith.cmpi ne, %parallel_loop3A_1305, %parallel_loop3A_1306 : i32
      %parallel_loop3A_1308 = arith.constant 0 : i32
      %parallel_loop3A_1309 = arith.cmpi slt, %parallel_loop3A_1305, %parallel_loop3A_1308 : i32
      %parallel_loop3A_1310 = arith.constant 0 : i32
      %parallel_loop3A_1311 = arith.cmpi slt, %parallel_loop3A_1304, %parallel_loop3A_1310 : i32
      %parallel_loop3A_1312 = arith.xori %parallel_loop3A_1309, %parallel_loop3A_1311 : i1
      %parallel_loop3A_1313 = arith.andi %parallel_loop3A_1312, %parallel_loop3A_1307 : i1
      %parallel_loop3A_1314 = arith.addi %parallel_loop3A_1305, %parallel_loop3A_1304 : i32
      %parallel_loop3A_1315 = arith.select %parallel_loop3A_1313, %parallel_loop3A_1314, %parallel_loop3A_1305 : i32
      %parallel_loop3A_1316 = arith.index_cast %parallel_loop3A_1299 : i32 to index
      %parallel_loop3A_1317 = arith.index_cast %parallel_loop3A_1315 : i32 to index
      %parallel_loop3A_1318 = tpu.vector_load %arg6[%parallel_loop3A_1316, %parallel_loop3A_1317] {strides = array<i32>} : memref<64x512xf32, #tpu.memory_space<vmem>>, vector<16xf32>,
      %parallel_loop3A_1319 = arith.constant 2.550000e+02 : f32
      %parallel_loop3A_1320 = vector.broadcast %parallel_loop3A_1319 : f32 to vector<16xf32>
      %parallel_loop3A_1321 = arith.mulf %parallel_loop3A_1318, %parallel_loop3A_1320 : vector<16xf32>
      %parallel_loop3A_1322 = arith.fptosi %parallel_loop3A_1321 : vector<16xf32> to vector<16xi32>
      %parallel_loop3A_1323 = arith.constant 16 : i32
      %parallel_loop3A_1324 = vector.broadcast %parallel_loop3A_1323 : i32 to vector<16xi32>
      %parallel_loop3A_1325 = arith.muli %parallel_loop3A_1322, %parallel_loop3A_1324 : vector<16xi32>
      %parallel_loop3A_1326 = arith.addi %parallel_loop3A_1325, %iota3A : vector<16xi32>
      tpu.vector_store_idx %arg8[%parallel_loop3A_1326], %broadcast_in_dim3A_1 {add = true} : memref<4096xf32, #tpu.memory_space<vmem>>[vector<16xi32>], vector<16xf32>,
    } {sc.loop_unroll_factor = 8 : i64, sc.parallel_access}
    %dma_start3A_1194 = arith.constant 0 : i32
    %dma_start3A_1195 = tpu.memref_slice %arg4[%add3A_680, %dma_start3A_1194] : memref<192x4096xf32, #tpu.memory_space<hbm>> -> memref<1x4096xf32, #tpu.memory_space<hbm>>
    %dma_start3A_1196 = tpu.memref_squeeze %dma_start3A_1195 : memref<1x4096xf32, #tpu.memory_space<hbm>> -> memref<4096xf32, #tpu.memory_space<hbm>>
    %dma_start3A_1197 = arith.constant 0 : i32
    %dma_start3A_1198 = tpu.memref_slice %arg4[%add3A_680, %dma_start3A_1197] : memref<192x4096xf32, #tpu.memory_space<hbm>> -> memref<1x4096xf32, #tpu.memory_space<hbm>>
    %dma_start3A_1199 = tpu.memref_squeeze %dma_start3A_1198 : memref<1x4096xf32, #tpu.memory_space<hbm>> -> memref<4096xf32, #tpu.memory_space<hbm>>
    tpu.enqueue_dma source(%arg8 : memref<4096xf32, #tpu.memory_space<vmem>>) target(%dma_start3A_1199 : memref<4096xf32, #tpu.memory_space<hbm>>) target_semaphore(%arg13 : memref<!tpu.dma_semaphore, #tpu.memory_space<semaphore_mem>>)
    %dma_start3A_1200 = arith.constant 0 : i32
    %dma_start3A_1201 = tpu.memref_slice %arg3[%select_n3A_740, %select_n3A_756, %add3A_825, %dma_start3A_1200] : memref<16x3x512x512xf32, #tpu.memory_space<hbm>> -> memref<1x1x64x512xf32, #tpu.memory_space<hbm>>
    %dma_start3A_1202 = tpu.memref_squeeze %dma_start3A_1201 : memref<1x1x64x512xf32, #tpu.memory_space<hbm>> -> memref<64x512xf32, #tpu.memory_space<hbm>>
    %dma_start3A_1203 = arith.constant 0 : i32
    %dma_start3A_1204 = tpu.memref_slice %arg3[%select_n3A_740, %select_n3A_756, %add3A_825, %dma_start3A_1203] : memref<16x3x512x512xf32, #tpu.memory_space<hbm>> -> memref<1x1x64x512xf32, #tpu.memory_space<hbm>>
    %dma_start3A_1205 = tpu.memref_squeeze %dma_start3A_1204 : memref<1x1x64x512xf32, #tpu.memory_space<hbm>> -> memref<64x512xf32, #tpu.memory_space<hbm>>
    tpu.enqueue_dma source(%dma_start3A_1205 : memref<64x512xf32, #tpu.memory_space<hbm>>) target(%arg6 : memref<64x512xf32, #tpu.memory_space<vmem>>) target_semaphore(%arg11 : memref<!tpu.dma_semaphore, #tpu.memory_space<semaphore_mem>>)
    %dma_wait3A_1206 = arith.constant 0 : i32
    %dma_wait3A_1207 = tpu.memref_slice %arg4[%add3A_541, %dma_wait3A_1206] : memref<192x4096xf32, #tpu.memory_space<hbm>> -> memref<1x4096xf32, #tpu.memory_space<hbm>>
    %dma_wait3A_1208 = tpu.memref_squeeze %dma_wait3A_1207 : memref<1x4096xf32, #tpu.memory_space<hbm>> -> memref<4096xf32, #tpu.memory_space<hbm>>
    %dma_wait3A_1209 = arith.constant 0 : i32
    %dma_wait3A_1210 = tpu.memref_slice %arg4[%add3A_541, %dma_wait3A_1209] : memref<192x4096xf32, #tpu.memory_space<hbm>> -> memref<1x4096xf32, #tpu.memory_space<hbm>>
    %dma_wait3A_1211 = tpu.memref_squeeze %dma_wait3A_1210 : memref<1x4096xf32, #tpu.memory_space<hbm>> -> memref<4096xf32, #tpu.memory_space<hbm>>
    tpu.wait_dma2 semaphore(%arg14 : memref<!tpu.dma_semaphore, #tpu.memory_space<semaphore_mem>>) src(%arg9 : memref<4096xf32, #tpu.memory_space<vmem>>) dst(%dma_wait3A_1211 : memref<4096xf32, #tpu.memory_space<hbm>>)
    %parallel_loop3A_1212 = arith.constant 0 : i32
    %parallel_loop3A_1213 = arith.constant 4096 : i32
    %parallel_loop3A_1214 = arith.constant 16 : i32
    scf.for %parallel_loop3A_1275 = %parallel_loop3A_1212 to %parallel_loop3A_1213 step %parallel_loop3A_1214  : i32 {
      %parallel_loop3A_1276 = arith.index_cast %parallel_loop3A_1275 : i32 to index
      %parallel_loop3A_1277 = tpu.vector_load %arg9[%parallel_loop3A_1276] {strides = array<i32>} : memref<4096xf32, #tpu.memory_space<vmem>>, vector<16xf32>,
      tpu.vector_store %arg9[%parallel_loop3A_1276], %broadcast_in_dim3A_3 {strides = array<i32>} : memref<4096xf32, #tpu.memory_space<vmem>>, vector<16xf32>,
    } {sc.loop_unroll_factor = 8 : i64, sc.parallel_access}
    %dma_wait3A_1215 = arith.constant 0 : i32
    %dma_wait3A_1216 = tpu.memref_slice %arg3[%select_n3A_740, %select_n3A_756, %add3A_821, %dma_wait3A_1215] : memref<16x3x512x512xf32, #tpu.memory_space<hbm>> -> memref<1x1x64x512xf32, #tpu.memory_space<hbm>>
    %dma_wait3A_1217 = tpu.memref_squeeze %dma_wait3A_1216 : memref<1x1x64x512xf32, #tpu.memory_space<hbm>> -> memref<64x512xf32, #tpu.memory_space<hbm>>
    %dma_wait3A_1218 = arith.constant 0 : i32
    %dma_wait3A_1219 = tpu.memref_slice %arg3[%select_n3A_740, %select_n3A_756, %add3A_821, %dma_wait3A_1218] : memref<16x3x512x512xf32, #tpu.memory_space<hbm>> -> memref<1x1x64x512xf32, #tpu.memory_space<hbm>>
    %dma_wait3A_1220 = tpu.memref_squeeze %dma_wait3A_1219 : memref<1x1x64x512xf32, #tpu.memory_space<hbm>> -> memref<64x512xf32, #tpu.memory_space<hbm>>
    tpu.wait_dma2 semaphore(%arg12 : memref<!tpu.dma_semaphore, #tpu.memory_space<semaphore_mem>>) src(%dma_wait3A_1220 : memref<64x512xf32, #tpu.memory_space<hbm>>) dst(%arg7 : memref<64x512xf32, #tpu.memory_space<vmem>>)
    %parallel_loop3A_1221 = arith.constant 0 : i32
    %parallel_loop3A_1222 = arith.constant 32768 : i32
    %parallel_loop3A_1223 = arith.constant 16 : i32
    scf.for %parallel_loop3A_1275 = %parallel_loop3A_1221 to %parallel_loop3A_1222 step %parallel_loop3A_1223  : i32 {
      %parallel_loop3A_1276 = arith.constant 512 : i32
      %parallel_loop3A_1277 = arith.divsi %parallel_loop3A_1275, %parallel_loop3A_1276 : i32
      %parallel_loop3A_1278 = arith.constant 0 : i32
      %parallel_loop3A_1279 = arith.cmpi sgt, %parallel_loop3A_1275, %parallel_loop3A_1278 : i32
      %parallel_loop3A_1280 = arith.extui %parallel_loop3A_1279 : i1 to i32
      %parallel_loop3A_1281 = arith.constant 0 : i32
      %parallel_loop3A_1282 = arith.cmpi slt, %parallel_loop3A_1275, %parallel_loop3A_1281 : i32
      %parallel_loop3A_1283 = arith.extui %parallel_loop3A_1282 : i1 to i32
      %parallel_loop3A_1284 = arith.subi %parallel_loop3A_1280, %parallel_loop3A_1283 : i32
      %parallel_loop3A_1285 = arith.constant 0 : i32
      %parallel_loop3A_1286 = arith.cmpi sgt, %parallel_loop3A_1276, %parallel_loop3A_1285 : i32
      %parallel_loop3A_1287 = arith.extui %parallel_loop3A_1286 : i1 to i32
      %parallel_loop3A_1288 = arith.constant 0 : i32
      %parallel_loop3A_1289 = arith.cmpi slt, %parallel_loop3A_1276, %parallel_loop3A_1288 : i32
      %parallel_loop3A_1290 = arith.extui %parallel_loop3A_1289 : i1 to i32
      %parallel_loop3A_1291 = arith.subi %parallel_loop3A_1287, %parallel_loop3A_1290 : i32
      %parallel_loop3A_1292 = arith.cmpi ne, %parallel_loop3A_1284, %parallel_loop3A_1291 : i32
      %parallel_loop3A_1293 = arith.remsi %parallel_loop3A_1275, %parallel_loop3A_1276 : i32
      %parallel_loop3A_1294 = arith.constant 0 : i32
      %parallel_loop3A_1295 = arith.cmpi ne, %parallel_loop3A_1293, %parallel_loop3A_1294 : i32
      %parallel_loop3A_1296 = arith.andi %parallel_loop3A_1292, %parallel_loop3A_1295 : i1
      %parallel_loop3A_1297 = arith.constant 1 : i32
      %parallel_loop3A_1298 = arith.subi %parallel_loop3A_1277, %parallel_loop3A_1297 : i32
      %parallel_loop3A_1299 = arith.select %parallel_loop3A_1296, %parallel_loop3A_1298, %parallel_loop3A_1277 : i32
      %parallel_loop3A_1300 = arith.constant 512 : i32
      %parallel_loop3A_1301 = arith.constant 0 : i32
      %parallel_loop3A_1302 = arith.cmpi eq, %parallel_loop3A_1300, %parallel_loop3A_1301 : i32
      %parallel_loop3A_1303 = arith.constant 1 : i32
      %parallel_loop3A_1304 = arith.select %parallel_loop3A_1302, %parallel_loop3A_1303, %parallel_loop3A_1300 : i32
      %parallel_loop3A_1305 = arith.remsi %parallel_loop3A_1275, %parallel_loop3A_1304 : i32
      %parallel_loop3A_1306 = arith.constant 0 : i32
      %parallel_loop3A_1307 = arith.cmpi ne, %parallel_loop3A_1305, %parallel_loop3A_1306 : i32
      %parallel_loop3A_1308 = arith.constant 0 : i32
      %parallel_loop3A_1309 = arith.cmpi slt, %parallel_loop3A_1305, %parallel_loop3A_1308 : i32
      %parallel_loop3A_1310 = arith.constant 0 : i32
      %parallel_loop3A_1311 = arith.cmpi slt, %parallel_loop3A_1304, %parallel_loop3A_1310 : i32
      %parallel_loop3A_1312 = arith.xori %parallel_loop3A_1309, %parallel_loop3A_1311 : i1
      %parallel_loop3A_1313 = arith.andi %parallel_loop3A_1312, %parallel_loop3A_1307 : i1
      %parallel_loop3A_1314 = arith.addi %parallel_loop3A_1305, %parallel_loop3A_1304 : i32
      %parallel_loop3A_1315 = arith.select %parallel_loop3A_1313, %parallel_loop3A_1314, %parallel_loop3A_1305 : i32
      %parallel_loop3A_1316 = arith.index_cast %parallel_loop3A_1299 : i32 to index
      %parallel_loop3A_1317 = arith.index_cast %parallel_loop3A_1315 : i32 to index
      %parallel_loop3A_1318 = tpu.vector_load %arg7[%parallel_loop3A_1316, %parallel_loop3A_1317] {strides = array<i32>} : memref<64x512xf32, #tpu.memory_space<vmem>>, vector<16xf32>,
      %parallel_loop3A_1319 = arith.constant 2.550000e+02 : f32
      %parallel_loop3A_1320 = vector.broadcast %parallel_loop3A_1319 : f32 to vector<16xf32>
      %parallel_loop3A_1321 = arith.mulf %parallel_loop3A_1318, %parallel_loop3A_1320 : vector<16xf32>
      %parallel_loop3A_1322 = arith.fptosi %parallel_loop3A_1321 : vector<16xf32> to vector<16xi32>
      %parallel_loop3A_1323 = arith.constant 16 : i32
      %parallel_loop3A_1324 = vector.broadcast %parallel_loop3A_1323 : i32 to vector<16xi32>
      %parallel_loop3A_1325 = arith.muli %parallel_loop3A_1322, %parallel_loop3A_1324 : vector<16xi32>
      %parallel_loop3A_1326 = arith.addi %parallel_loop3A_1325, %iota3A : vector<16xi32>
      tpu.vector_store_idx %arg9[%parallel_loop3A_1326], %broadcast_in_dim3A_1 {add = true} : memref<4096xf32, #tpu.memory_space<vmem>>[vector<16xi32>], vector<16xf32>,
    } {sc.loop_unroll_factor = 8 : i64, sc.parallel_access}
    %dma_start3A_1224 = arith.constant 0 : i32
    %dma_start3A_1225 = tpu.memref_slice %arg3[%select_n3A_740, %select_n3A_756, %add3A_827, %dma_start3A_1224] : memref<16x3x512x512xf32, #tpu.memory_space<hbm>> -> memref<1x1x64x512xf32, #tpu.memory_space<hbm>>
    %dma_start3A_1226 = tpu.memref_squeeze %dma_start3A_1225 : memref<1x1x64x512xf32, #tpu.memory_space<hbm>> -> memref<64x512xf32, #tpu.memory_space<hbm>>
    %dma_start3A_1227 = arith.constant 0 : i32
    %dma_start3A_1228 = tpu.memref_slice %arg3[%select_n3A_740, %select_n3A_756, %add3A_827, %dma_start3A_1227] : memref<16x3x512x512xf32, #tpu.memory_space<hbm>> -> memref<1x1x64x512xf32, #tpu.memory_space<hbm>>
    %dma_start3A_1229 = tpu.memref_squeeze %dma_start3A_1228 : memref<1x1x64x512xf32, #tpu.memory_space<hbm>> -> memref<64x512xf32, #tpu.memory_space<hbm>>
    tpu.enqueue_dma source(%dma_start3A_1229 : memref<64x512xf32, #tpu.memory_space<hbm>>) target(%arg7 : memref<64x512xf32, #tpu.memory_space<vmem>>) target_semaphore(%arg12 : memref<!tpu.dma_semaphore, #tpu.memory_space<semaphore_mem>>)
    %dma_wait3A_1230 = arith.constant 0 : i32
    %dma_wait3A_1231 = tpu.memref_slice %arg3[%select_n3A_740, %select_n3A_756, %add3A_823, %dma_wait3A_1230] : memref<16x3x512x512xf32, #tpu.memory_space<hbm>> -> memref<1x1x64x512xf32, #tpu.memory_space<hbm>>
    %dma_wait3A_1232 = tpu.memref_squeeze %dma_wait3A_1231 : memref<1x1x64x512xf32, #tpu.memory_space<hbm>> -> memref<64x512xf32, #tpu.memory_space<hbm>>
    %dma_wait3A_1233 = arith.constant 0 : i32
    %dma_wait3A_1234 = tpu.memref_slice %arg3[%select_n3A_740, %select_n3A_756, %add3A_823, %dma_wait3A_1233] : memref<16x3x512x512xf32, #tpu.memory_space<hbm>> -> memref<1x1x64x512xf32, #tpu.memory_space<hbm>>
    %dma_wait3A_1235 = tpu.memref_squeeze %dma_wait3A_1234 : memref<1x1x64x512xf32, #tpu.memory_space<hbm>> -> memref<64x512xf32, #tpu.memory_space<hbm>>
    tpu.wait_dma2 semaphore(%arg10 : memref<!tpu.dma_semaphore, #tpu.memory_space<semaphore_mem>>) src(%dma_wait3A_1235 : memref<64x512xf32, #tpu.memory_space<hbm>>) dst(%arg5 : memref<64x512xf32, #tpu.memory_space<vmem>>)
    %parallel_loop3A_1236 = arith.constant 0 : i32
    %parallel_loop3A_1237 = arith.constant 32768 : i32
    %parallel_loop3A_1238 = arith.constant 16 : i32
    scf.for %parallel_loop3A_1275 = %parallel_loop3A_1236 to %parallel_loop3A_1237 step %parallel_loop3A_1238  : i32 {
      %parallel_loop3A_1276 = arith.constant 512 : i32
      %parallel_loop3A_1277 = arith.divsi %parallel_loop3A_1275, %parallel_loop3A_1276 : i32
      %parallel_loop3A_1278 = arith.constant 0 : i32
      %parallel_loop3A_1279 = arith.cmpi sgt, %parallel_loop3A_1275, %parallel_loop3A_1278 : i32
      %parallel_loop3A_1280 = arith.extui %parallel_loop3A_1279 : i1 to i32
      %parallel_loop3A_1281 = arith.constant 0 : i32
      %parallel_loop3A_1282 = arith.cmpi slt, %parallel_loop3A_1275, %parallel_loop3A_1281 : i32
      %parallel_loop3A_1283 = arith.extui %parallel_loop3A_1282 : i1 to i32
      %parallel_loop3A_1284 = arith.subi %parallel_loop3A_1280, %parallel_loop3A_1283 : i32
      %parallel_loop3A_1285 = arith.constant 0 : i32
      %parallel_loop3A_1286 = arith.cmpi sgt, %parallel_loop3A_1276, %parallel_loop3A_1285 : i32
      %parallel_loop3A_1287 = arith.extui %parallel_loop3A_1286 : i1 to i32
      %parallel_loop3A_1288 = arith.constant 0 : i32
      %parallel_loop3A_1289 = arith.cmpi slt, %parallel_loop3A_1276, %parallel_loop3A_1288 : i32
      %parallel_loop3A_1290 = arith.extui %parallel_loop3A_1289 : i1 to i32
      %parallel_loop3A_1291 = arith.subi %parallel_loop3A_1287, %parallel_loop3A_1290 : i32
      %parallel_loop3A_1292 = arith.cmpi ne, %parallel_loop3A_1284, %parallel_loop3A_1291 : i32
      %parallel_loop3A_1293 = arith.remsi %parallel_loop3A_1275, %parallel_loop3A_1276 : i32
      %parallel_loop3A_1294 = arith.constant 0 : i32
      %parallel_loop3A_1295 = arith.cmpi ne, %parallel_loop3A_1293, %parallel_loop3A_1294 : i32
      %parallel_loop3A_1296 = arith.andi %parallel_loop3A_1292, %parallel_loop3A_1295 : i1
      %parallel_loop3A_1297 = arith.constant 1 : i32
      %parallel_loop3A_1298 = arith.subi %parallel_loop3A_1277, %parallel_loop3A_1297 : i32
      %parallel_loop3A_1299 = arith.select %parallel_loop3A_1296, %parallel_loop3A_1298, %parallel_loop3A_1277 : i32
      %parallel_loop3A_1300 = arith.constant 512 : i32
      %parallel_loop3A_1301 = arith.constant 0 : i32
      %parallel_loop3A_1302 = arith.cmpi eq, %parallel_loop3A_1300, %parallel_loop3A_1301 : i32
      %parallel_loop3A_1303 = arith.constant 1 : i32
      %parallel_loop3A_1304 = arith.select %parallel_loop3A_1302, %parallel_loop3A_1303, %parallel_loop3A_1300 : i32
      %parallel_loop3A_1305 = arith.remsi %parallel_loop3A_1275, %parallel_loop3A_1304 : i32
      %parallel_loop3A_1306 = arith.constant 0 : i32
      %parallel_loop3A_1307 = arith.cmpi ne, %parallel_loop3A_1305, %parallel_loop3A_1306 : i32
      %parallel_loop3A_1308 = arith.constant 0 : i32
      %parallel_loop3A_1309 = arith.cmpi slt, %parallel_loop3A_1305, %parallel_loop3A_1308 : i32
      %parallel_loop3A_1310 = arith.constant 0 : i32
      %parallel_loop3A_1311 = arith.cmpi slt, %parallel_loop3A_1304, %parallel_loop3A_1310 : i32
      %parallel_loop3A_1312 = arith.xori %parallel_loop3A_1309, %parallel_loop3A_1311 : i1
      %parallel_loop3A_1313 = arith.andi %parallel_loop3A_1312, %parallel_loop3A_1307 : i1
      %parallel_loop3A_1314 = arith.addi %parallel_loop3A_1305, %parallel_loop3A_1304 : i32
      %parallel_loop3A_1315 = arith.select %parallel_loop3A_1313, %parallel_loop3A_1314, %parallel_loop3A_1305 : i32
      %parallel_loop3A_1316 = arith.index_cast %parallel_loop3A_1299 : i32 to index
      %parallel_loop3A_1317 = arith.index_cast %parallel_loop3A_1315 : i32 to index
      %parallel_loop3A_1318 = tpu.vector_load %arg5[%parallel_loop3A_1316, %parallel_loop3A_1317] {strides = array<i32>} : memref<64x512xf32, #tpu.memory_space<vmem>>, vector<16xf32>,
      %parallel_loop3A_1319 = arith.constant 2.550000e+02 : f32
      %parallel_loop3A_1320 = vector.broadcast %parallel_loop3A_1319 : f32 to vector<16xf32>
      %parallel_loop3A_1321 = arith.mulf %parallel_loop3A_1318, %parallel_loop3A_1320 : vector<16xf32>
      %parallel_loop3A_1322 = arith.fptosi %parallel_loop3A_1321 : vector<16xf32> to vector<16xi32>
      %parallel_loop3A_1323 = arith.constant 16 : i32
      %parallel_loop3A_1324 = vector.broadcast %parallel_loop3A_1323 : i32 to vector<16xi32>
      %parallel_loop3A_1325 = arith.muli %parallel_loop3A_1322, %parallel_loop3A_1324 : vector<16xi32>
      %parallel_loop3A_1326 = arith.addi %parallel_loop3A_1325, %iota3A : vector<16xi32>
      tpu.vector_store_idx %arg9[%parallel_loop3A_1326], %broadcast_in_dim3A_1 {add = true} : memref<4096xf32, #tpu.memory_space<vmem>>[vector<16xi32>], vector<16xf32>,
    } {sc.loop_unroll_factor = 8 : i64, sc.parallel_access}
    %dma_wait3A_1239 = arith.constant 0 : i32
    %dma_wait3A_1240 = tpu.memref_slice %arg3[%select_n3A_740, %select_n3A_756, %add3A_825, %dma_wait3A_1239] : memref<16x3x512x512xf32, #tpu.memory_space<hbm>> -> memref<1x1x64x512xf32, #tpu.memory_space<hbm>>
    %dma_wait3A_1241 = tpu.memref_squeeze %dma_wait3A_1240 : memref<1x1x64x512xf32, #tpu.memory_space<hbm>> -> memref<64x512xf32, #tpu.memory_space<hbm>>
    %dma_wait3A_1242 = arith.constant 0 : i32
    %dma_wait3A_1243 = tpu.memref_slice %arg3[%select_n3A_740, %select_n3A_756, %add3A_825, %dma_wait3A_1242] : memref<16x3x512x512xf32, #tpu.memory_space<hbm>> -> memref<1x1x64x512xf32, #tpu.memory_space<hbm>>
    %dma_wait3A_1244 = tpu.memref_squeeze %dma_wait3A_1243 : memref<1x1x64x512xf32, #tpu.memory_space<hbm>> -> memref<64x512xf32, #tpu.memory_space<hbm>>
    tpu.wait_dma2 semaphore(%arg11 : memref<!tpu.dma_semaphore, #tpu.memory_space<semaphore_mem>>) src(%dma_wait3A_1244 : memref<64x512xf32, #tpu.memory_space<hbm>>) dst(%arg6 : memref<64x512xf32, #tpu.memory_space<vmem>>)
    %parallel_loop3A_1245 = arith.constant 0 : i32
    %parallel_loop3A_1246 = arith.constant 32768 : i32
    %parallel_loop3A_1247 = arith.constant 16 : i32
    scf.for %parallel_loop3A_1275 = %parallel_loop3A_1245 to %parallel_loop3A_1246 step %parallel_loop3A_1247  : i32 {
      %parallel_loop3A_1276 = arith.constant 512 : i32
      %parallel_loop3A_1277 = arith.divsi %parallel_loop3A_1275, %parallel_loop3A_1276 : i32
      %parallel_loop3A_1278 = arith.constant 0 : i32
      %parallel_loop3A_1279 = arith.cmpi sgt, %parallel_loop3A_1275, %parallel_loop3A_1278 : i32
      %parallel_loop3A_1280 = arith.extui %parallel_loop3A_1279 : i1 to i32
      %parallel_loop3A_1281 = arith.constant 0 : i32
      %parallel_loop3A_1282 = arith.cmpi slt, %parallel_loop3A_1275, %parallel_loop3A_1281 : i32
      %parallel_loop3A_1283 = arith.extui %parallel_loop3A_1282 : i1 to i32
      %parallel_loop3A_1284 = arith.subi %parallel_loop3A_1280, %parallel_loop3A_1283 : i32
      %parallel_loop3A_1285 = arith.constant 0 : i32
      %parallel_loop3A_1286 = arith.cmpi sgt, %parallel_loop3A_1276, %parallel_loop3A_1285 : i32
      %parallel_loop3A_1287 = arith.extui %parallel_loop3A_1286 : i1 to i32
      %parallel_loop3A_1288 = arith.constant 0 : i32
      %parallel_loop3A_1289 = arith.cmpi slt, %parallel_loop3A_1276, %parallel_loop3A_1288 : i32
      %parallel_loop3A_1290 = arith.extui %parallel_loop3A_1289 : i1 to i32
      %parallel_loop3A_1291 = arith.subi %parallel_loop3A_1287, %parallel_loop3A_1290 : i32
      %parallel_loop3A_1292 = arith.cmpi ne, %parallel_loop3A_1284, %parallel_loop3A_1291 : i32
      %parallel_loop3A_1293 = arith.remsi %parallel_loop3A_1275, %parallel_loop3A_1276 : i32
      %parallel_loop3A_1294 = arith.constant 0 : i32
      %parallel_loop3A_1295 = arith.cmpi ne, %parallel_loop3A_1293, %parallel_loop3A_1294 : i32
      %parallel_loop3A_1296 = arith.andi %parallel_loop3A_1292, %parallel_loop3A_1295 : i1
      %parallel_loop3A_1297 = arith.constant 1 : i32
      %parallel_loop3A_1298 = arith.subi %parallel_loop3A_1277, %parallel_loop3A_1297 : i32
      %parallel_loop3A_1299 = arith.select %parallel_loop3A_1296, %parallel_loop3A_1298, %parallel_loop3A_1277 : i32
      %parallel_loop3A_1300 = arith.constant 512 : i32
      %parallel_loop3A_1301 = arith.constant 0 : i32
      %parallel_loop3A_1302 = arith.cmpi eq, %parallel_loop3A_1300, %parallel_loop3A_1301 : i32
      %parallel_loop3A_1303 = arith.constant 1 : i32
      %parallel_loop3A_1304 = arith.select %parallel_loop3A_1302, %parallel_loop3A_1303, %parallel_loop3A_1300 : i32
      %parallel_loop3A_1305 = arith.remsi %parallel_loop3A_1275, %parallel_loop3A_1304 : i32
      %parallel_loop3A_1306 = arith.constant 0 : i32
      %parallel_loop3A_1307 = arith.cmpi ne, %parallel_loop3A_1305, %parallel_loop3A_1306 : i32
      %parallel_loop3A_1308 = arith.constant 0 : i32
      %parallel_loop3A_1309 = arith.cmpi slt, %parallel_loop3A_1305, %parallel_loop3A_1308 : i32
      %parallel_loop3A_1310 = arith.constant 0 : i32
      %parallel_loop3A_1311 = arith.cmpi slt, %parallel_loop3A_1304, %parallel_loop3A_1310 : i32
      %parallel_loop3A_1312 = arith.xori %parallel_loop3A_1309, %parallel_loop3A_1311 : i1
      %parallel_loop3A_1313 = arith.andi %parallel_loop3A_1312, %parallel_loop3A_1307 : i1
      %parallel_loop3A_1314 = arith.addi %parallel_loop3A_1305, %parallel_loop3A_1304 : i32
      %parallel_loop3A_1315 = arith.select %parallel_loop3A_1313, %parallel_loop3A_1314, %parallel_loop3A_1305 : i32
      %parallel_loop3A_1316 = arith.index_cast %parallel_loop3A_1299 : i32 to index
      %parallel_loop3A_1317 = arith.index_cast %parallel_loop3A_1315 : i32 to index
      %parallel_loop3A_1318 = tpu.vector_load %arg6[%parallel_loop3A_1316, %parallel_loop3A_1317] {strides = array<i32>} : memref<64x512xf32, #tpu.memory_space<vmem>>, vector<16xf32>,
      %parallel_loop3A_1319 = arith.constant 2.550000e+02 : f32
      %parallel_loop3A_1320 = vector.broadcast %parallel_loop3A_1319 : f32 to vector<16xf32>
      %parallel_loop3A_1321 = arith.mulf %parallel_loop3A_1318, %parallel_loop3A_1320 : vector<16xf32>
      %parallel_loop3A_1322 = arith.fptosi %parallel_loop3A_1321 : vector<16xf32> to vector<16xi32>
      %parallel_loop3A_1323 = arith.constant 16 : i32
      %parallel_loop3A_1324 = vector.broadcast %parallel_loop3A_1323 : i32 to vector<16xi32>
      %parallel_loop3A_1325 = arith.muli %parallel_loop3A_1322, %parallel_loop3A_1324 : vector<16xi32>
      %parallel_loop3A_1326 = arith.addi %parallel_loop3A_1325, %iota3A : vector<16xi32>
      tpu.vector_store_idx %arg9[%parallel_loop3A_1326], %broadcast_in_dim3A_1 {add = true} : memref<4096xf32, #tpu.memory_space<vmem>>[vector<16xi32>], vector<16xf32>,
    } {sc.loop_unroll_factor = 8 : i64, sc.parallel_access}
    %dma_wait3A_1248 = arith.constant 0 : i32
    %dma_wait3A_1249 = tpu.memref_slice %arg3[%select_n3A_740, %select_n3A_756, %add3A_827, %dma_wait3A_1248] : memref<16x3x512x512xf32, #tpu.memory_space<hbm>> -> memref<1x1x64x512xf32, #tpu.memory_space<hbm>>
    %dma_wait3A_1250 = tpu.memref_squeeze %dma_wait3A_1249 : memref<1x1x64x512xf32, #tpu.memory_space<hbm>> -> memref<64x512xf32, #tpu.memory_space<hbm>>
    %dma_wait3A_1251 = arith.constant 0 : i32
    %dma_wait3A_1252 = tpu.memref_slice %arg3[%select_n3A_740, %select_n3A_756, %add3A_827, %dma_wait3A_1251] : memref<16x3x512x512xf32, #tpu.memory_space<hbm>> -> memref<1x1x64x512xf32, #tpu.memory_space<hbm>>
    %dma_wait3A_1253 = tpu.memref_squeeze %dma_wait3A_1252 : memref<1x1x64x512xf32, #tpu.memory_space<hbm>> -> memref<64x512xf32, #tpu.memory_space<hbm>>
    tpu.wait_dma2 semaphore(%arg12 : memref<!tpu.dma_semaphore, #tpu.memory_space<semaphore_mem>>) src(%dma_wait3A_1253 : memref<64x512xf32, #tpu.memory_space<hbm>>) dst(%arg7 : memref<64x512xf32, #tpu.memory_space<vmem>>)
    %parallel_loop3A_1254 = arith.constant 0 : i32
    %parallel_loop3A_1255 = arith.constant 32768 : i32
    %parallel_loop3A_1256 = arith.constant 16 : i32
    scf.for %parallel_loop3A_1275 = %parallel_loop3A_1254 to %parallel_loop3A_1255 step %parallel_loop3A_1256  : i32 {
      %parallel_loop3A_1276 = arith.constant 512 : i32
      %parallel_loop3A_1277 = arith.divsi %parallel_loop3A_1275, %parallel_loop3A_1276 : i32
      %parallel_loop3A_1278 = arith.constant 0 : i32
      %parallel_loop3A_1279 = arith.cmpi sgt, %parallel_loop3A_1275, %parallel_loop3A_1278 : i32
      %parallel_loop3A_1280 = arith.extui %parallel_loop3A_1279 : i1 to i32
      %parallel_loop3A_1281 = arith.constant 0 : i32
      %parallel_loop3A_1282 = arith.cmpi slt, %parallel_loop3A_1275, %parallel_loop3A_1281 : i32
      %parallel_loop3A_1283 = arith.extui %parallel_loop3A_1282 : i1 to i32
      %parallel_loop3A_1284 = arith.subi %parallel_loop3A_1280, %parallel_loop3A_1283 : i32
      %parallel_loop3A_1285 = arith.constant 0 : i32
      %parallel_loop3A_1286 = arith.cmpi sgt, %parallel_loop3A_1276, %parallel_loop3A_1285 : i32
      %parallel_loop3A_1287 = arith.extui %parallel_loop3A_1286 : i1 to i32
      %parallel_loop3A_1288 = arith.constant 0 : i32
      %parallel_loop3A_1289 = arith.cmpi slt, %parallel_loop3A_1276, %parallel_loop3A_1288 : i32
      %parallel_loop3A_1290 = arith.extui %parallel_loop3A_1289 : i1 to i32
      %parallel_loop3A_1291 = arith.subi %parallel_loop3A_1287, %parallel_loop3A_1290 : i32
      %parallel_loop3A_1292 = arith.cmpi ne, %parallel_loop3A_1284, %parallel_loop3A_1291 : i32
      %parallel_loop3A_1293 = arith.remsi %parallel_loop3A_1275, %parallel_loop3A_1276 : i32
      %parallel_loop3A_1294 = arith.constant 0 : i32
      %parallel_loop3A_1295 = arith.cmpi ne, %parallel_loop3A_1293, %parallel_loop3A_1294 : i32
      %parallel_loop3A_1296 = arith.andi %parallel_loop3A_1292, %parallel_loop3A_1295 : i1
      %parallel_loop3A_1297 = arith.constant 1 : i32
      %parallel_loop3A_1298 = arith.subi %parallel_loop3A_1277, %parallel_loop3A_1297 : i32
      %parallel_loop3A_1299 = arith.select %parallel_loop3A_1296, %parallel_loop3A_1298, %parallel_loop3A_1277 : i32
      %parallel_loop3A_1300 = arith.constant 512 : i32
      %parallel_loop3A_1301 = arith.constant 0 : i32
      %parallel_loop3A_1302 = arith.cmpi eq, %parallel_loop3A_1300, %parallel_loop3A_1301 : i32
      %parallel_loop3A_1303 = arith.constant 1 : i32
      %parallel_loop3A_1304 = arith.select %parallel_loop3A_1302, %parallel_loop3A_1303, %parallel_loop3A_1300 : i32
      %parallel_loop3A_1305 = arith.remsi %parallel_loop3A_1275, %parallel_loop3A_1304 : i32
      %parallel_loop3A_1306 = arith.constant 0 : i32
      %parallel_loop3A_1307 = arith.cmpi ne, %parallel_loop3A_1305, %parallel_loop3A_1306 : i32
      %parallel_loop3A_1308 = arith.constant 0 : i32
      %parallel_loop3A_1309 = arith.cmpi slt, %parallel_loop3A_1305, %parallel_loop3A_1308 : i32
      %parallel_loop3A_1310 = arith.constant 0 : i32
      %parallel_loop3A_1311 = arith.cmpi slt, %parallel_loop3A_1304, %parallel_loop3A_1310 : i32
      %parallel_loop3A_1312 = arith.xori %parallel_loop3A_1309, %parallel_loop3A_1311 : i1
      %parallel_loop3A_1313 = arith.andi %parallel_loop3A_1312, %parallel_loop3A_1307 : i1
      %parallel_loop3A_1314 = arith.addi %parallel_loop3A_1305, %parallel_loop3A_1304 : i32
      %parallel_loop3A_1315 = arith.select %parallel_loop3A_1313, %parallel_loop3A_1314, %parallel_loop3A_1305 : i32
      %parallel_loop3A_1316 = arith.index_cast %parallel_loop3A_1299 : i32 to index
      %parallel_loop3A_1317 = arith.index_cast %parallel_loop3A_1315 : i32 to index
      %parallel_loop3A_1318 = tpu.vector_load %arg7[%parallel_loop3A_1316, %parallel_loop3A_1317] {strides = array<i32>} : memref<64x512xf32, #tpu.memory_space<vmem>>, vector<16xf32>,
      %parallel_loop3A_1319 = arith.constant 2.550000e+02 : f32
      %parallel_loop3A_1320 = vector.broadcast %parallel_loop3A_1319 : f32 to vector<16xf32>
      %parallel_loop3A_1321 = arith.mulf %parallel_loop3A_1318, %parallel_loop3A_1320 : vector<16xf32>
      %parallel_loop3A_1322 = arith.fptosi %parallel_loop3A_1321 : vector<16xf32> to vector<16xi32>
      %parallel_loop3A_1323 = arith.constant 16 : i32
      %parallel_loop3A_1324 = vector.broadcast %parallel_loop3A_1323 : i32 to vector<16xi32>
      %parallel_loop3A_1325 = arith.muli %parallel_loop3A_1322, %parallel_loop3A_1324 : vector<16xi32>
      %parallel_loop3A_1326 = arith.addi %parallel_loop3A_1325, %iota3A : vector<16xi32>
      tpu.vector_store_idx %arg9[%parallel_loop3A_1326], %broadcast_in_dim3A_1 {add = true} : memref<4096xf32, #tpu.memory_space<vmem>>[vector<16xi32>], vector<16xf32>,
    } {sc.loop_unroll_factor = 8 : i64, sc.parallel_access}
    %dma_start3A_1257 = arith.constant 0 : i32
    %dma_start3A_1258 = tpu.memref_slice %arg4[%add3A_819, %dma_start3A_1257] : memref<192x4096xf32, #tpu.memory_space<hbm>> -> memref<1x4096xf32, #tpu.memory_space<hbm>>
    %dma_start3A_1259 = tpu.memref_squeeze %dma_start3A_1258 : memref<1x4096xf32, #tpu.memory_space<hbm>> -> memref<4096xf32, #tpu.memory_space<hbm>>
    %dma_start3A_1260 = arith.constant 0 : i32
    %dma_start3A_1261 = tpu.memref_slice %arg4[%add3A_819, %dma_start3A_1260] : memref<192x4096xf32, #tpu.memory_space<hbm>> -> memref<1x4096xf32, #tpu.memory_space<hbm>>
    %dma_start3A_1262 = tpu.memref_squeeze %dma_start3A_1261 : memref<1x4096xf32, #tpu.memory_space<hbm>> -> memref<4096xf32, #tpu.memory_space<hbm>>
    tpu.enqueue_dma source(%arg9 : memref<4096xf32, #tpu.memory_space<vmem>>) target(%dma_start3A_1262 : memref<4096xf32, #tpu.memory_space<hbm>>) target_semaphore(%arg14 : memref<!tpu.dma_semaphore, #tpu.memory_space<semaphore_mem>>)
    %dma_wait3A_1263 = arith.constant 0 : i32
    %dma_wait3A_1264 = tpu.memref_slice %arg4[%add3A_680, %dma_wait3A_1263] : memref<192x4096xf32, #tpu.memory_space<hbm>> -> memref<1x4096xf32, #tpu.memory_space<hbm>>
    %dma_wait3A_1265 = tpu.memref_squeeze %dma_wait3A_1264 : memref<1x4096xf32, #tpu.memory_space<hbm>> -> memref<4096xf32, #tpu.memory_space<hbm>>
    %dma_wait3A_1266 = arith.constant 0 : i32
    %dma_wait3A_1267 = tpu.memref_slice %arg4[%add3A_680, %dma_wait3A_1266] : memref<192x4096xf32, #tpu.memory_space<hbm>> -> memref<1x4096xf32, #tpu.memory_space<hbm>>
    %dma_wait3A_1268 = tpu.memref_squeeze %dma_wait3A_1267 : memref<1x4096xf32, #tpu.memory_space<hbm>> -> memref<4096xf32, #tpu.memory_space<hbm>>
    tpu.wait_dma2 semaphore(%arg13 : memref<!tpu.dma_semaphore, #tpu.memory_space<semaphore_mem>>) src(%arg8 : memref<4096xf32, #tpu.memory_space<vmem>>) dst(%dma_wait3A_1268 : memref<4096xf32, #tpu.memory_space<hbm>>)
    %dma_wait3A_1269 = arith.constant 0 : i32
    %dma_wait3A_1270 = tpu.memref_slice %arg4[%add3A_819, %dma_wait3A_1269] : memref<192x4096xf32, #tpu.memory_space<hbm>> -> memref<1x4096xf32, #tpu.memory_space<hbm>>
    %dma_wait3A_1271 = tpu.memref_squeeze %dma_wait3A_1270 : memref<1x4096xf32, #tpu.memory_space<hbm>> -> memref<4096xf32, #tpu.memory_space<hbm>>
    %dma_wait3A_1272 = arith.constant 0 : i32
    %dma_wait3A_1273 = tpu.memref_slice %arg4[%add3A_819, %dma_wait3A_1272] : memref<192x4096xf32, #tpu.memory_space<hbm>> -> memref<1x4096xf32, #tpu.memory_space<hbm>>
    %dma_wait3A_1274 = tpu.memref_squeeze %dma_wait3A_1273 : memref<1x4096xf32, #tpu.memory_space<hbm>> -> memref<4096xf32, #tpu.memory_space<hbm>>
    tpu.wait_dma2 semaphore(%arg14 : memref<!tpu.dma_semaphore, #tpu.memory_space<semaphore_mem>>) src(%arg9 : memref<4096xf32, #tpu.memory_space<vmem>>) dst(%dma_wait3A_1274 : memref<4096xf32, #tpu.memory_space<hbm>>)
    return
  }
}

module attributes {stable_mosaic.version = 14 : i64} {
  func.func @_loss_body(%arg0: memref<192x4096xf32, #tpu.memory_space<vmem>>, %arg1: memref<1x1xf32, #tpu.memory_space<vmem>>) attributes {dimension_semantics = [], scalar_prefetch = 0 : i64, scratch_operands = 0 : i64, tpu.core_type = #tpu.core_type<tc>} {
    %get3A = arith.constant 0 : index
    %get3A_0 = arith.constant 0 : index
    %get3A_1 = vector.load %arg0[%get3A, %get3A_0] : memref<192x4096xf32, #tpu.memory_space<vmem>>, vector<192x4096xf32>
    %iota3A = tpu.iota {dimensions = array<i32: 0>} : vector<4096x256xi32>
    %iota3A_2 = tpu.iota {dimensions = array<i32: 1>} : vector<4096x256xi32>
    %jit3A = arith.constant 16 : i32
    %div3A = vector.broadcast %jit3A : i32 to vector<4096x256xi32>
    %div3A_3 = arith.divsi %iota3A, %div3A : vector<4096x256xi32>
    %sign3A = arith.constant 0 : i32
    %sign3A_4 = vector.broadcast %sign3A : i32 to vector<4096x256xi32>
    %sign3A_5 = arith.cmpi sgt, %iota3A, %sign3A_4 : vector<4096x256xi32>
    %sign3A_6 = arith.extui %sign3A_5 : vector<4096x256xi1> to vector<4096x256xi32>
    %sign3A_7 = arith.constant 0 : i32
    %sign3A_8 = vector.broadcast %sign3A_7 : i32 to vector<4096x256xi32>
    %sign3A_9 = arith.cmpi slt, %iota3A, %sign3A_8 : vector<4096x256xi32>
    %sign3A_10 = arith.extui %sign3A_9 : vector<4096x256xi1> to vector<4096x256xi32>
    %sign3A_11 = arith.subi %sign3A_6, %sign3A_10 : vector<4096x256xi32>
    %sign3A_12 = arith.constant 0 : i32
    %sign3A_13 = arith.cmpi sgt, %jit3A, %sign3A_12 : i32
    %sign3A_14 = arith.extui %sign3A_13 : i1 to i32
    %sign3A_15 = arith.constant 0 : i32
    %sign3A_16 = arith.cmpi slt, %jit3A, %sign3A_15 : i32
    %sign3A_17 = arith.extui %sign3A_16 : i1 to i32
    %sign3A_18 = arith.subi %sign3A_14, %sign3A_17 : i32
    %ne3A = vector.broadcast %sign3A_18 : i32 to vector<4096x256xi32>
    %ne3A_19 = arith.cmpi ne, %sign3A_11, %ne3A : vector<4096x256xi32>
    %rem3A = vector.broadcast %jit3A : i32 to vector<4096x256xi32>
    %rem3A_20 = arith.remsi %iota3A, %rem3A : vector<4096x256xi32>
    %ne3A_21 = arith.constant 0 : i32
    %ne3A_22 = vector.broadcast %ne3A_21 : i32 to vector<4096x256xi32>
    %ne3A_23 = arith.cmpi ne, %rem3A_20, %ne3A_22 : vector<4096x256xi32>
    %and3A = arith.andi %ne3A_19, %ne3A_23 : vector<4096x256xi1>
    %sub3A = arith.constant 1 : i32
    %sub3A_24 = vector.broadcast %sub3A : i32 to vector<4096x256xi32>
    %sub3A_25 = arith.subi %div3A_3, %sub3A_24 : vector<4096x256xi32>
    %select_n3A = arith.select %and3A, %sub3A_25, %div3A_3 : vector<4096x256xi1>, vector<4096x256xi32>
    %eq3A = arith.cmpi eq, %select_n3A, %iota3A_2 : vector<4096x256xi32>
    %convert_element_type3A = arith.extui %eq3A : vector<4096x256xi1> to vector<4096x256xi32>
    %convert_element_type3A_26 = arith.sitofp %convert_element_type3A : vector<4096x256xi32> to vector<4096x256xf32>
    %dot_general3A = arith.constant dense<0.000000e+00> : vector<192x256xf32>
    %dot_general3A_27 = tpu.matmul %get3A_1, %convert_element_type3A_26, %dot_general3A {dimension_numbers = #tpu.dot_dimension_numbers<[1], [0], [0], [1], [0, 0, 1, 1], [], []>, transpose_lhs_hint = false} : vector<192x4096xf32>, vector<4096x256xf32>, vector<192x256xf32> -> vector<192x256xf32>
    %slice3A = vector.extract_strided_slice %dot_general3A_27 {offsets = [0, 0], sizes = [48, 256], strides = [1, 1]} : vector<192x256xf32> to vector<48x256xf32>
    %slice3A_28 = vector.extract_strided_slice %dot_general3A_27 {offsets = [48, 0], sizes = [48, 256], strides = [1, 1]} : vector<192x256xf32> to vector<48x256xf32>
    %add3A = arith.addf %slice3A, %slice3A_28 : vector<48x256xf32>
    %mul3A = arith.constant 3.81469727E-6 : f32
    %mul3A_29 = vector.broadcast %mul3A : f32 to vector<48x256xf32>
    %mul3A_30 = arith.mulf %add3A, %mul3A_29 : vector<48x256xf32>
    %slice3A_31 = vector.extract_strided_slice %dot_general3A_27 {offsets = [96, 0], sizes = [48, 256], strides = [1, 1]} : vector<192x256xf32> to vector<48x256xf32>
    %slice3A_32 = vector.extract_strided_slice %dot_general3A_27 {offsets = [144, 0], sizes = [48, 256], strides = [1, 1]} : vector<192x256xf32> to vector<48x256xf32>
    %add3A_33 = arith.addf %slice3A_31, %slice3A_32 : vector<48x256xf32>
    %mul3A_34 = arith.constant 3.81469727E-6 : f32
    %mul3A_35 = vector.broadcast %mul3A_34 : f32 to vector<48x256xf32>
    %mul3A_36 = arith.mulf %add3A_33, %mul3A_35 : vector<48x256xf32>
    %mul3A_37 = arith.mulf %mul3A_30, %mul3A_36 : vector<48x256xf32>
    %reduce_sum3A = arith.constant dense<0.000000e+00> : vector<48xf32>
    %reduce_sum3A_38 = vector.multi_reduction <add>, %mul3A_37, %reduce_sum3A [1] : vector<48x256xf32> to vector<48xf32>
    %mul3A_39 = arith.mulf %mul3A_30, %mul3A_30 : vector<48x256xf32>
    %reduce_sum3A_40 = arith.constant dense<0.000000e+00> : vector<48xf32>
    %reduce_sum3A_41 = vector.multi_reduction <add>, %mul3A_39, %reduce_sum3A_40 [1] : vector<48x256xf32> to vector<48xf32>
    %sqrt3A = math.sqrt %reduce_sum3A_41 : vector<48xf32>
    %max3A = arith.constant 9.99999993E-9 : f32
    %max3A_42 = vector.broadcast %max3A : f32 to vector<48xf32>
    %max3A_43 = arith.maximumf %sqrt3A, %max3A_42 : vector<48xf32>
    %mul3A_44 = arith.mulf %mul3A_36, %mul3A_36 : vector<48x256xf32>
    %reduce_sum3A_45 = arith.constant dense<0.000000e+00> : vector<48xf32>
    %reduce_sum3A_46 = vector.multi_reduction <add>, %mul3A_44, %reduce_sum3A_45 [1] : vector<48x256xf32> to vector<48xf32>
    %sqrt3A_47 = math.sqrt %reduce_sum3A_46 : vector<48xf32>
    %max3A_48 = arith.constant 9.99999993E-9 : f32
    %max3A_49 = vector.broadcast %max3A_48 : f32 to vector<48xf32>
    %max3A_50 = arith.maximumf %sqrt3A_47, %max3A_49 : vector<48xf32>
    %mul3A_51 = arith.mulf %max3A_43, %max3A_50 : vector<48xf32>
    %div3A_52 = arith.divf %reduce_sum3A_38, %mul3A_51 : vector<48xf32>
    %sub3A_53 = arith.constant 1.000000e+00 : f32
    %sub3A_54 = vector.broadcast %sub3A_53 : f32 to vector<48xf32>
    %sub3A_55 = arith.subf %sub3A_54, %div3A_52 : vector<48xf32>
    %reduce_sum3A_56 = vector.shape_cast %sub3A_55 : vector<48xf32> to vector<1x48xf32>
    %reduce_sum3A_57 = arith.constant dense<0.000000e+00> : vector<1xf32>
    %reduce_sum3A_58 = vector.multi_reduction <add>, %reduce_sum3A_56, %reduce_sum3A_57 [1] : vector<1x48xf32> to vector<1xf32>
    %reduce_sum3A_59 = vector.shape_cast %reduce_sum3A_58 : vector<1xf32> to vector<1x1xf32>
    %reduce_sum3A_60 = vector.extract %reduce_sum3A_59[0, 0] : f32 from vector<1x1xf32>
    %div3A_61 = arith.constant 4.800000e+01 : f32
    %div3A_62 = arith.divf %reduce_sum3A_60, %div3A_61 : f32
    %reshape3A = vector.broadcast %div3A_62 : f32 to vector<1x1xf32>
    %swap3A = arith.constant 0 : index
    %swap3A_63 = arith.constant 0 : index
    %swap3A_64 = vector.load %arg1[%swap3A, %swap3A_63] : memref<1x1xf32, #tpu.memory_space<vmem>>, vector<1x1xf32>
    tpu.vector_store %arg1[%swap3A, %swap3A_63], %reshape3A {strides = array<i32>} : memref<1x1xf32, #tpu.memory_space<vmem>>, vector<1x1xf32>,
    return
  }
}

</mosaic_0001>

<sc_bundles>
// kernel: kernel.4.cloned.1.call-start
scs
__scs_entry_jumppad:
0x0: {  	(pc) =	sbr.rel $0x88, $3  }
0x1: {  	(tag) =	ssettag $0x0;
	lr =	simm.s32 $0x1  }
0x2: {  	[smem:$0x3F9F] =	sst lr;
	_ =	strace $0xD0000000  }
0x3: {  	_ = 	snop  }
0x4: {  	_ = 	snop  }
0x5: {  	_ = 	snop  }
0x6: {  	_ = 	snop  }
0x7: {  	_ = 	snop  }
__scs_overlays_trampoline_lowered:
0x8: {  	[smem:$0x3FAE] =	sst s0  }
0x9: {  	[smem:$0x3FAF] =	sst s1  }
0xa: {  	[smem:$0x3FB0] =	sst s2  }
0xb: {  	[smem:$0x3FB1] =	sst s3  }
0xc: {  	[smem:$0x3FB2] =	sst s4  }
0xd: {  	[smem:$0x3FB3] =	sst s5  }
0xe: {  	[smem:$0x3FB4] =	sst s6  }
0xf: {  	[smem:$0x3FB5] =	sst s7  }
0x10: {  	[smem:$0x3FB6] =	sst s8  }
0x11: {  	[smem:$0x3FB7] =	sst s9;
	s0 =	simm.s32 @!p0 $0x0  }
0x12: {  	s1 =	sld [smem:$0x3F9D];
	s0 =	simm.s32 @p0 $0x1  }
0x13: {  	[smem:$0x3FB8] =	sst s0;
	s0 =	simm.s32 @!p1 $0x0  }
0x14: {  	s2 =	sld [smem:$0x3F9C];
	s0 =	simm.s32 @p1 $0x1  }
0x15: {  	[smem:$0x3FB9] =	sst s0;
	s0 =	simm.s32 @!p2 $0x0  }
0x16: {  	s3 =	sld [smem:$0x3FDB];
	s0 =	simm.s32 @p2 $0x1  }
0x17: {  	s4 =	simm.s32 $0x1BF5;
	[smem:$0x3FBB] =	sst s0  }
0x18: {  	s0 =	sld [smem:$0x3F9E];
	_ =	swait.ge [sflag:s4], $0x0  }
0x19: {  	s7 =	sld [smem:$0x3F9F]  }
0x1a: {  	s8 =	sadd.s32 $0xFFFFE003, lr  }
0x1b: {  	s9 =	sadd.s32 $0xFFFFFEF7, lr;
	s5 =	simm.s32 $0xFFFFFFFF;
	p2 =	slt.u32 s8, $0xFFFFF086  }
0x1c: {  	p1 =	slt.u32 s9, $0xF7A;
	s5 =	simm.s32 @!p2 $0x0  }
0x1d: {  	s5 =	simm.s32 @p1 $0x1;
	p0 =	seq.s32 s7, s2  }
0x1e: {  	s7 =	smul.u32 @!p0 $0xF7A, s2;
	p2 =	seq.s32 @!p0 s5, $0x0  }
0x1f: {  	s9 =	smul.u32 $0xF7A, s1;
	s8 =	simm.s32 @!p0 $0x1BF5;
	p2 =	por !p2, p0  }
0x20: {  	[sflag:s8] =	ssyncset.s32 @!p0 $0xFFFFF086;
	s6 =	sadd.s32 @!p0 s3, s7;
	s7 =	simm.s32 @!p0 $0x108  }
0x21: {  	s3 =	sadd.s32 s3, s9;
	s6 =	sadd.s32 @!p0 $0x88, s6;
	s7 =	simm.s32 @p2 $0x1082  }
0x22: {  	[simem:s7], [sflag:s8] =	dma.local @!p0 [hbm:s6], $0xF7A  }
0x23: {  	s9 =	sor.u32 $0xD0000000, s2;
	s6 =	simm.s32 $0x108;
	_ =	swait.ge @!p0 [sflag:s8], $0x0  }
0x24: {  	s3 =	sadd.s32 $0x88, s3;
	s6 =	simm.s32 @!p1 $0x1082;
	[sflag:s4] =	ssyncset.s32 $0xFFFFF086  }
0x25: {  	[simem:s6], [sflag:s4] =	dma.local [hbm:s3], $0xF7A  }
0x26: {  	[smem:$0x3F9F] =	sst s1;
	(tag) =	ssettag s2;
	_ =	strace s9  }
0x27: {  	s1 =	sld [smem:$0x3FAF]  }
0x28: {  	s2 =	sld [smem:$0x3FB0]  }
0x29: {  	s4 =	sld [smem:$0x3FB2]  }
0x2a: {  	p0 =	seq.s32 s5, $0x0;
	s5 =	sld [smem:$0x3FB3]  }
0x2b: {  	s6 =	sld [smem:$0x3FB4]  }
0x2c: {  	s7 =	sld [smem:$0x3FB5]  }
0x2d: {  	s3 =	simm.s32 $0x108;
	s8 =	sld [smem:$0x3FB6]  }
0x2e: {  	s3 =	simm.s32 @!p0 $0x1082;
	s9 =	sld [smem:$0x3FB7]  }
0x2f: {  	lr =	sadd.s32 s0, s3;
	s0 =	sld [smem:$0x3FAE]  }
0x30: {  	s3 =	sld [smem:$0x3FB1]  }
0x31: {  	[smem:$0x3FBA] =	sst s10  }
0x32: {  	s10 =	sld [smem:$0x3FB8];
	_ =	sdelay $0x3  }
0x33: {  	p0 =	seq.s32 s10, $0x1;
	s10 =	sld [smem:$0x3FBA];
	_ =	sdelay $0x3  }
0x34: {  	[smem:$0x3FBA] =	sst s10  }
0x35: {  	s10 =	sld [smem:$0x3FB9];
	_ =	sdelay $0x3  }
0x36: {  	p1 =	seq.s32 s10, $0x1;
	s10 =	sld [smem:$0x3FBA];
	_ =	sdelay $0x3  }
0x37: {  	[smem:$0x3FBA] =	sst s10  }
0x38: {  	s10 =	sld [smem:$0x3FBB]  }
0x39: {  	_ = 	snop;
	(pc) =	sbr.ind lr, $3  }
0x3a: {  	_ = 	snop  }
0x3b: {  	_ = 	snop  }
0x3c: {  	p2 =	seq.s32 s10, $0x1;
	s10 =	sld [smem:$0x3FBA]  }
0x3d: {  	_ =	shalt  }
0x3e: {  	_ =	shalt  }
0x3f: {  	_ =	shalt  }
0x40: {  	_ =	shalt  }
0x41: {  	_ =	shalt  }
0x42: {  	_ =	shalt  }
0x43: {  	_ =	shalt  }
0x44: {  	_ =	shalt  }
0x45: {  	_ =	shalt  }
0x46: {  	_ =	shalt  }
0x47: {  	_ =	shalt  }
0x48: {  	_ =	shalt  }
0x49: {  	_ =	shalt  }
0x4a: {  	_ =	shalt  }
0x4b: {  	_ =	shalt  }
0x4c: {  	_ =	shalt  }
0x4d: {  	_ =	shalt  }
0x4e: {  	_ =	shalt  }
0x4f: {  	_ =	shalt  }
0x50: {  	_ =	shalt  }
0x51: {  	_ =	shalt  }
0x52: {  	_ =	shalt  }
0x53: {  	_ =	shalt  }
0x54: {  	_ =	shalt  }
0x55: {  	_ =	shalt  }
0x56: {  	_ =	shalt  }
0x57: {  	_ =	shalt  }
0x58: {  	_ =	shalt  }
0x59: {  	_ =	shalt  }
0x5a: {  	_ =	shalt  }
0x5b: {  	_ =	shalt  }
0x5c: {  	_ =	shalt  }
0x5d: {  	_ =	shalt  }
0x5e: {  	_ =	shalt  }
0x5f: {  	_ =	shalt  }
0x60: {  	_ =	shalt  }
0x61: {  	_ =	shalt  }
0x62: {  	_ =	shalt  }
0x63: {  	_ =	shalt  }
0x64: {  	_ =	shalt  }
0x65: {  	_ =	shalt  }
0x66: {  	_ =	shalt  }
0x67: {  	_ =	shalt  }
0x68: {  	_ =	shalt  }
0x69: {  	_ =	shalt  }
0x6a: {  	_ =	shalt  }
0x6b: {  	_ =	shalt  }
0x6c: {  	_ =	shalt  }
0x6d: {  	_ =	shalt  }
0x6e: {  	_ =	shalt  }
0x6f: {  	_ =	shalt  }
0x70: {  	_ =	shalt  }
0x71: {  	_ =	shalt  }
0x72: {  	_ =	shalt  }
0x73: {  	_ =	shalt  }
0x74: {  	_ =	shalt  }
0x75: {  	_ =	shalt  }
0x76: {  	_ =	shalt  }
0x77: {  	_ =	shalt  }
0x78: {  	_ =	shalt  }
0x79: {  	_ =	shalt  }
0x7a: {  	_ =	shalt  }
0x7b: {  	_ =	shalt  }
0x7c: {  	_ =	shalt  }
0x7d: {  	_ =	shalt  }
0x7e: {  	_ =	shalt  }
0x7f: {  	_ =	shalt  }
0x80: {  	_ =	shalt  }
0x81: {  	_ =	shalt  }
0x82: {  	_ =	shalt  }
0x83: {  	_ =	shalt  }
0x84: {  	_ =	shalt  }
0x85: {  	_ =	shalt  }
0x86: {  	_ =	shalt  }
0x87: {  	_ =	shalt  }
.Lfunc_end0:
.L_simem_size_0:
called_computation_lowered:
.L_overlay_start_0:
0x88: {  	s2 =	sld [smem:$0x3FD9]  }
0x89: {  	s3 =	sld [smem:$0x3FFE];
	_ =	sdelay $0x1  }
0x8a: {  	s1 =	srdreg.scid  }
0x8b: {  	s0 =	sand.u32 $0x1, s1  }
0x8c: {  	s17 =	sshll.u32 s0, $0xA;
	s2 =	sadd.s32 s3, s2  }
0x8d: {  	s2 =	sadd.s32 s2, s17  }
0x8e: {  	[smem:$0x3FC6] =	sst s2  }
0x8f: {  	_ = 	snop  }
0x90: {  	s2 =	sld [smem:$0x3FC9]  }
0x91: {  	s18 =	sld [smem:$0x3FC8];
	(tm) =	ssettm $0x1  }
0x92: {  	s4 =	sld [smem:$0x3FFB];
	_ =	sdelay $0x3  }
0x93: {  	_ =	strace s4  }
0x94: {  	s4 =	sld [smem:$0x3FFC];
	_ =	sdelay $0x3  }
0x95: {  	_ =	strace s4  }
0x96: {  	s4 =	sld [smem:$0x3FFD];
	_ =	sdelay $0x3  }
0x97: {  	_ =	strace s4  }
0x98: {  	_ =	strace $0x8FFFFFFF  }
0x99: {  	s19 =	sld [smem:$0x3FDB];
	_ =	sdelay $0x1  }
0x9a: {  	s5 =	simm.s32 $_scs_section_size  }
0x9b: {  	s6 =	simm.s32 $_size__tile_overlayer_lowered;
	s7 =	simm.s32 $_tile_overlayer_lowered  }
0x9c: {  	s22 =	simm.s32 $0x1BFF;
	s21 =	sshll.u32 s7, $0x1;
	s4 =	sadd.s32 s5, s19  }
0x9d: {  	s8 =	simm.s32 $0x0;
	s20 =	sshll.u32 s6, $0x1;
	s6 =	sadd.s32 s21, s4  }
0x9e: {  	[timem:s8], [sflag:s22] =	dma.local [hbm:s6], s20  }
0x9f: {  	_ =	swait.ge [sflag:s22], s20  }
0xa0: {  	s5 =	ssub.s32 $0x0, s20;
	[sflag:s22] =	ssyncset.done $0x0  }
0xa1: {  	[sflag:s22] =	ssyncadd.s32 s5;
	_ =	sdelay $0x1  }
0xa2: {  	s23 =	simm.s32 $0x1B8B  }
0xa3: {  	_ =	swait.ge [sflag:s23], $0x1  }
0xa4: {  	[sflag:s23] =	ssyncset.done $0x0  }
0xa5: {  	s25 =	simm.s32 $0x1B8E;
	s24 =	sld [smem:$0x3FFE];
	[sflag:s23] =	ssyncadd.s32 $0xFFFFFFFF  }
0xa6: {  	s26 =	simm.s32 $execute0_lowered;
	[smem:$0x3FD2] =	sst s25  }
0xa7: {  	s6 =	sshll.u32 s26, $0x1;
	_ =	strace $0x80000046;
	[dreg:$0x1] =	wrdreg $0xFFFFFFFF  }
0xa8: {  	s28 =	simm.s32 $_size_execute0_lowered;
	s4 =	sadd.s32 s4, s6;
	[dreg:$0x0] =	wrdreg $0x0  }
0xa9: {  	s6 =	sshll.u32 s28, $0x1;
	[dreg:$0x2] =	wrdreg s4  }
0xaa: {  	[dreg:$0x3] =	wrdreg s6  }
0xab: {  	[dreg:$0x4] =	wrdreg $0xC0  }
0xac: {  	_ =	task [dreg:s8], $0x5FFFF  }
0xad: {  	[dreg:$0x1] =	wrdreg $0xFFFFFFFF  }
0xae: {  	[dreg:$0x0] =	wrdreg $0x60  }
0xaf: {  	[dreg:$0x2] =	wrdreg s2  }
0xb0: {  	[dreg:$0x3] =	wrdreg s18  }
0xb1: {  	[dreg:$0x4] =	wrdreg s24  }
0xb2: {  	[dreg:$0x5] =	wrdreg $0x9  }
0xb3: {  	_ =	task.clear_ibuf [dreg:s8], $0x6FFFF;
	_ =	strace $0x90000046  }
0xb4: {  	s29 =	simm.s32 $0x9;
	_ =	strace $0x80000048  }
0xb5: {  	_ =	swait.ge [sflag:s29], $0x1  }
0xb6: {  	[sflag:s29] =	ssyncadd.s32 $0xFFFFFFFF  }
0xb7: {  	_ =	strace $0x90000048  }
0xb8: {  	_ =	sfence  }
0xb9: {  	s30 =	sld [smem:$0x0];
	_ =	sdelay $0x2  }
0xba: {  	s31 =	sshll.u32 s1, $0xD;
	s1 =	sshrl.u32 s1, $0x2  }
0xbb: {  	s3 =	sand.u32 $0x4000, s31;
	s1 =	sadd.s32 s1, s30  }
0xbc: {  	s0 =	sor.u32 s3, s0;
	s1 =	sshll.u32 s1, $0x11  }
0xbd: {  	s0 =	sor.u32 s1, s0  }
0xbe: {  	s0 =	sadd.s32 $0x8F2B, s0  }
0xbf: {  	[sflag:s0] =	ssyncadd.remote.s32 $0x1  }
0xc0: {  	_ =	sfence.sel $0xFFFF  }
0xc1: {  	[dreg:$0x0] =	wrdreg $0xFFFFFFFF;
	(pc) =	sbr.abs _section_cstart, $3  }
0xc2: {  	[dreg:$0x1] =	wrdreg $0xFFFFFFFF  }
0xc3: {  	_ =	task.clear_ibuf [dreg:s8], $0x2FFFF;
	_ =	strace $0x9FFFFFFF  }
0xc4: {  	(tm) =	ssettm $0x7FFFFFFF  }
0xc5: {  	_ =	shalt  }
tec
execute0_lowered:
.L_overlay_start_1:
0x0: {  	(tag) =	ssettag $0x1  }
0x1: {  	s0 =	srdreg.scid;
	s20 =	stileid.u32  }
0x2: {  	s0 =	sand.u32 $0x1, s0;
	s1 =	sshll.u32 s20, $0x1  }
0x3: {  	s20 =	smul.u32 $0xC0000, s20;
	s5 =	sor.u32 s0, s1  }
0x4: {  	s4 =	smul.u32 $0x3, s5  }
0x5: {  	s2 =	rddreg [dreg:$0x0];
	s0 =	ssub.s32 $0x2, s0;
	s5 =	smul.u32 $0x201, s5  }
0x6: {  	s6 =	sshrl.u32 s0, $0x1;
	s7 =	sshrl.u32 s4, $0x1;
	s3 =	sadd.s32 $0x1, s4  }
0x7: {  	s9 =	sand.u32 $0x1, s4;
	s5 =	sadd.s32 $0xAB, s5;
	s21 =	smul.u32 $0x56, s7  }
0x8: {  	s22 =	sshrl.u32 s3, $0x1;
	s11 =	smul.u32 $0x30, s9;
	s9 =	sshll.u32 s9, $0x11  }
0x9: {  	s15 =	sand.u32 $0x1, s3;
	s19 =	sshrl.u32 s5, $0xA;
	s24 =	smul.u32 $0xAB, s22  }
0xa: {  	s3 =	sshll.u32 s3, $0x6;
	s16 =	sor.u32 $0x18000, s9;
	s17 =	smul.u32 $0x30, s15  }
0xb: {  	s15 =	sshll.u32 s15, $0x11;
	s19 =	smul.u32 $0xC0000, s19;
	s1 =	sshrl.u32 s21, $0x8  }
0xc: {  	s14 =	sadd.s32 s7, s11;
	s8 =	smul.u32 $0x3, s1;
	s1 =	ssub.s32 s0, s6  }
0xd: {  	s0 =	sadd.s32 $0x2, s4;
	s17 =	sadd.s32 s22, s17;
	s14 =	sshll.u32 s14, $0xC  }
0xe: {  	s4 =	sshll.u32 s4, $0x6;
	s12 =	sshrl.u32 s0, $0x1;
	s18 =	smul.u32 $0xAB, s0  }
0xf: {  	s14 =	sor.u32 s4, s14;
	s17 =	sshll.u32 s17, $0xC;
	s0 =	sshll.u32 s0, $0x6  }
0x10: {  	s1 =	smax.u32 s1, $0x1;
	s23 =	ssub.s32 s7, s8;
	s8 =	sshrl.u32 s24, $0x9  }
0x11: {  	s13 =	smul.u32 $0xAB, s12;
	s6 =	sadd.s32 s12, s11;
	s10 =	sand.u32 $0xFF, s23  }
0x12: {  	s8 =	sand.u32 $0x7F, s8;
	s21 =	sshrl.u32 s18, $0xA;
	s23 =	sadd.s32 $0x60, s11  }
0x13: {  	s8 =	smul.u32 $0x3, s8;
	s13 =	sshrl.u32 s13, $0x9;
	s10 =	sshll.u32 s10, $0x12  }
0x14: {  	s18 =	sand.u32 $0x3F, s21;
	s7 =	sadd.s32 s7, s23;
	s5 =	sadd.s32 s12, s23  }
0x15: {  	s21 =	sor.u32 $0x10000, s9;
	s13 =	sand.u32 $0x7F, s13;
	s18 =	smul.u32 $0xC0000, s18  }
0x16: {  	s7 =	sshll.u32 s7, $0xC;
	s5 =	sshll.u32 s5, $0xC;
	s25 =	ssub.s32 s22, s8  }
0x17: {  	s26 =	smul.u32 $0x3, s13;
	s8 =	sadd.s32 s20, s10;
	s4 =	sor.u32 s4, s7  }
0x18: {  	s7 =	sor.u32 s3, s17;
	s13 =	sand.u32 $0xFF, s25;
	s24 =	sor.u32 s9, s8  }
0x19: {  	s22 =	ssub.s32 s12, s26;
	s11 =	sshrl.u32 s24, $0x3;
	s26 =	sor.u32 $0x8000, s9  }
0x1a: {  	s13 =	sshll.u32 s13, $0x12;
	s10 =	sand.u32 $0xFF, s22;
	s25 =	sadd.s32 s2, s11  }
0x1b: {  	s22 =	sor.u32 s26, s8;
	s13 =	sadd.s32 s19, s13;
	[dreg:$0x4] =	wrdreg s25  }
0x1c: {  	s20 =	sshrl.u32 s22, $0x3;
	s22 =	sor.u32 s21, s8;
	s8 =	sor.u32 s16, s8  }
0x1d: {  	s13 =	sor.u32 s15, s13;
	s10 =	sshll.u32 s10, $0x12;
	s23 =	sadd.s32 s2, s20  }
0x1e: {  	s22 =	sshrl.u32 s22, $0x3;
	s8 =	sshrl.u32 s8, $0x3;
	s13 =	sshrl.u32 s13, $0x3  }
0x1f: {  	s10 =	sadd.s32 s18, s10;
	[dreg:$0x5] =	wrdreg s23;
	s23 =	sadd.s32 s2, s22  }
0x20: {  	s24 =	sadd.s32 s2, s8;
	s25 =	sadd.s32 s2, s13;
	s9 =	sor.u32 s9, s10  }
0x21: {  	s12 =	sor.u32 s26, s10;
	s26 =	sor.u32 s21, s10;
	[dreg:$0x6] =	wrdreg s23  }
0x22: {  	s10 =	sor.u32 s16, s10;
	s16 =	sor.u32 $0x1000, s13;
	[dreg:$0x7] =	wrdreg s24  }
0x23: {  	s19 =	sor.u32 $0x2000, s13;
	[dreg:$0x8] =	wrdreg s25;
	s18 =	sadd.s32 s2, s16  }
0x24: {  	s17 =	sadd.s32 $0x60000, s17;
	s21 =	sadd.s32 s2, s19;
	[dreg:$0x9] =	wrdreg s18  }
0x25: {  	s3 =	sor.u32 s3, s17;
	s9 =	sshrl.u32 s9, $0x3;
	[dreg:$0xa] =	wrdreg s21  }
0x26: {  	s12 =	sshrl.u32 s12, $0x3;
	s24 =	sadd.s32 s2, s9;
	s18 =	rddreg [dreg:$0x1]  }
0x27: {  	s15 =	sshrl.u32 s26, $0x3;
	s25 =	sadd.s32 s2, s12;
	[dreg:$0xc] =	wrdreg s24  }
0x28: {  	s7 =	sand.u32 $0x7FFF8380, s7;
	s26 =	sadd.s32 s2, s15;
	[dreg:$0xd] =	wrdreg s25  }
0x29: {  	s10 =	sshrl.u32 s10, $0x3;
	s21 =	sor.u32 $0x3000, s13;
	[dreg:$0xe] =	wrdreg s26  }
0x2a: {  	s23 =	sadd.s32 s2, s21;
	s26 =	sadd.s32 s18, s16;
	s16 =	rddreg [dreg:$0x2]  }
0x2b: {  	s4 =	sand.u32 $0x7FFF8380, s4;
	s2 =	sadd.s32 s2, s10;
	[dreg:$0xb] =	wrdreg s23  }
0x2c: {  	s17 =	sshrl.u32 s7, $0x3;
	s11 =	sadd.s32 s18, s11;
	[dreg:$0xf] =	wrdreg s2  }
0x2d: {  	s3 =	sand.u32 $0x7FFF8380, s3;
	s24 =	sadd.s32 s18, s22;
	[dreg:$0x10] =	wrdreg s11  }
0x2e: {  	s7 =	simm.s32 $0x3;
	s8 =	sadd.s32 s18, s8;
	[dreg:$0x12] =	wrdreg s24  }
0x2f: {  	s25 =	sadd.s32 s18, s13;
	s22 =	sadd.s32 s18, s12;
	[dreg:$0x13] =	wrdreg s8  }
0x30: {  	s13 =	sshll.u32 s6, $0xC;
	s12 =	simm.s32 $0x5;
	[dreg:$0x14] =	wrdreg s25  }
0x31: {  	s23 =	sadd.s32 s18, s20;
	[dreg:$0x15] =	wrdreg s26;
	s11 =	sadd.s32 s18, s19  }
0x32: {  	s20 =	sadd.s32 s18, s21;
	s21 =	sadd.s32 s18, s9;
	s24 =	sadd.s32 s18, s10  }
0x33: {  	s25 =	simm.s32 $0x0;
	s2 =	sor.u32 s0, s13;
	s0 =	sor.u32 s0, s5  }
0x34: {  	s6 =	sadd.s32 $0x600, s16;
	s19 =	sshrl.u32 s3, $0x3;
	s3 =	simm.s32 $0x10000  }
0x35: {  	s8 =	simm.s32 $0x80;
	s9 =	simm.s32 $0x400;
	[dreg:$0x11] =	wrdreg s23  }
0x36: {  	s10 =	simm.s32 $0x19000;
	s13 =	simm.s32 $0x0;
	[dreg:$0x16] =	wrdreg s11  }
0x37: {  	s23 =	sadd.s32 s18, s15;
	[smem:$0x7FF] =	sst s25;
	s15 =	sand.u32 $0x7FFF8380, s14  }
0x38: {  	s2 =	sand.u32 $0x7FFF8380, s2;
	s28 =	sadd.s32 s6, s17;
	s18 =	sshrl.u32 s4, $0x3  }
0x39: {  	s0 =	sand.u32 $0x7FFF8380, s0;
	s30 =	sadd.s32 s6, s19;
	s4 =	simm.s32 $0x1  }
0x3a: {  	s11 =	simm.s32 $0x4;
	s5 =	sshrl.u32 s15, $0x3;
	s2 =	sshrl.u32 s2, $0x3  }
0x3b: {  	s31 =	sadd.s32 s6, s18;
	s0 =	sshrl.u32 s0, $0x3;
	_ =	strace $0x80000047  }
0x3c: {  	s26 =	sadd.s32 s6, s5;
	s29 =	sadd.s32 s6, s2;
	s0 =	sadd.s32 s6, s0  }
0x3d: {  	v0 =	vimm.f32 $0.0e+00;
	v1 =	vlaneseq.u32;
	v2 =	vimm.f32 $1.000000000e+00;
	s2 =	simm.s32 $0x8000;
	s5 =	simm.s32 $0x18000;
	s6 =	simm.s32 $0x2  }
.LBB2_1:
0x3e: {  	s14 =	rddreg [dreg:$0x4]  }
0x3f: {  	[tilespmem:s25], [sflag:$0x1] =	stream.linear.gather [hbm4b:s14+s25], $0x8000, $0x38;
	[tilespmem:$0x1A000] =	vst v63  }
0x40: {  	s18 =	rddreg [dreg:$0x5]  }
0x41: {  	[tilespmem:s2], [sflag:$0x2] =	stream.linear.gather [hbm4b:s18+s25], $0x8000, $0x38;
	[tilespmem:$0x1A000] =	vst v63  }
0x42: {  	s19 =	rddreg [dreg:$0x6];
	s14 =	simm.s32 $0x18040  }
0x43: {  	[tilespmem:s3], [sflag:$0x3] =	stream.linear.gather [hbm4b:s19+s25], $0x8000, $0x38;
	[tilespmem:$0x1A000] =	vst v63  }
0x44: {  	[tilespmem:s14+$0xFFFFFFC0] =	vst v0  }
0x45: {  	[tilespmem:s14+$0x30] =	vst v0  }
0x46: {  	[tilespmem:s14+$0x20] =	vst v0  }
0x47: {  	[tilespmem:s14+$0x10] =	vst v0  }
0x48: {  	[tilespmem:s14+$0x0] =	vst v0  }
0x49: {  	[tilespmem:s14+$0xFFFFFFF0] =	vst v0  }
0x4a: {  	s15 =	simm.s32 $0x0;
	[tilespmem:s14+$0xFFFFFFE0] =	vst v0  }
.LBB2_2:
0x4b: {  	s15 =	sadd.s32 $0x80, s15;
	[tilespmem:s14+$0xFFFFFFD0] =	vst v0;
	s14 =	sadd.s32 $0x80, s14  }
0x4c: {  	[tilespmem:s14+$0xFFFFFFC0] =	vst v0;
	p0 =	slt.u32 s15, $0xF80  }
0x4d: {  	[tilespmem:s14+$0x30] =	vst v0  }
.Ltmp0:
0x4e: {  	[tilespmem:s14+$0x20] =	vst v0;
	(pc) =	sbr.rel @p0 .LBB2_2-.Ltmp0, $4  }
0x4f: {  	[tilespmem:s14+$0x10] =	vst v0  }
0x50: {  	[tilespmem:s14+$0x0] =	vst v0  }
0x51: {  	[tilespmem:s14+$0xFFFFFFF0] =	vst v0  }
0x52: {  	[tilespmem:s14+$0xFFFFFFE0] =	vst v0  }
0x53: {  	[tilespmem:s14+$0xFFFFFFD0] =	vst v0;
	s19 =	simm.s32 $0x0;
	s15 =	simm.s32 $0x0  }
0x54: {  	_ =	swait.ge [sflag:s4], $0x8000;
	s15 =	sand.u32 $0x7000, s15;
	s16 =	sand.u32 $0xC00, s19  }
0x55: {  	s14 =	sand.u32 $0x380, s19;
	[sflag:s4] =	ssyncset.done $0x0;
	s15 =	sor.u32 s16, s15  }
0x56: {  	[sflag:s4] =	ssyncadd.s32 $0xFFFF8000;
	s14 =	sor.u32 s14, s15  }
0x57: {  	v3 =	vld [tilespmem:s14+$0x70]  }
0x58: {  	v4 =	vld [tilespmem:s14+$0x0]  }
0x59: {  	v5 =	vld [tilespmem:s14+$0x10]  }
0x5a: {  	v6 =	vld [tilespmem:s14+$0x20]  }
0x5b: {  	v7 =	vld [tilespmem:s14+$0x30]  }
0x5c: {  	v8 =	vld [tilespmem:s14+$0x40]  }
0x5d: {  	v9 =	vld [tilespmem:s14+$0x50]  }
0x5e: {  	v10 =	vld [tilespmem:s14+$0x60]  }
0x5f: {  	v3 =	vmul.f32 $2.550000000e+02, v3;
	v4 =	vmul.f32 $2.550000000e+02, v4  }
0x60: {  	v5 =	vmul.f32 $2.550000000e+02, v5;
	v6 =	vmul.f32 $2.550000000e+02, v6  }
0x61: {  	s15 =	simm.s32 $0x400;
	s14 =	simm.s32 $0x80;
	v7 =	vmul.f32 $2.550000000e+02, v7;
	v3 =	vtrunc.f32 v3  }
0x62: {  	s16 =	simm.s32 $0x20;
	s18 =	sand.u32 $0xC00, s15;
	s17 =	sand.u32 $0x7000, s14;
	v8 =	vmul.f32 $2.550000000e+02, v8;
	v3 =	vcvt.f32.s32 v3  }
0x63: {  	s19 =	sand.u32 $0x380, s16;
	s17 =	sor.u32 s18, s17;
	v9 =	vmul.f32 $2.550000000e+02, v9;
	v10 =	vmul.f32 $2.550000000e+02, v10  }
0x64: {  	s17 =	sor.u32 s19, s17;
	v4 =	vtrunc.f32 v4;
	v5 =	vtrunc.f32 v5;
	v3 =	vshll.u32 v3, $0x4  }
0x65: {  	v12 =	vld [tilespmem:s17+$0x10];
	v6 =	vtrunc.f32 v6;
	v7 =	vtrunc.f32 v7;
	v3 =	vor.u32 v1, v3  }
0x66: {  	v8 =	vtrunc.f32 v8;
	v9 =	vtrunc.f32 v9  }
0x67: {  	v13 =	vld [tilespmem:s17+$0x20];
	v10 =	vtrunc.f32 v10;
	v4 =	vcvt.f32.s32 v4  }
0x68: {  	v11 =	vld [tilespmem:s17+$0x70];
	v5 =	vcvt.f32.s32 v5;
	v8 =	vcvt.f32.s32 v8  }
0x69: {  	v15 =	vld [tilespmem:s17+$0x30];
	v9 =	vcvt.f32.s32 v9;
	v10 =	vcvt.f32.s32 v10  }
0x6a: {  	v19 =	vmul.f32 $2.550000000e+02, v12;
	v4 =	vshll.u32 v4, $0x4;
	[tilespmem:v3+s5+$0x0] =	vst.idx.add.f32.msk $0xffff, v2;
	v3 =	vcvt.f32.s32 v6  }
0x6b: {  	v5 =	vshll.u32 v5, $0x4;
	v14 =	vor.u32 v1, v4;
	v6 =	vcvt.f32.s32 v7;
	v7 =	vld [tilespmem:s17+$0x0]  }
0x6c: {  	v18 =	vld [tilespmem:s17+$0x40];
	v12 =	vmul.f32 $2.550000000e+02, v13;
	v16 =	vor.u32 v1, v5;
	v3 =	vshll.u32 v3, $0x4  }
0x6d: {  	v4 =	vshll.u32 v6, $0x4;
	v17 =	vor.u32 v1, v3;
	v3 =	vmul.f32 $2.550000000e+02, v11  }
0x6e: {  	v8 =	vshll.u32 v8, $0x4;
	v11 =	vshll.u32 v10, $0x4;
	v6 =	vor.u32 v1, v4;
	v10 =	vld [tilespmem:s17+$0x50]  }
0x6f: {  	v9 =	vshll.u32 v9, $0x4;
	v5 =	vor.u32 v1, v8;
	v8 =	vld [tilespmem:s17+$0x60];
	v3 =	vtrunc.f32 v3  }
0x70: {  	[tilespmem:v14+s5+$0x0] =	vst.idx.add.f32.msk $0xffff, v2;
	v4 =	vor.u32 v1, v9;
	v7 =	vmul.f32 $2.550000000e+02, v7;
	v20 =	vcvt.f32.s32 v3  }
0x71: {  	v13 =	vmul.f32 $2.550000000e+02, v15;
	[tilespmem:v16+s5+$0x0] =	vst.idx.add.f32.msk $0xffff, v2;
	v3 =	vor.u32 v1, v11;
	v11 =	vmul.f32 $2.550000000e+02, v18  }
0x72: {  	v9 =	vtrunc.f32 v7;
	v7 =	vtrunc.f32 v19;
	v14 =	vshll.u32 v20, $0x4;
	[tilespmem:v17+s5+$0x0] =	vst.idx.add.f32.msk $0xffff, v2  }
.LBB2_4:
0x73: {  	s14 =	sadd.s32 $0x80, s14;
	v12 =	vtrunc.f32 v12;
	v10 =	vmul.f32 $2.550000000e+02, v10;
	v14 =	vor.u32 v1, v14;
	s15 =	sadd.s32 $0x400, s15;
	[tilespmem:v6+s5+$0x0] =	vst.idx.add.f32.msk $0xffff, v2  }
0x74: {  	v6 =	vtrunc.f32 v13;
	s16 =	sadd.s32 $0x20, s16;
	s17 =	sand.u32 $0x7000, s14;
	s18 =	sand.u32 $0xC00, s15;
	v8 =	vmul.f32 $2.550000000e+02, v8;
	[tilespmem:v5+s5+$0x0] =	vst.idx.add.f32.msk $0xffff, v2  }
0x75: {  	s19 =	sand.u32 $0x380, s16;
	p0 =	slt.u32 s14, $0x7F80;
	v5 =	vtrunc.f32 v11;
	s17 =	sor.u32 s18, s17;
	v10 =	vtrunc.f32 v10;
	[tilespmem:v4+s5+$0x0] =	vst.idx.add.f32.msk $0xffff, v2  }
0x76: {  	v4 =	vcvt.f32.s32 v9;
	s17 =	sor.u32 s19, s17;
	v8 =	vtrunc.f32 v8;
	[tilespmem:v3+s5+$0x0] =	vst.idx.add.f32.msk $0xffff, v2  }
0x77: {  	v7 =	vcvt.f32.s32 v7;
	v9 =	vcvt.f32.s32 v12;
	v3 =	vld [tilespmem:s17+$0x70]  }
0x78: {  	v6 =	vcvt.f32.s32 v6;
	v5 =	vcvt.f32.s32 v5;
	v4 =	vshll.u32 v4, $0x4;
	[tilespmem:v14+s5+$0x0] =	vst.idx.add.f32.msk $0xffff, v2  }
0x79: {  	v7 =	vshll.u32 v7, $0x4;
	v10 =	vcvt.f32.s32 v10;
	v8 =	vcvt.f32.s32 v8;
	v11 =	vld [tilespmem:s17+$0x0]  }
0x7a: {  	v6 =	vshll.u32 v6, $0x4;
	v9 =	vshll.u32 v9, $0x4;
	v5 =	vshll.u32 v5, $0x4;
	v12 =	vld [tilespmem:s17+$0x10]  }
0x7b: {  	v14 =	vor.u32 v1, v4;
	v4 =	vshll.u32 v10, $0x4;
	v8 =	vshll.u32 v8, $0x4;
	v13 =	vld [tilespmem:s17+$0x20]  }
0x7c: {  	v7 =	vor.u32 v1, v7;
	v6 =	vor.u32 v1, v6;
	v16 =	vor.u32 v1, v9;
	v15 =	vld [tilespmem:s17+$0x30]  }
0x7d: {  	v5 =	vor.u32 v1, v5;
	v4 =	vor.u32 v1, v4;
	v9 =	vmul.f32 $2.550000000e+02, v3;
	v17 =	vld [tilespmem:s17+$0x40]  }
.Ltmp1:
0x7e: {  	v3 =	vor.u32 v1, v8;
	v11 =	vmul.f32 $2.550000000e+02, v11;
	v10 =	vld [tilespmem:s17+$0x50];
	(pc) =	sbr.rel @p0 .LBB2_4-.Ltmp1, $4  }
0x7f: {  	v9 =	vtrunc.f32 v9;
	v18 =	vmul.f32 $2.550000000e+02, v12;
	v8 =	vld [tilespmem:s17+$0x60]  }
0x80: {  	v19 =	vcvt.f32.s32 v9;
	v12 =	vmul.f32 $2.550000000e+02, v13;
	[tilespmem:v14+s5+$0x0] =	vst.idx.add.f32.msk $0xffff, v2  }
0x81: {  	v9 =	vtrunc.f32 v11;
	v13 =	vmul.f32 $2.550000000e+02, v15;
	[tilespmem:v7+s5+$0x0] =	vst.idx.add.f32.msk $0xffff, v2  }
0x82: {  	v7 =	vtrunc.f32 v18;
	v14 =	vshll.u32 v19, $0x4;
	v11 =	vmul.f32 $2.550000000e+02, v17;
	[tilespmem:v16+s5+$0x0] =	vst.idx.add.f32.msk $0xffff, v2  }
0x83: {  	v12 =	vtrunc.f32 v12;
	v10 =	vmul.f32 $2.550000000e+02, v10  }
0x84: {  	v13 =	vtrunc.f32 v13;
	v9 =	vcvt.f32.s32 v9  }
0x85: {  	v7 =	vcvt.f32.s32 v7;
	v8 =	vmul.f32 $2.550000000e+02, v8  }
0x86: {  	v14 =	vor.u32 v1, v14;
	v11 =	vtrunc.f32 v11;
	v12 =	vcvt.f32.s32 v12  }
0x87: {  	[tilespmem:v6+s5+$0x0] =	vst.idx.add.f32.msk $0xffff, v2;
	v6 =	vcvt.f32.s32 v13;
	v10 =	vtrunc.f32 v10;
	v9 =	vshll.u32 v9, $0x4  }
0x88: {  	[tilespmem:v5+s5+$0x0] =	vst.idx.add.f32.msk $0xffff, v2;
	v7 =	vshll.u32 v7, $0x4;
	v5 =	vcvt.f32.s32 v11;
	v9 =	vor.u32 v1, v9  }
0x89: {  	v8 =	vtrunc.f32 v8;
	v11 =	vshll.u32 v12, $0x4;
	v7 =	vor.u32 v1, v7  }
0x8a: {  	[tilespmem:v4+s5+$0x0] =	vst.idx.add.f32.msk $0xffff, v2;
	v4 =	vcvt.f32.s32 v10;
	v6 =	vshll.u32 v6, $0x4;
	v10 =	vor.u32 v1, v11  }
0x8b: {  	[tilespmem:v3+s5+$0x0] =	vst.idx.add.f32.msk $0xffff, v2;
	v3 =	vcvt.f32.s32 v8;
	v5 =	vshll.u32 v5, $0x4;
	v6 =	vor.u32 v1, v6  }
0x8c: {  	[tilespmem:v14+s5+$0x0] =	vst.idx.add.f32.msk $0xffff, v2;
	v4 =	vshll.u32 v4, $0x4;
	v5 =	vor.u32 v1, v5  }
0x8d: {  	v3 =	vshll.u32 v3, $0x4;
	v4 =	vor.u32 v1, v4;
	[tilespmem:v9+s5+$0x0] =	vst.idx.add.f32.msk $0xffff, v2  }
0x8e: {  	v3 =	vor.u32 v1, v3;
	[tilespmem:v7+s5+$0x0] =	vst.idx.add.f32.msk $0xffff, v2  }
0x8f: {  	[tilespmem:v10+s5+$0x0] =	vst.idx.add.f32.msk $0xffff, v2  }
0x90: {  	[tilespmem:v6+s5+$0x0] =	vst.idx.add.f32.msk $0xffff, v2  }
0x91: {  	[tilespmem:v5+s5+$0x0] =	vst.idx.add.f32.msk $0xffff, v2  }
0x92: {  	[tilespmem:v4+s5+$0x0] =	vst.idx.add.f32.msk $0xffff, v2  }
0x93: {  	[tilespmem:v3+s5+$0x0] =	vst.idx.add.f32.msk $0xffff, v2  }
0x94: {  	s14 =	simm.s32 $0x0;
	s19 =	simm.s32 $0x0;
	s15 =	rddreg [dreg:$0x7]  }
0x95: {  	[tilespmem:s14], [sflag:$0x1] =	stream.linear.gather [hbm4b:s15+s14], $0x8000, $0x38;
	[tilespmem:$0x1A000] =	vst v63  }
0x96: {  	s16 =	sand.u32 $0xC00, s14;
	s15 =	sand.u32 $0x7000, s19;
	_ =	swait.ge [sflag:s6], $0x8000  }
0x97: {  	s14 =	sand.u32 $0x380, s14;
	s15 =	sor.u32 s16, s15;
	[sflag:s6] =	ssyncset.done $0x0  }
0x98: {  	s14 =	sor.u32 s14, s15;
	[sflag:s6] =	ssyncadd.s32 $0xFFFF8000  }
0x99: {  	v3 =	vld [tilespmem:s14+$0x8070]  }
0x9a: {  	v4 =	vld [tilespmem:s14+$0x8000]  }
0x9b: {  	v5 =	vld [tilespmem:s14+$0x8010]  }
0x9c: {  	v6 =	vld [tilespmem:s14+$0x8020]  }
0x9d: {  	v7 =	vld [tilespmem:s14+$0x8030]  }
0x9e: {  	v8 =	vld [tilespmem:s14+$0x8040]  }
0x9f: {  	v9 =	vld [tilespmem:s14+$0x8050]  }
0xa0: {  	v10 =	vld [tilespmem:s14+$0x8060]  }
0xa1: {  	v3 =	vmul.f32 $2.550000000e+02, v3;
	v4 =	vmul.f32 $2.550000000e+02, v4  }
0xa2: {  	v5 =	vmul.f32 $2.550000000e+02, v5;
	v6 =	vmul.f32 $2.550000000e+02, v6  }
0xa3: {  	s15 =	simm.s32 $0x400;
	s14 =	simm.s32 $0x80;
	v7 =	vmul.f32 $2.550000000e+02, v7;
	v3 =	vtrunc.f32 v3  }
0xa4: {  	s16 =	simm.s32 $0x20;
	s18 =	sand.u32 $0xC00, s15;
	s17 =	sand.u32 $0x7000, s14;
	v8 =	vmul.f32 $2.550000000e+02, v8;
	v3 =	vcvt.f32.s32 v3  }
0xa5: {  	s19 =	sand.u32 $0x380, s16;
	s17 =	sor.u32 s18, s17;
	v9 =	vmul.f32 $2.550000000e+02, v9;
	v10 =	vmul.f32 $2.550000000e+02, v10  }
0xa6: {  	s17 =	sor.u32 s19, s17;
	v4 =	vtrunc.f32 v4;
	v5 =	vtrunc.f32 v5;
	v3 =	vshll.u32 v3, $0x4  }
0xa7: {  	v12 =	vld [tilespmem:s17+$0x8010];
	v6 =	vtrunc.f32 v6;
	v7 =	vtrunc.f32 v7;
	v3 =	vor.u32 v1, v3  }
0xa8: {  	v8 =	vtrunc.f32 v8;
	v9 =	vtrunc.f32 v9  }
0xa9: {  	v13 =	vld [tilespmem:s17+$0x8020];
	v10 =	vtrunc.f32 v10;
	v4 =	vcvt.f32.s32 v4  }
0xaa: {  	v11 =	vld [tilespmem:s17+$0x8070];
	v5 =	vcvt.f32.s32 v5;
	v8 =	vcvt.f32.s32 v8  }
0xab: {  	v15 =	vld [tilespmem:s17+$0x8030];
	v9 =	vcvt.f32.s32 v9;
	v10 =	vcvt.f32.s32 v10  }
0xac: {  	v19 =	vmul.f32 $2.550000000e+02, v12;
	v4 =	vshll.u32 v4, $0x4;
	[tilespmem:v3+s5+$0x0] =	vst.idx.add.f32.msk $0xffff, v2;
	v3 =	vcvt.f32.s32 v6  }
0xad: {  	v5 =	vshll.u32 v5, $0x4;
	v14 =	vor.u32 v1, v4;
	v6 =	vcvt.f32.s32 v7;
	v7 =	vld [tilespmem:s17+$0x8000]  }
0xae: {  	v18 =	vld [tilespmem:s17+$0x8040];
	v12 =	vmul.f32 $2.550000000e+02, v13;
	v16 =	vor.u32 v1, v5;
	v3 =	vshll.u32 v3, $0x4  }
0xaf: {  	v4 =	vshll.u32 v6, $0x4;
	v17 =	vor.u32 v1, v3;
	v3 =	vmul.f32 $2.550000000e+02, v11  }
0xb0: {  	v8 =	vshll.u32 v8, $0x4;
	v11 =	vshll.u32 v10, $0x4;
	v6 =	vor.u32 v1, v4;
	v10 =	vld [tilespmem:s17+$0x8050]  }
0xb1: {  	v9 =	vshll.u32 v9, $0x4;
	v5 =	vor.u32 v1, v8;
	v8 =	vld [tilespmem:s17+$0x8060];
	v3 =	vtrunc.f32 v3  }
0xb2: {  	[tilespmem:v14+s5+$0x0] =	vst.idx.add.f32.msk $0xffff, v2;
	v4 =	vor.u32 v1, v9;
	v7 =	vmul.f32 $2.550000000e+02, v7;
	v20 =	vcvt.f32.s32 v3  }
0xb3: {  	v13 =	vmul.f32 $2.550000000e+02, v15;
	[tilespmem:v16+s5+$0x0] =	vst.idx.add.f32.msk $0xffff, v2;
	v3 =	vor.u32 v1, v11;
	v11 =	vmul.f32 $2.550000000e+02, v18  }
0xb4: {  	v9 =	vtrunc.f32 v7;
	v7 =	vtrunc.f32 v19;
	v14 =	vshll.u32 v20, $0x4;
	[tilespmem:v17+s5+$0x0] =	vst.idx.add.f32.msk $0xffff, v2  }
.LBB2_6:
0xb5: {  	s14 =	sadd.s32 $0x80, s14;
	v12 =	vtrunc.f32 v12;
	v10 =	vmul.f32 $2.550000000e+02, v10;
	v14 =	vor.u32 v1, v14;
	s15 =	sadd.s32 $0x400, s15;
	[tilespmem:v6+s5+$0x0] =	vst.idx.add.f32.msk $0xffff, v2  }
0xb6: {  	v6 =	vtrunc.f32 v13;
	s16 =	sadd.s32 $0x20, s16;
	s17 =	sand.u32 $0x7000, s14;
	s18 =	sand.u32 $0xC00, s15;
	v8 =	vmul.f32 $2.550000000e+02, v8;
	[tilespmem:v5+s5+$0x0] =	vst.idx.add.f32.msk $0xffff, v2  }
0xb7: {  	s19 =	sand.u32 $0x380, s16;
	p0 =	slt.u32 s14, $0x7F80;
	v5 =	vtrunc.f32 v11;
	s17 =	sor.u32 s18, s17;
	v10 =	vtrunc.f32 v10;
	[tilespmem:v4+s5+$0x0] =	vst.idx.add.f32.msk $0xffff, v2  }
0xb8: {  	v4 =	vcvt.f32.s32 v9;
	s17 =	sor.u32 s19, s17;
	v8 =	vtrunc.f32 v8;
	[tilespmem:v3+s5+$0x0] =	vst.idx.add.f32.msk $0xffff, v2  }
0xb9: {  	v7 =	vcvt.f32.s32 v7;
	v9 =	vcvt.f32.s32 v12;
	v3 =	vld [tilespmem:s17+$0x8070]  }
0xba: {  	v6 =	vcvt.f32.s32 v6;
	v5 =	vcvt.f32.s32 v5;
	v4 =	vshll.u32 v4, $0x4;
	[tilespmem:v14+s5+$0x0] =	vst.idx.add.f32.msk $0xffff, v2  }
0xbb: {  	v7 =	vshll.u32 v7, $0x4;
	v10 =	vcvt.f32.s32 v10;
	v8 =	vcvt.f32.s32 v8;
	v11 =	vld [tilespmem:s17+$0x8000]  }
0xbc: {  	v6 =	vshll.u32 v6, $0x4;
	v9 =	vshll.u32 v9, $0x4;
	v5 =	vshll.u32 v5, $0x4;
	v12 =	vld [tilespmem:s17+$0x8010]  }
0xbd: {  	v14 =	vor.u32 v1, v4;
	v4 =	vshll.u32 v10, $0x4;
	v8 =	vshll.u32 v8, $0x4;
	v13 =	vld [tilespmem:s17+$0x8020]  }
0xbe: {  	v7 =	vor.u32 v1, v7;
	v6 =	vor.u32 v1, v6;
	v16 =	vor.u32 v1, v9;
	v15 =	vld [tilespmem:s17+$0x8030]  }
0xbf: {  	v5 =	vor.u32 v1, v5;
	v4 =	vor.u32 v1, v4;
	v9 =	vmul.f32 $2.550000000e+02, v3;
	v17 =	vld [tilespmem:s17+$0x8040]  }
.Ltmp2:
0xc0: {  	v3 =	vor.u32 v1, v8;
	v11 =	vmul.f32 $2.550000000e+02, v11;
	v10 =	vld [tilespmem:s17+$0x8050];
	(pc) =	sbr.rel @p0 .LBB2_6-.Ltmp2, $4  }
0xc1: {  	v9 =	vtrunc.f32 v9;
	v18 =	vmul.f32 $2.550000000e+02, v12;
	v8 =	vld [tilespmem:s17+$0x8060]  }
0xc2: {  	v19 =	vcvt.f32.s32 v9;
	v12 =	vmul.f32 $2.550000000e+02, v13;
	[tilespmem:v14+s5+$0x0] =	vst.idx.add.f32.msk $0xffff, v2  }
0xc3: {  	v9 =	vtrunc.f32 v11;
	v13 =	vmul.f32 $2.550000000e+02, v15;
	[tilespmem:v7+s5+$0x0] =	vst.idx.add.f32.msk $0xffff, v2  }
0xc4: {  	v7 =	vtrunc.f32 v18;
	v14 =	vshll.u32 v19, $0x4;
	v11 =	vmul.f32 $2.550000000e+02, v17;
	[tilespmem:v16+s5+$0x0] =	vst.idx.add.f32.msk $0xffff, v2  }
0xc5: {  	v12 =	vtrunc.f32 v12;
	v10 =	vmul.f32 $2.550000000e+02, v10  }
0xc6: {  	v13 =	vtrunc.f32 v13;
	v9 =	vcvt.f32.s32 v9  }
0xc7: {  	v7 =	vcvt.f32.s32 v7;
	v8 =	vmul.f32 $2.550000000e+02, v8  }
0xc8: {  	v14 =	vor.u32 v1, v14;
	v11 =	vtrunc.f32 v11;
	v12 =	vcvt.f32.s32 v12  }
0xc9: {  	[tilespmem:v6+s5+$0x0] =	vst.idx.add.f32.msk $0xffff, v2;
	v6 =	vcvt.f32.s32 v13;
	v10 =	vtrunc.f32 v10;
	v9 =	vshll.u32 v9, $0x4  }
0xca: {  	[tilespmem:v5+s5+$0x0] =	vst.idx.add.f32.msk $0xffff, v2;
	v7 =	vshll.u32 v7, $0x4;
	v5 =	vcvt.f32.s32 v11;
	v9 =	vor.u32 v1, v9  }
0xcb: {  	v8 =	vtrunc.f32 v8;
	v11 =	vshll.u32 v12, $0x4;
	v7 =	vor.u32 v1, v7  }
0xcc: {  	[tilespmem:v4+s5+$0x0] =	vst.idx.add.f32.msk $0xffff, v2;
	v4 =	vcvt.f32.s32 v10;
	v6 =	vshll.u32 v6, $0x4;
	v10 =	vor.u32 v1, v11  }
0xcd: {  	[tilespmem:v3+s5+$0x0] =	vst.idx.add.f32.msk $0xffff, v2;
	v3 =	vcvt.f32.s32 v8;
	v5 =	vshll.u32 v5, $0x4;
	v6 =	vor.u32 v1, v6  }
0xce: {  	[tilespmem:v14+s5+$0x0] =	vst.idx.add.f32.msk $0xffff, v2;
	v4 =	vshll.u32 v4, $0x4;
	v5 =	vor.u32 v1, v5  }
0xcf: {  	v3 =	vshll.u32 v3, $0x4;
	v4 =	vor.u32 v1, v4;
	[tilespmem:v9+s5+$0x0] =	vst.idx.add.f32.msk $0xffff, v2  }
0xd0: {  	v3 =	vor.u32 v1, v3;
	[tilespmem:v7+s5+$0x0] =	vst.idx.add.f32.msk $0xffff, v2  }
0xd1: {  	[tilespmem:v10+s5+$0x0] =	vst.idx.add.f32.msk $0xffff, v2  }
0xd2: {  	[tilespmem:v6+s5+$0x0] =	vst.idx.add.f32.msk $0xffff, v2  }
0xd3: {  	[tilespmem:v5+s5+$0x0] =	vst.idx.add.f32.msk $0xffff, v2  }
0xd4: {  	[tilespmem:v4+s5+$0x0] =	vst.idx.add.f32.msk $0xffff, v2  }
0xd5: {  	[tilespmem:v3+s5+$0x0] =	vst.idx.add.f32.msk $0xffff, v2  }
0xd6: {  	s14 =	simm.s32 $0x0;
	s19 =	simm.s32 $0x0;
	s15 =	rddreg [dreg:$0x8]  }
0xd7: {  	[tilespmem:s2], [sflag:$0x2] =	stream.linear.gather [hbm4b:s15+s14], $0x8000, $0x38;
	[tilespmem:$0x1A000] =	vst v63  }
0xd8: {  	s16 =	sand.u32 $0xC00, s14;
	s15 =	sand.u32 $0x7000, s19;
	_ =	swait.ge [sflag:s7], $0x8000  }
0xd9: {  	s14 =	sand.u32 $0x380, s14;
	s15 =	sor.u32 s16, s15;
	[sflag:s7] =	ssyncset.done $0x0  }
0xda: {  	s14 =	sor.u32 s14, s15;
	[sflag:s7] =	ssyncadd.s32 $0xFFFF8000  }
0xdb: {  	v3 =	vld [tilespmem:s14+$0x10070]  }
0xdc: {  	v4 =	vld [tilespmem:s14+$0x10000]  }
0xdd: {  	v5 =	vld [tilespmem:s14+$0x10010]  }
0xde: {  	v6 =	vld [tilespmem:s14+$0x10020]  }
0xdf: {  	v7 =	vld [tilespmem:s14+$0x10030]  }
0xe0: {  	v8 =	vld [tilespmem:s14+$0x10040]  }
0xe1: {  	v9 =	vld [tilespmem:s14+$0x10050]  }
0xe2: {  	v10 =	vld [tilespmem:s14+$0x10060]  }
0xe3: {  	v3 =	vmul.f32 $2.550000000e+02, v3;
	v4 =	vmul.f32 $2.550000000e+02, v4  }
0xe4: {  	v5 =	vmul.f32 $2.550000000e+02, v5;
	v6 =	vmul.f32 $2.550000000e+02, v6  }
0xe5: {  	s15 =	simm.s32 $0x400;
	s14 =	simm.s32 $0x80;
	v7 =	vmul.f32 $2.550000000e+02, v7;
	v3 =	vtrunc.f32 v3  }
0xe6: {  	s16 =	simm.s32 $0x20;
	s18 =	sand.u32 $0xC00, s15;
	s17 =	sand.u32 $0x7000, s14;
	v8 =	vmul.f32 $2.550000000e+02, v8;
	v3 =	vcvt.f32.s32 v3  }
0xe7: {  	s19 =	sand.u32 $0x380, s16;
	s17 =	sor.u32 s18, s17;
	v9 =	vmul.f32 $2.550000000e+02, v9;
	v10 =	vmul.f32 $2.550000000e+02, v10  }
0xe8: {  	s17 =	sor.u32 s19, s17;
	v4 =	vtrunc.f32 v4;
	v5 =	vtrunc.f32 v5;
	v3 =	vshll.u32 v3, $0x4  }
0xe9: {  	v12 =	vld [tilespmem:s17+$0x10010];
	v6 =	vtrunc.f32 v6;
	v7 =	vtrunc.f32 v7;
	v3 =	vor.u32 v1, v3  }
0xea: {  	v8 =	vtrunc.f32 v8;
	v9 =	vtrunc.f32 v9  }
0xeb: {  	v13 =	vld [tilespmem:s17+$0x10020];
	v10 =	vtrunc.f32 v10;
	v4 =	vcvt.f32.s32 v4  }
0xec: {  	v11 =	vld [tilespmem:s17+$0x10070];
	v5 =	vcvt.f32.s32 v5;
	v8 =	vcvt.f32.s32 v8  }
0xed: {  	v15 =	vld [tilespmem:s17+$0x10030];
	v9 =	vcvt.f32.s32 v9;
	v10 =	vcvt.f32.s32 v10  }
0xee: {  	v19 =	vmul.f32 $2.550000000e+02, v12;
	v4 =	vshll.u32 v4, $0x4;
	[tilespmem:v3+s5+$0x0] =	vst.idx.add.f32.msk $0xffff, v2;
	v3 =	vcvt.f32.s32 v6  }
0xef: {  	v5 =	vshll.u32 v5, $0x4;
	v14 =	vor.u32 v1, v4;
	v6 =	vcvt.f32.s32 v7;
	v7 =	vld [tilespmem:s17+$0x10000]  }
0xf0: {  	v18 =	vld [tilespmem:s17+$0x10040];
	v12 =	vmul.f32 $2.550000000e+02, v13;
	v16 =	vor.u32 v1, v5;
	v3 =	vshll.u32 v3, $0x4  }
0xf1: {  	v4 =	vshll.u32 v6, $0x4;
	v17 =	vor.u32 v1, v3;
	v3 =	vmul.f32 $2.550000000e+02, v11  }
0xf2: {  	v8 =	vshll.u32 v8, $0x4;
	v11 =	vshll.u32 v10, $0x4;
	v6 =	vor.u32 v1, v4;
	v10 =	vld [tilespmem:s17+$0x10050]  }
0xf3: {  	v9 =	vshll.u32 v9, $0x4;
	v5 =	vor.u32 v1, v8;
	v8 =	vld [tilespmem:s17+$0x10060];
	v3 =	vtrunc.f32 v3  }
0xf4: {  	[tilespmem:v14+s5+$0x0] =	vst.idx.add.f32.msk $0xffff, v2;
	v4 =	vor.u32 v1, v9;
	v7 =	vmul.f32 $2.550000000e+02, v7;
	v20 =	vcvt.f32.s32 v3  }
0xf5: {  	v13 =	vmul.f32 $2.550000000e+02, v15;
	[tilespmem:v16+s5+$0x0] =	vst.idx.add.f32.msk $0xffff, v2;
	v3 =	vor.u32 v1, v11;
	v11 =	vmul.f32 $2.550000000e+02, v18  }
0xf6: {  	v9 =	vtrunc.f32 v7;
	v7 =	vtrunc.f32 v19;
	v14 =	vshll.u32 v20, $0x4;
	[tilespmem:v17+s5+$0x0] =	vst.idx.add.f32.msk $0xffff, v2  }
.LBB2_8:
0xf7: {  	s14 =	sadd.s32 $0x80, s14;
	v12 =	vtrunc.f32 v12;
	v10 =	vmul.f32 $2.550000000e+02, v10;
	v14 =	vor.u32 v1, v14;
	s15 =	sadd.s32 $0x400, s15;
	[tilespmem:v6+s5+$0x0] =	vst.idx.add.f32.msk $0xffff, v2  }
0xf8: {  	v6 =	vtrunc.f32 v13;
	s16 =	sadd.s32 $0x20, s16;
	s17 =	sand.u32 $0x7000, s14;
	s18 =	sand.u32 $0xC00, s15;
	v8 =	vmul.f32 $2.550000000e+02, v8;
	[tilespmem:v5+s5+$0x0] =	vst.idx.add.f32.msk $0xffff, v2  }
0xf9: {  	s19 =	sand.u32 $0x380, s16;
	p0 =	slt.u32 s14, $0x7F80;
	v5 =	vtrunc.f32 v11;
	s17 =	sor.u32 s18, s17;
	v10 =	vtrunc.f32 v10;
	[tilespmem:v4+s5+$0x0] =	vst.idx.add.f32.msk $0xffff, v2  }
0xfa: {  	v4 =	vcvt.f32.s32 v9;
	s17 =	sor.u32 s19, s17;
	v8 =	vtrunc.f32 v8;
	[tilespmem:v3+s5+$0x0] =	vst.idx.add.f32.msk $0xffff, v2  }
0xfb: {  	v7 =	vcvt.f32.s32 v7;
	v9 =	vcvt.f32.s32 v12;
	v3 =	vld [tilespmem:s17+$0x10070]  }
0xfc: {  	v6 =	vcvt.f32.s32 v6;
	v5 =	vcvt.f32.s32 v5;
	v4 =	vshll.u32 v4, $0x4;
	[tilespmem:v14+s5+$0x0] =	vst.idx.add.f32.msk $0xffff, v2  }
0xfd: {  	v7 =	vshll.u32 v7, $0x4;
	v10 =	vcvt.f32.s32 v10;
	v8 =	vcvt.f32.s32 v8;
	v11 =	vld [tilespmem:s17+$0x10000]  }
0xfe: {  	v6 =	vshll.u32 v6, $0x4;
	v9 =	vshll.u32 v9, $0x4;
	v5 =	vshll.u32 v5, $0x4;
	v12 =	vld [tilespmem:s17+$0x10010]  }
0xff: {  	v14 =	vor.u32 v1, v4;
	v4 =	vshll.u32 v10, $0x4;
	v8 =	vshll.u32 v8, $0x4;
	v13 =	vld [tilespmem:s17+$0x10020]  }
0x100: {  	v7 =	vor.u32 v1, v7;
	v6 =	vor.u32 v1, v6;
	v16 =	vor.u32 v1, v9;
	v15 =	vld [tilespmem:s17+$0x10030]  }
0x101: {  	v5 =	vor.u32 v1, v5;
	v4 =	vor.u32 v1, v4;
	v9 =	vmul.f32 $2.550000000e+02, v3;
	v17 =	vld [tilespmem:s17+$0x10040]  }
.Ltmp3:
0x102: {  	v3 =	vor.u32 v1, v8;
	v11 =	vmul.f32 $2.550000000e+02, v11;
	v10 =	vld [tilespmem:s17+$0x10050];
	(pc) =	sbr.rel @p0 .LBB2_8-.Ltmp3, $4  }
0x103: {  	v9 =	vtrunc.f32 v9;
	v18 =	vmul.f32 $2.550000000e+02, v12;
	v8 =	vld [tilespmem:s17+$0x10060]  }
0x104: {  	v19 =	vcvt.f32.s32 v9;
	v12 =	vmul.f32 $2.550000000e+02, v13;
	[tilespmem:v14+s5+$0x0] =	vst.idx.add.f32.msk $0xffff, v2  }
0x105: {  	v9 =	vtrunc.f32 v11;
	v13 =	vmul.f32 $2.550000000e+02, v15;
	[tilespmem:v7+s5+$0x0] =	vst.idx.add.f32.msk $0xffff, v2  }
0x106: {  	v7 =	vtrunc.f32 v18;
	v14 =	vshll.u32 v19, $0x4;
	v11 =	vmul.f32 $2.550000000e+02, v17;
	[tilespmem:v16+s5+$0x0] =	vst.idx.add.f32.msk $0xffff, v2  }
0x107: {  	v12 =	vtrunc.f32 v12;
	v10 =	vmul.f32 $2.550000000e+02, v10  }
0x108: {  	v13 =	vtrunc.f32 v13;
	v9 =	vcvt.f32.s32 v9  }
0x109: {  	v7 =	vcvt.f32.s32 v7;
	v8 =	vmul.f32 $2.550000000e+02, v8  }
0x10a: {  	v14 =	vor.u32 v1, v14;
	v11 =	vtrunc.f32 v11;
	v12 =	vcvt.f32.s32 v12  }
0x10b: {  	[tilespmem:v6+s5+$0x0] =	vst.idx.add.f32.msk $0xffff, v2;
	v6 =	vcvt.f32.s32 v13;
	v10 =	vtrunc.f32 v10;
	v9 =	vshll.u32 v9, $0x4  }
0x10c: {  	[tilespmem:v5+s5+$0x0] =	vst.idx.add.f32.msk $0xffff, v2;
	v7 =	vshll.u32 v7, $0x4;
	v5 =	vcvt.f32.s32 v11;
	v9 =	vor.u32 v1, v9  }
0x10d: {  	v8 =	vtrunc.f32 v8;
	v11 =	vshll.u32 v12, $0x4;
	v7 =	vor.u32 v1, v7  }
0x10e: {  	[tilespmem:v4+s5+$0x0] =	vst.idx.add.f32.msk $0xffff, v2;
	v4 =	vcvt.f32.s32 v10;
	v6 =	vshll.u32 v6, $0x4;
	v10 =	vor.u32 v1, v11  }
0x10f: {  	[tilespmem:v3+s5+$0x0] =	vst.idx.add.f32.msk $0xffff, v2;
	v3 =	vcvt.f32.s32 v8;
	v5 =	vshll.u32 v5, $0x4;
	v6 =	vor.u32 v1, v6  }
0x110: {  	[tilespmem:v14+s5+$0x0] =	vst.idx.add.f32.msk $0xffff, v2;
	v4 =	vshll.u32 v4, $0x4;
	v5 =	vor.u32 v1, v5  }
0x111: {  	v3 =	vshll.u32 v3, $0x4;
	v4 =	vor.u32 v1, v4;
	[tilespmem:v9+s5+$0x0] =	vst.idx.add.f32.msk $0xffff, v2  }
0x112: {  	v3 =	vor.u32 v1, v3;
	[tilespmem:v7+s5+$0x0] =	vst.idx.add.f32.msk $0xffff, v2  }
0x113: {  	[tilespmem:v10+s5+$0x0] =	vst.idx.add.f32.msk $0xffff, v2  }
0x114: {  	[tilespmem:v6+s5+$0x0] =	vst.idx.add.f32.msk $0xffff, v2  }
0x115: {  	[tilespmem:v5+s5+$0x0] =	vst.idx.add.f32.msk $0xffff, v2  }
0x116: {  	[tilespmem:v4+s5+$0x0] =	vst.idx.add.f32.msk $0xffff, v2  }
0x117: {  	[tilespmem:v3+s5+$0x0] =	vst.idx.add.f32.msk $0xffff, v2  }
0x118: {  	s14 =	simm.s32 $0x0;
	s19 =	simm.s32 $0x0;
	s15 =	rddreg [dreg:$0x9]  }
0x119: {  	[tilespmem:s3], [sflag:$0x3] =	stream.linear.gather [hbm4b:s15+s14], $0x8000, $0x38;
	[tilespmem:$0x1A000] =	vst v63  }
0x11a: {  	s16 =	sand.u32 $0xC00, s14;
	s15 =	sand.u32 $0x7000, s19;
	_ =	swait.ge [sflag:s4], $0x8000  }
0x11b: {  	s14 =	sand.u32 $0x380, s14;
	s15 =	sor.u32 s16, s15;
	[sflag:s4] =	ssyncset.done $0x0  }
0x11c: {  	s14 =	sor.u32 s14, s15;
	[sflag:s4] =	ssyncadd.s32 $0xFFFF8000  }
0x11d: {  	v3 =	vld [tilespmem:s14+$0x70]  }
0x11e: {  	v4 =	vld [tilespmem:s14+$0x0]  }
0x11f: {  	v5 =	vld [tilespmem:s14+$0x10]  }
0x120: {  	v6 =	vld [tilespmem:s14+$0x20]  }
0x121: {  	v7 =	vld [tilespmem:s14+$0x30]  }
0x122: {  	v8 =	vld [tilespmem:s14+$0x40]  }
0x123: {  	v9 =	vld [tilespmem:s14+$0x50]  }
0x124: {  	v10 =	vld [tilespmem:s14+$0x60]  }
0x125: {  	v3 =	vmul.f32 $2.550000000e+02, v3;
	v4 =	vmul.f32 $2.550000000e+02, v4  }
0x126: {  	v5 =	vmul.f32 $2.550000000e+02, v5;
	v6 =	vmul.f32 $2.550000000e+02, v6  }
0x127: {  	s15 =	simm.s32 $0x400;
	s14 =	simm.s32 $0x80;
	v7 =	vmul.f32 $2.550000000e+02, v7;
	v3 =	vtrunc.f32 v3  }
0x128: {  	s16 =	simm.s32 $0x20;
	s18 =	sand.u32 $0xC00, s15;
	s17 =	sand.u32 $0x7000, s14;
	v8 =	vmul.f32 $2.550000000e+02, v8;
	v3 =	vcvt.f32.s32 v3  }
0x129: {  	s19 =	sand.u32 $0x380, s16;
	s17 =	sor.u32 s18, s17;
	v9 =	vmul.f32 $2.550000000e+02, v9;
	v10 =	vmul.f32 $2.550000000e+02, v10  }
0x12a: {  	s17 =	sor.u32 s19, s17;
	v4 =	vtrunc.f32 v4;
	v5 =	vtrunc.f32 v5;
	v3 =	vshll.u32 v3, $0x4  }
0x12b: {  	v12 =	vld [tilespmem:s17+$0x10];
	v6 =	vtrunc.f32 v6;
	v7 =	vtrunc.f32 v7;
	v3 =	vor.u32 v1, v3  }
0x12c: {  	v8 =	vtrunc.f32 v8;
	v9 =	vtrunc.f32 v9  }
0x12d: {  	v13 =	vld [tilespmem:s17+$0x20];
	v10 =	vtrunc.f32 v10;
	v4 =	vcvt.f32.s32 v4  }
0x12e: {  	v11 =	vld [tilespmem:s17+$0x70];
	v5 =	vcvt.f32.s32 v5;
	v8 =	vcvt.f32.s32 v8  }
0x12f: {  	v15 =	vld [tilespmem:s17+$0x30];
	v9 =	vcvt.f32.s32 v9;
	v10 =	vcvt.f32.s32 v10  }
0x130: {  	v19 =	vmul.f32 $2.550000000e+02, v12;
	v4 =	vshll.u32 v4, $0x4;
	[tilespmem:v3+s5+$0x0] =	vst.idx.add.f32.msk $0xffff, v2;
	v3 =	vcvt.f32.s32 v6  }
0x131: {  	v5 =	vshll.u32 v5, $0x4;
	v14 =	vor.u32 v1, v4;
	v6 =	vcvt.f32.s32 v7;
	v7 =	vld [tilespmem:s17+$0x0]  }
0x132: {  	v18 =	vld [tilespmem:s17+$0x40];
	v12 =	vmul.f32 $2.550000000e+02, v13;
	v16 =	vor.u32 v1, v5;
	v3 =	vshll.u32 v3, $0x4  }
0x133: {  	v4 =	vshll.u32 v6, $0x4;
	v17 =	vor.u32 v1, v3;
	v3 =	vmul.f32 $2.550000000e+02, v11  }
0x134: {  	v8 =	vshll.u32 v8, $0x4;
	v11 =	vshll.u32 v10, $0x4;
	v6 =	vor.u32 v1, v4;
	v10 =	vld [tilespmem:s17+$0x50]  }
0x135: {  	v9 =	vshll.u32 v9, $0x4;
	v5 =	vor.u32 v1, v8;
	v8 =	vld [tilespmem:s17+$0x60];
	v3 =	vtrunc.f32 v3  }
0x136: {  	[tilespmem:v14+s5+$0x0] =	vst.idx.add.f32.msk $0xffff, v2;
	v4 =	vor.u32 v1, v9;
	v7 =	vmul.f32 $2.550000000e+02, v7;
	v20 =	vcvt.f32.s32 v3  }
0x137: {  	v13 =	vmul.f32 $2.550000000e+02, v15;
	[tilespmem:v16+s5+$0x0] =	vst.idx.add.f32.msk $0xffff, v2;
	v3 =	vor.u32 v1, v11;
	v11 =	vmul.f32 $2.550000000e+02, v18  }
0x138: {  	v9 =	vtrunc.f32 v7;
	v7 =	vtrunc.f32 v19;
	v14 =	vshll.u32 v20, $0x4;
	[tilespmem:v17+s5+$0x0] =	vst.idx.add.f32.msk $0xffff, v2  }
.LBB2_10:
0x139: {  	s14 =	sadd.s32 $0x80, s14;
	v12 =	vtrunc.f32 v12;
	v10 =	vmul.f32 $2.550000000e+02, v10;
	v14 =	vor.u32 v1, v14;
	s15 =	sadd.s32 $0x400, s15;
	[tilespmem:v6+s5+$0x0] =	vst.idx.add.f32.msk $0xffff, v2  }
0x13a: {  	v6 =	vtrunc.f32 v13;
	s16 =	sadd.s32 $0x20, s16;
	s17 =	sand.u32 $0x7000, s14;
	s18 =	sand.u32 $0xC00, s15;
	v8 =	vmul.f32 $2.550000000e+02, v8;
	[tilespmem:v5+s5+$0x0] =	vst.idx.add.f32.msk $0xffff, v2  }
0x13b: {  	s19 =	sand.u32 $0x380, s16;
	p0 =	slt.u32 s14, $0x7F80;
	v5 =	vtrunc.f32 v11;
	s17 =	sor.u32 s18, s17;
	v10 =	vtrunc.f32 v10;
	[tilespmem:v4+s5+$0x0] =	vst.idx.add.f32.msk $0xffff, v2  }
0x13c: {  	v4 =	vcvt.f32.s32 v9;
	s17 =	sor.u32 s19, s17;
	v8 =	vtrunc.f32 v8;
	[tilespmem:v3+s5+$0x0] =	vst.idx.add.f32.msk $0xffff, v2  }
0x13d: {  	v7 =	vcvt.f32.s32 v7;
	v9 =	vcvt.f32.s32 v12;
	v3 =	vld [tilespmem:s17+$0x70]  }
0x13e: {  	v6 =	vcvt.f32.s32 v6;
	v5 =	vcvt.f32.s32 v5;
	v4 =	vshll.u32 v4, $0x4;
	[tilespmem:v14+s5+$0x0] =	vst.idx.add.f32.msk $0xffff, v2  }
0x13f: {  	v7 =	vshll.u32 v7, $0x4;
	v10 =	vcvt.f32.s32 v10;
	v8 =	vcvt.f32.s32 v8;
	v11 =	vld [tilespmem:s17+$0x0]  }
0x140: {  	v6 =	vshll.u32 v6, $0x4;
	v9 =	vshll.u32 v9, $0x4;
	v5 =	vshll.u32 v5, $0x4;
	v12 =	vld [tilespmem:s17+$0x10]  }
0x141: {  	v14 =	vor.u32 v1, v4;
	v4 =	vshll.u32 v10, $0x4;
	v8 =	vshll.u32 v8, $0x4;
	v13 =	vld [tilespmem:s17+$0x20]  }
0x142: {  	v7 =	vor.u32 v1, v7;
	v6 =	vor.u32 v1, v6;
	v16 =	vor.u32 v1, v9;
	v15 =	vld [tilespmem:s17+$0x30]  }
0x143: {  	v5 =	vor.u32 v1, v5;
	v4 =	vor.u32 v1, v4;
	v9 =	vmul.f32 $2.550000000e+02, v3;
	v17 =	vld [tilespmem:s17+$0x40]  }
.Ltmp4:
0x144: {  	v3 =	vor.u32 v1, v8;
	v11 =	vmul.f32 $2.550000000e+02, v11;
	v10 =	vld [tilespmem:s17+$0x50];
	(pc) =	sbr.rel @p0 .LBB2_10-.Ltmp4, $4  }
0x145: {  	v9 =	vtrunc.f32 v9;
	v18 =	vmul.f32 $2.550000000e+02, v12;
	v8 =	vld [tilespmem:s17+$0x60]  }
0x146: {  	v19 =	vcvt.f32.s32 v9;
	v12 =	vmul.f32 $2.550000000e+02, v13;
	[tilespmem:v14+s5+$0x0] =	vst.idx.add.f32.msk $0xffff, v2  }
0x147: {  	v9 =	vtrunc.f32 v11;
	v13 =	vmul.f32 $2.550000000e+02, v15;
	[tilespmem:v7+s5+$0x0] =	vst.idx.add.f32.msk $0xffff, v2  }
0x148: {  	v7 =	vtrunc.f32 v18;
	v14 =	vshll.u32 v19, $0x4;
	v11 =	vmul.f32 $2.550000000e+02, v17;
	[tilespmem:v16+s5+$0x0] =	vst.idx.add.f32.msk $0xffff, v2  }
0x149: {  	v12 =	vtrunc.f32 v12;
	v10 =	vmul.f32 $2.550000000e+02, v10  }
0x14a: {  	v13 =	vtrunc.f32 v13;
	v9 =	vcvt.f32.s32 v9  }
0x14b: {  	v7 =	vcvt.f32.s32 v7;
	v8 =	vmul.f32 $2.550000000e+02, v8  }
0x14c: {  	v14 =	vor.u32 v1, v14;
	v11 =	vtrunc.f32 v11;
	v12 =	vcvt.f32.s32 v12  }
0x14d: {  	v59 =	vcvt.f32.s32 v13;
	v10 =	vtrunc.f32 v10;
	v9 =	vshll.u32 v9, $0x4  }
0x14e: {  	[tilespmem:v6+s5+$0x0] =	vst.idx.add.f32.msk $0xffff, v2;
	v7 =	vshll.u32 v7, $0x4;
	v60 =	vcvt.f32.s32 v11;
	v9 =	vor.u32 v1, v9  }
0x14f: {  	[tilespmem:v5+s5+$0x0] =	vst.idx.add.f32.msk $0xffff, v2;
	v8 =	vtrunc.f32 v8;
	v61 =	vshll.u32 v12, $0x4;
	v7 =	vor.u32 v1, v7  }
0x150: {  	[tilespmem:v4+s5+$0x0] =	vst.idx.add.f32.msk $0xffff, v2;
	v62 =	vcvt.f32.s32 v10;
	v6 =	vshll.u32 v59, $0x4;
	v63 =	vor.u32 v1, v61  }
0x151: {  	[tilespmem:v3+s5+$0x0] =	vst.idx.add.f32.msk $0xffff, v2;
	v3 =	vcvt.f32.s32 v8;
	v5 =	vshll.u32 v60, $0x4;
	v6 =	vor.u32 v1, v6  }
0x152: {  	[tilespmem:v14+s5+$0x0] =	vst.idx.add.f32.msk $0xffff, v2;
	v4 =	vshll.u32 v62, $0x4;
	v5 =	vor.u32 v1, v5  }
0x153: {  	v3 =	vshll.u32 v3, $0x4;
	v4 =	vor.u32 v1, v4;
	[tilespmem:v9+s5+$0x0] =	vst.idx.add.f32.msk $0xffff, v2  }
0x154: {  	v3 =	vor.u32 v1, v3;
	[tilespmem:v7+s5+$0x0] =	vst.idx.add.f32.msk $0xffff, v2  }
0x155: {  	[tilespmem:v63+s5+$0x0] =	vst.idx.add.f32.msk $0xffff, v2  }
0x156: {  	[tilespmem:v6+s5+$0x0] =	vst.idx.add.f32.msk $0xffff, v2  }
0x157: {  	[tilespmem:v5+s5+$0x0] =	vst.idx.add.f32.msk $0xffff, v2  }
0x158: {  	[tilespmem:v4+s5+$0x0] =	vst.idx.add.f32.msk $0xffff, v2  }
0x159: {  	[tilespmem:v3+s5+$0x0] =	vst.idx.add.f32.msk $0xffff, v2  }
0x15a: {  	[hbm4b:s26+s8] =	stream.strided.scatter [tilespmem:s5], [sflag:$0x4], $0x1000, s9, s8, $0x38;
	[tilespmem:$0x1A000] =	vst v63  }
0x15b: {  	s14 =	rddreg [dreg:$0xa]  }
0x15c: {  	[tilespmem:s25], [sflag:$0x1] =	stream.linear.gather [hbm4b:s14+s25], $0x8000, $0x38;
	[tilespmem:$0x1A000] =	vst v63  }
0x15d: {  	s14 =	simm.s32 $0x19040  }
0x15e: {  	[tilespmem:s14+$0xFFFFFFC0] =	vst v0  }
0x15f: {  	[tilespmem:s14+$0x30] =	vst v0  }
0x160: {  	[tilespmem:s14+$0x20] =	vst v0  }
0x161: {  	[tilespmem:s14+$0x10] =	vst v0  }
0x162: {  	[tilespmem:s14+$0x0] =	vst v0  }
0x163: {  	[tilespmem:s14+$0xFFFFFFF0] =	vst v0  }
0x164: {  	s15 =	simm.s32 $0x0;
	[tilespmem:s14+$0xFFFFFFE0] =	vst v0  }
.LBB2_12:
0x165: {  	s15 =	sadd.s32 $0x80, s15;
	[tilespmem:s14+$0xFFFFFFD0] =	vst v0;
	s14 =	sadd.s32 $0x80, s14  }
0x166: {  	[tilespmem:s14+$0xFFFFFFC0] =	vst v0;
	p0 =	slt.u32 s15, $0xF80  }
0x167: {  	[tilespmem:s14+$0x30] =	vst v0  }
.Ltmp5:
0x168: {  	[tilespmem:s14+$0x20] =	vst v0;
	(pc) =	sbr.rel @p0 .LBB2_12-.Ltmp5, $4  }
0x169: {  	[tilespmem:s14+$0x10] =	vst v0  }
0x16a: {  	[tilespmem:s14+$0x0] =	vst v0  }
0x16b: {  	[tilespmem:s14+$0xFFFFFFF0] =	vst v0  }
0x16c: {  	[tilespmem:s14+$0xFFFFFFE0] =	vst v0  }
0x16d: {  	[tilespmem:s14+$0xFFFFFFD0] =	vst v0;
	s19 =	simm.s32 $0x0;
	s15 =	simm.s32 $0x0  }
0x16e: {  	_ =	swait.ge [sflag:s6], $0x8000;
	s15 =	sand.u32 $0x7000, s15;
	s16 =	sand.u32 $0xC00, s19  }
0x16f: {  	s14 =	sand.u32 $0x380, s19;
	[sflag:s6] =	ssyncset.done $0x0;
	s15 =	sor.u32 s16, s15  }
0x170: {  	[sflag:s6] =	ssyncadd.s32 $0xFFFF8000;
	s14 =	sor.u32 s14, s15  }
0x171: {  	v3 =	vld [tilespmem:s14+$0x8070]  }
0x172: {  	v4 =	vld [tilespmem:s14+$0x8000]  }
0x173: {  	v5 =	vld [tilespmem:s14+$0x8010]  }
0x174: {  	v6 =	vld [tilespmem:s14+$0x8020]  }
0x175: {  	v7 =	vld [tilespmem:s14+$0x8030]  }
0x176: {  	v8 =	vld [tilespmem:s14+$0x8040]  }
0x177: {  	v9 =	vld [tilespmem:s14+$0x8050]  }
0x178: {  	v10 =	vld [tilespmem:s14+$0x8060]  }
0x179: {  	v3 =	vmul.f32 $2.550000000e+02, v3;
	v4 =	vmul.f32 $2.550000000e+02, v4  }
0x17a: {  	v5 =	vmul.f32 $2.550000000e+02, v5;
	v6 =	vmul.f32 $2.550000000e+02, v6  }
0x17b: {  	s15 =	simm.s32 $0x400;
	s14 =	simm.s32 $0x80;
	v7 =	vmul.f32 $2.550000000e+02, v7;
	v3 =	vtrunc.f32 v3  }
0x17c: {  	s16 =	simm.s32 $0x20;
	s18 =	sand.u32 $0xC00, s15;
	s17 =	sand.u32 $0x7000, s14;
	v8 =	vmul.f32 $2.550000000e+02, v8;
	v3 =	vcvt.f32.s32 v3  }
0x17d: {  	s19 =	sand.u32 $0x380, s16;
	s17 =	sor.u32 s18, s17;
	v9 =	vmul.f32 $2.550000000e+02, v9;
	v10 =	vmul.f32 $2.550000000e+02, v10  }
0x17e: {  	s17 =	sor.u32 s19, s17;
	v4 =	vtrunc.f32 v4;
	v5 =	vtrunc.f32 v5;
	v3 =	vshll.u32 v3, $0x4  }
0x17f: {  	v12 =	vld [tilespmem:s17+$0x8010];
	v6 =	vtrunc.f32 v6;
	v7 =	vtrunc.f32 v7;
	v3 =	vor.u32 v1, v3  }
0x180: {  	v8 =	vtrunc.f32 v8;
	v9 =	vtrunc.f32 v9  }
0x181: {  	v13 =	vld [tilespmem:s17+$0x8020];
	v10 =	vtrunc.f32 v10;
	v4 =	vcvt.f32.s32 v4  }
0x182: {  	v11 =	vld [tilespmem:s17+$0x8070];
	v5 =	vcvt.f32.s32 v5;
	v8 =	vcvt.f32.s32 v8  }
0x183: {  	v15 =	vld [tilespmem:s17+$0x8030];
	v9 =	vcvt.f32.s32 v9;
	v10 =	vcvt.f32.s32 v10  }
0x184: {  	v19 =	vmul.f32 $2.550000000e+02, v12;
	v4 =	vshll.u32 v4, $0x4;
	[tilespmem:v3+s10+$0x0] =	vst.idx.add.f32.msk $0xffff, v2;
	v3 =	vcvt.f32.s32 v6  }
0x185: {  	v5 =	vshll.u32 v5, $0x4;
	v14 =	vor.u32 v1, v4;
	v6 =	vcvt.f32.s32 v7;
	v7 =	vld [tilespmem:s17+$0x8000]  }
0x186: {  	v18 =	vld [tilespmem:s17+$0x8040];
	v12 =	vmul.f32 $2.550000000e+02, v13;
	v16 =	vor.u32 v1, v5;
	v3 =	vshll.u32 v3, $0x4  }
0x187: {  	v4 =	vshll.u32 v6, $0x4;
	v17 =	vor.u32 v1, v3;
	v3 =	vmul.f32 $2.550000000e+02, v11  }
0x188: {  	v8 =	vshll.u32 v8, $0x4;
	v11 =	vshll.u32 v10, $0x4;
	v6 =	vor.u32 v1, v4;
	v10 =	vld [tilespmem:s17+$0x8050]  }
0x189: {  	v9 =	vshll.u32 v9, $0x4;
	v5 =	vor.u32 v1, v8;
	v8 =	vld [tilespmem:s17+$0x8060];
	v3 =	vtrunc.f32 v3  }
0x18a: {  	[tilespmem:v14+s10+$0x0] =	vst.idx.add.f32.msk $0xffff, v2;
	v4 =	vor.u32 v1, v9;
	v7 =	vmul.f32 $2.550000000e+02, v7;
	v20 =	vcvt.f32.s32 v3  }
0x18b: {  	v13 =	vmul.f32 $2.550000000e+02, v15;
	[tilespmem:v16+s10+$0x0] =	vst.idx.add.f32.msk $0xffff, v2;
	v3 =	vor.u32 v1, v11;
	v11 =	vmul.f32 $2.550000000e+02, v18  }
0x18c: {  	v9 =	vtrunc.f32 v7;
	v7 =	vtrunc.f32 v19;
	v14 =	vshll.u32 v20, $0x4;
	[tilespmem:v17+s10+$0x0] =	vst.idx.add.f32.msk $0xffff, v2  }
.LBB2_14:
0x18d: {  	s14 =	sadd.s32 $0x80, s14;
	v12 =	vtrunc.f32 v12;
	v10 =	vmul.f32 $2.550000000e+02, v10;
	v14 =	vor.u32 v1, v14;
	s15 =	sadd.s32 $0x400, s15;
	[tilespmem:v6+s10+$0x0] =	vst.idx.add.f32.msk $0xffff, v2  }
0x18e: {  	v6 =	vtrunc.f32 v13;
	s16 =	sadd.s32 $0x20, s16;
	s17 =	sand.u32 $0x7000, s14;
	s18 =	sand.u32 $0xC00, s15;
	v8 =	vmul.f32 $2.550000000e+02, v8;
	[tilespmem:v5+s10+$0x0] =	vst.idx.add.f32.msk $0xffff, v2  }
0x18f: {  	s19 =	sand.u32 $0x380, s16;
	p0 =	slt.u32 s14, $0x7F80;
	v5 =	vtrunc.f32 v11;
	s17 =	sor.u32 s18, s17;
	v10 =	vtrunc.f32 v10;
	[tilespmem:v4+s10+$0x0] =	vst.idx.add.f32.msk $0xffff, v2  }
0x190: {  	v4 =	vcvt.f32.s32 v9;
	s17 =	sor.u32 s19, s17;
	v8 =	vtrunc.f32 v8;
	[tilespmem:v3+s10+$0x0] =	vst.idx.add.f32.msk $0xffff, v2  }
0x191: {  	v7 =	vcvt.f32.s32 v7;
	v9 =	vcvt.f32.s32 v12;
	v3 =	vld [tilespmem:s17+$0x8070]  }
0x192: {  	v6 =	vcvt.f32.s32 v6;
	v5 =	vcvt.f32.s32 v5;
	v4 =	vshll.u32 v4, $0x4;
	[tilespmem:v14+s10+$0x0] =	vst.idx.add.f32.msk $0xffff, v2  }
0x193: {  	v7 =	vshll.u32 v7, $0x4;
	v10 =	vcvt.f32.s32 v10;
	v8 =	vcvt.f32.s32 v8;
	v11 =	vld [tilespmem:s17+$0x8000]  }
0x194: {  	v6 =	vshll.u32 v6, $0x4;
	v9 =	vshll.u32 v9, $0x4;
	v5 =	vshll.u32 v5, $0x4;
	v12 =	vld [tilespmem:s17+$0x8010]  }
0x195: {  	v14 =	vor.u32 v1, v4;
	v4 =	vshll.u32 v10, $0x4;
	v8 =	vshll.u32 v8, $0x4;
	v13 =	vld [tilespmem:s17+$0x8020]  }
0x196: {  	v7 =	vor.u32 v1, v7;
	v6 =	vor.u32 v1, v6;
	v16 =	vor.u32 v1, v9;
	v15 =	vld [tilespmem:s17+$0x8030]  }
0x197: {  	v5 =	vor.u32 v1, v5;
	v4 =	vor.u32 v1, v4;
	v9 =	vmul.f32 $2.550000000e+02, v3;
	v17 =	vld [tilespmem:s17+$0x8040]  }
.Ltmp6:
0x198: {  	v3 =	vor.u32 v1, v8;
	v11 =	vmul.f32 $2.550000000e+02, v11;
	v10 =	vld [tilespmem:s17+$0x8050];
	(pc) =	sbr.rel @p0 .LBB2_14-.Ltmp6, $4  }
0x199: {  	v9 =	vtrunc.f32 v9;
	v18 =	vmul.f32 $2.550000000e+02, v12;
	v8 =	vld [tilespmem:s17+$0x8060]  }
0x19a: {  	v19 =	vcvt.f32.s32 v9;
	v12 =	vmul.f32 $2.550000000e+02, v13;
	[tilespmem:v14+s10+$0x0] =	vst.idx.add.f32.msk $0xffff, v2  }
0x19b: {  	v9 =	vtrunc.f32 v11;
	v13 =	vmul.f32 $2.550000000e+02, v15;
	[tilespmem:v7+s10+$0x0] =	vst.idx.add.f32.msk $0xffff, v2  }
0x19c: {  	v7 =	vtrunc.f32 v18;
	v14 =	vshll.u32 v19, $0x4;
	v11 =	vmul.f32 $2.550000000e+02, v17;
	[tilespmem:v16+s10+$0x0] =	vst.idx.add.f32.msk $0xffff, v2  }
0x19d: {  	v12 =	vtrunc.f32 v12;
	v10 =	vmul.f32 $2.550000000e+02, v10  }
0x19e: {  	v13 =	vtrunc.f32 v13;
	v9 =	vcvt.f32.s32 v9  }
0x19f: {  	v7 =	vcvt.f32.s32 v7;
	v8 =	vmul.f32 $2.550000000e+02, v8  }
0x1a0: {  	v14 =	vor.u32 v1, v14;
	v11 =	vtrunc.f32 v11;
	v12 =	vcvt.f32.s32 v12  }
0x1a1: {  	[tilespmem:v6+s10+$0x0] =	vst.idx.add.f32.msk $0xffff, v2;
	v6 =	vcvt.f32.s32 v13;
	v10 =	vtrunc.f32 v10;
	v9 =	vshll.u32 v9, $0x4  }
0x1a2: {  	[tilespmem:v5+s10+$0x0] =	vst.idx.add.f32.msk $0xffff, v2;
	v7 =	vshll.u32 v7, $0x4;
	v5 =	vcvt.f32.s32 v11;
	v9 =	vor.u32 v1, v9  }
0x1a3: {  	v8 =	vtrunc.f32 v8;
	v11 =	vshll.u32 v12, $0x4;
	v7 =	vor.u32 v1, v7  }
0x1a4: {  	[tilespmem:v4+s10+$0x0] =	vst.idx.add.f32.msk $0xffff, v2;
	v4 =	vcvt.f32.s32 v10;
	v6 =	vshll.u32 v6, $0x4;
	v10 =	vor.u32 v1, v11  }
0x1a5: {  	[tilespmem:v3+s10+$0x0] =	vst.idx.add.f32.msk $0xffff, v2;
	v3 =	vcvt.f32.s32 v8;
	v5 =	vshll.u32 v5, $0x4;
	v6 =	vor.u32 v1, v6  }
0x1a6: {  	[tilespmem:v14+s10+$0x0] =	vst.idx.add.f32.msk $0xffff, v2;
	v4 =	vshll.u32 v4, $0x4;
	v5 =	vor.u32 v1, v5  }
0x1a7: {  	v3 =	vshll.u32 v3, $0x4;
	v4 =	vor.u32 v1, v4;
	[tilespmem:v9+s10+$0x0] =	vst.idx.add.f32.msk $0xffff, v2  }
0x1a8: {  	v3 =	vor.u32 v1, v3;
	[tilespmem:v7+s10+$0x0] =	vst.idx.add.f32.msk $0xffff, v2  }
0x1a9: {  	[tilespmem:v10+s10+$0x0] =	vst.idx.add.f32.msk $0xffff, v2  }
0x1aa: {  	[tilespmem:v6+s10+$0x0] =	vst.idx.add.f32.msk $0xffff, v2  }
0x1ab: {  	[tilespmem:v5+s10+$0x0] =	vst.idx.add.f32.msk $0xffff, v2  }
0x1ac: {  	[tilespmem:v4+s10+$0x0] =	vst.idx.add.f32.msk $0xffff, v2  }
0x1ad: {  	[tilespmem:v3+s10+$0x0] =	vst.idx.add.f32.msk $0xffff, v2  }
0x1ae: {  	s14 =	simm.s32 $0x0;
	s19 =	simm.s32 $0x0;
	s15 =	rddreg [dreg:$0xb]  }
0x1af: {  	[tilespmem:s2], [sflag:$0x2] =	stream.linear.gather [hbm4b:s15+s14], $0x8000, $0x38;
	[tilespmem:$0x1A000] =	vst v63  }
0x1b0: {  	s16 =	sand.u32 $0xC00, s14;
	s15 =	sand.u32 $0x7000, s19;
	_ =	swait.ge [sflag:s7], $0x8000  }
0x1b1: {  	s14 =	sand.u32 $0x380, s14;
	s15 =	sor.u32 s16, s15;
	[sflag:s7] =	ssyncset.done $0x0  }
0x1b2: {  	s14 =	sor.u32 s14, s15;
	[sflag:s7] =	ssyncadd.s32 $0xFFFF8000  }
0x1b3: {  	v3 =	vld [tilespmem:s14+$0x10070]  }
0x1b4: {  	v4 =	vld [tilespmem:s14+$0x10000]  }
0x1b5: {  	v5 =	vld [tilespmem:s14+$0x10010]  }
0x1b6: {  	v6 =	vld [tilespmem:s14+$0x10020]  }
0x1b7: {  	v7 =	vld [tilespmem:s14+$0x10030]  }
0x1b8: {  	v8 =	vld [tilespmem:s14+$0x10040]  }
0x1b9: {  	v9 =	vld [tilespmem:s14+$0x10050]  }
0x1ba: {  	v10 =	vld [tilespmem:s14+$0x10060]  }
0x1bb: {  	v3 =	vmul.f32 $2.550000000e+02, v3;
	v4 =	vmul.f32 $2.550000000e+02, v4  }
0x1bc: {  	v5 =	vmul.f32 $2.550000000e+02, v5;
	v6 =	vmul.f32 $2.550000000e+02, v6  }
0x1bd: {  	s15 =	simm.s32 $0x400;
	s14 =	simm.s32 $0x80;
	v7 =	vmul.f32 $2.550000000e+02, v7;
	v3 =	vtrunc.f32 v3  }
0x1be: {  	s16 =	simm.s32 $0x20;
	s18 =	sand.u32 $0xC00, s15;
	s17 =	sand.u32 $0x7000, s14;
	v8 =	vmul.f32 $2.550000000e+02, v8;
	v3 =	vcvt.f32.s32 v3  }
0x1bf: {  	s19 =	sand.u32 $0x380, s16;
	s17 =	sor.u32 s18, s17;
	v9 =	vmul.f32 $2.550000000e+02, v9;
	v10 =	vmul.f32 $2.550000000e+02, v10  }
0x1c0: {  	s17 =	sor.u32 s19, s17;
	v4 =	vtrunc.f32 v4;
	v5 =	vtrunc.f32 v5;
	v3 =	vshll.u32 v3, $0x4  }
0x1c1: {  	v12 =	vld [tilespmem:s17+$0x10010];
	v6 =	vtrunc.f32 v6;
	v7 =	vtrunc.f32 v7;
	v3 =	vor.u32 v1, v3  }
0x1c2: {  	v8 =	vtrunc.f32 v8;
	v9 =	vtrunc.f32 v9  }
0x1c3: {  	v13 =	vld [tilespmem:s17+$0x10020];
	v10 =	vtrunc.f32 v10;
	v4 =	vcvt.f32.s32 v4  }
0x1c4: {  	v11 =	vld [tilespmem:s17+$0x10070];
	v5 =	vcvt.f32.s32 v5;
	v8 =	vcvt.f32.s32 v8  }
0x1c5: {  	v15 =	vld [tilespmem:s17+$0x10030];
	v9 =	vcvt.f32.s32 v9;
	v10 =	vcvt.f32.s32 v10  }
0x1c6: {  	v19 =	vmul.f32 $2.550000000e+02, v12;
	v4 =	vshll.u32 v4, $0x4;
	[tilespmem:v3+s10+$0x0] =	vst.idx.add.f32.msk $0xffff, v2;
	v3 =	vcvt.f32.s32 v6  }
0x1c7: {  	v5 =	vshll.u32 v5, $0x4;
	v14 =	vor.u32 v1, v4;
	v6 =	vcvt.f32.s32 v7;
	v7 =	vld [tilespmem:s17+$0x10000]  }
0x1c8: {  	v18 =	vld [tilespmem:s17+$0x10040];
	v12 =	vmul.f32 $2.550000000e+02, v13;
	v16 =	vor.u32 v1, v5;
	v3 =	vshll.u32 v3, $0x4  }
0x1c9: {  	v4 =	vshll.u32 v6, $0x4;
	v17 =	vor.u32 v1, v3;
	v3 =	vmul.f32 $2.550000000e+02, v11  }
0x1ca: {  	v8 =	vshll.u32 v8, $0x4;
	v11 =	vshll.u32 v10, $0x4;
	v6 =	vor.u32 v1, v4;
	v10 =	vld [tilespmem:s17+$0x10050]  }
0x1cb: {  	v9 =	vshll.u32 v9, $0x4;
	v5 =	vor.u32 v1, v8;
	v8 =	vld [tilespmem:s17+$0x10060];
	v3 =	vtrunc.f32 v3  }
0x1cc: {  	[tilespmem:v14+s10+$0x0] =	vst.idx.add.f32.msk $0xffff, v2;
	v4 =	vor.u32 v1, v9;
	v7 =	vmul.f32 $2.550000000e+02, v7;
	v20 =	vcvt.f32.s32 v3  }
0x1cd: {  	v13 =	vmul.f32 $2.550000000e+02, v15;
	[tilespmem:v16+s10+$0x0] =	vst.idx.add.f32.msk $0xffff, v2;
	v3 =	vor.u32 v1, v11;
	v11 =	vmul.f32 $2.550000000e+02, v18  }
0x1ce: {  	v9 =	vtrunc.f32 v7;
	v7 =	vtrunc.f32 v19;
	v14 =	vshll.u32 v20, $0x4;
	[tilespmem:v17+s10+$0x0] =	vst.idx.add.f32.msk $0xffff, v2  }
.LBB2_16:
0x1cf: {  	s14 =	sadd.s32 $0x80, s14;
	v12 =	vtrunc.f32 v12;
	v10 =	vmul.f32 $2.550000000e+02, v10;
	v14 =	vor.u32 v1, v14;
	s15 =	sadd.s32 $0x400, s15;
	[tilespmem:v6+s10+$0x0] =	vst.idx.add.f32.msk $0xffff, v2  }
0x1d0: {  	v6 =	vtrunc.f32 v13;
	s16 =	sadd.s32 $0x20, s16;
	s17 =	sand.u32 $0x7000, s14;
	s18 =	sand.u32 $0xC00, s15;
	v8 =	vmul.f32 $2.550000000e+02, v8;
	[tilespmem:v5+s10+$0x0] =	vst.idx.add.f32.msk $0xffff, v2  }
0x1d1: {  	s19 =	sand.u32 $0x380, s16;
	p0 =	slt.u32 s14, $0x7F80;
	v5 =	vtrunc.f32 v11;
	s17 =	sor.u32 s18, s17;
	v10 =	vtrunc.f32 v10;
	[tilespmem:v4+s10+$0x0] =	vst.idx.add.f32.msk $0xffff, v2  }
0x1d2: {  	v4 =	vcvt.f32.s32 v9;
	s17 =	sor.u32 s19, s17;
	v8 =	vtrunc.f32 v8;
	[tilespmem:v3+s10+$0x0] =	vst.idx.add.f32.msk $0xffff, v2  }
0x1d3: {  	v7 =	vcvt.f32.s32 v7;
	v9 =	vcvt.f32.s32 v12;
	v3 =	vld [tilespmem:s17+$0x10070]  }
0x1d4: {  	v6 =	vcvt.f32.s32 v6;
	v5 =	vcvt.f32.s32 v5;
	v4 =	vshll.u32 v4, $0x4;
	[tilespmem:v14+s10+$0x0] =	vst.idx.add.f32.msk $0xffff, v2  }
0x1d5: {  	v7 =	vshll.u32 v7, $0x4;
	v10 =	vcvt.f32.s32 v10;
	v8 =	vcvt.f32.s32 v8;
	v11 =	vld [tilespmem:s17+$0x10000]  }
0x1d6: {  	v6 =	vshll.u32 v6, $0x4;
	v9 =	vshll.u32 v9, $0x4;
	v5 =	vshll.u32 v5, $0x4;
	v12 =	vld [tilespmem:s17+$0x10010]  }
0x1d7: {  	v14 =	vor.u32 v1, v4;
	v4 =	vshll.u32 v10, $0x4;
	v8 =	vshll.u32 v8, $0x4;
	v13 =	vld [tilespmem:s17+$0x10020]  }
0x1d8: {  	v7 =	vor.u32 v1, v7;
	v6 =	vor.u32 v1, v6;
	v16 =	vor.u32 v1, v9;
	v15 =	vld [tilespmem:s17+$0x10030]  }
0x1d9: {  	v5 =	vor.u32 v1, v5;
	v4 =	vor.u32 v1, v4;
	v9 =	vmul.f32 $2.550000000e+02, v3;
	v17 =	vld [tilespmem:s17+$0x10040]  }
.Ltmp7:
0x1da: {  	v3 =	vor.u32 v1, v8;
	v11 =	vmul.f32 $2.550000000e+02, v11;
	v10 =	vld [tilespmem:s17+$0x10050];
	(pc) =	sbr.rel @p0 .LBB2_16-.Ltmp7, $4  }
0x1db: {  	v9 =	vtrunc.f32 v9;
	v18 =	vmul.f32 $2.550000000e+02, v12;
	v8 =	vld [tilespmem:s17+$0x10060]  }
0x1dc: {  	v19 =	vcvt.f32.s32 v9;
	v12 =	vmul.f32 $2.550000000e+02, v13;
	[tilespmem:v14+s10+$0x0] =	vst.idx.add.f32.msk $0xffff, v2  }
0x1dd: {  	v9 =	vtrunc.f32 v11;
	v13 =	vmul.f32 $2.550000000e+02, v15;
	[tilespmem:v7+s10+$0x0] =	vst.idx.add.f32.msk $0xffff, v2  }
0x1de: {  	v7 =	vtrunc.f32 v18;
	v14 =	vshll.u32 v19, $0x4;
	v11 =	vmul.f32 $2.550000000e+02, v17;
	[tilespmem:v16+s10+$0x0] =	vst.idx.add.f32.msk $0xffff, v2  }
0x1df: {  	v12 =	vtrunc.f32 v12;
	v10 =	vmul.f32 $2.550000000e+02, v10  }
0x1e0: {  	v13 =	vtrunc.f32 v13;
	v9 =	vcvt.f32.s32 v9  }
0x1e1: {  	v7 =	vcvt.f32.s32 v7;
	v8 =	vmul.f32 $2.550000000e+02, v8  }
0x1e2: {  	v14 =	vor.u32 v1, v14;
	v11 =	vtrunc.f32 v11;
	v12 =	vcvt.f32.s32 v12  }
0x1e3: {  	[tilespmem:v6+s10+$0x0] =	vst.idx.add.f32.msk $0xffff, v2;
	v6 =	vcvt.f32.s32 v13;
	v10 =	vtrunc.f32 v10;
	v9 =	vshll.u32 v9, $0x4  }
0x1e4: {  	[tilespmem:v5+s10+$0x0] =	vst.idx.add.f32.msk $0xffff, v2;
	v7 =	vshll.u32 v7, $0x4;
	v5 =	vcvt.f32.s32 v11;
	v9 =	vor.u32 v1, v9  }
0x1e5: {  	v8 =	vtrunc.f32 v8;
	v11 =	vshll.u32 v12, $0x4;
	v7 =	vor.u32 v1, v7  }
0x1e6: {  	[tilespmem:v4+s10+$0x0] =	vst.idx.add.f32.msk $0xffff, v2;
	v4 =	vcvt.f32.s32 v10;
	v6 =	vshll.u32 v6, $0x4;
	v10 =	vor.u32 v1, v11  }
0x1e7: {  	[tilespmem:v3+s10+$0x0] =	vst.idx.add.f32.msk $0xffff, v2;
	v3 =	vcvt.f32.s32 v8;
	v5 =	vshll.u32 v5, $0x4;
	v6 =	vor.u32 v1, v6  }
0x1e8: {  	[tilespmem:v14+s10+$0x0] =	vst.idx.add.f32.msk $0xffff, v2;
	v4 =	vshll.u32 v4, $0x4;
	v5 =	vor.u32 v1, v5  }
0x1e9: {  	v3 =	vshll.u32 v3, $0x4;
	v4 =	vor.u32 v1, v4;
	[tilespmem:v9+s10+$0x0] =	vst.idx.add.f32.msk $0xffff, v2  }
0x1ea: {  	v3 =	vor.u32 v1, v3;
	[tilespmem:v7+s10+$0x0] =	vst.idx.add.f32.msk $0xffff, v2  }
0x1eb: {  	[tilespmem:v10+s10+$0x0] =	vst.idx.add.f32.msk $0xffff, v2  }
0x1ec: {  	[tilespmem:v6+s10+$0x0] =	vst.idx.add.f32.msk $0xffff, v2  }
0x1ed: {  	[tilespmem:v5+s10+$0x0] =	vst.idx.add.f32.msk $0xffff, v2  }
0x1ee: {  	[tilespmem:v4+s10+$0x0] =	vst.idx.add.f32.msk $0xffff, v2  }
0x1ef: {  	[tilespmem:v3+s10+$0x0] =	vst.idx.add.f32.msk $0xffff, v2  }
0x1f0: {  	s14 =	simm.s32 $0x0;
	s19 =	simm.s32 $0x0;
	s15 =	rddreg [dreg:$0xc]  }
0x1f1: {  	[tilespmem:s3], [sflag:$0x3] =	stream.linear.gather [hbm4b:s15+s14], $0x8000, $0x38;
	[tilespmem:$0x1A000] =	vst v63  }
0x1f2: {  	s16 =	sand.u32 $0xC00, s14;
	s15 =	sand.u32 $0x7000, s19;
	_ =	swait.ge [sflag:s4], $0x8000  }
0x1f3: {  	s14 =	sand.u32 $0x380, s14;
	s15 =	sor.u32 s16, s15;
	[sflag:s4] =	ssyncset.done $0x0  }
0x1f4: {  	s14 =	sor.u32 s14, s15;
	[sflag:s4] =	ssyncadd.s32 $0xFFFF8000  }
0x1f5: {  	v3 =	vld [tilespmem:s14+$0x70]  }
0x1f6: {  	v4 =	vld [tilespmem:s14+$0x0]  }
0x1f7: {  	v5 =	vld [tilespmem:s14+$0x10]  }
0x1f8: {  	v6 =	vld [tilespmem:s14+$0x20]  }
0x1f9: {  	v7 =	vld [tilespmem:s14+$0x30]  }
0x1fa: {  	v8 =	vld [tilespmem:s14+$0x40]  }
0x1fb: {  	v9 =	vld [tilespmem:s14+$0x50]  }
0x1fc: {  	v10 =	vld [tilespmem:s14+$0x60]  }
0x1fd: {  	v3 =	vmul.f32 $2.550000000e+02, v3;
	v4 =	vmul.f32 $2.550000000e+02, v4  }
0x1fe: {  	v5 =	vmul.f32 $2.550000000e+02, v5;
	v6 =	vmul.f32 $2.550000000e+02, v6  }
0x1ff: {  	s15 =	simm.s32 $0x400;
	s14 =	simm.s32 $0x80;
	v7 =	vmul.f32 $2.550000000e+02, v7;
	v3 =	vtrunc.f32 v3  }
0x200: {  	s16 =	simm.s32 $0x20;
	s18 =	sand.u32 $0xC00, s15;
	s17 =	sand.u32 $0x7000, s14;
	v8 =	vmul.f32 $2.550000000e+02, v8;
	v3 =	vcvt.f32.s32 v3  }
0x201: {  	s19 =	sand.u32 $0x380, s16;
	s17 =	sor.u32 s18, s17;
	v9 =	vmul.f32 $2.550000000e+02, v9;
	v10 =	vmul.f32 $2.550000000e+02, v10  }
0x202: {  	s17 =	sor.u32 s19, s17;
	v4 =	vtrunc.f32 v4;
	v5 =	vtrunc.f32 v5;
	v3 =	vshll.u32 v3, $0x4  }
0x203: {  	v12 =	vld [tilespmem:s17+$0x10];
	v6 =	vtrunc.f32 v6;
	v7 =	vtrunc.f32 v7;
	v3 =	vor.u32 v1, v3  }
0x204: {  	v8 =	vtrunc.f32 v8;
	v9 =	vtrunc.f32 v9  }
0x205: {  	v13 =	vld [tilespmem:s17+$0x20];
	v10 =	vtrunc.f32 v10;
	v4 =	vcvt.f32.s32 v4  }
0x206: {  	v11 =	vld [tilespmem:s17+$0x70];
	v5 =	vcvt.f32.s32 v5;
	v8 =	vcvt.f32.s32 v8  }
0x207: {  	v15 =	vld [tilespmem:s17+$0x30];
	v9 =	vcvt.f32.s32 v9;
	v10 =	vcvt.f32.s32 v10  }
0x208: {  	v19 =	vmul.f32 $2.550000000e+02, v12;
	v4 =	vshll.u32 v4, $0x4;
	[tilespmem:v3+s10+$0x0] =	vst.idx.add.f32.msk $0xffff, v2;
	v3 =	vcvt.f32.s32 v6  }
0x209: {  	v5 =	vshll.u32 v5, $0x4;
	v14 =	vor.u32 v1, v4;
	v6 =	vcvt.f32.s32 v7;
	v7 =	vld [tilespmem:s17+$0x0]  }
0x20a: {  	v18 =	vld [tilespmem:s17+$0x40];
	v12 =	vmul.f32 $2.550000000e+02, v13;
	v16 =	vor.u32 v1, v5;
	v3 =	vshll.u32 v3, $0x4  }
0x20b: {  	v4 =	vshll.u32 v6, $0x4;
	v17 =	vor.u32 v1, v3;
	v3 =	vmul.f32 $2.550000000e+02, v11  }
0x20c: {  	v8 =	vshll.u32 v8, $0x4;
	v11 =	vshll.u32 v10, $0x4;
	v6 =	vor.u32 v1, v4;
	v10 =	vld [tilespmem:s17+$0x50]  }
0x20d: {  	v9 =	vshll.u32 v9, $0x4;
	v5 =	vor.u32 v1, v8;
	v8 =	vld [tilespmem:s17+$0x60];
	v3 =	vtrunc.f32 v3  }
0x20e: {  	[tilespmem:v14+s10+$0x0] =	vst.idx.add.f32.msk $0xffff, v2;
	v4 =	vor.u32 v1, v9;
	v7 =	vmul.f32 $2.550000000e+02, v7;
	v20 =	vcvt.f32.s32 v3  }
0x20f: {  	v13 =	vmul.f32 $2.550000000e+02, v15;
	[tilespmem:v16+s10+$0x0] =	vst.idx.add.f32.msk $0xffff, v2;
	v3 =	vor.u32 v1, v11;
	v11 =	vmul.f32 $2.550000000e+02, v18  }
0x210: {  	v9 =	vtrunc.f32 v7;
	v7 =	vtrunc.f32 v19;
	v14 =	vshll.u32 v20, $0x4;
	[tilespmem:v17+s10+$0x0] =	vst.idx.add.f32.msk $0xffff, v2  }
.LBB2_18:
0x211: {  	s14 =	sadd.s32 $0x80, s14;
	v12 =	vtrunc.f32 v12;
	v10 =	vmul.f32 $2.550000000e+02, v10;
	v14 =	vor.u32 v1, v14;
	s15 =	sadd.s32 $0x400, s15;
	[tilespmem:v6+s10+$0x0] =	vst.idx.add.f32.msk $0xffff, v2  }
0x212: {  	v6 =	vtrunc.f32 v13;
	s16 =	sadd.s32 $0x20, s16;
	s17 =	sand.u32 $0x7000, s14;
	s18 =	sand.u32 $0xC00, s15;
	v8 =	vmul.f32 $2.550000000e+02, v8;
	[tilespmem:v5+s10+$0x0] =	vst.idx.add.f32.msk $0xffff, v2  }
0x213: {  	s19 =	sand.u32 $0x380, s16;
	p0 =	slt.u32 s14, $0x7F80;
	v5 =	vtrunc.f32 v11;
	s17 =	sor.u32 s18, s17;
	v10 =	vtrunc.f32 v10;
	[tilespmem:v4+s10+$0x0] =	vst.idx.add.f32.msk $0xffff, v2  }
0x214: {  	v4 =	vcvt.f32.s32 v9;
	s17 =	sor.u32 s19, s17;
	v8 =	vtrunc.f32 v8;
	[tilespmem:v3+s10+$0x0] =	vst.idx.add.f32.msk $0xffff, v2  }
0x215: {  	v7 =	vcvt.f32.s32 v7;
	v9 =	vcvt.f32.s32 v12;
	v3 =	vld [tilespmem:s17+$0x70]  }
0x216: {  	v6 =	vcvt.f32.s32 v6;
	v5 =	vcvt.f32.s32 v5;
	v4 =	vshll.u32 v4, $0x4;
	[tilespmem:v14+s10+$0x0] =	vst.idx.add.f32.msk $0xffff, v2  }
0x217: {  	v7 =	vshll.u32 v7, $0x4;
	v10 =	vcvt.f32.s32 v10;
	v8 =	vcvt.f32.s32 v8;
	v11 =	vld [tilespmem:s17+$0x0]  }
0x218: {  	v6 =	vshll.u32 v6, $0x4;
	v9 =	vshll.u32 v9, $0x4;
	v5 =	vshll.u32 v5, $0x4;
	v12 =	vld [tilespmem:s17+$0x10]  }
0x219: {  	v14 =	vor.u32 v1, v4;
	v4 =	vshll.u32 v10, $0x4;
	v8 =	vshll.u32 v8, $0x4;
	v13 =	vld [tilespmem:s17+$0x20]  }
0x21a: {  	v7 =	vor.u32 v1, v7;
	v6 =	vor.u32 v1, v6;
	v16 =	vor.u32 v1, v9;
	v15 =	vld [tilespmem:s17+$0x30]  }
0x21b: {  	v5 =	vor.u32 v1, v5;
	v4 =	vor.u32 v1, v4;
	v9 =	vmul.f32 $2.550000000e+02, v3;
	v17 =	vld [tilespmem:s17+$0x40]  }
.Ltmp8:
0x21c: {  	v3 =	vor.u32 v1, v8;
	v11 =	vmul.f32 $2.550000000e+02, v11;
	v10 =	vld [tilespmem:s17+$0x50];
	(pc) =	sbr.rel @p0 .LBB2_18-.Ltmp8, $4  }
0x21d: {  	v9 =	vtrunc.f32 v9;
	v18 =	vmul.f32 $2.550000000e+02, v12;
	v8 =	vld [tilespmem:s17+$0x60]  }
0x21e: {  	v19 =	vcvt.f32.s32 v9;
	v12 =	vmul.f32 $2.550000000e+02, v13;
	[tilespmem:v14+s10+$0x0] =	vst.idx.add.f32.msk $0xffff, v2  }
0x21f: {  	v9 =	vtrunc.f32 v11;
	v13 =	vmul.f32 $2.550000000e+02, v15;
	[tilespmem:v7+s10+$0x0] =	vst.idx.add.f32.msk $0xffff, v2  }
0x220: {  	v7 =	vtrunc.f32 v18;
	v14 =	vshll.u32 v19, $0x4;
	v11 =	vmul.f32 $2.550000000e+02, v17;
	[tilespmem:v16+s10+$0x0] =	vst.idx.add.f32.msk $0xffff, v2  }
0x221: {  	v12 =	vtrunc.f32 v12;
	v10 =	vmul.f32 $2.550000000e+02, v10  }
0x222: {  	v13 =	vtrunc.f32 v13;
	v9 =	vcvt.f32.s32 v9  }
0x223: {  	v7 =	vcvt.f32.s32 v7;
	v8 =	vmul.f32 $2.550000000e+02, v8  }
0x224: {  	v14 =	vor.u32 v1, v14;
	v11 =	vtrunc.f32 v11;
	v12 =	vcvt.f32.s32 v12  }
0x225: {  	[tilespmem:v6+s10+$0x0] =	vst.idx.add.f32.msk $0xffff, v2;
	v6 =	vcvt.f32.s32 v13;
	v10 =	vtrunc.f32 v10;
	v9 =	vshll.u32 v9, $0x4  }
0x226: {  	[tilespmem:v5+s10+$0x0] =	vst.idx.add.f32.msk $0xffff, v2;
	v7 =	vshll.u32 v7, $0x4;
	v5 =	vcvt.f32.s32 v11;
	v9 =	vor.u32 v1, v9  }
0x227: {  	v8 =	vtrunc.f32 v8;
	v11 =	vshll.u32 v12, $0x4;
	v7 =	vor.u32 v1, v7  }
0x228: {  	[tilespmem:v4+s10+$0x0] =	vst.idx.add.f32.msk $0xffff, v2;
	v4 =	vcvt.f32.s32 v10;
	v6 =	vshll.u32 v6, $0x4;
	v10 =	vor.u32 v1, v11  }
0x229: {  	[tilespmem:v3+s10+$0x0] =	vst.idx.add.f32.msk $0xffff, v2;
	v3 =	vcvt.f32.s32 v8;
	v5 =	vshll.u32 v5, $0x4;
	v6 =	vor.u32 v1, v6  }
0x22a: {  	[tilespmem:v14+s10+$0x0] =	vst.idx.add.f32.msk $0xffff, v2;
	v4 =	vshll.u32 v4, $0x4;
	v5 =	vor.u32 v1, v5  }
0x22b: {  	v3 =	vshll.u32 v3, $0x4;
	v4 =	vor.u32 v1, v4;
	[tilespmem:v9+s10+$0x0] =	vst.idx.add.f32.msk $0xffff, v2  }
0x22c: {  	v3 =	vor.u32 v1, v3;
	[tilespmem:v7+s10+$0x0] =	vst.idx.add.f32.msk $0xffff, v2  }
0x22d: {  	[tilespmem:v10+s10+$0x0] =	vst.idx.add.f32.msk $0xffff, v2  }
0x22e: {  	[tilespmem:v6+s10+$0x0] =	vst.idx.add.f32.msk $0xffff, v2  }
0x22f: {  	[tilespmem:v5+s10+$0x0] =	vst.idx.add.f32.msk $0xffff, v2  }
0x230: {  	[tilespmem:v4+s10+$0x0] =	vst.idx.add.f32.msk $0xffff, v2  }
0x231: {  	[tilespmem:v3+s10+$0x0] =	vst.idx.add.f32.msk $0xffff, v2  }
0x232: {  	s14 =	simm.s32 $0x0;
	s19 =	simm.s32 $0x0;
	s15 =	rddreg [dreg:$0xd]  }
0x233: {  	[tilespmem:s14], [sflag:$0x1] =	stream.linear.gather [hbm4b:s15+s14], $0x8000, $0x38;
	[tilespmem:$0x1A000] =	vst v63  }
0x234: {  	s16 =	sand.u32 $0xC00, s14;
	s15 =	sand.u32 $0x7000, s19;
	_ =	swait.ge [sflag:s6], $0x8000  }
0x235: {  	s14 =	sand.u32 $0x380, s14;
	s15 =	sor.u32 s16, s15;
	[sflag:s6] =	ssyncset.done $0x0  }
0x236: {  	s14 =	sor.u32 s14, s15;
	[sflag:s6] =	ssyncadd.s32 $0xFFFF8000  }
0x237: {  	v3 =	vld [tilespmem:s14+$0x8070]  }
0x238: {  	v4 =	vld [tilespmem:s14+$0x8000]  }
0x239: {  	v5 =	vld [tilespmem:s14+$0x8010]  }
0x23a: {  	v6 =	vld [tilespmem:s14+$0x8020]  }
0x23b: {  	v7 =	vld [tilespmem:s14+$0x8030]  }
0x23c: {  	v8 =	vld [tilespmem:s14+$0x8040]  }
0x23d: {  	v9 =	vld [tilespmem:s14+$0x8050]  }
0x23e: {  	v10 =	vld [tilespmem:s14+$0x8060]  }
0x23f: {  	v3 =	vmul.f32 $2.550000000e+02, v3;
	v4 =	vmul.f32 $2.550000000e+02, v4  }
0x240: {  	v5 =	vmul.f32 $2.550000000e+02, v5;
	v6 =	vmul.f32 $2.550000000e+02, v6  }
0x241: {  	s15 =	simm.s32 $0x400;
	s14 =	simm.s32 $0x80;
	v7 =	vmul.f32 $2.550000000e+02, v7;
	v3 =	vtrunc.f32 v3  }
0x242: {  	s16 =	simm.s32 $0x20;
	s18 =	sand.u32 $0xC00, s15;
	s17 =	sand.u32 $0x7000, s14;
	v8 =	vmul.f32 $2.550000000e+02, v8;
	v3 =	vcvt.f32.s32 v3  }
0x243: {  	s19 =	sand.u32 $0x380, s16;
	s17 =	sor.u32 s18, s17;
	v9 =	vmul.f32 $2.550000000e+02, v9;
	v10 =	vmul.f32 $2.550000000e+02, v10  }
0x244: {  	s17 =	sor.u32 s19, s17;
	v4 =	vtrunc.f32 v4;
	v5 =	vtrunc.f32 v5;
	v3 =	vshll.u32 v3, $0x4  }
0x245: {  	v12 =	vld [tilespmem:s17+$0x8010];
	v6 =	vtrunc.f32 v6;
	v7 =	vtrunc.f32 v7;
	v3 =	vor.u32 v1, v3  }
0x246: {  	v8 =	vtrunc.f32 v8;
	v9 =	vtrunc.f32 v9  }
0x247: {  	v13 =	vld [tilespmem:s17+$0x8020];
	v10 =	vtrunc.f32 v10;
	v4 =	vcvt.f32.s32 v4  }
0x248: {  	v11 =	vld [tilespmem:s17+$0x8070];
	v5 =	vcvt.f32.s32 v5;
	v8 =	vcvt.f32.s32 v8  }
0x249: {  	v15 =	vld [tilespmem:s17+$0x8030];
	v9 =	vcvt.f32.s32 v9;
	v10 =	vcvt.f32.s32 v10  }
0x24a: {  	v19 =	vmul.f32 $2.550000000e+02, v12;
	v4 =	vshll.u32 v4, $0x4;
	[tilespmem:v3+s10+$0x0] =	vst.idx.add.f32.msk $0xffff, v2;
	v3 =	vcvt.f32.s32 v6  }
0x24b: {  	v5 =	vshll.u32 v5, $0x4;
	v14 =	vor.u32 v1, v4;
	v6 =	vcvt.f32.s32 v7;
	v7 =	vld [tilespmem:s17+$0x8000]  }
0x24c: {  	v18 =	vld [tilespmem:s17+$0x8040];
	v12 =	vmul.f32 $2.550000000e+02, v13;
	v16 =	vor.u32 v1, v5;
	v3 =	vshll.u32 v3, $0x4  }
0x24d: {  	v4 =	vshll.u32 v6, $0x4;
	v17 =	vor.u32 v1, v3;
	v3 =	vmul.f32 $2.550000000e+02, v11  }
0x24e: {  	v8 =	vshll.u32 v8, $0x4;
	v11 =	vshll.u32 v10, $0x4;
	v6 =	vor.u32 v1, v4;
	v10 =	vld [tilespmem:s17+$0x8050]  }
0x24f: {  	v9 =	vshll.u32 v9, $0x4;
	v5 =	vor.u32 v1, v8;
	v8 =	vld [tilespmem:s17+$0x8060];
	v3 =	vtrunc.f32 v3  }
0x250: {  	[tilespmem:v14+s10+$0x0] =	vst.idx.add.f32.msk $0xffff, v2;
	v4 =	vor.u32 v1, v9;
	v7 =	vmul.f32 $2.550000000e+02, v7;
	v20 =	vcvt.f32.s32 v3  }
0x251: {  	v13 =	vmul.f32 $2.550000000e+02, v15;
	[tilespmem:v16+s10+$0x0] =	vst.idx.add.f32.msk $0xffff, v2;
	v3 =	vor.u32 v1, v11;
	v11 =	vmul.f32 $2.550000000e+02, v18  }
0x252: {  	v9 =	vtrunc.f32 v7;
	v7 =	vtrunc.f32 v19;
	v14 =	vshll.u32 v20, $0x4;
	[tilespmem:v17+s10+$0x0] =	vst.idx.add.f32.msk $0xffff, v2  }
.LBB2_20:
0x253: {  	s14 =	sadd.s32 $0x80, s14;
	v12 =	vtrunc.f32 v12;
	v10 =	vmul.f32 $2.550000000e+02, v10;
	v14 =	vor.u32 v1, v14;
	s15 =	sadd.s32 $0x400, s15;
	[tilespmem:v6+s10+$0x0] =	vst.idx.add.f32.msk $0xffff, v2  }
0x254: {  	v6 =	vtrunc.f32 v13;
	s16 =	sadd.s32 $0x20, s16;
	s17 =	sand.u32 $0x7000, s14;
	s18 =	sand.u32 $0xC00, s15;
	v8 =	vmul.f32 $2.550000000e+02, v8;
	[tilespmem:v5+s10+$0x0] =	vst.idx.add.f32.msk $0xffff, v2  }
0x255: {  	s19 =	sand.u32 $0x380, s16;
	p0 =	slt.u32 s14, $0x7F80;
	v5 =	vtrunc.f32 v11;
	s17 =	sor.u32 s18, s17;
	v10 =	vtrunc.f32 v10;
	[tilespmem:v4+s10+$0x0] =	vst.idx.add.f32.msk $0xffff, v2  }
0x256: {  	v4 =	vcvt.f32.s32 v9;
	s17 =	sor.u32 s19, s17;
	v8 =	vtrunc.f32 v8;
	[tilespmem:v3+s10+$0x0] =	vst.idx.add.f32.msk $0xffff, v2  }
0x257: {  	v7 =	vcvt.f32.s32 v7;
	v9 =	vcvt.f32.s32 v12;
	v3 =	vld [tilespmem:s17+$0x8070]  }
0x258: {  	v6 =	vcvt.f32.s32 v6;
	v5 =	vcvt.f32.s32 v5;
	v4 =	vshll.u32 v4, $0x4;
	[tilespmem:v14+s10+$0x0] =	vst.idx.add.f32.msk $0xffff, v2  }
0x259: {  	v7 =	vshll.u32 v7, $0x4;
	v10 =	vcvt.f32.s32 v10;
	v8 =	vcvt.f32.s32 v8;
	v11 =	vld [tilespmem:s17+$0x8000]  }
0x25a: {  	v6 =	vshll.u32 v6, $0x4;
	v9 =	vshll.u32 v9, $0x4;
	v5 =	vshll.u32 v5, $0x4;
	v12 =	vld [tilespmem:s17+$0x8010]  }
0x25b: {  	v14 =	vor.u32 v1, v4;
	v4 =	vshll.u32 v10, $0x4;
	v8 =	vshll.u32 v8, $0x4;
	v13 =	vld [tilespmem:s17+$0x8020]  }
0x25c: {  	v7 =	vor.u32 v1, v7;
	v6 =	vor.u32 v1, v6;
	v16 =	vor.u32 v1, v9;
	v15 =	vld [tilespmem:s17+$0x8030]  }
0x25d: {  	v5 =	vor.u32 v1, v5;
	v4 =	vor.u32 v1, v4;
	v9 =	vmul.f32 $2.550000000e+02, v3;
	v17 =	vld [tilespmem:s17+$0x8040]  }
.Ltmp9:
0x25e: {  	v3 =	vor.u32 v1, v8;
	v11 =	vmul.f32 $2.550000000e+02, v11;
	v10 =	vld [tilespmem:s17+$0x8050];
	(pc) =	sbr.rel @p0 .LBB2_20-.Ltmp9, $4  }
0x25f: {  	v9 =	vtrunc.f32 v9;
	v18 =	vmul.f32 $2.550000000e+02, v12;
	v8 =	vld [tilespmem:s17+$0x8060]  }
0x260: {  	v19 =	vcvt.f32.s32 v9;
	v12 =	vmul.f32 $2.550000000e+02, v13;
	[tilespmem:v14+s10+$0x0] =	vst.idx.add.f32.msk $0xffff, v2  }
0x261: {  	v9 =	vtrunc.f32 v11;
	v13 =	vmul.f32 $2.550000000e+02, v15;
	[tilespmem:v7+s10+$0x0] =	vst.idx.add.f32.msk $0xffff, v2  }
0x262: {  	v7 =	vtrunc.f32 v18;
	v14 =	vshll.u32 v19, $0x4;
	v11 =	vmul.f32 $2.550000000e+02, v17;
	[tilespmem:v16+s10+$0x0] =	vst.idx.add.f32.msk $0xffff, v2  }
0x263: {  	v12 =	vtrunc.f32 v12;
	v10 =	vmul.f32 $2.550000000e+02, v10  }
0x264: {  	v13 =	vtrunc.f32 v13;
	v9 =	vcvt.f32.s32 v9  }
0x265: {  	v7 =	vcvt.f32.s32 v7;
	v8 =	vmul.f32 $2.550000000e+02, v8  }
0x266: {  	v14 =	vor.u32 v1, v14;
	v11 =	vtrunc.f32 v11;
	v12 =	vcvt.f32.s32 v12  }
0x267: {  	v59 =	vcvt.f32.s32 v13;
	v10 =	vtrunc.f32 v10;
	v9 =	vshll.u32 v9, $0x4  }
0x268: {  	[tilespmem:v6+s10+$0x0] =	vst.idx.add.f32.msk $0xffff, v2;
	v7 =	vshll.u32 v7, $0x4;
	v60 =	vcvt.f32.s32 v11;
	v9 =	vor.u32 v1, v9  }
0x269: {  	[tilespmem:v5+s10+$0x0] =	vst.idx.add.f32.msk $0xffff, v2;
	v8 =	vtrunc.f32 v8;
	v61 =	vshll.u32 v12, $0x4;
	v7 =	vor.u32 v1, v7  }
0x26a: {  	[tilespmem:v4+s10+$0x0] =	vst.idx.add.f32.msk $0xffff, v2;
	v62 =	vcvt.f32.s32 v10;
	v6 =	vshll.u32 v59, $0x4;
	v63 =	vor.u32 v1, v61  }
0x26b: {  	[tilespmem:v3+s10+$0x0] =	vst.idx.add.f32.msk $0xffff, v2;
	v3 =	vcvt.f32.s32 v8;
	v5 =	vshll.u32 v60, $0x4;
	v6 =	vor.u32 v1, v6  }
0x26c: {  	[tilespmem:v14+s10+$0x0] =	vst.idx.add.f32.msk $0xffff, v2;
	v4 =	vshll.u32 v62, $0x4;
	v5 =	vor.u32 v1, v5  }
0x26d: {  	v3 =	vshll.u32 v3, $0x4;
	v4 =	vor.u32 v1, v4;
	[tilespmem:v9+s10+$0x0] =	vst.idx.add.f32.msk $0xffff, v2  }
0x26e: {  	v3 =	vor.u32 v1, v3;
	[tilespmem:v7+s10+$0x0] =	vst.idx.add.f32.msk $0xffff, v2  }
0x26f: {  	[tilespmem:v63+s10+$0x0] =	vst.idx.add.f32.msk $0xffff, v2  }
0x270: {  	[tilespmem:v6+s10+$0x0] =	vst.idx.add.f32.msk $0xffff, v2  }
0x271: {  	[tilespmem:v5+s10+$0x0] =	vst.idx.add.f32.msk $0xffff, v2  }
0x272: {  	[tilespmem:v4+s10+$0x0] =	vst.idx.add.f32.msk $0xffff, v2  }
0x273: {  	[tilespmem:v3+s10+$0x0] =	vst.idx.add.f32.msk $0xffff, v2  }
0x274: {  	[hbm4b:s28+s8] =	stream.strided.scatter [tilespmem:s10], [sflag:$0x5], $0x1000, s9, s8, $0x38;
	[tilespmem:$0x1A000] =	vst v63  }
0x275: {  	s14 =	rddreg [dreg:$0xe]  }
0x276: {  	[tilespmem:s2], [sflag:$0x2] =	stream.linear.gather [hbm4b:s14+s25], $0x8000, $0x38;
	[tilespmem:$0x1A000] =	vst v63  }
0x277: {  	_ =	swait.ge [sflag:s11], $0x1000  }
0x278: {  	[sflag:s11] =	ssyncset.done $0x0  }
0x279: {  	s14 =	simm.s32 $0x18040;
	[sflag:s11] =	ssyncadd.s32 $0xFFFFF000  }
0x27a: {  	[tilespmem:s14+$0xFFFFFFC0] =	vst v0  }
0x27b: {  	[tilespmem:s14+$0x30] =	vst v0  }
0x27c: {  	[tilespmem:s14+$0x20] =	vst v0  }
0x27d: {  	[tilespmem:s14+$0x10] =	vst v0  }
0x27e: {  	[tilespmem:s14+$0x0] =	vst v0  }
0x27f: {  	[tilespmem:s14+$0xFFFFFFF0] =	vst v0  }
0x280: {  	s15 =	simm.s32 $0x0;
	[tilespmem:s14+$0xFFFFFFE0] =	vst v0  }
.LBB2_22:
0x281: {  	s15 =	sadd.s32 $0x80, s15;
	[tilespmem:s14+$0xFFFFFFD0] =	vst v0;
	s14 =	sadd.s32 $0x80, s14  }
0x282: {  	[tilespmem:s14+$0xFFFFFFC0] =	vst v0;
	p0 =	slt.u32 s15, $0xF80  }
0x283: {  	[tilespmem:s14+$0x30] =	vst v0  }
.Ltmp10:
0x284: {  	[tilespmem:s14+$0x20] =	vst v0;
	(pc) =	sbr.rel @p0 .LBB2_22-.Ltmp10, $4  }
0x285: {  	[tilespmem:s14+$0x10] =	vst v0  }
0x286: {  	[tilespmem:s14+$0x0] =	vst v0  }
0x287: {  	[tilespmem:s14+$0xFFFFFFF0] =	vst v0  }
0x288: {  	[tilespmem:s14+$0xFFFFFFE0] =	vst v0  }
0x289: {  	[tilespmem:s14+$0xFFFFFFD0] =	vst v0;
	s19 =	simm.s32 $0x0;
	s15 =	simm.s32 $0x0  }
0x28a: {  	_ =	swait.ge [sflag:s7], $0x8000;
	s15 =	sand.u32 $0x7000, s15;
	s16 =	sand.u32 $0xC00, s19  }
0x28b: {  	s14 =	sand.u32 $0x380, s19;
	[sflag:s7] =	ssyncset.done $0x0;
	s15 =	sor.u32 s16, s15  }
0x28c: {  	[sflag:s7] =	ssyncadd.s32 $0xFFFF8000;
	s14 =	sor.u32 s14, s15  }
0x28d: {  	v3 =	vld [tilespmem:s14+$0x10070]  }
0x28e: {  	v4 =	vld [tilespmem:s14+$0x10000]  }
0x28f: {  	v5 =	vld [tilespmem:s14+$0x10010]  }
0x290: {  	v6 =	vld [tilespmem:s14+$0x10020]  }
0x291: {  	v7 =	vld [tilespmem:s14+$0x10030]  }
0x292: {  	v8 =	vld [tilespmem:s14+$0x10040]  }
0x293: {  	v9 =	vld [tilespmem:s14+$0x10050]  }
0x294: {  	v10 =	vld [tilespmem:s14+$0x10060]  }
0x295: {  	v3 =	vmul.f32 $2.550000000e+02, v3;
	v4 =	vmul.f32 $2.550000000e+02, v4  }
0x296: {  	v5 =	vmul.f32 $2.550000000e+02, v5;
	v6 =	vmul.f32 $2.550000000e+02, v6  }
0x297: {  	s15 =	simm.s32 $0x400;
	s14 =	simm.s32 $0x80;
	v7 =	vmul.f32 $2.550000000e+02, v7;
	v3 =	vtrunc.f32 v3  }
0x298: {  	s16 =	simm.s32 $0x20;
	s18 =	sand.u32 $0xC00, s15;
	s17 =	sand.u32 $0x7000, s14;
	v8 =	vmul.f32 $2.550000000e+02, v8;
	v3 =	vcvt.f32.s32 v3  }
0x299: {  	s19 =	sand.u32 $0x380, s16;
	s17 =	sor.u32 s18, s17;
	v9 =	vmul.f32 $2.550000000e+02, v9;
	v10 =	vmul.f32 $2.550000000e+02, v10  }
0x29a: {  	s17 =	sor.u32 s19, s17;
	v4 =	vtrunc.f32 v4;
	v5 =	vtrunc.f32 v5;
	v3 =	vshll.u32 v3, $0x4  }
0x29b: {  	v12 =	vld [tilespmem:s17+$0x10010];
	v6 =	vtrunc.f32 v6;
	v7 =	vtrunc.f32 v7;
	v3 =	vor.u32 v1, v3  }
0x29c: {  	v8 =	vtrunc.f32 v8;
	v9 =	vtrunc.f32 v9  }
0x29d: {  	v13 =	vld [tilespmem:s17+$0x10020];
	v10 =	vtrunc.f32 v10;
	v4 =	vcvt.f32.s32 v4  }
0x29e: {  	v11 =	vld [tilespmem:s17+$0x10070];
	v5 =	vcvt.f32.s32 v5;
	v8 =	vcvt.f32.s32 v8  }
0x29f: {  	v15 =	vld [tilespmem:s17+$0x10030];
	v9 =	vcvt.f32.s32 v9;
	v10 =	vcvt.f32.s32 v10  }
0x2a0: {  	v19 =	vmul.f32 $2.550000000e+02, v12;
	v4 =	vshll.u32 v4, $0x4;
	[tilespmem:v3+s5+$0x0] =	vst.idx.add.f32.msk $0xffff, v2;
	v3 =	vcvt.f32.s32 v6  }
0x2a1: {  	v5 =	vshll.u32 v5, $0x4;
	v14 =	vor.u32 v1, v4;
	v6 =	vcvt.f32.s32 v7;
	v7 =	vld [tilespmem:s17+$0x10000]  }
0x2a2: {  	v18 =	vld [tilespmem:s17+$0x10040];
	v12 =	vmul.f32 $2.550000000e+02, v13;
	v16 =	vor.u32 v1, v5;
	v3 =	vshll.u32 v3, $0x4  }
0x2a3: {  	v4 =	vshll.u32 v6, $0x4;
	v17 =	vor.u32 v1, v3;
	v3 =	vmul.f32 $2.550000000e+02, v11  }
0x2a4: {  	v8 =	vshll.u32 v8, $0x4;
	v11 =	vshll.u32 v10, $0x4;
	v6 =	vor.u32 v1, v4;
	v10 =	vld [tilespmem:s17+$0x10050]  }
0x2a5: {  	v9 =	vshll.u32 v9, $0x4;
	v5 =	vor.u32 v1, v8;
	v8 =	vld [tilespmem:s17+$0x10060];
	v3 =	vtrunc.f32 v3  }
0x2a6: {  	[tilespmem:v14+s5+$0x0] =	vst.idx.add.f32.msk $0xffff, v2;
	v4 =	vor.u32 v1, v9;
	v7 =	vmul.f32 $2.550000000e+02, v7;
	v20 =	vcvt.f32.s32 v3  }
0x2a7: {  	v13 =	vmul.f32 $2.550000000e+02, v15;
	[tilespmem:v16+s5+$0x0] =	vst.idx.add.f32.msk $0xffff, v2;
	v3 =	vor.u32 v1, v11;
	v11 =	vmul.f32 $2.550000000e+02, v18  }
0x2a8: {  	v9 =	vtrunc.f32 v7;
	v7 =	vtrunc.f32 v19;
	v14 =	vshll.u32 v20, $0x4;
	[tilespmem:v17+s5+$0x0] =	vst.idx.add.f32.msk $0xffff, v2  }
.LBB2_24:
0x2a9: {  	s14 =	sadd.s32 $0x80, s14;
	v12 =	vtrunc.f32 v12;
	v10 =	vmul.f32 $2.550000000e+02, v10;
	v14 =	vor.u32 v1, v14;
	s15 =	sadd.s32 $0x400, s15;
	[tilespmem:v6+s5+$0x0] =	vst.idx.add.f32.msk $0xffff, v2  }
0x2aa: {  	v6 =	vtrunc.f32 v13;
	s16 =	sadd.s32 $0x20, s16;
	s17 =	sand.u32 $0x7000, s14;
	s18 =	sand.u32 $0xC00, s15;
	v8 =	vmul.f32 $2.550000000e+02, v8;
	[tilespmem:v5+s5+$0x0] =	vst.idx.add.f32.msk $0xffff, v2  }
0x2ab: {  	s19 =	sand.u32 $0x380, s16;
	p0 =	slt.u32 s14, $0x7F80;
	v5 =	vtrunc.f32 v11;
	s17 =	sor.u32 s18, s17;
	v10 =	vtrunc.f32 v10;
	[tilespmem:v4+s5+$0x0] =	vst.idx.add.f32.msk $0xffff, v2  }
0x2ac: {  	v4 =	vcvt.f32.s32 v9;
	s17 =	sor.u32 s19, s17;
	v8 =	vtrunc.f32 v8;
	[tilespmem:v3+s5+$0x0] =	vst.idx.add.f32.msk $0xffff, v2  }
0x2ad: {  	v7 =	vcvt.f32.s32 v7;
	v9 =	vcvt.f32.s32 v12;
	v3 =	vld [tilespmem:s17+$0x10070]  }
0x2ae: {  	v6 =	vcvt.f32.s32 v6;
	v5 =	vcvt.f32.s32 v5;
	v4 =	vshll.u32 v4, $0x4;
	[tilespmem:v14+s5+$0x0] =	vst.idx.add.f32.msk $0xffff, v2  }
0x2af: {  	v7 =	vshll.u32 v7, $0x4;
	v10 =	vcvt.f32.s32 v10;
	v8 =	vcvt.f32.s32 v8;
	v11 =	vld [tilespmem:s17+$0x10000]  }
0x2b0: {  	v6 =	vshll.u32 v6, $0x4;
	v9 =	vshll.u32 v9, $0x4;
	v5 =	vshll.u32 v5, $0x4;
	v12 =	vld [tilespmem:s17+$0x10010]  }
0x2b1: {  	v14 =	vor.u32 v1, v4;
	v4 =	vshll.u32 v10, $0x4;
	v8 =	vshll.u32 v8, $0x4;
	v13 =	vld [tilespmem:s17+$0x10020]  }
0x2b2: {  	v7 =	vor.u32 v1, v7;
	v6 =	vor.u32 v1, v6;
	v16 =	vor.u32 v1, v9;
	v15 =	vld [tilespmem:s17+$0x10030]  }
0x2b3: {  	v5 =	vor.u32 v1, v5;
	v4 =	vor.u32 v1, v4;
	v9 =	vmul.f32 $2.550000000e+02, v3;
	v17 =	vld [tilespmem:s17+$0x10040]  }
.Ltmp11:
0x2b4: {  	v3 =	vor.u32 v1, v8;
	v11 =	vmul.f32 $2.550000000e+02, v11;
	v10 =	vld [tilespmem:s17+$0x10050];
	(pc) =	sbr.rel @p0 .LBB2_24-.Ltmp11, $4  }
0x2b5: {  	v9 =	vtrunc.f32 v9;
	v18 =	vmul.f32 $2.550000000e+02, v12;
	v8 =	vld [tilespmem:s17+$0x10060]  }
0x2b6: {  	v19 =	vcvt.f32.s32 v9;
	v12 =	vmul.f32 $2.550000000e+02, v13;
	[tilespmem:v14+s5+$0x0] =	vst.idx.add.f32.msk $0xffff, v2  }
0x2b7: {  	v9 =	vtrunc.f32 v11;
	v13 =	vmul.f32 $2.550000000e+02, v15;
	[tilespmem:v7+s5+$0x0] =	vst.idx.add.f32.msk $0xffff, v2  }
0x2b8: {  	v7 =	vtrunc.f32 v18;
	v14 =	vshll.u32 v19, $0x4;
	v11 =	vmul.f32 $2.550000000e+02, v17;
	[tilespmem:v16+s5+$0x0] =	vst.idx.add.f32.msk $0xffff, v2  }
0x2b9: {  	v12 =	vtrunc.f32 v12;
	v10 =	vmul.f32 $2.550000000e+02, v10  }
0x2ba: {  	v13 =	vtrunc.f32 v13;
	v9 =	vcvt.f32.s32 v9  }
0x2bb: {  	v7 =	vcvt.f32.s32 v7;
	v8 =	vmul.f32 $2.550000000e+02, v8  }
0x2bc: {  	v14 =	vor.u32 v1, v14;
	v11 =	vtrunc.f32 v11;
	v12 =	vcvt.f32.s32 v12  }
0x2bd: {  	[tilespmem:v6+s5+$0x0] =	vst.idx.add.f32.msk $0xffff, v2;
	v6 =	vcvt.f32.s32 v13;
	v10 =	vtrunc.f32 v10;
	v9 =	vshll.u32 v9, $0x4  }
0x2be: {  	[tilespmem:v5+s5+$0x0] =	vst.idx.add.f32.msk $0xffff, v2;
	v7 =	vshll.u32 v7, $0x4;
	v5 =	vcvt.f32.s32 v11;
	v9 =	vor.u32 v1, v9  }
0x2bf: {  	v8 =	vtrunc.f32 v8;
	v11 =	vshll.u32 v12, $0x4;
	v7 =	vor.u32 v1, v7  }
0x2c0: {  	[tilespmem:v4+s5+$0x0] =	vst.idx.add.f32.msk $0xffff, v2;
	v4 =	vcvt.f32.s32 v10;
	v6 =	vshll.u32 v6, $0x4;
	v10 =	vor.u32 v1, v11  }
0x2c1: {  	[tilespmem:v3+s5+$0x0] =	vst.idx.add.f32.msk $0xffff, v2;
	v3 =	vcvt.f32.s32 v8;
	v5 =	vshll.u32 v5, $0x4;
	v6 =	vor.u32 v1, v6  }
0x2c2: {  	[tilespmem:v14+s5+$0x0] =	vst.idx.add.f32.msk $0xffff, v2;
	v4 =	vshll.u32 v4, $0x4;
	v5 =	vor.u32 v1, v5  }
0x2c3: {  	v3 =	vshll.u32 v3, $0x4;
	v4 =	vor.u32 v1, v4;
	[tilespmem:v9+s5+$0x0] =	vst.idx.add.f32.msk $0xffff, v2  }
0x2c4: {  	v3 =	vor.u32 v1, v3;
	[tilespmem:v7+s5+$0x0] =	vst.idx.add.f32.msk $0xffff, v2  }
0x2c5: {  	[tilespmem:v10+s5+$0x0] =	vst.idx.add.f32.msk $0xffff, v2  }
0x2c6: {  	[tilespmem:v6+s5+$0x0] =	vst.idx.add.f32.msk $0xffff, v2  }
0x2c7: {  	[tilespmem:v5+s5+$0x0] =	vst.idx.add.f32.msk $0xffff, v2  }
0x2c8: {  	[tilespmem:v4+s5+$0x0] =	vst.idx.add.f32.msk $0xffff, v2  }
0x2c9: {  	[tilespmem:v3+s5+$0x0] =	vst.idx.add.f32.msk $0xffff, v2  }
0x2ca: {  	s14 =	simm.s32 $0x0;
	s19 =	simm.s32 $0x0;
	s15 =	rddreg [dreg:$0xf]  }
0x2cb: {  	[tilespmem:s3], [sflag:$0x3] =	stream.linear.gather [hbm4b:s15+s14], $0x8000, $0x38;
	[tilespmem:$0x1A000] =	vst v63  }
0x2cc: {  	s16 =	sand.u32 $0xC00, s14;
	s15 =	sand.u32 $0x7000, s19;
	_ =	swait.ge [sflag:s4], $0x8000  }
0x2cd: {  	s14 =	sand.u32 $0x380, s14;
	s15 =	sor.u32 s16, s15;
	[sflag:s4] =	ssyncset.done $0x0  }
0x2ce: {  	s14 =	sor.u32 s14, s15;
	[sflag:s4] =	ssyncadd.s32 $0xFFFF8000  }
0x2cf: {  	v3 =	vld [tilespmem:s14+$0x70]  }
0x2d0: {  	v4 =	vld [tilespmem:s14+$0x0]  }
0x2d1: {  	v5 =	vld [tilespmem:s14+$0x10]  }
0x2d2: {  	v6 =	vld [tilespmem:s14+$0x20]  }
0x2d3: {  	v7 =	vld [tilespmem:s14+$0x30]  }
0x2d4: {  	v8 =	vld [tilespmem:s14+$0x40]  }
0x2d5: {  	v9 =	vld [tilespmem:s14+$0x50]  }
0x2d6: {  	v10 =	vld [tilespmem:s14+$0x60]  }
0x2d7: {  	v3 =	vmul.f32 $2.550000000e+02, v3;
	v4 =	vmul.f32 $2.550000000e+02, v4  }
0x2d8: {  	v5 =	vmul.f32 $2.550000000e+02, v5;
	v6 =	vmul.f32 $2.550000000e+02, v6  }
0x2d9: {  	s15 =	simm.s32 $0x400;
	s14 =	simm.s32 $0x80;
	v7 =	vmul.f32 $2.550000000e+02, v7;
	v3 =	vtrunc.f32 v3  }
0x2da: {  	s16 =	simm.s32 $0x20;
	s18 =	sand.u32 $0xC00, s15;
	s17 =	sand.u32 $0x7000, s14;
	v8 =	vmul.f32 $2.550000000e+02, v8;
	v3 =	vcvt.f32.s32 v3  }
0x2db: {  	s19 =	sand.u32 $0x380, s16;
	s17 =	sor.u32 s18, s17;
	v9 =	vmul.f32 $2.550000000e+02, v9;
	v10 =	vmul.f32 $2.550000000e+02, v10  }
0x2dc: {  	s17 =	sor.u32 s19, s17;
	v4 =	vtrunc.f32 v4;
	v5 =	vtrunc.f32 v5;
	v3 =	vshll.u32 v3, $0x4  }
0x2dd: {  	v12 =	vld [tilespmem:s17+$0x10];
	v6 =	vtrunc.f32 v6;
	v7 =	vtrunc.f32 v7;
	v3 =	vor.u32 v1, v3  }
0x2de: {  	v8 =	vtrunc.f32 v8;
	v9 =	vtrunc.f32 v9  }
0x2df: {  	v13 =	vld [tilespmem:s17+$0x20];
	v10 =	vtrunc.f32 v10;
	v4 =	vcvt.f32.s32 v4  }
0x2e0: {  	v11 =	vld [tilespmem:s17+$0x70];
	v5 =	vcvt.f32.s32 v5;
	v8 =	vcvt.f32.s32 v8  }
0x2e1: {  	v15 =	vld [tilespmem:s17+$0x30];
	v9 =	vcvt.f32.s32 v9;
	v10 =	vcvt.f32.s32 v10  }
0x2e2: {  	v19 =	vmul.f32 $2.550000000e+02, v12;
	v4 =	vshll.u32 v4, $0x4;
	[tilespmem:v3+s5+$0x0] =	vst.idx.add.f32.msk $0xffff, v2;
	v3 =	vcvt.f32.s32 v6  }
0x2e3: {  	v5 =	vshll.u32 v5, $0x4;
	v14 =	vor.u32 v1, v4;
	v6 =	vcvt.f32.s32 v7;
	v7 =	vld [tilespmem:s17+$0x0]  }
0x2e4: {  	v18 =	vld [tilespmem:s17+$0x40];
	v12 =	vmul.f32 $2.550000000e+02, v13;
	v16 =	vor.u32 v1, v5;
	v3 =	vshll.u32 v3, $0x4  }
0x2e5: {  	v4 =	vshll.u32 v6, $0x4;
	v17 =	vor.u32 v1, v3;
	v3 =	vmul.f32 $2.550000000e+02, v11  }
0x2e6: {  	v8 =	vshll.u32 v8, $0x4;
	v11 =	vshll.u32 v10, $0x4;
	v6 =	vor.u32 v1, v4;
	v10 =	vld [tilespmem:s17+$0x50]  }
0x2e7: {  	v9 =	vshll.u32 v9, $0x4;
	v5 =	vor.u32 v1, v8;
	v8 =	vld [tilespmem:s17+$0x60];
	v3 =	vtrunc.f32 v3  }
0x2e8: {  	[tilespmem:v14+s5+$0x0] =	vst.idx.add.f32.msk $0xffff, v2;
	v4 =	vor.u32 v1, v9;
	v7 =	vmul.f32 $2.550000000e+02, v7;
	v20 =	vcvt.f32.s32 v3  }
0x2e9: {  	v13 =	vmul.f32 $2.550000000e+02, v15;
	[tilespmem:v16+s5+$0x0] =	vst.idx.add.f32.msk $0xffff, v2;
	v3 =	vor.u32 v1, v11;
	v11 =	vmul.f32 $2.550000000e+02, v18  }
0x2ea: {  	v9 =	vtrunc.f32 v7;
	v7 =	vtrunc.f32 v19;
	v14 =	vshll.u32 v20, $0x4;
	[tilespmem:v17+s5+$0x0] =	vst.idx.add.f32.msk $0xffff, v2  }
.LBB2_26:
0x2eb: {  	s14 =	sadd.s32 $0x80, s14;
	v12 =	vtrunc.f32 v12;
	v10 =	vmul.f32 $2.550000000e+02, v10;
	v14 =	vor.u32 v1, v14;
	s15 =	sadd.s32 $0x400, s15;
	[tilespmem:v6+s5+$0x0] =	vst.idx.add.f32.msk $0xffff, v2  }
0x2ec: {  	v6 =	vtrunc.f32 v13;
	s16 =	sadd.s32 $0x20, s16;
	s17 =	sand.u32 $0x7000, s14;
	s18 =	sand.u32 $0xC00, s15;
	v8 =	vmul.f32 $2.550000000e+02, v8;
	[tilespmem:v5+s5+$0x0] =	vst.idx.add.f32.msk $0xffff, v2  }
0x2ed: {  	s19 =	sand.u32 $0x380, s16;
	p0 =	slt.u32 s14, $0x7F80;
	v5 =	vtrunc.f32 v11;
	s17 =	sor.u32 s18, s17;
	v10 =	vtrunc.f32 v10;
	[tilespmem:v4+s5+$0x0] =	vst.idx.add.f32.msk $0xffff, v2  }
0x2ee: {  	v4 =	vcvt.f32.s32 v9;
	s17 =	sor.u32 s19, s17;
	v8 =	vtrunc.f32 v8;
	[tilespmem:v3+s5+$0x0] =	vst.idx.add.f32.msk $0xffff, v2  }
0x2ef: {  	v7 =	vcvt.f32.s32 v7;
	v9 =	vcvt.f32.s32 v12;
	v3 =	vld [tilespmem:s17+$0x70]  }
0x2f0: {  	v6 =	vcvt.f32.s32 v6;
	v5 =	vcvt.f32.s32 v5;
	v4 =	vshll.u32 v4, $0x4;
	[tilespmem:v14+s5+$0x0] =	vst.idx.add.f32.msk $0xffff, v2  }
0x2f1: {  	v7 =	vshll.u32 v7, $0x4;
	v10 =	vcvt.f32.s32 v10;
	v8 =	vcvt.f32.s32 v8;
	v11 =	vld [tilespmem:s17+$0x0]  }
0x2f2: {  	v6 =	vshll.u32 v6, $0x4;
	v9 =	vshll.u32 v9, $0x4;
	v5 =	vshll.u32 v5, $0x4;
	v12 =	vld [tilespmem:s17+$0x10]  }
0x2f3: {  	v14 =	vor.u32 v1, v4;
	v4 =	vshll.u32 v10, $0x4;
	v8 =	vshll.u32 v8, $0x4;
	v13 =	vld [tilespmem:s17+$0x20]  }
0x2f4: {  	v7 =	vor.u32 v1, v7;
	v6 =	vor.u32 v1, v6;
	v16 =	vor.u32 v1, v9;
	v15 =	vld [tilespmem:s17+$0x30]  }
0x2f5: {  	v5 =	vor.u32 v1, v5;
	v4 =	vor.u32 v1, v4;
	v9 =	vmul.f32 $2.550000000e+02, v3;
	v17 =	vld [tilespmem:s17+$0x40]  }
.Ltmp12:
0x2f6: {  	v3 =	vor.u32 v1, v8;
	v11 =	vmul.f32 $2.550000000e+02, v11;
	v10 =	vld [tilespmem:s17+$0x50];
	(pc) =	sbr.rel @p0 .LBB2_26-.Ltmp12, $4  }
0x2f7: {  	v9 =	vtrunc.f32 v9;
	v18 =	vmul.f32 $2.550000000e+02, v12;
	v8 =	vld [tilespmem:s17+$0x60]  }
0x2f8: {  	v19 =	vcvt.f32.s32 v9;
	v12 =	vmul.f32 $2.550000000e+02, v13;
	[tilespmem:v14+s5+$0x0] =	vst.idx.add.f32.msk $0xffff, v2  }
0x2f9: {  	v9 =	vtrunc.f32 v11;
	v13 =	vmul.f32 $2.550000000e+02, v15;
	[tilespmem:v7+s5+$0x0] =	vst.idx.add.f32.msk $0xffff, v2  }
0x2fa: {  	v7 =	vtrunc.f32 v18;
	v14 =	vshll.u32 v19, $0x4;
	v11 =	vmul.f32 $2.550000000e+02, v17;
	[tilespmem:v16+s5+$0x0] =	vst.idx.add.f32.msk $0xffff, v2  }
0x2fb: {  	v12 =	vtrunc.f32 v12;
	v10 =	vmul.f32 $2.550000000e+02, v10  }
0x2fc: {  	v13 =	vtrunc.f32 v13;
	v9 =	vcvt.f32.s32 v9  }
0x2fd: {  	v7 =	vcvt.f32.s32 v7;
	v8 =	vmul.f32 $2.550000000e+02, v8  }
0x2fe: {  	v14 =	vor.u32 v1, v14;
	v11 =	vtrunc.f32 v11;
	v12 =	vcvt.f32.s32 v12  }
0x2ff: {  	[tilespmem:v6+s5+$0x0] =	vst.idx.add.f32.msk $0xffff, v2;
	v6 =	vcvt.f32.s32 v13;
	v10 =	vtrunc.f32 v10;
	v9 =	vshll.u32 v9, $0x4  }
0x300: {  	[tilespmem:v5+s5+$0x0] =	vst.idx.add.f32.msk $0xffff, v2;
	v7 =	vshll.u32 v7, $0x4;
	v5 =	vcvt.f32.s32 v11;
	v9 =	vor.u32 v1, v9  }
0x301: {  	v8 =	vtrunc.f32 v8;
	v11 =	vshll.u32 v12, $0x4;
	v7 =	vor.u32 v1, v7  }
0x302: {  	[tilespmem:v4+s5+$0x0] =	vst.idx.add.f32.msk $0xffff, v2;
	v4 =	vcvt.f32.s32 v10;
	v6 =	vshll.u32 v6, $0x4;
	v10 =	vor.u32 v1, v11  }
0x303: {  	[tilespmem:v3+s5+$0x0] =	vst.idx.add.f32.msk $0xffff, v2;
	v3 =	vcvt.f32.s32 v8;
	v5 =	vshll.u32 v5, $0x4;
	v6 =	vor.u32 v1, v6  }
0x304: {  	[tilespmem:v14+s5+$0x0] =	vst.idx.add.f32.msk $0xffff, v2;
	v4 =	vshll.u32 v4, $0x4;
	v5 =	vor.u32 v1, v5  }
0x305: {  	v3 =	vshll.u32 v3, $0x4;
	v4 =	vor.u32 v1, v4;
	[tilespmem:v9+s5+$0x0] =	vst.idx.add.f32.msk $0xffff, v2  }
0x306: {  	v3 =	vor.u32 v1, v3;
	[tilespmem:v7+s5+$0x0] =	vst.idx.add.f32.msk $0xffff, v2  }
0x307: {  	[tilespmem:v10+s5+$0x0] =	vst.idx.add.f32.msk $0xffff, v2  }
0x308: {  	[tilespmem:v6+s5+$0x0] =	vst.idx.add.f32.msk $0xffff, v2  }
0x309: {  	[tilespmem:v5+s5+$0x0] =	vst.idx.add.f32.msk $0xffff, v2  }
0x30a: {  	[tilespmem:v4+s5+$0x0] =	vst.idx.add.f32.msk $0xffff, v2  }
0x30b: {  	[tilespmem:v3+s5+$0x0] =	vst.idx.add.f32.msk $0xffff, v2  }
0x30c: {  	s14 =	simm.s32 $0x0;
	s19 =	simm.s32 $0x0;
	s15 =	rddreg [dreg:$0x10]  }
0x30d: {  	[tilespmem:s14], [sflag:$0x1] =	stream.linear.gather [hbm4b:s15+s14], $0x8000, $0x38;
	[tilespmem:$0x1A000] =	vst v63  }
0x30e: {  	s16 =	sand.u32 $0xC00, s14;
	s15 =	sand.u32 $0x7000, s19;
	_ =	swait.ge [sflag:s6], $0x8000  }
0x30f: {  	s14 =	sand.u32 $0x380, s14;
	s15 =	sor.u32 s16, s15;
	[sflag:s6] =	ssyncset.done $0x0  }
0x310: {  	s14 =	sor.u32 s14, s15;
	[sflag:s6] =	ssyncadd.s32 $0xFFFF8000  }
0x311: {  	v3 =	vld [tilespmem:s14+$0x8070]  }
0x312: {  	v4 =	vld [tilespmem:s14+$0x8000]  }
0x313: {  	v5 =	vld [tilespmem:s14+$0x8010]  }
0x314: {  	v6 =	vld [tilespmem:s14+$0x8020]  }
0x315: {  	v7 =	vld [tilespmem:s14+$0x8030]  }
0x316: {  	v8 =	vld [tilespmem:s14+$0x8040]  }
0x317: {  	v9 =	vld [tilespmem:s14+$0x8050]  }
0x318: {  	v10 =	vld [tilespmem:s14+$0x8060]  }
0x319: {  	v3 =	vmul.f32 $2.550000000e+02, v3;
	v4 =	vmul.f32 $2.550000000e+02, v4  }
0x31a: {  	v5 =	vmul.f32 $2.550000000e+02, v5;
	v6 =	vmul.f32 $2.550000000e+02, v6  }
0x31b: {  	s15 =	simm.s32 $0x400;
	s14 =	simm.s32 $0x80;
	v7 =	vmul.f32 $2.550000000e+02, v7;
	v3 =	vtrunc.f32 v3  }
0x31c: {  	s16 =	simm.s32 $0x20;
	s18 =	sand.u32 $0xC00, s15;
	s17 =	sand.u32 $0x7000, s14;
	v8 =	vmul.f32 $2.550000000e+02, v8;
	v3 =	vcvt.f32.s32 v3  }
0x31d: {  	s19 =	sand.u32 $0x380, s16;
	s17 =	sor.u32 s18, s17;
	v9 =	vmul.f32 $2.550000000e+02, v9;
	v10 =	vmul.f32 $2.550000000e+02, v10  }
0x31e: {  	s17 =	sor.u32 s19, s17;
	v4 =	vtrunc.f32 v4;
	v5 =	vtrunc.f32 v5;
	v3 =	vshll.u32 v3, $0x4  }
0x31f: {  	v12 =	vld [tilespmem:s17+$0x8010];
	v6 =	vtrunc.f32 v6;
	v7 =	vtrunc.f32 v7;
	v3 =	vor.u32 v1, v3  }
0x320: {  	v8 =	vtrunc.f32 v8;
	v9 =	vtrunc.f32 v9  }
0x321: {  	v13 =	vld [tilespmem:s17+$0x8020];
	v10 =	vtrunc.f32 v10;
	v4 =	vcvt.f32.s32 v4  }
0x322: {  	v11 =	vld [tilespmem:s17+$0x8070];
	v5 =	vcvt.f32.s32 v5;
	v8 =	vcvt.f32.s32 v8  }
0x323: {  	v15 =	vld [tilespmem:s17+$0x8030];
	v9 =	vcvt.f32.s32 v9;
	v10 =	vcvt.f32.s32 v10  }
0x324: {  	v19 =	vmul.f32 $2.550000000e+02, v12;
	v4 =	vshll.u32 v4, $0x4;
	[tilespmem:v3+s5+$0x0] =	vst.idx.add.f32.msk $0xffff, v2;
	v3 =	vcvt.f32.s32 v6  }
0x325: {  	v5 =	vshll.u32 v5, $0x4;
	v14 =	vor.u32 v1, v4;
	v6 =	vcvt.f32.s32 v7;
	v7 =	vld [tilespmem:s17+$0x8000]  }
0x326: {  	v18 =	vld [tilespmem:s17+$0x8040];
	v12 =	vmul.f32 $2.550000000e+02, v13;
	v16 =	vor.u32 v1, v5;
	v3 =	vshll.u32 v3, $0x4  }
0x327: {  	v4 =	vshll.u32 v6, $0x4;
	v17 =	vor.u32 v1, v3;
	v3 =	vmul.f32 $2.550000000e+02, v11  }
0x328: {  	v8 =	vshll.u32 v8, $0x4;
	v11 =	vshll.u32 v10, $0x4;
	v6 =	vor.u32 v1, v4;
	v10 =	vld [tilespmem:s17+$0x8050]  }
0x329: {  	v9 =	vshll.u32 v9, $0x4;
	v5 =	vor.u32 v1, v8;
	v8 =	vld [tilespmem:s17+$0x8060];
	v3 =	vtrunc.f32 v3  }
0x32a: {  	[tilespmem:v14+s5+$0x0] =	vst.idx.add.f32.msk $0xffff, v2;
	v4 =	vor.u32 v1, v9;
	v7 =	vmul.f32 $2.550000000e+02, v7;
	v20 =	vcvt.f32.s32 v3  }
0x32b: {  	v13 =	vmul.f32 $2.550000000e+02, v15;
	[tilespmem:v16+s5+$0x0] =	vst.idx.add.f32.msk $0xffff, v2;
	v3 =	vor.u32 v1, v11;
	v11 =	vmul.f32 $2.550000000e+02, v18  }
0x32c: {  	v9 =	vtrunc.f32 v7;
	v7 =	vtrunc.f32 v19;
	v14 =	vshll.u32 v20, $0x4;
	[tilespmem:v17+s5+$0x0] =	vst.idx.add.f32.msk $0xffff, v2  }
.LBB2_28:
0x32d: {  	s14 =	sadd.s32 $0x80, s14;
	v12 =	vtrunc.f32 v12;
	v10 =	vmul.f32 $2.550000000e+02, v10;
	v14 =	vor.u32 v1, v14;
	s15 =	sadd.s32 $0x400, s15;
	[tilespmem:v6+s5+$0x0] =	vst.idx.add.f32.msk $0xffff, v2  }
0x32e: {  	v6 =	vtrunc.f32 v13;
	s16 =	sadd.s32 $0x20, s16;
	s17 =	sand.u32 $0x7000, s14;
	s18 =	sand.u32 $0xC00, s15;
	v8 =	vmul.f32 $2.550000000e+02, v8;
	[tilespmem:v5+s5+$0x0] =	vst.idx.add.f32.msk $0xffff, v2  }
0x32f: {  	s19 =	sand.u32 $0x380, s16;
	p0 =	slt.u32 s14, $0x7F80;
	v5 =	vtrunc.f32 v11;
	s17 =	sor.u32 s18, s17;
	v10 =	vtrunc.f32 v10;
	[tilespmem:v4+s5+$0x0] =	vst.idx.add.f32.msk $0xffff, v2  }
0x330: {  	v4 =	vcvt.f32.s32 v9;
	s17 =	sor.u32 s19, s17;
	v8 =	vtrunc.f32 v8;
	[tilespmem:v3+s5+$0x0] =	vst.idx.add.f32.msk $0xffff, v2  }
0x331: {  	v7 =	vcvt.f32.s32 v7;
	v9 =	vcvt.f32.s32 v12;
	v3 =	vld [tilespmem:s17+$0x8070]  }
0x332: {  	v6 =	vcvt.f32.s32 v6;
	v5 =	vcvt.f32.s32 v5;
	v4 =	vshll.u32 v4, $0x4;
	[tilespmem:v14+s5+$0x0] =	vst.idx.add.f32.msk $0xffff, v2  }
0x333: {  	v7 =	vshll.u32 v7, $0x4;
	v10 =	vcvt.f32.s32 v10;
	v8 =	vcvt.f32.s32 v8;
	v11 =	vld [tilespmem:s17+$0x8000]  }
0x334: {  	v6 =	vshll.u32 v6, $0x4;
	v9 =	vshll.u32 v9, $0x4;
	v5 =	vshll.u32 v5, $0x4;
	v12 =	vld [tilespmem:s17+$0x8010]  }
0x335: {  	v14 =	vor.u32 v1, v4;
	v4 =	vshll.u32 v10, $0x4;
	v8 =	vshll.u32 v8, $0x4;
	v13 =	vld [tilespmem:s17+$0x8020]  }
0x336: {  	v7 =	vor.u32 v1, v7;
	v6 =	vor.u32 v1, v6;
	v16 =	vor.u32 v1, v9;
	v15 =	vld [tilespmem:s17+$0x8030]  }
0x337: {  	v5 =	vor.u32 v1, v5;
	v4 =	vor.u32 v1, v4;
	v9 =	vmul.f32 $2.550000000e+02, v3;
	v17 =	vld [tilespmem:s17+$0x8040]  }
.Ltmp13:
0x338: {  	v3 =	vor.u32 v1, v8;
	v11 =	vmul.f32 $2.550000000e+02, v11;
	v10 =	vld [tilespmem:s17+$0x8050];
	(pc) =	sbr.rel @p0 .LBB2_28-.Ltmp13, $4  }
0x339: {  	v9 =	vtrunc.f32 v9;
	v18 =	vmul.f32 $2.550000000e+02, v12;
	v8 =	vld [tilespmem:s17+$0x8060]  }
0x33a: {  	v19 =	vcvt.f32.s32 v9;
	v12 =	vmul.f32 $2.550000000e+02, v13;
	[tilespmem:v14+s5+$0x0] =	vst.idx.add.f32.msk $0xffff, v2  }
0x33b: {  	v9 =	vtrunc.f32 v11;
	v13 =	vmul.f32 $2.550000000e+02, v15;
	[tilespmem:v7+s5+$0x0] =	vst.idx.add.f32.msk $0xffff, v2  }
0x33c: {  	v7 =	vtrunc.f32 v18;
	v14 =	vshll.u32 v19, $0x4;
	v11 =	vmul.f32 $2.550000000e+02, v17;
	[tilespmem:v16+s5+$0x0] =	vst.idx.add.f32.msk $0xffff, v2  }
0x33d: {  	v12 =	vtrunc.f32 v12;
	v10 =	vmul.f32 $2.550000000e+02, v10  }
0x33e: {  	v13 =	vtrunc.f32 v13;
	v9 =	vcvt.f32.s32 v9  }
0x33f: {  	v7 =	vcvt.f32.s32 v7;
	v8 =	vmul.f32 $2.550000000e+02, v8  }
0x340: {  	v14 =	vor.u32 v1, v14;
	v11 =	vtrunc.f32 v11;
	v12 =	vcvt.f32.s32 v12  }
0x341: {  	[tilespmem:v6+s5+$0x0] =	vst.idx.add.f32.msk $0xffff, v2;
	v6 =	vcvt.f32.s32 v13;
	v10 =	vtrunc.f32 v10;
	v9 =	vshll.u32 v9, $0x4  }
0x342: {  	[tilespmem:v5+s5+$0x0] =	vst.idx.add.f32.msk $0xffff, v2;
	v7 =	vshll.u32 v7, $0x4;
	v5 =	vcvt.f32.s32 v11;
	v9 =	vor.u32 v1, v9  }
0x343: {  	v8 =	vtrunc.f32 v8;
	v11 =	vshll.u32 v12, $0x4;
	v7 =	vor.u32 v1, v7  }
0x344: {  	[tilespmem:v4+s5+$0x0] =	vst.idx.add.f32.msk $0xffff, v2;
	v4 =	vcvt.f32.s32 v10;
	v6 =	vshll.u32 v6, $0x4;
	v10 =	vor.u32 v1, v11  }
0x345: {  	[tilespmem:v3+s5+$0x0] =	vst.idx.add.f32.msk $0xffff, v2;
	v3 =	vcvt.f32.s32 v8;
	v5 =	vshll.u32 v5, $0x4;
	v6 =	vor.u32 v1, v6  }
0x346: {  	[tilespmem:v14+s5+$0x0] =	vst.idx.add.f32.msk $0xffff, v2;
	v4 =	vshll.u32 v4, $0x4;
	v5 =	vor.u32 v1, v5  }
0x347: {  	v3 =	vshll.u32 v3, $0x4;
	v4 =	vor.u32 v1, v4;
	[tilespmem:v9+s5+$0x0] =	vst.idx.add.f32.msk $0xffff, v2  }
0x348: {  	v3 =	vor.u32 v1, v3;
	[tilespmem:v7+s5+$0x0] =	vst.idx.add.f32.msk $0xffff, v2  }
0x349: {  	[tilespmem:v10+s5+$0x0] =	vst.idx.add.f32.msk $0xffff, v2  }
0x34a: {  	[tilespmem:v6+s5+$0x0] =	vst.idx.add.f32.msk $0xffff, v2  }
0x34b: {  	[tilespmem:v5+s5+$0x0] =	vst.idx.add.f32.msk $0xffff, v2  }
0x34c: {  	[tilespmem:v4+s5+$0x0] =	vst.idx.add.f32.msk $0xffff, v2  }
0x34d: {  	[tilespmem:v3+s5+$0x0] =	vst.idx.add.f32.msk $0xffff, v2  }
0x34e: {  	s14 =	simm.s32 $0x0;
	s19 =	simm.s32 $0x0;
	s15 =	rddreg [dreg:$0x11]  }
0x34f: {  	[tilespmem:s2], [sflag:$0x2] =	stream.linear.gather [hbm4b:s15+s14], $0x8000, $0x38;
	[tilespmem:$0x1A000] =	vst v63  }
0x350: {  	s16 =	sand.u32 $0xC00, s14;
	s15 =	sand.u32 $0x7000, s19;
	_ =	swait.ge [sflag:s7], $0x8000  }
0x351: {  	s14 =	sand.u32 $0x380, s14;
	s15 =	sor.u32 s16, s15;
	[sflag:s7] =	ssyncset.done $0x0  }
0x352: {  	s14 =	sor.u32 s14, s15;
	[sflag:s7] =	ssyncadd.s32 $0xFFFF8000  }
0x353: {  	v3 =	vld [tilespmem:s14+$0x10070]  }
0x354: {  	v4 =	vld [tilespmem:s14+$0x10000]  }
0x355: {  	v5 =	vld [tilespmem:s14+$0x10010]  }
0x356: {  	v6 =	vld [tilespmem:s14+$0x10020]  }
0x357: {  	v7 =	vld [tilespmem:s14+$0x10030]  }
0x358: {  	v8 =	vld [tilespmem:s14+$0x10040]  }
0x359: {  	v9 =	vld [tilespmem:s14+$0x10050]  }
0x35a: {  	v10 =	vld [tilespmem:s14+$0x10060]  }
0x35b: {  	v3 =	vmul.f32 $2.550000000e+02, v3;
	v4 =	vmul.f32 $2.550000000e+02, v4  }
0x35c: {  	v5 =	vmul.f32 $2.550000000e+02, v5;
	v6 =	vmul.f32 $2.550000000e+02, v6  }
0x35d: {  	s15 =	simm.s32 $0x400;
	s14 =	simm.s32 $0x80;
	v7 =	vmul.f32 $2.550000000e+02, v7;
	v3 =	vtrunc.f32 v3  }
0x35e: {  	s16 =	simm.s32 $0x20;
	s18 =	sand.u32 $0xC00, s15;
	s17 =	sand.u32 $0x7000, s14;
	v8 =	vmul.f32 $2.550000000e+02, v8;
	v3 =	vcvt.f32.s32 v3  }
0x35f: {  	s19 =	sand.u32 $0x380, s16;
	s17 =	sor.u32 s18, s17;
	v9 =	vmul.f32 $2.550000000e+02, v9;
	v10 =	vmul.f32 $2.550000000e+02, v10  }
0x360: {  	s17 =	sor.u32 s19, s17;
	v4 =	vtrunc.f32 v4;
	v5 =	vtrunc.f32 v5;
	v3 =	vshll.u32 v3, $0x4  }
0x361: {  	v12 =	vld [tilespmem:s17+$0x10010];
	v6 =	vtrunc.f32 v6;
	v7 =	vtrunc.f32 v7;
	v3 =	vor.u32 v1, v3  }
0x362: {  	v8 =	vtrunc.f32 v8;
	v9 =	vtrunc.f32 v9  }
0x363: {  	v13 =	vld [tilespmem:s17+$0x10020];
	v10 =	vtrunc.f32 v10;
	v4 =	vcvt.f32.s32 v4  }
0x364: {  	v11 =	vld [tilespmem:s17+$0x10070];
	v5 =	vcvt.f32.s32 v5;
	v8 =	vcvt.f32.s32 v8  }
0x365: {  	v15 =	vld [tilespmem:s17+$0x10030];
	v9 =	vcvt.f32.s32 v9;
	v10 =	vcvt.f32.s32 v10  }
0x366: {  	v19 =	vmul.f32 $2.550000000e+02, v12;
	v4 =	vshll.u32 v4, $0x4;
	[tilespmem:v3+s5+$0x0] =	vst.idx.add.f32.msk $0xffff, v2;
	v3 =	vcvt.f32.s32 v6  }
0x367: {  	v5 =	vshll.u32 v5, $0x4;
	v14 =	vor.u32 v1, v4;
	v6 =	vcvt.f32.s32 v7;
	v7 =	vld [tilespmem:s17+$0x10000]  }
0x368: {  	v18 =	vld [tilespmem:s17+$0x10040];
	v12 =	vmul.f32 $2.550000000e+02, v13;
	v16 =	vor.u32 v1, v5;
	v3 =	vshll.u32 v3, $0x4  }
0x369: {  	v4 =	vshll.u32 v6, $0x4;
	v17 =	vor.u32 v1, v3;
	v3 =	vmul.f32 $2.550000000e+02, v11  }
0x36a: {  	v8 =	vshll.u32 v8, $0x4;
	v11 =	vshll.u32 v10, $0x4;
	v6 =	vor.u32 v1, v4;
	v10 =	vld [tilespmem:s17+$0x10050]  }
0x36b: {  	v9 =	vshll.u32 v9, $0x4;
	v5 =	vor.u32 v1, v8;
	v8 =	vld [tilespmem:s17+$0x10060];
	v3 =	vtrunc.f32 v3  }
0x36c: {  	[tilespmem:v14+s5+$0x0] =	vst.idx.add.f32.msk $0xffff, v2;
	v4 =	vor.u32 v1, v9;
	v7 =	vmul.f32 $2.550000000e+02, v7;
	v20 =	vcvt.f32.s32 v3  }
0x36d: {  	v13 =	vmul.f32 $2.550000000e+02, v15;
	[tilespmem:v16+s5+$0x0] =	vst.idx.add.f32.msk $0xffff, v2;
	v3 =	vor.u32 v1, v11;
	v11 =	vmul.f32 $2.550000000e+02, v18  }
0x36e: {  	v9 =	vtrunc.f32 v7;
	v7 =	vtrunc.f32 v19;
	v14 =	vshll.u32 v20, $0x4;
	[tilespmem:v17+s5+$0x0] =	vst.idx.add.f32.msk $0xffff, v2  }
.LBB2_30:
0x36f: {  	s14 =	sadd.s32 $0x80, s14;
	v12 =	vtrunc.f32 v12;
	v10 =	vmul.f32 $2.550000000e+02, v10;
	v14 =	vor.u32 v1, v14;
	s15 =	sadd.s32 $0x400, s15;
	[tilespmem:v6+s5+$0x0] =	vst.idx.add.f32.msk $0xffff, v2  }
0x370: {  	v6 =	vtrunc.f32 v13;
	s16 =	sadd.s32 $0x20, s16;
	s17 =	sand.u32 $0x7000, s14;
	s18 =	sand.u32 $0xC00, s15;
	v8 =	vmul.f32 $2.550000000e+02, v8;
	[tilespmem:v5+s5+$0x0] =	vst.idx.add.f32.msk $0xffff, v2  }
0x371: {  	s19 =	sand.u32 $0x380, s16;
	p0 =	slt.u32 s14, $0x7F80;
	v5 =	vtrunc.f32 v11;
	s17 =	sor.u32 s18, s17;
	v10 =	vtrunc.f32 v10;
	[tilespmem:v4+s5+$0x0] =	vst.idx.add.f32.msk $0xffff, v2  }
0x372: {  	v4 =	vcvt.f32.s32 v9;
	s17 =	sor.u32 s19, s17;
	v8 =	vtrunc.f32 v8;
	[tilespmem:v3+s5+$0x0] =	vst.idx.add.f32.msk $0xffff, v2  }
0x373: {  	v7 =	vcvt.f32.s32 v7;
	v9 =	vcvt.f32.s32 v12;
	v3 =	vld [tilespmem:s17+$0x10070]  }
0x374: {  	v6 =	vcvt.f32.s32 v6;
	v5 =	vcvt.f32.s32 v5;
	v4 =	vshll.u32 v4, $0x4;
	[tilespmem:v14+s5+$0x0] =	vst.idx.add.f32.msk $0xffff, v2  }
0x375: {  	v7 =	vshll.u32 v7, $0x4;
	v10 =	vcvt.f32.s32 v10;
	v8 =	vcvt.f32.s32 v8;
	v11 =	vld [tilespmem:s17+$0x10000]  }
0x376: {  	v6 =	vshll.u32 v6, $0x4;
	v9 =	vshll.u32 v9, $0x4;
	v5 =	vshll.u32 v5, $0x4;
	v12 =	vld [tilespmem:s17+$0x10010]  }
0x377: {  	v14 =	vor.u32 v1, v4;
	v4 =	vshll.u32 v10, $0x4;
	v8 =	vshll.u32 v8, $0x4;
	v13 =	vld [tilespmem:s17+$0x10020]  }
0x378: {  	v7 =	vor.u32 v1, v7;
	v6 =	vor.u32 v1, v6;
	v16 =	vor.u32 v1, v9;
	v15 =	vld [tilespmem:s17+$0x10030]  }
0x379: {  	v5 =	vor.u32 v1, v5;
	v4 =	vor.u32 v1, v4;
	v9 =	vmul.f32 $2.550000000e+02, v3;
	v17 =	vld [tilespmem:s17+$0x10040]  }
.Ltmp14:
0x37a: {  	v3 =	vor.u32 v1, v8;
	v11 =	vmul.f32 $2.550000000e+02, v11;
	v10 =	vld [tilespmem:s17+$0x10050];
	(pc) =	sbr.rel @p0 .LBB2_30-.Ltmp14, $4  }
0x37b: {  	v9 =	vtrunc.f32 v9;
	v18 =	vmul.f32 $2.550000000e+02, v12;
	v8 =	vld [tilespmem:s17+$0x10060]  }
0x37c: {  	v19 =	vcvt.f32.s32 v9;
	v12 =	vmul.f32 $2.550000000e+02, v13;
	[tilespmem:v14+s5+$0x0] =	vst.idx.add.f32.msk $0xffff, v2  }
0x37d: {  	v9 =	vtrunc.f32 v11;
	v13 =	vmul.f32 $2.550000000e+02, v15;
	[tilespmem:v7+s5+$0x0] =	vst.idx.add.f32.msk $0xffff, v2  }
0x37e: {  	v7 =	vtrunc.f32 v18;
	v14 =	vshll.u32 v19, $0x4;
	v11 =	vmul.f32 $2.550000000e+02, v17;
	[tilespmem:v16+s5+$0x0] =	vst.idx.add.f32.msk $0xffff, v2  }
0x37f: {  	v12 =	vtrunc.f32 v12;
	v10 =	vmul.f32 $2.550000000e+02, v10  }
0x380: {  	v13 =	vtrunc.f32 v13;
	v9 =	vcvt.f32.s32 v9  }
0x381: {  	v7 =	vcvt.f32.s32 v7;
	v8 =	vmul.f32 $2.550000000e+02, v8  }
0x382: {  	v14 =	vor.u32 v1, v14;
	v11 =	vtrunc.f32 v11;
	v12 =	vcvt.f32.s32 v12  }
0x383: {  	v59 =	vcvt.f32.s32 v13;
	v10 =	vtrunc.f32 v10;
	v9 =	vshll.u32 v9, $0x4  }
0x384: {  	[tilespmem:v6+s5+$0x0] =	vst.idx.add.f32.msk $0xffff, v2;
	v7 =	vshll.u32 v7, $0x4;
	v60 =	vcvt.f32.s32 v11;
	v9 =	vor.u32 v1, v9  }
0x385: {  	[tilespmem:v5+s5+$0x0] =	vst.idx.add.f32.msk $0xffff, v2;
	v8 =	vtrunc.f32 v8;
	v61 =	vshll.u32 v12, $0x4;
	v7 =	vor.u32 v1, v7  }
0x386: {  	[tilespmem:v4+s5+$0x0] =	vst.idx.add.f32.msk $0xffff, v2;
	v62 =	vcvt.f32.s32 v10;
	v6 =	vshll.u32 v59, $0x4;
	v63 =	vor.u32 v1, v61  }
0x387: {  	[tilespmem:v3+s5+$0x0] =	vst.idx.add.f32.msk $0xffff, v2;
	v3 =	vcvt.f32.s32 v8;
	v5 =	vshll.u32 v60, $0x4;
	v6 =	vor.u32 v1, v6  }
0x388: {  	[tilespmem:v14+s5+$0x0] =	vst.idx.add.f32.msk $0xffff, v2;
	v4 =	vshll.u32 v62, $0x4;
	v5 =	vor.u32 v1, v5  }
0x389: {  	v3 =	vshll.u32 v3, $0x4;
	v4 =	vor.u32 v1, v4;
	[tilespmem:v9+s5+$0x0] =	vst.idx.add.f32.msk $0xffff, v2  }
0x38a: {  	v3 =	vor.u32 v1, v3;
	[tilespmem:v7+s5+$0x0] =	vst.idx.add.f32.msk $0xffff, v2  }
0x38b: {  	[tilespmem:v63+s5+$0x0] =	vst.idx.add.f32.msk $0xffff, v2  }
0x38c: {  	[tilespmem:v6+s5+$0x0] =	vst.idx.add.f32.msk $0xffff, v2  }
0x38d: {  	[tilespmem:v5+s5+$0x0] =	vst.idx.add.f32.msk $0xffff, v2  }
0x38e: {  	[tilespmem:v4+s5+$0x0] =	vst.idx.add.f32.msk $0xffff, v2  }
0x38f: {  	[tilespmem:v3+s5+$0x0] =	vst.idx.add.f32.msk $0xffff, v2  }
0x390: {  	[hbm4b:s29+s8] =	stream.strided.scatter [tilespmem:s5], [sflag:$0x4], $0x1000, s9, s8, $0x38;
	[tilespmem:$0x1A000] =	vst v63  }
0x391: {  	s14 =	rddreg [dreg:$0x12]  }
0x392: {  	[tilespmem:s3], [sflag:$0x3] =	stream.linear.gather [hbm4b:s14+s25], $0x8000, $0x38;
	[tilespmem:$0x1A000] =	vst v63  }
0x393: {  	_ =	swait.ge [sflag:s12], $0x1000  }
0x394: {  	[sflag:s12] =	ssyncset.done $0x0  }
0x395: {  	s14 =	simm.s32 $0x19040;
	[sflag:s12] =	ssyncadd.s32 $0xFFFFF000  }
0x396: {  	[tilespmem:s14+$0xFFFFFFC0] =	vst v0  }
0x397: {  	[tilespmem:s14+$0x30] =	vst v0  }
0x398: {  	[tilespmem:s14+$0x20] =	vst v0  }
0x399: {  	[tilespmem:s14+$0x10] =	vst v0  }
0x39a: {  	[tilespmem:s14+$0x0] =	vst v0  }
0x39b: {  	[tilespmem:s14+$0xFFFFFFF0] =	vst v0  }
0x39c: {  	s15 =	simm.s32 $0x0;
	[tilespmem:s14+$0xFFFFFFE0] =	vst v0  }
.LBB2_32:
0x39d: {  	s15 =	sadd.s32 $0x80, s15;
	[tilespmem:s14+$0xFFFFFFD0] =	vst v0;
	s14 =	sadd.s32 $0x80, s14  }
0x39e: {  	[tilespmem:s14+$0xFFFFFFC0] =	vst v0;
	p0 =	slt.u32 s15, $0xF80  }
0x39f: {  	[tilespmem:s14+$0x30] =	vst v0  }
.Ltmp15:
0x3a0: {  	[tilespmem:s14+$0x20] =	vst v0;
	(pc) =	sbr.rel @p0 .LBB2_32-.Ltmp15, $4  }
0x3a1: {  	[tilespmem:s14+$0x10] =	vst v0  }
0x3a2: {  	[tilespmem:s14+$0x0] =	vst v0  }
0x3a3: {  	[tilespmem:s14+$0xFFFFFFF0] =	vst v0  }
0x3a4: {  	[tilespmem:s14+$0xFFFFFFE0] =	vst v0  }
0x3a5: {  	[tilespmem:s14+$0xFFFFFFD0] =	vst v0;
	s19 =	simm.s32 $0x0;
	s15 =	simm.s32 $0x0  }
0x3a6: {  	_ =	swait.ge [sflag:s4], $0x8000;
	s15 =	sand.u32 $0x7000, s15;
	s16 =	sand.u32 $0xC00, s19  }
0x3a7: {  	s14 =	sand.u32 $0x380, s19;
	[sflag:s4] =	ssyncset.done $0x0;
	s15 =	sor.u32 s16, s15  }
0x3a8: {  	[sflag:s4] =	ssyncadd.s32 $0xFFFF8000;
	s14 =	sor.u32 s14, s15  }
0x3a9: {  	v3 =	vld [tilespmem:s14+$0x70]  }
0x3aa: {  	v4 =	vld [tilespmem:s14+$0x0]  }
0x3ab: {  	v5 =	vld [tilespmem:s14+$0x10]  }
0x3ac: {  	v6 =	vld [tilespmem:s14+$0x20]  }
0x3ad: {  	v7 =	vld [tilespmem:s14+$0x30]  }
0x3ae: {  	v8 =	vld [tilespmem:s14+$0x40]  }
0x3af: {  	v9 =	vld [tilespmem:s14+$0x50]  }
0x3b0: {  	v10 =	vld [tilespmem:s14+$0x60]  }
0x3b1: {  	v3 =	vmul.f32 $2.550000000e+02, v3;
	v4 =	vmul.f32 $2.550000000e+02, v4  }
0x3b2: {  	v5 =	vmul.f32 $2.550000000e+02, v5;
	v6 =	vmul.f32 $2.550000000e+02, v6  }
0x3b3: {  	s15 =	simm.s32 $0x400;
	s14 =	simm.s32 $0x80;
	v7 =	vmul.f32 $2.550000000e+02, v7;
	v3 =	vtrunc.f32 v3  }
0x3b4: {  	s16 =	simm.s32 $0x20;
	s18 =	sand.u32 $0xC00, s15;
	s17 =	sand.u32 $0x7000, s14;
	v8 =	vmul.f32 $2.550000000e+02, v8;
	v3 =	vcvt.f32.s32 v3  }
0x3b5: {  	s19 =	sand.u32 $0x380, s16;
	s17 =	sor.u32 s18, s17;
	v9 =	vmul.f32 $2.550000000e+02, v9;
	v10 =	vmul.f32 $2.550000000e+02, v10  }
0x3b6: {  	s17 =	sor.u32 s19, s17;
	v4 =	vtrunc.f32 v4;
	v5 =	vtrunc.f32 v5;
	v3 =	vshll.u32 v3, $0x4  }
0x3b7: {  	v12 =	vld [tilespmem:s17+$0x10];
	v6 =	vtrunc.f32 v6;
	v7 =	vtrunc.f32 v7;
	v3 =	vor.u32 v1, v3  }
0x3b8: {  	v8 =	vtrunc.f32 v8;
	v9 =	vtrunc.f32 v9  }
0x3b9: {  	v13 =	vld [tilespmem:s17+$0x20];
	v10 =	vtrunc.f32 v10;
	v4 =	vcvt.f32.s32 v4  }
0x3ba: {  	v11 =	vld [tilespmem:s17+$0x70];
	v5 =	vcvt.f32.s32 v5;
	v8 =	vcvt.f32.s32 v8  }
0x3bb: {  	v15 =	vld [tilespmem:s17+$0x30];
	v9 =	vcvt.f32.s32 v9;
	v10 =	vcvt.f32.s32 v10  }
0x3bc: {  	v19 =	vmul.f32 $2.550000000e+02, v12;
	v4 =	vshll.u32 v4, $0x4;
	[tilespmem:v3+s10+$0x0] =	vst.idx.add.f32.msk $0xffff, v2;
	v3 =	vcvt.f32.s32 v6  }
0x3bd: {  	v5 =	vshll.u32 v5, $0x4;
	v14 =	vor.u32 v1, v4;
	v6 =	vcvt.f32.s32 v7;
	v7 =	vld [tilespmem:s17+$0x0]  }
0x3be: {  	v18 =	vld [tilespmem:s17+$0x40];
	v12 =	vmul.f32 $2.550000000e+02, v13;
	v16 =	vor.u32 v1, v5;
	v3 =	vshll.u32 v3, $0x4  }
0x3bf: {  	v4 =	vshll.u32 v6, $0x4;
	v17 =	vor.u32 v1, v3;
	v3 =	vmul.f32 $2.550000000e+02, v11  }
0x3c0: {  	v8 =	vshll.u32 v8, $0x4;
	v11 =	vshll.u32 v10, $0x4;
	v6 =	vor.u32 v1, v4;
	v10 =	vld [tilespmem:s17+$0x50]  }
0x3c1: {  	v9 =	vshll.u32 v9, $0x4;
	v5 =	vor.u32 v1, v8;
	v8 =	vld [tilespmem:s17+$0x60];
	v3 =	vtrunc.f32 v3  }
0x3c2: {  	[tilespmem:v14+s10+$0x0] =	vst.idx.add.f32.msk $0xffff, v2;
	v4 =	vor.u32 v1, v9;
	v7 =	vmul.f32 $2.550000000e+02, v7;
	v20 =	vcvt.f32.s32 v3  }
0x3c3: {  	v13 =	vmul.f32 $2.550000000e+02, v15;
	[tilespmem:v16+s10+$0x0] =	vst.idx.add.f32.msk $0xffff, v2;
	v3 =	vor.u32 v1, v11;
	v11 =	vmul.f32 $2.550000000e+02, v18  }
0x3c4: {  	v9 =	vtrunc.f32 v7;
	v7 =	vtrunc.f32 v19;
	v14 =	vshll.u32 v20, $0x4;
	[tilespmem:v17+s10+$0x0] =	vst.idx.add.f32.msk $0xffff, v2  }
.LBB2_34:
0x3c5: {  	s14 =	sadd.s32 $0x80, s14;
	v12 =	vtrunc.f32 v12;
	v10 =	vmul.f32 $2.550000000e+02, v10;
	v14 =	vor.u32 v1, v14;
	s15 =	sadd.s32 $0x400, s15;
	[tilespmem:v6+s10+$0x0] =	vst.idx.add.f32.msk $0xffff, v2  }
0x3c6: {  	v6 =	vtrunc.f32 v13;
	s16 =	sadd.s32 $0x20, s16;
	s17 =	sand.u32 $0x7000, s14;
	s18 =	sand.u32 $0xC00, s15;
	v8 =	vmul.f32 $2.550000000e+02, v8;
	[tilespmem:v5+s10+$0x0] =	vst.idx.add.f32.msk $0xffff, v2  }
0x3c7: {  	s19 =	sand.u32 $0x380, s16;
	p0 =	slt.u32 s14, $0x7F80;
	v5 =	vtrunc.f32 v11;
	s17 =	sor.u32 s18, s17;
	v10 =	vtrunc.f32 v10;
	[tilespmem:v4+s10+$0x0] =	vst.idx.add.f32.msk $0xffff, v2  }
0x3c8: {  	v4 =	vcvt.f32.s32 v9;
	s17 =	sor.u32 s19, s17;
	v8 =	vtrunc.f32 v8;
	[tilespmem:v3+s10+$0x0] =	vst.idx.add.f32.msk $0xffff, v2  }
0x3c9: {  	v7 =	vcvt.f32.s32 v7;
	v9 =	vcvt.f32.s32 v12;
	v3 =	vld [tilespmem:s17+$0x70]  }
0x3ca: {  	v6 =	vcvt.f32.s32 v6;
	v5 =	vcvt.f32.s32 v5;
	v4 =	vshll.u32 v4, $0x4;
	[tilespmem:v14+s10+$0x0] =	vst.idx.add.f32.msk $0xffff, v2  }
0x3cb: {  	v7 =	vshll.u32 v7, $0x4;
	v10 =	vcvt.f32.s32 v10;
	v8 =	vcvt.f32.s32 v8;
	v11 =	vld [tilespmem:s17+$0x0]  }
0x3cc: {  	v6 =	vshll.u32 v6, $0x4;
	v9 =	vshll.u32 v9, $0x4;
	v5 =	vshll.u32 v5, $0x4;
	v12 =	vld [tilespmem:s17+$0x10]  }
0x3cd: {  	v14 =	vor.u32 v1, v4;
	v4 =	vshll.u32 v10, $0x4;
	v8 =	vshll.u32 v8, $0x4;
	v13 =	vld [tilespmem:s17+$0x20]  }
0x3ce: {  	v7 =	vor.u32 v1, v7;
	v6 =	vor.u32 v1, v6;
	v16 =	vor.u32 v1, v9;
	v15 =	vld [tilespmem:s17+$0x30]  }
0x3cf: {  	v5 =	vor.u32 v1, v5;
	v4 =	vor.u32 v1, v4;
	v9 =	vmul.f32 $2.550000000e+02, v3;
	v17 =	vld [tilespmem:s17+$0x40]  }
.Ltmp16:
0x3d0: {  	v3 =	vor.u32 v1, v8;
	v11 =	vmul.f32 $2.550000000e+02, v11;
	v10 =	vld [tilespmem:s17+$0x50];
	(pc) =	sbr.rel @p0 .LBB2_34-.Ltmp16, $4  }
0x3d1: {  	v9 =	vtrunc.f32 v9;
	v18 =	vmul.f32 $2.550000000e+02, v12;
	v8 =	vld [tilespmem:s17+$0x60]  }
0x3d2: {  	v19 =	vcvt.f32.s32 v9;
	v12 =	vmul.f32 $2.550000000e+02, v13;
	[tilespmem:v14+s10+$0x0] =	vst.idx.add.f32.msk $0xffff, v2  }
0x3d3: {  	v9 =	vtrunc.f32 v11;
	v13 =	vmul.f32 $2.550000000e+02, v15;
	[tilespmem:v7+s10+$0x0] =	vst.idx.add.f32.msk $0xffff, v2  }
0x3d4: {  	v7 =	vtrunc.f32 v18;
	v14 =	vshll.u32 v19, $0x4;
	v11 =	vmul.f32 $2.550000000e+02, v17;
	[tilespmem:v16+s10+$0x0] =	vst.idx.add.f32.msk $0xffff, v2  }
0x3d5: {  	v12 =	vtrunc.f32 v12;
	v10 =	vmul.f32 $2.550000000e+02, v10  }
0x3d6: {  	v13 =	vtrunc.f32 v13;
	v9 =	vcvt.f32.s32 v9  }
0x3d7: {  	v7 =	vcvt.f32.s32 v7;
	v8 =	vmul.f32 $2.550000000e+02, v8  }
0x3d8: {  	v14 =	vor.u32 v1, v14;
	v11 =	vtrunc.f32 v11;
	v12 =	vcvt.f32.s32 v12  }
0x3d9: {  	[tilespmem:v6+s10+$0x0] =	vst.idx.add.f32.msk $0xffff, v2;
	v6 =	vcvt.f32.s32 v13;
	v10 =	vtrunc.f32 v10;
	v9 =	vshll.u32 v9, $0x4  }
0x3da: {  	[tilespmem:v5+s10+$0x0] =	vst.idx.add.f32.msk $0xffff, v2;
	v7 =	vshll.u32 v7, $0x4;
	v5 =	vcvt.f32.s32 v11;
	v9 =	vor.u32 v1, v9  }
0x3db: {  	v8 =	vtrunc.f32 v8;
	v11 =	vshll.u32 v12, $0x4;
	v7 =	vor.u32 v1, v7  }
0x3dc: {  	[tilespmem:v4+s10+$0x0] =	vst.idx.add.f32.msk $0xffff, v2;
	v4 =	vcvt.f32.s32 v10;
	v6 =	vshll.u32 v6, $0x4;
	v10 =	vor.u32 v1, v11  }
0x3dd: {  	[tilespmem:v3+s10+$0x0] =	vst.idx.add.f32.msk $0xffff, v2;
	v3 =	vcvt.f32.s32 v8;
	v5 =	vshll.u32 v5, $0x4;
	v6 =	vor.u32 v1, v6  }
0x3de: {  	[tilespmem:v14+s10+$0x0] =	vst.idx.add.f32.msk $0xffff, v2;
	v4 =	vshll.u32 v4, $0x4;
	v5 =	vor.u32 v1, v5  }
0x3df: {  	v3 =	vshll.u32 v3, $0x4;
	v4 =	vor.u32 v1, v4;
	[tilespmem:v9+s10+$0x0] =	vst.idx.add.f32.msk $0xffff, v2  }
0x3e0: {  	v3 =	vor.u32 v1, v3;
	[tilespmem:v7+s10+$0x0] =	vst.idx.add.f32.msk $0xffff, v2  }
0x3e1: {  	[tilespmem:v10+s10+$0x0] =	vst.idx.add.f32.msk $0xffff, v2  }
0x3e2: {  	[tilespmem:v6+s10+$0x0] =	vst.idx.add.f32.msk $0xffff, v2  }
0x3e3: {  	[tilespmem:v5+s10+$0x0] =	vst.idx.add.f32.msk $0xffff, v2  }
0x3e4: {  	[tilespmem:v4+s10+$0x0] =	vst.idx.add.f32.msk $0xffff, v2  }
0x3e5: {  	[tilespmem:v3+s10+$0x0] =	vst.idx.add.f32.msk $0xffff, v2  }
0x3e6: {  	s14 =	simm.s32 $0x0;
	s19 =	simm.s32 $0x0;
	s15 =	rddreg [dreg:$0x13]  }
0x3e7: {  	[tilespmem:s14], [sflag:$0x1] =	stream.linear.gather [hbm4b:s15+s14], $0x8000, $0x38;
	[tilespmem:$0x1A000] =	vst v63  }
0x3e8: {  	s16 =	sand.u32 $0xC00, s14;
	s15 =	sand.u32 $0x7000, s19;
	_ =	swait.ge [sflag:s6], $0x8000  }
0x3e9: {  	s14 =	sand.u32 $0x380, s14;
	s15 =	sor.u32 s16, s15;
	[sflag:s6] =	ssyncset.done $0x0  }
0x3ea: {  	s14 =	sor.u32 s14, s15;
	[sflag:s6] =	ssyncadd.s32 $0xFFFF8000  }
0x3eb: {  	v3 =	vld [tilespmem:s14+$0x8070]  }
0x3ec: {  	v4 =	vld [tilespmem:s14+$0x8000]  }
0x3ed: {  	v5 =	vld [tilespmem:s14+$0x8010]  }
0x3ee: {  	v6 =	vld [tilespmem:s14+$0x8020]  }
0x3ef: {  	v7 =	vld [tilespmem:s14+$0x8030]  }
0x3f0: {  	v8 =	vld [tilespmem:s14+$0x8040]  }
0x3f1: {  	v9 =	vld [tilespmem:s14+$0x8050]  }
0x3f2: {  	v10 =	vld [tilespmem:s14+$0x8060]  }
0x3f3: {  	v3 =	vmul.f32 $2.550000000e+02, v3;
	v4 =	vmul.f32 $2.550000000e+02, v4  }
0x3f4: {  	v5 =	vmul.f32 $2.550000000e+02, v5;
	v6 =	vmul.f32 $2.550000000e+02, v6  }
0x3f5: {  	s15 =	simm.s32 $0x400;
	s14 =	simm.s32 $0x80;
	v7 =	vmul.f32 $2.550000000e+02, v7;
	v3 =	vtrunc.f32 v3  }
0x3f6: {  	s16 =	simm.s32 $0x20;
	s18 =	sand.u32 $0xC00, s15;
	s17 =	sand.u32 $0x7000, s14;
	v8 =	vmul.f32 $2.550000000e+02, v8;
	v3 =	vcvt.f32.s32 v3  }
0x3f7: {  	s19 =	sand.u32 $0x380, s16;
	s17 =	sor.u32 s18, s17;
	v9 =	vmul.f32 $2.550000000e+02, v9;
	v10 =	vmul.f32 $2.550000000e+02, v10  }
0x3f8: {  	s17 =	sor.u32 s19, s17;
	v4 =	vtrunc.f32 v4;
	v5 =	vtrunc.f32 v5;
	v3 =	vshll.u32 v3, $0x4  }
0x3f9: {  	v12 =	vld [tilespmem:s17+$0x8010];
	v6 =	vtrunc.f32 v6;
	v7 =	vtrunc.f32 v7;
	v3 =	vor.u32 v1, v3  }
0x3fa: {  	v8 =	vtrunc.f32 v8;
	v9 =	vtrunc.f32 v9  }
0x3fb: {  	v13 =	vld [tilespmem:s17+$0x8020];
	v10 =	vtrunc.f32 v10;
	v4 =	vcvt.f32.s32 v4  }
0x3fc: {  	v11 =	vld [tilespmem:s17+$0x8070];
	v5 =	vcvt.f32.s32 v5;
	v8 =	vcvt.f32.s32 v8  }
0x3fd: {  	v15 =	vld [tilespmem:s17+$0x8030];
	v9 =	vcvt.f32.s32 v9;
	v10 =	vcvt.f32.s32 v10  }
0x3fe: {  	v19 =	vmul.f32 $2.550000000e+02, v12;
	v4 =	vshll.u32 v4, $0x4;
	[tilespmem:v3+s10+$0x0] =	vst.idx.add.f32.msk $0xffff, v2;
	v3 =	vcvt.f32.s32 v6  }
0x3ff: {  	v5 =	vshll.u32 v5, $0x4;
	v14 =	vor.u32 v1, v4;
	v6 =	vcvt.f32.s32 v7;
	v7 =	vld [tilespmem:s17+$0x8000]  }
0x400: {  	v18 =	vld [tilespmem:s17+$0x8040];
	v12 =	vmul.f32 $2.550000000e+02, v13;
	v16 =	vor.u32 v1, v5;
	v3 =	vshll.u32 v3, $0x4  }
0x401: {  	v4 =	vshll.u32 v6, $0x4;
	v17 =	vor.u32 v1, v3;
	v3 =	vmul.f32 $2.550000000e+02, v11  }
0x402: {  	v8 =	vshll.u32 v8, $0x4;
	v11 =	vshll.u32 v10, $0x4;
	v6 =	vor.u32 v1, v4;
	v10 =	vld [tilespmem:s17+$0x8050]  }
0x403: {  	v9 =	vshll.u32 v9, $0x4;
	v5 =	vor.u32 v1, v8;
	v8 =	vld [tilespmem:s17+$0x8060];
	v3 =	vtrunc.f32 v3  }
0x404: {  	[tilespmem:v14+s10+$0x0] =	vst.idx.add.f32.msk $0xffff, v2;
	v4 =	vor.u32 v1, v9;
	v7 =	vmul.f32 $2.550000000e+02, v7;
	v20 =	vcvt.f32.s32 v3  }
0x405: {  	v13 =	vmul.f32 $2.550000000e+02, v15;
	[tilespmem:v16+s10+$0x0] =	vst.idx.add.f32.msk $0xffff, v2;
	v3 =	vor.u32 v1, v11;
	v11 =	vmul.f32 $2.550000000e+02, v18  }
0x406: {  	v9 =	vtrunc.f32 v7;
	v7 =	vtrunc.f32 v19;
	v14 =	vshll.u32 v20, $0x4;
	[tilespmem:v17+s10+$0x0] =	vst.idx.add.f32.msk $0xffff, v2  }
.LBB2_36:
0x407: {  	s14 =	sadd.s32 $0x80, s14;
	v12 =	vtrunc.f32 v12;
	v10 =	vmul.f32 $2.550000000e+02, v10;
	v14 =	vor.u32 v1, v14;
	s15 =	sadd.s32 $0x400, s15;
	[tilespmem:v6+s10+$0x0] =	vst.idx.add.f32.msk $0xffff, v2  }
0x408: {  	v6 =	vtrunc.f32 v13;
	s16 =	sadd.s32 $0x20, s16;
	s17 =	sand.u32 $0x7000, s14;
	s18 =	sand.u32 $0xC00, s15;
	v8 =	vmul.f32 $2.550000000e+02, v8;
	[tilespmem:v5+s10+$0x0] =	vst.idx.add.f32.msk $0xffff, v2  }
0x409: {  	s19 =	sand.u32 $0x380, s16;
	p0 =	slt.u32 s14, $0x7F80;
	v5 =	vtrunc.f32 v11;
	s17 =	sor.u32 s18, s17;
	v10 =	vtrunc.f32 v10;
	[tilespmem:v4+s10+$0x0] =	vst.idx.add.f32.msk $0xffff, v2  }
0x40a: {  	v4 =	vcvt.f32.s32 v9;
	s17 =	sor.u32 s19, s17;
	v8 =	vtrunc.f32 v8;
	[tilespmem:v3+s10+$0x0] =	vst.idx.add.f32.msk $0xffff, v2  }
0x40b: {  	v7 =	vcvt.f32.s32 v7;
	v9 =	vcvt.f32.s32 v12;
	v3 =	vld [tilespmem:s17+$0x8070]  }
0x40c: {  	v6 =	vcvt.f32.s32 v6;
	v5 =	vcvt.f32.s32 v5;
	v4 =	vshll.u32 v4, $0x4;
	[tilespmem:v14+s10+$0x0] =	vst.idx.add.f32.msk $0xffff, v2  }
0x40d: {  	v7 =	vshll.u32 v7, $0x4;
	v10 =	vcvt.f32.s32 v10;
	v8 =	vcvt.f32.s32 v8;
	v11 =	vld [tilespmem:s17+$0x8000]  }
0x40e: {  	v6 =	vshll.u32 v6, $0x4;
	v9 =	vshll.u32 v9, $0x4;
	v5 =	vshll.u32 v5, $0x4;
	v12 =	vld [tilespmem:s17+$0x8010]  }
0x40f: {  	v14 =	vor.u32 v1, v4;
	v4 =	vshll.u32 v10, $0x4;
	v8 =	vshll.u32 v8, $0x4;
	v13 =	vld [tilespmem:s17+$0x8020]  }
0x410: {  	v7 =	vor.u32 v1, v7;
	v6 =	vor.u32 v1, v6;
	v16 =	vor.u32 v1, v9;
	v15 =	vld [tilespmem:s17+$0x8030]  }
0x411: {  	v5 =	vor.u32 v1, v5;
	v4 =	vor.u32 v1, v4;
	v9 =	vmul.f32 $2.550000000e+02, v3;
	v17 =	vld [tilespmem:s17+$0x8040]  }
.Ltmp17:
0x412: {  	v3 =	vor.u32 v1, v8;
	v11 =	vmul.f32 $2.550000000e+02, v11;
	v10 =	vld [tilespmem:s17+$0x8050];
	(pc) =	sbr.rel @p0 .LBB2_36-.Ltmp17, $4  }
0x413: {  	v9 =	vtrunc.f32 v9;
	v18 =	vmul.f32 $2.550000000e+02, v12;
	v8 =	vld [tilespmem:s17+$0x8060]  }
0x414: {  	v19 =	vcvt.f32.s32 v9;
	v12 =	vmul.f32 $2.550000000e+02, v13;
	[tilespmem:v14+s10+$0x0] =	vst.idx.add.f32.msk $0xffff, v2  }
0x415: {  	v9 =	vtrunc.f32 v11;
	v13 =	vmul.f32 $2.550000000e+02, v15;
	[tilespmem:v7+s10+$0x0] =	vst.idx.add.f32.msk $0xffff, v2  }
0x416: {  	v7 =	vtrunc.f32 v18;
	v14 =	vshll.u32 v19, $0x4;
	v11 =	vmul.f32 $2.550000000e+02, v17;
	[tilespmem:v16+s10+$0x0] =	vst.idx.add.f32.msk $0xffff, v2  }
0x417: {  	v12 =	vtrunc.f32 v12;
	v10 =	vmul.f32 $2.550000000e+02, v10  }
0x418: {  	v13 =	vtrunc.f32 v13;
	v9 =	vcvt.f32.s32 v9  }
0x419: {  	v7 =	vcvt.f32.s32 v7;
	v8 =	vmul.f32 $2.550000000e+02, v8  }
0x41a: {  	v14 =	vor.u32 v1, v14;
	v11 =	vtrunc.f32 v11;
	v12 =	vcvt.f32.s32 v12  }
0x41b: {  	[tilespmem:v6+s10+$0x0] =	vst.idx.add.f32.msk $0xffff, v2;
	v6 =	vcvt.f32.s32 v13;
	v10 =	vtrunc.f32 v10;
	v9 =	vshll.u32 v9, $0x4  }
0x41c: {  	[tilespmem:v5+s10+$0x0] =	vst.idx.add.f32.msk $0xffff, v2;
	v7 =	vshll.u32 v7, $0x4;
	v5 =	vcvt.f32.s32 v11;
	v9 =	vor.u32 v1, v9  }
0x41d: {  	v8 =	vtrunc.f32 v8;
	v11 =	vshll.u32 v12, $0x4;
	v7 =	vor.u32 v1, v7  }
0x41e: {  	[tilespmem:v4+s10+$0x0] =	vst.idx.add.f32.msk $0xffff, v2;
	v4 =	vcvt.f32.s32 v10;
	v6 =	vshll.u32 v6, $0x4;
	v10 =	vor.u32 v1, v11  }
0x41f: {  	[tilespmem:v3+s10+$0x0] =	vst.idx.add.f32.msk $0xffff, v2;
	v3 =	vcvt.f32.s32 v8;
	v5 =	vshll.u32 v5, $0x4;
	v6 =	vor.u32 v1, v6  }
0x420: {  	[tilespmem:v14+s10+$0x0] =	vst.idx.add.f32.msk $0xffff, v2;
	v4 =	vshll.u32 v4, $0x4;
	v5 =	vor.u32 v1, v5  }
0x421: {  	v3 =	vshll.u32 v3, $0x4;
	v4 =	vor.u32 v1, v4;
	[tilespmem:v9+s10+$0x0] =	vst.idx.add.f32.msk $0xffff, v2  }
0x422: {  	v3 =	vor.u32 v1, v3;
	[tilespmem:v7+s10+$0x0] =	vst.idx.add.f32.msk $0xffff, v2  }
0x423: {  	[tilespmem:v10+s10+$0x0] =	vst.idx.add.f32.msk $0xffff, v2  }
0x424: {  	[tilespmem:v6+s10+$0x0] =	vst.idx.add.f32.msk $0xffff, v2  }
0x425: {  	[tilespmem:v5+s10+$0x0] =	vst.idx.add.f32.msk $0xffff, v2  }
0x426: {  	[tilespmem:v4+s10+$0x0] =	vst.idx.add.f32.msk $0xffff, v2  }
0x427: {  	[tilespmem:v3+s10+$0x0] =	vst.idx.add.f32.msk $0xffff, v2  }
0x428: {  	s14 =	simm.s32 $0x0;
	s19 =	simm.s32 $0x0;
	s15 =	rddreg [dreg:$0x14]  }
0x429: {  	[tilespmem:s2], [sflag:$0x2] =	stream.linear.gather [hbm4b:s15+s14], $0x8000, $0x38;
	[tilespmem:$0x1A000] =	vst v63  }
0x42a: {  	s16 =	sand.u32 $0xC00, s14;
	s15 =	sand.u32 $0x7000, s19;
	_ =	swait.ge [sflag:s7], $0x8000  }
0x42b: {  	s14 =	sand.u32 $0x380, s14;
	s15 =	sor.u32 s16, s15;
	[sflag:s7] =	ssyncset.done $0x0  }
0x42c: {  	s14 =	sor.u32 s14, s15;
	[sflag:s7] =	ssyncadd.s32 $0xFFFF8000  }
0x42d: {  	v3 =	vld [tilespmem:s14+$0x10070]  }
0x42e: {  	v4 =	vld [tilespmem:s14+$0x10000]  }
0x42f: {  	v5 =	vld [tilespmem:s14+$0x10010]  }
0x430: {  	v6 =	vld [tilespmem:s14+$0x10020]  }
0x431: {  	v7 =	vld [tilespmem:s14+$0x10030]  }
0x432: {  	v8 =	vld [tilespmem:s14+$0x10040]  }
0x433: {  	v9 =	vld [tilespmem:s14+$0x10050]  }
0x434: {  	v10 =	vld [tilespmem:s14+$0x10060]  }
0x435: {  	v3 =	vmul.f32 $2.550000000e+02, v3;
	v4 =	vmul.f32 $2.550000000e+02, v4  }
0x436: {  	v5 =	vmul.f32 $2.550000000e+02, v5;
	v6 =	vmul.f32 $2.550000000e+02, v6  }
0x437: {  	s15 =	simm.s32 $0x400;
	s14 =	simm.s32 $0x80;
	v7 =	vmul.f32 $2.550000000e+02, v7;
	v3 =	vtrunc.f32 v3  }
0x438: {  	s16 =	simm.s32 $0x20;
	s18 =	sand.u32 $0xC00, s15;
	s17 =	sand.u32 $0x7000, s14;
	v8 =	vmul.f32 $2.550000000e+02, v8;
	v3 =	vcvt.f32.s32 v3  }
0x439: {  	s19 =	sand.u32 $0x380, s16;
	s17 =	sor.u32 s18, s17;
	v9 =	vmul.f32 $2.550000000e+02, v9;
	v10 =	vmul.f32 $2.550000000e+02, v10  }
0x43a: {  	s17 =	sor.u32 s19, s17;
	v4 =	vtrunc.f32 v4;
	v5 =	vtrunc.f32 v5;
	v3 =	vshll.u32 v3, $0x4  }
0x43b: {  	v12 =	vld [tilespmem:s17+$0x10010];
	v6 =	vtrunc.f32 v6;
	v7 =	vtrunc.f32 v7;
	v3 =	vor.u32 v1, v3  }
0x43c: {  	v8 =	vtrunc.f32 v8;
	v9 =	vtrunc.f32 v9  }
0x43d: {  	v13 =	vld [tilespmem:s17+$0x10020];
	v10 =	vtrunc.f32 v10;
	v4 =	vcvt.f32.s32 v4  }
0x43e: {  	v11 =	vld [tilespmem:s17+$0x10070];
	v5 =	vcvt.f32.s32 v5;
	v8 =	vcvt.f32.s32 v8  }
0x43f: {  	v15 =	vld [tilespmem:s17+$0x10030];
	v9 =	vcvt.f32.s32 v9;
	v10 =	vcvt.f32.s32 v10  }
0x440: {  	v19 =	vmul.f32 $2.550000000e+02, v12;
	v4 =	vshll.u32 v4, $0x4;
	[tilespmem:v3+s10+$0x0] =	vst.idx.add.f32.msk $0xffff, v2;
	v3 =	vcvt.f32.s32 v6  }
0x441: {  	v5 =	vshll.u32 v5, $0x4;
	v14 =	vor.u32 v1, v4;
	v6 =	vcvt.f32.s32 v7;
	v7 =	vld [tilespmem:s17+$0x10000]  }
0x442: {  	v18 =	vld [tilespmem:s17+$0x10040];
	v12 =	vmul.f32 $2.550000000e+02, v13;
	v16 =	vor.u32 v1, v5;
	v3 =	vshll.u32 v3, $0x4  }
0x443: {  	v4 =	vshll.u32 v6, $0x4;
	v17 =	vor.u32 v1, v3;
	v3 =	vmul.f32 $2.550000000e+02, v11  }
0x444: {  	v8 =	vshll.u32 v8, $0x4;
	v11 =	vshll.u32 v10, $0x4;
	v6 =	vor.u32 v1, v4;
	v10 =	vld [tilespmem:s17+$0x10050]  }
0x445: {  	v9 =	vshll.u32 v9, $0x4;
	v5 =	vor.u32 v1, v8;
	v8 =	vld [tilespmem:s17+$0x10060];
	v3 =	vtrunc.f32 v3  }
0x446: {  	[tilespmem:v14+s10+$0x0] =	vst.idx.add.f32.msk $0xffff, v2;
	v4 =	vor.u32 v1, v9;
	v7 =	vmul.f32 $2.550000000e+02, v7;
	v20 =	vcvt.f32.s32 v3  }
0x447: {  	v13 =	vmul.f32 $2.550000000e+02, v15;
	[tilespmem:v16+s10+$0x0] =	vst.idx.add.f32.msk $0xffff, v2;
	v3 =	vor.u32 v1, v11;
	v11 =	vmul.f32 $2.550000000e+02, v18  }
0x448: {  	v9 =	vtrunc.f32 v7;
	v7 =	vtrunc.f32 v19;
	v14 =	vshll.u32 v20, $0x4;
	[tilespmem:v17+s10+$0x0] =	vst.idx.add.f32.msk $0xffff, v2  }
.LBB2_38:
0x449: {  	s14 =	sadd.s32 $0x80, s14;
	v12 =	vtrunc.f32 v12;
	v10 =	vmul.f32 $2.550000000e+02, v10;
	v14 =	vor.u32 v1, v14;
	s15 =	sadd.s32 $0x400, s15;
	[tilespmem:v6+s10+$0x0] =	vst.idx.add.f32.msk $0xffff, v2  }
0x44a: {  	v6 =	vtrunc.f32 v13;
	s16 =	sadd.s32 $0x20, s16;
	s17 =	sand.u32 $0x7000, s14;
	s18 =	sand.u32 $0xC00, s15;
	v8 =	vmul.f32 $2.550000000e+02, v8;
	[tilespmem:v5+s10+$0x0] =	vst.idx.add.f32.msk $0xffff, v2  }
0x44b: {  	s19 =	sand.u32 $0x380, s16;
	p0 =	slt.u32 s14, $0x7F80;
	v5 =	vtrunc.f32 v11;
	s17 =	sor.u32 s18, s17;
	v10 =	vtrunc.f32 v10;
	[tilespmem:v4+s10+$0x0] =	vst.idx.add.f32.msk $0xffff, v2  }
0x44c: {  	v4 =	vcvt.f32.s32 v9;
	s17 =	sor.u32 s19, s17;
	v8 =	vtrunc.f32 v8;
	[tilespmem:v3+s10+$0x0] =	vst.idx.add.f32.msk $0xffff, v2  }
0x44d: {  	v7 =	vcvt.f32.s32 v7;
	v9 =	vcvt.f32.s32 v12;
	v3 =	vld [tilespmem:s17+$0x10070]  }
0x44e: {  	v6 =	vcvt.f32.s32 v6;
	v5 =	vcvt.f32.s32 v5;
	v4 =	vshll.u32 v4, $0x4;
	[tilespmem:v14+s10+$0x0] =	vst.idx.add.f32.msk $0xffff, v2  }
0x44f: {  	v7 =	vshll.u32 v7, $0x4;
	v10 =	vcvt.f32.s32 v10;
	v8 =	vcvt.f32.s32 v8;
	v11 =	vld [tilespmem:s17+$0x10000]  }
0x450: {  	v6 =	vshll.u32 v6, $0x4;
	v9 =	vshll.u32 v9, $0x4;
	v5 =	vshll.u32 v5, $0x4;
	v12 =	vld [tilespmem:s17+$0x10010]  }
0x451: {  	v14 =	vor.u32 v1, v4;
	v4 =	vshll.u32 v10, $0x4;
	v8 =	vshll.u32 v8, $0x4;
	v13 =	vld [tilespmem:s17+$0x10020]  }
0x452: {  	v7 =	vor.u32 v1, v7;
	v6 =	vor.u32 v1, v6;
	v16 =	vor.u32 v1, v9;
	v15 =	vld [tilespmem:s17+$0x10030]  }
0x453: {  	v5 =	vor.u32 v1, v5;
	v4 =	vor.u32 v1, v4;
	v9 =	vmul.f32 $2.550000000e+02, v3;
	v17 =	vld [tilespmem:s17+$0x10040]  }
.Ltmp18:
0x454: {  	v3 =	vor.u32 v1, v8;
	v11 =	vmul.f32 $2.550000000e+02, v11;
	v10 =	vld [tilespmem:s17+$0x10050];
	(pc) =	sbr.rel @p0 .LBB2_38-.Ltmp18, $4  }
0x455: {  	v9 =	vtrunc.f32 v9;
	v18 =	vmul.f32 $2.550000000e+02, v12;
	v8 =	vld [tilespmem:s17+$0x10060]  }
0x456: {  	v19 =	vcvt.f32.s32 v9;
	v12 =	vmul.f32 $2.550000000e+02, v13;
	[tilespmem:v14+s10+$0x0] =	vst.idx.add.f32.msk $0xffff, v2  }
0x457: {  	v9 =	vtrunc.f32 v11;
	v13 =	vmul.f32 $2.550000000e+02, v15;
	[tilespmem:v7+s10+$0x0] =	vst.idx.add.f32.msk $0xffff, v2  }
0x458: {  	v7 =	vtrunc.f32 v18;
	v14 =	vshll.u32 v19, $0x4;
	v11 =	vmul.f32 $2.550000000e+02, v17;
	[tilespmem:v16+s10+$0x0] =	vst.idx.add.f32.msk $0xffff, v2  }
0x459: {  	v12 =	vtrunc.f32 v12;
	v10 =	vmul.f32 $2.550000000e+02, v10  }
0x45a: {  	v13 =	vtrunc.f32 v13;
	v9 =	vcvt.f32.s32 v9  }
0x45b: {  	v7 =	vcvt.f32.s32 v7;
	v8 =	vmul.f32 $2.550000000e+02, v8  }
0x45c: {  	v14 =	vor.u32 v1, v14;
	v11 =	vtrunc.f32 v11;
	v12 =	vcvt.f32.s32 v12  }
0x45d: {  	[tilespmem:v6+s10+$0x0] =	vst.idx.add.f32.msk $0xffff, v2;
	v6 =	vcvt.f32.s32 v13;
	v10 =	vtrunc.f32 v10;
	v9 =	vshll.u32 v9, $0x4  }
0x45e: {  	[tilespmem:v5+s10+$0x0] =	vst.idx.add.f32.msk $0xffff, v2;
	v7 =	vshll.u32 v7, $0x4;
	v5 =	vcvt.f32.s32 v11;
	v9 =	vor.u32 v1, v9  }
0x45f: {  	v8 =	vtrunc.f32 v8;
	v11 =	vshll.u32 v12, $0x4;
	v7 =	vor.u32 v1, v7  }
0x460: {  	[tilespmem:v4+s10+$0x0] =	vst.idx.add.f32.msk $0xffff, v2;
	v4 =	vcvt.f32.s32 v10;
	v6 =	vshll.u32 v6, $0x4;
	v10 =	vor.u32 v1, v11  }
0x461: {  	[tilespmem:v3+s10+$0x0] =	vst.idx.add.f32.msk $0xffff, v2;
	v3 =	vcvt.f32.s32 v8;
	v5 =	vshll.u32 v5, $0x4;
	v6 =	vor.u32 v1, v6  }
0x462: {  	[tilespmem:v14+s10+$0x0] =	vst.idx.add.f32.msk $0xffff, v2;
	v4 =	vshll.u32 v4, $0x4;
	v5 =	vor.u32 v1, v5  }
0x463: {  	v3 =	vshll.u32 v3, $0x4;
	v4 =	vor.u32 v1, v4;
	[tilespmem:v9+s10+$0x0] =	vst.idx.add.f32.msk $0xffff, v2  }
0x464: {  	v3 =	vor.u32 v1, v3;
	[tilespmem:v7+s10+$0x0] =	vst.idx.add.f32.msk $0xffff, v2  }
0x465: {  	[tilespmem:v10+s10+$0x0] =	vst.idx.add.f32.msk $0xffff, v2  }
0x466: {  	[tilespmem:v6+s10+$0x0] =	vst.idx.add.f32.msk $0xffff, v2  }
0x467: {  	[tilespmem:v5+s10+$0x0] =	vst.idx.add.f32.msk $0xffff, v2  }
0x468: {  	[tilespmem:v4+s10+$0x0] =	vst.idx.add.f32.msk $0xffff, v2  }
0x469: {  	[tilespmem:v3+s10+$0x0] =	vst.idx.add.f32.msk $0xffff, v2  }
0x46a: {  	s14 =	simm.s32 $0x0;
	s19 =	simm.s32 $0x0;
	s15 =	rddreg [dreg:$0x15]  }
0x46b: {  	[tilespmem:s3], [sflag:$0x3] =	stream.linear.gather [hbm4b:s15+s14], $0x8000, $0x38;
	[tilespmem:$0x1A000] =	vst v63  }
0x46c: {  	s16 =	sand.u32 $0xC00, s14;
	s15 =	sand.u32 $0x7000, s19;
	_ =	swait.ge [sflag:s4], $0x8000  }
0x46d: {  	s14 =	sand.u32 $0x380, s14;
	s15 =	sor.u32 s16, s15;
	[sflag:s4] =	ssyncset.done $0x0  }
0x46e: {  	s14 =	sor.u32 s14, s15;
	[sflag:s4] =	ssyncadd.s32 $0xFFFF8000  }
0x46f: {  	v3 =	vld [tilespmem:s14+$0x70]  }
0x470: {  	v4 =	vld [tilespmem:s14+$0x0]  }
0x471: {  	v5 =	vld [tilespmem:s14+$0x10]  }
0x472: {  	v6 =	vld [tilespmem:s14+$0x20]  }
0x473: {  	v7 =	vld [tilespmem:s14+$0x30]  }
0x474: {  	v8 =	vld [tilespmem:s14+$0x40]  }
0x475: {  	v9 =	vld [tilespmem:s14+$0x50]  }
0x476: {  	v10 =	vld [tilespmem:s14+$0x60]  }
0x477: {  	v3 =	vmul.f32 $2.550000000e+02, v3;
	v4 =	vmul.f32 $2.550000000e+02, v4  }
0x478: {  	v5 =	vmul.f32 $2.550000000e+02, v5;
	v6 =	vmul.f32 $2.550000000e+02, v6  }
0x479: {  	s15 =	simm.s32 $0x400;
	s14 =	simm.s32 $0x80;
	v7 =	vmul.f32 $2.550000000e+02, v7;
	v3 =	vtrunc.f32 v3  }
0x47a: {  	s16 =	simm.s32 $0x20;
	s18 =	sand.u32 $0xC00, s15;
	s17 =	sand.u32 $0x7000, s14;
	v8 =	vmul.f32 $2.550000000e+02, v8;
	v3 =	vcvt.f32.s32 v3  }
0x47b: {  	s19 =	sand.u32 $0x380, s16;
	s17 =	sor.u32 s18, s17;
	v9 =	vmul.f32 $2.550000000e+02, v9;
	v10 =	vmul.f32 $2.550000000e+02, v10  }
0x47c: {  	s17 =	sor.u32 s19, s17;
	v4 =	vtrunc.f32 v4;
	v5 =	vtrunc.f32 v5;
	v3 =	vshll.u32 v3, $0x4  }
0x47d: {  	v12 =	vld [tilespmem:s17+$0x10];
	v6 =	vtrunc.f32 v6;
	v7 =	vtrunc.f32 v7;
	v3 =	vor.u32 v1, v3  }
0x47e: {  	v8 =	vtrunc.f32 v8;
	v9 =	vtrunc.f32 v9  }
0x47f: {  	v13 =	vld [tilespmem:s17+$0x20];
	v10 =	vtrunc.f32 v10;
	v4 =	vcvt.f32.s32 v4  }
0x480: {  	v11 =	vld [tilespmem:s17+$0x70];
	v5 =	vcvt.f32.s32 v5;
	v8 =	vcvt.f32.s32 v8  }
0x481: {  	v15 =	vld [tilespmem:s17+$0x30];
	v9 =	vcvt.f32.s32 v9;
	v10 =	vcvt.f32.s32 v10  }
0x482: {  	v19 =	vmul.f32 $2.550000000e+02, v12;
	v4 =	vshll.u32 v4, $0x4;
	[tilespmem:v3+s10+$0x0] =	vst.idx.add.f32.msk $0xffff, v2;
	v3 =	vcvt.f32.s32 v6  }
0x483: {  	v5 =	vshll.u32 v5, $0x4;
	v14 =	vor.u32 v1, v4;
	v6 =	vcvt.f32.s32 v7;
	v7 =	vld [tilespmem:s17+$0x0]  }
0x484: {  	v18 =	vld [tilespmem:s17+$0x40];
	v12 =	vmul.f32 $2.550000000e+02, v13;
	v16 =	vor.u32 v1, v5;
	v3 =	vshll.u32 v3, $0x4  }
0x485: {  	v4 =	vshll.u32 v6, $0x4;
	v17 =	vor.u32 v1, v3;
	v3 =	vmul.f32 $2.550000000e+02, v11  }
0x486: {  	v8 =	vshll.u32 v8, $0x4;
	v11 =	vshll.u32 v10, $0x4;
	v6 =	vor.u32 v1, v4;
	v10 =	vld [tilespmem:s17+$0x50]  }
0x487: {  	v9 =	vshll.u32 v9, $0x4;
	v5 =	vor.u32 v1, v8;
	v8 =	vld [tilespmem:s17+$0x60];
	v3 =	vtrunc.f32 v3  }
0x488: {  	[tilespmem:v14+s10+$0x0] =	vst.idx.add.f32.msk $0xffff, v2;
	v4 =	vor.u32 v1, v9;
	v7 =	vmul.f32 $2.550000000e+02, v7;
	v20 =	vcvt.f32.s32 v3  }
0x489: {  	v13 =	vmul.f32 $2.550000000e+02, v15;
	[tilespmem:v16+s10+$0x0] =	vst.idx.add.f32.msk $0xffff, v2;
	v3 =	vor.u32 v1, v11;
	v11 =	vmul.f32 $2.550000000e+02, v18  }
0x48a: {  	v9 =	vtrunc.f32 v7;
	v7 =	vtrunc.f32 v19;
	v14 =	vshll.u32 v20, $0x4;
	[tilespmem:v17+s10+$0x0] =	vst.idx.add.f32.msk $0xffff, v2  }
.LBB2_40:
0x48b: {  	s14 =	sadd.s32 $0x80, s14;
	v12 =	vtrunc.f32 v12;
	v10 =	vmul.f32 $2.550000000e+02, v10;
	v14 =	vor.u32 v1, v14;
	s15 =	sadd.s32 $0x400, s15;
	[tilespmem:v6+s10+$0x0] =	vst.idx.add.f32.msk $0xffff, v2  }
0x48c: {  	v6 =	vtrunc.f32 v13;
	s16 =	sadd.s32 $0x20, s16;
	s17 =	sand.u32 $0x7000, s14;
	s18 =	sand.u32 $0xC00, s15;
	v8 =	vmul.f32 $2.550000000e+02, v8;
	[tilespmem:v5+s10+$0x0] =	vst.idx.add.f32.msk $0xffff, v2  }
0x48d: {  	s19 =	sand.u32 $0x380, s16;
	p0 =	slt.u32 s14, $0x7F80;
	v5 =	vtrunc.f32 v11;
	s17 =	sor.u32 s18, s17;
	v10 =	vtrunc.f32 v10;
	[tilespmem:v4+s10+$0x0] =	vst.idx.add.f32.msk $0xffff, v2  }
0x48e: {  	v4 =	vcvt.f32.s32 v9;
	s17 =	sor.u32 s19, s17;
	v8 =	vtrunc.f32 v8;
	[tilespmem:v3+s10+$0x0] =	vst.idx.add.f32.msk $0xffff, v2  }
0x48f: {  	v7 =	vcvt.f32.s32 v7;
	v9 =	vcvt.f32.s32 v12;
	v3 =	vld [tilespmem:s17+$0x70]  }
0x490: {  	v6 =	vcvt.f32.s32 v6;
	v5 =	vcvt.f32.s32 v5;
	v4 =	vshll.u32 v4, $0x4;
	[tilespmem:v14+s10+$0x0] =	vst.idx.add.f32.msk $0xffff, v2  }
0x491: {  	v7 =	vshll.u32 v7, $0x4;
	v10 =	vcvt.f32.s32 v10;
	v8 =	vcvt.f32.s32 v8;
	v11 =	vld [tilespmem:s17+$0x0]  }
0x492: {  	v6 =	vshll.u32 v6, $0x4;
	v9 =	vshll.u32 v9, $0x4;
	v5 =	vshll.u32 v5, $0x4;
	v12 =	vld [tilespmem:s17+$0x10]  }
0x493: {  	v14 =	vor.u32 v1, v4;
	v4 =	vshll.u32 v10, $0x4;
	v8 =	vshll.u32 v8, $0x4;
	v13 =	vld [tilespmem:s17+$0x20]  }
0x494: {  	v7 =	vor.u32 v1, v7;
	v6 =	vor.u32 v1, v6;
	v16 =	vor.u32 v1, v9;
	v15 =	vld [tilespmem:s17+$0x30]  }
0x495: {  	v5 =	vor.u32 v1, v5;
	v4 =	vor.u32 v1, v4;
	v9 =	vmul.f32 $2.550000000e+02, v3;
	v17 =	vld [tilespmem:s17+$0x40]  }
.Ltmp19:
0x496: {  	v3 =	vor.u32 v1, v8;
	v11 =	vmul.f32 $2.550000000e+02, v11;
	v10 =	vld [tilespmem:s17+$0x50];
	(pc) =	sbr.rel @p0 .LBB2_40-.Ltmp19, $4  }
0x497: {  	v9 =	vtrunc.f32 v9;
	v18 =	vmul.f32 $2.550000000e+02, v12;
	v8 =	vld [tilespmem:s17+$0x60]  }
0x498: {  	v19 =	vcvt.f32.s32 v9;
	v12 =	vmul.f32 $2.550000000e+02, v13;
	[tilespmem:v14+s10+$0x0] =	vst.idx.add.f32.msk $0xffff, v2  }
0x499: {  	v9 =	vtrunc.f32 v11;
	v13 =	vmul.f32 $2.550000000e+02, v15;
	[tilespmem:v7+s10+$0x0] =	vst.idx.add.f32.msk $0xffff, v2  }
0x49a: {  	v7 =	vtrunc.f32 v18;
	v14 =	vshll.u32 v19, $0x4;
	v11 =	vmul.f32 $2.550000000e+02, v17;
	[tilespmem:v16+s10+$0x0] =	vst.idx.add.f32.msk $0xffff, v2  }
0x49b: {  	v12 =	vtrunc.f32 v12;
	v10 =	vmul.f32 $2.550000000e+02, v10  }
0x49c: {  	v13 =	vtrunc.f32 v13;
	v9 =	vcvt.f32.s32 v9  }
0x49d: {  	v7 =	vcvt.f32.s32 v7;
	v8 =	vmul.f32 $2.550000000e+02, v8  }
0x49e: {  	v14 =	vor.u32 v1, v14;
	v11 =	vtrunc.f32 v11;
	v12 =	vcvt.f32.s32 v12  }
0x49f: {  	v59 =	vcvt.f32.s32 v13;
	v10 =	vtrunc.f32 v10;
	v9 =	vshll.u32 v9, $0x4  }
0x4a0: {  	[tilespmem:v6+s10+$0x0] =	vst.idx.add.f32.msk $0xffff, v2;
	v7 =	vshll.u32 v7, $0x4;
	v60 =	vcvt.f32.s32 v11;
	v9 =	vor.u32 v1, v9  }
0x4a1: {  	[tilespmem:v5+s10+$0x0] =	vst.idx.add.f32.msk $0xffff, v2;
	v8 =	vtrunc.f32 v8;
	v61 =	vshll.u32 v12, $0x4;
	v7 =	vor.u32 v1, v7  }
0x4a2: {  	[tilespmem:v4+s10+$0x0] =	vst.idx.add.f32.msk $0xffff, v2;
	v62 =	vcvt.f32.s32 v10;
	v6 =	vshll.u32 v59, $0x4;
	v63 =	vor.u32 v1, v61  }
0x4a3: {  	[tilespmem:v3+s10+$0x0] =	vst.idx.add.f32.msk $0xffff, v2;
	v3 =	vcvt.f32.s32 v8;
	v5 =	vshll.u32 v60, $0x4;
	v6 =	vor.u32 v1, v6  }
0x4a4: {  	[tilespmem:v14+s10+$0x0] =	vst.idx.add.f32.msk $0xffff, v2;
	v4 =	vshll.u32 v62, $0x4;
	v5 =	vor.u32 v1, v5  }
0x4a5: {  	v3 =	vshll.u32 v3, $0x4;
	v4 =	vor.u32 v1, v4;
	[tilespmem:v9+s10+$0x0] =	vst.idx.add.f32.msk $0xffff, v2  }
0x4a6: {  	v3 =	vor.u32 v1, v3;
	[tilespmem:v7+s10+$0x0] =	vst.idx.add.f32.msk $0xffff, v2  }
0x4a7: {  	[tilespmem:v63+s10+$0x0] =	vst.idx.add.f32.msk $0xffff, v2  }
0x4a8: {  	[tilespmem:v6+s10+$0x0] =	vst.idx.add.f32.msk $0xffff, v2  }
0x4a9: {  	[tilespmem:v5+s10+$0x0] =	vst.idx.add.f32.msk $0xffff, v2  }
0x4aa: {  	[tilespmem:v4+s10+$0x0] =	vst.idx.add.f32.msk $0xffff, v2  }
0x4ab: {  	[tilespmem:v3+s10+$0x0] =	vst.idx.add.f32.msk $0xffff, v2  }
0x4ac: {  	[hbm4b:s31+s8] =	stream.strided.scatter [tilespmem:s10], [sflag:$0x5], $0x1000, s9, s8, $0x38;
	[tilespmem:$0x1A000] =	vst v63  }
0x4ad: {  	s14 =	rddreg [dreg:$0x16]  }
0x4ae: {  	[tilespmem:s25], [sflag:$0x1] =	stream.linear.gather [hbm4b:s14+s25], $0x8000, $0x38;
	[tilespmem:$0x1A000] =	vst v63  }
0x4af: {  	_ =	swait.ge [sflag:s11], $0x1000  }
0x4b0: {  	[sflag:s11] =	ssyncset.done $0x0  }
0x4b1: {  	s14 =	simm.s32 $0x18040;
	[sflag:s11] =	ssyncadd.s32 $0xFFFFF000  }
0x4b2: {  	[tilespmem:s14+$0xFFFFFFC0] =	vst v0  }
0x4b3: {  	[tilespmem:s14+$0x30] =	vst v0  }
0x4b4: {  	[tilespmem:s14+$0x20] =	vst v0  }
0x4b5: {  	[tilespmem:s14+$0x10] =	vst v0  }
0x4b6: {  	[tilespmem:s14+$0x0] =	vst v0  }
0x4b7: {  	[tilespmem:s14+$0xFFFFFFF0] =	vst v0  }
0x4b8: {  	s15 =	simm.s32 $0x0;
	[tilespmem:s14+$0xFFFFFFE0] =	vst v0  }
.LBB2_42:
0x4b9: {  	s15 =	sadd.s32 $0x80, s15;
	[tilespmem:s14+$0xFFFFFFD0] =	vst v0;
	s14 =	sadd.s32 $0x80, s14  }
0x4ba: {  	[tilespmem:s14+$0xFFFFFFC0] =	vst v0;
	p0 =	slt.u32 s15, $0xF80  }
0x4bb: {  	[tilespmem:s14+$0x30] =	vst v0  }
.Ltmp20:
0x4bc: {  	[tilespmem:s14+$0x20] =	vst v0;
	(pc) =	sbr.rel @p0 .LBB2_42-.Ltmp20, $4  }
0x4bd: {  	[tilespmem:s14+$0x10] =	vst v0  }
0x4be: {  	[tilespmem:s14+$0x0] =	vst v0  }
0x4bf: {  	[tilespmem:s14+$0xFFFFFFF0] =	vst v0  }
0x4c0: {  	[tilespmem:s14+$0xFFFFFFE0] =	vst v0  }
0x4c1: {  	[tilespmem:s14+$0xFFFFFFD0] =	vst v0;
	s19 =	simm.s32 $0x0;
	s15 =	simm.s32 $0x0  }
0x4c2: {  	_ =	swait.ge [sflag:s6], $0x8000;
	s15 =	sand.u32 $0x7000, s15;
	s16 =	sand.u32 $0xC00, s19  }
0x4c3: {  	s14 =	sand.u32 $0x380, s19;
	[sflag:s6] =	ssyncset.done $0x0;
	s15 =	sor.u32 s16, s15  }
0x4c4: {  	[sflag:s6] =	ssyncadd.s32 $0xFFFF8000;
	s14 =	sor.u32 s14, s15  }
0x4c5: {  	v3 =	vld [tilespmem:s14+$0x8070]  }
0x4c6: {  	v4 =	vld [tilespmem:s14+$0x8000]  }
0x4c7: {  	v5 =	vld [tilespmem:s14+$0x8010]  }
0x4c8: {  	v6 =	vld [tilespmem:s14+$0x8020]  }
0x4c9: {  	v7 =	vld [tilespmem:s14+$0x8030]  }
0x4ca: {  	v8 =	vld [tilespmem:s14+$0x8040]  }
0x4cb: {  	v9 =	vld [tilespmem:s14+$0x8050]  }
0x4cc: {  	v10 =	vld [tilespmem:s14+$0x8060]  }
0x4cd: {  	v3 =	vmul.f32 $2.550000000e+02, v3;
	v4 =	vmul.f32 $2.550000000e+02, v4  }
0x4ce: {  	v5 =	vmul.f32 $2.550000000e+02, v5;
	v6 =	vmul.f32 $2.550000000e+02, v6  }
0x4cf: {  	s15 =	simm.s32 $0x400;
	s14 =	simm.s32 $0x80;
	v7 =	vmul.f32 $2.550000000e+02, v7;
	v3 =	vtrunc.f32 v3  }
0x4d0: {  	s16 =	simm.s32 $0x20;
	s18 =	sand.u32 $0xC00, s15;
	s17 =	sand.u32 $0x7000, s14;
	v8 =	vmul.f32 $2.550000000e+02, v8;
	v3 =	vcvt.f32.s32 v3  }
0x4d1: {  	s19 =	sand.u32 $0x380, s16;
	s17 =	sor.u32 s18, s17;
	v9 =	vmul.f32 $2.550000000e+02, v9;
	v10 =	vmul.f32 $2.550000000e+02, v10  }
0x4d2: {  	s17 =	sor.u32 s19, s17;
	v4 =	vtrunc.f32 v4;
	v5 =	vtrunc.f32 v5;
	v3 =	vshll.u32 v3, $0x4  }
0x4d3: {  	v12 =	vld [tilespmem:s17+$0x8010];
	v6 =	vtrunc.f32 v6;
	v7 =	vtrunc.f32 v7;
	v3 =	vor.u32 v1, v3  }
0x4d4: {  	v8 =	vtrunc.f32 v8;
	v9 =	vtrunc.f32 v9  }
0x4d5: {  	v13 =	vld [tilespmem:s17+$0x8020];
	v10 =	vtrunc.f32 v10;
	v4 =	vcvt.f32.s32 v4  }
0x4d6: {  	v11 =	vld [tilespmem:s17+$0x8070];
	v5 =	vcvt.f32.s32 v5;
	v8 =	vcvt.f32.s32 v8  }
0x4d7: {  	v15 =	vld [tilespmem:s17+$0x8030];
	v9 =	vcvt.f32.s32 v9;
	v10 =	vcvt.f32.s32 v10  }
0x4d8: {  	v19 =	vmul.f32 $2.550000000e+02, v12;
	v4 =	vshll.u32 v4, $0x4;
	[tilespmem:v3+s5+$0x0] =	vst.idx.add.f32.msk $0xffff, v2;
	v3 =	vcvt.f32.s32 v6  }
0x4d9: {  	v5 =	vshll.u32 v5, $0x4;
	v14 =	vor.u32 v1, v4;
	v6 =	vcvt.f32.s32 v7;
	v7 =	vld [tilespmem:s17+$0x8000]  }
0x4da: {  	v18 =	vld [tilespmem:s17+$0x8040];
	v12 =	vmul.f32 $2.550000000e+02, v13;
	v16 =	vor.u32 v1, v5;
	v3 =	vshll.u32 v3, $0x4  }
0x4db: {  	v4 =	vshll.u32 v6, $0x4;
	v17 =	vor.u32 v1, v3;
	v3 =	vmul.f32 $2.550000000e+02, v11  }
0x4dc: {  	v8 =	vshll.u32 v8, $0x4;
	v11 =	vshll.u32 v10, $0x4;
	v6 =	vor.u32 v1, v4;
	v10 =	vld [tilespmem:s17+$0x8050]  }
0x4dd: {  	v9 =	vshll.u32 v9, $0x4;
	v5 =	vor.u32 v1, v8;
	v8 =	vld [tilespmem:s17+$0x8060];
	v3 =	vtrunc.f32 v3  }
0x4de: {  	[tilespmem:v14+s5+$0x0] =	vst.idx.add.f32.msk $0xffff, v2;
	v4 =	vor.u32 v1, v9;
	v7 =	vmul.f32 $2.550000000e+02, v7;
	v20 =	vcvt.f32.s32 v3  }
0x4df: {  	v13 =	vmul.f32 $2.550000000e+02, v15;
	[tilespmem:v16+s5+$0x0] =	vst.idx.add.f32.msk $0xffff, v2;
	v3 =	vor.u32 v1, v11;
	v11 =	vmul.f32 $2.550000000e+02, v18  }
0x4e0: {  	v9 =	vtrunc.f32 v7;
	v7 =	vtrunc.f32 v19;
	v14 =	vshll.u32 v20, $0x4;
	[tilespmem:v17+s5+$0x0] =	vst.idx.add.f32.msk $0xffff, v2  }
.LBB2_44:
0x4e1: {  	s14 =	sadd.s32 $0x80, s14;
	v12 =	vtrunc.f32 v12;
	v10 =	vmul.f32 $2.550000000e+02, v10;
	v14 =	vor.u32 v1, v14;
	s15 =	sadd.s32 $0x400, s15;
	[tilespmem:v6+s5+$0x0] =	vst.idx.add.f32.msk $0xffff, v2  }
0x4e2: {  	v6 =	vtrunc.f32 v13;
	s16 =	sadd.s32 $0x20, s16;
	s17 =	sand.u32 $0x7000, s14;
	s18 =	sand.u32 $0xC00, s15;
	v8 =	vmul.f32 $2.550000000e+02, v8;
	[tilespmem:v5+s5+$0x0] =	vst.idx.add.f32.msk $0xffff, v2  }
0x4e3: {  	s19 =	sand.u32 $0x380, s16;
	p0 =	slt.u32 s14, $0x7F80;
	v5 =	vtrunc.f32 v11;
	s17 =	sor.u32 s18, s17;
	v10 =	vtrunc.f32 v10;
	[tilespmem:v4+s5+$0x0] =	vst.idx.add.f32.msk $0xffff, v2  }
0x4e4: {  	v4 =	vcvt.f32.s32 v9;
	s17 =	sor.u32 s19, s17;
	v8 =	vtrunc.f32 v8;
	[tilespmem:v3+s5+$0x0] =	vst.idx.add.f32.msk $0xffff, v2  }
0x4e5: {  	v7 =	vcvt.f32.s32 v7;
	v9 =	vcvt.f32.s32 v12;
	v3 =	vld [tilespmem:s17+$0x8070]  }
0x4e6: {  	v6 =	vcvt.f32.s32 v6;
	v5 =	vcvt.f32.s32 v5;
	v4 =	vshll.u32 v4, $0x4;
	[tilespmem:v14+s5+$0x0] =	vst.idx.add.f32.msk $0xffff, v2  }
0x4e7: {  	v7 =	vshll.u32 v7, $0x4;
	v10 =	vcvt.f32.s32 v10;
	v8 =	vcvt.f32.s32 v8;
	v11 =	vld [tilespmem:s17+$0x8000]  }
0x4e8: {  	v6 =	vshll.u32 v6, $0x4;
	v9 =	vshll.u32 v9, $0x4;
	v5 =	vshll.u32 v5, $0x4;
	v12 =	vld [tilespmem:s17+$0x8010]  }
0x4e9: {  	v14 =	vor.u32 v1, v4;
	v4 =	vshll.u32 v10, $0x4;
	v8 =	vshll.u32 v8, $0x4;
	v13 =	vld [tilespmem:s17+$0x8020]  }
0x4ea: {  	v7 =	vor.u32 v1, v7;
	v6 =	vor.u32 v1, v6;
	v16 =	vor.u32 v1, v9;
	v15 =	vld [tilespmem:s17+$0x8030]  }
0x4eb: {  	v5 =	vor.u32 v1, v5;
	v4 =	vor.u32 v1, v4;
	v9 =	vmul.f32 $2.550000000e+02, v3;
	v17 =	vld [tilespmem:s17+$0x8040]  }
.Ltmp21:
0x4ec: {  	v3 =	vor.u32 v1, v8;
	v11 =	vmul.f32 $2.550000000e+02, v11;
	v10 =	vld [tilespmem:s17+$0x8050];
	(pc) =	sbr.rel @p0 .LBB2_44-.Ltmp21, $4  }
0x4ed: {  	v9 =	vtrunc.f32 v9;
	v18 =	vmul.f32 $2.550000000e+02, v12;
	v8 =	vld [tilespmem:s17+$0x8060]  }
0x4ee: {  	v19 =	vcvt.f32.s32 v9;
	v12 =	vmul.f32 $2.550000000e+02, v13;
	[tilespmem:v14+s5+$0x0] =	vst.idx.add.f32.msk $0xffff, v2  }
0x4ef: {  	v9 =	vtrunc.f32 v11;
	v13 =	vmul.f32 $2.550000000e+02, v15;
	[tilespmem:v7+s5+$0x0] =	vst.idx.add.f32.msk $0xffff, v2  }
0x4f0: {  	v7 =	vtrunc.f32 v18;
	v14 =	vshll.u32 v19, $0x4;
	v11 =	vmul.f32 $2.550000000e+02, v17;
	[tilespmem:v16+s5+$0x0] =	vst.idx.add.f32.msk $0xffff, v2  }
0x4f1: {  	v12 =	vtrunc.f32 v12;
	v10 =	vmul.f32 $2.550000000e+02, v10  }
0x4f2: {  	v13 =	vtrunc.f32 v13;
	v9 =	vcvt.f32.s32 v9  }
0x4f3: {  	v7 =	vcvt.f32.s32 v7;
	v8 =	vmul.f32 $2.550000000e+02, v8  }
0x4f4: {  	v14 =	vor.u32 v1, v14;
	v11 =	vtrunc.f32 v11;
	v12 =	vcvt.f32.s32 v12  }
0x4f5: {  	[tilespmem:v6+s5+$0x0] =	vst.idx.add.f32.msk $0xffff, v2;
	v6 =	vcvt.f32.s32 v13;
	v10 =	vtrunc.f32 v10;
	v9 =	vshll.u32 v9, $0x4  }
0x4f6: {  	[tilespmem:v5+s5+$0x0] =	vst.idx.add.f32.msk $0xffff, v2;
	v7 =	vshll.u32 v7, $0x4;
	v5 =	vcvt.f32.s32 v11;
	v9 =	vor.u32 v1, v9  }
0x4f7: {  	v8 =	vtrunc.f32 v8;
	v11 =	vshll.u32 v12, $0x4;
	v7 =	vor.u32 v1, v7  }
0x4f8: {  	[tilespmem:v4+s5+$0x0] =	vst.idx.add.f32.msk $0xffff, v2;
	v4 =	vcvt.f32.s32 v10;
	v6 =	vshll.u32 v6, $0x4;
	v10 =	vor.u32 v1, v11  }
0x4f9: {  	[tilespmem:v3+s5+$0x0] =	vst.idx.add.f32.msk $0xffff, v2;
	v3 =	vcvt.f32.s32 v8;
	v5 =	vshll.u32 v5, $0x4;
	v6 =	vor.u32 v1, v6  }
0x4fa: {  	[tilespmem:v14+s5+$0x0] =	vst.idx.add.f32.msk $0xffff, v2;
	v4 =	vshll.u32 v4, $0x4;
	v5 =	vor.u32 v1, v5  }
0x4fb: {  	v3 =	vshll.u32 v3, $0x4;
	v4 =	vor.u32 v1, v4;
	[tilespmem:v9+s5+$0x0] =	vst.idx.add.f32.msk $0xffff, v2  }
0x4fc: {  	v3 =	vor.u32 v1, v3;
	[tilespmem:v7+s5+$0x0] =	vst.idx.add.f32.msk $0xffff, v2  }
0x4fd: {  	[tilespmem:v10+s5+$0x0] =	vst.idx.add.f32.msk $0xffff, v2  }
0x4fe: {  	[tilespmem:v6+s5+$0x0] =	vst.idx.add.f32.msk $0xffff, v2  }
0x4ff: {  	[tilespmem:v5+s5+$0x0] =	vst.idx.add.f32.msk $0xffff, v2  }
0x500: {  	[tilespmem:v4+s5+$0x0] =	vst.idx.add.f32.msk $0xffff, v2  }
0x501: {  	s14 =	simm.s32 $0x0;
	s15 =	simm.s32 $0x0;
	[tilespmem:v3+s5+$0x0] =	vst.idx.add.f32.msk $0xffff, v2  }
0x502: {  	[tilespmem:s2], [sflag:$0x2] =	stream.linear.gather [hbm4b:s20+s14], $0x8000, $0x38;
	[tilespmem:$0x1A000] =	vst v63  }
0x503: {  	s15 =	sand.u32 $0x7000, s15;
	s16 =	sand.u32 $0xC00, s14;
	_ =	swait.ge [sflag:s7], $0x8000  }
0x504: {  	s15 =	sor.u32 s16, s15;
	s14 =	sand.u32 $0x380, s14;
	[sflag:s7] =	ssyncset.done $0x0  }
0x505: {  	s14 =	sor.u32 s14, s15;
	[sflag:s7] =	ssyncadd.s32 $0xFFFF8000  }
0x506: {  	v3 =	vld [tilespmem:s14+$0x10070]  }
0x507: {  	v4 =	vld [tilespmem:s14+$0x10000]  }
0x508: {  	v5 =	vld [tilespmem:s14+$0x10010]  }
0x509: {  	v6 =	vld [tilespmem:s14+$0x10020]  }
0x50a: {  	v7 =	vld [tilespmem:s14+$0x10030]  }
0x50b: {  	v8 =	vld [tilespmem:s14+$0x10040]  }
0x50c: {  	v9 =	vld [tilespmem:s14+$0x10050]  }
0x50d: {  	v10 =	vld [tilespmem:s14+$0x10060]  }
0x50e: {  	v3 =	vmul.f32 $2.550000000e+02, v3;
	v4 =	vmul.f32 $2.550000000e+02, v4  }
0x50f: {  	v5 =	vmul.f32 $2.550000000e+02, v5;
	v6 =	vmul.f32 $2.550000000e+02, v6  }
0x510: {  	s15 =	simm.s32 $0x400;
	s14 =	simm.s32 $0x80;
	v7 =	vmul.f32 $2.550000000e+02, v7;
	v3 =	vtrunc.f32 v3  }
0x511: {  	s16 =	simm.s32 $0x20;
	s18 =	sand.u32 $0xC00, s15;
	s17 =	sand.u32 $0x7000, s14;
	v8 =	vmul.f32 $2.550000000e+02, v8;
	v3 =	vcvt.f32.s32 v3  }
0x512: {  	s19 =	sand.u32 $0x380, s16;
	s17 =	sor.u32 s18, s17;
	v9 =	vmul.f32 $2.550000000e+02, v9;
	v10 =	vmul.f32 $2.550000000e+02, v10  }
0x513: {  	s17 =	sor.u32 s19, s17;
	v4 =	vtrunc.f32 v4;
	v5 =	vtrunc.f32 v5;
	v3 =	vshll.u32 v3, $0x4  }
0x514: {  	v12 =	vld [tilespmem:s17+$0x10010];
	v6 =	vtrunc.f32 v6;
	v7 =	vtrunc.f32 v7;
	v3 =	vor.u32 v1, v3  }
0x515: {  	v8 =	vtrunc.f32 v8;
	v9 =	vtrunc.f32 v9  }
0x516: {  	v13 =	vld [tilespmem:s17+$0x10020];
	v10 =	vtrunc.f32 v10;
	v4 =	vcvt.f32.s32 v4  }
0x517: {  	v11 =	vld [tilespmem:s17+$0x10070];
	v5 =	vcvt.f32.s32 v5;
	v8 =	vcvt.f32.s32 v8  }
0x518: {  	v15 =	vld [tilespmem:s17+$0x10030];
	v9 =	vcvt.f32.s32 v9;
	v10 =	vcvt.f32.s32 v10  }
0x519: {  	v19 =	vmul.f32 $2.550000000e+02, v12;
	v4 =	vshll.u32 v4, $0x4;
	[tilespmem:v3+s5+$0x0] =	vst.idx.add.f32.msk $0xffff, v2;
	v3 =	vcvt.f32.s32 v6  }
0x51a: {  	v5 =	vshll.u32 v5, $0x4;
	v14 =	vor.u32 v1, v4;
	v6 =	vcvt.f32.s32 v7;
	v7 =	vld [tilespmem:s17+$0x10000]  }
0x51b: {  	v18 =	vld [tilespmem:s17+$0x10040];
	v12 =	vmul.f32 $2.550000000e+02, v13;
	v16 =	vor.u32 v1, v5;
	v3 =	vshll.u32 v3, $0x4  }
0x51c: {  	v4 =	vshll.u32 v6, $0x4;
	v17 =	vor.u32 v1, v3;
	v3 =	vmul.f32 $2.550000000e+02, v11  }
0x51d: {  	v8 =	vshll.u32 v8, $0x4;
	v11 =	vshll.u32 v10, $0x4;
	v6 =	vor.u32 v1, v4;
	v10 =	vld [tilespmem:s17+$0x10050]  }
0x51e: {  	v9 =	vshll.u32 v9, $0x4;
	v5 =	vor.u32 v1, v8;
	v8 =	vld [tilespmem:s17+$0x10060];
	v3 =	vtrunc.f32 v3  }
0x51f: {  	[tilespmem:v14+s5+$0x0] =	vst.idx.add.f32.msk $0xffff, v2;
	v4 =	vor.u32 v1, v9;
	v7 =	vmul.f32 $2.550000000e+02, v7;
	v20 =	vcvt.f32.s32 v3  }
0x520: {  	v13 =	vmul.f32 $2.550000000e+02, v15;
	[tilespmem:v16+s5+$0x0] =	vst.idx.add.f32.msk $0xffff, v2;
	v3 =	vor.u32 v1, v11;
	v11 =	vmul.f32 $2.550000000e+02, v18  }
0x521: {  	v9 =	vtrunc.f32 v7;
	v7 =	vtrunc.f32 v19;
	v14 =	vshll.u32 v20, $0x4;
	[tilespmem:v17+s5+$0x0] =	vst.idx.add.f32.msk $0xffff, v2  }
.LBB2_46:
0x522: {  	s14 =	sadd.s32 $0x80, s14;
	v12 =	vtrunc.f32 v12;
	v10 =	vmul.f32 $2.550000000e+02, v10;
	v14 =	vor.u32 v1, v14;
	s15 =	sadd.s32 $0x400, s15;
	[tilespmem:v6+s5+$0x0] =	vst.idx.add.f32.msk $0xffff, v2  }
0x523: {  	v6 =	vtrunc.f32 v13;
	s16 =	sadd.s32 $0x20, s16;
	s17 =	sand.u32 $0x7000, s14;
	s18 =	sand.u32 $0xC00, s15;
	v8 =	vmul.f32 $2.550000000e+02, v8;
	[tilespmem:v5+s5+$0x0] =	vst.idx.add.f32.msk $0xffff, v2  }
0x524: {  	s19 =	sand.u32 $0x380, s16;
	p0 =	slt.u32 s14, $0x7F80;
	v5 =	vtrunc.f32 v11;
	s17 =	sor.u32 s18, s17;
	v10 =	vtrunc.f32 v10;
	[tilespmem:v4+s5+$0x0] =	vst.idx.add.f32.msk $0xffff, v2  }
0x525: {  	v4 =	vcvt.f32.s32 v9;
	s17 =	sor.u32 s19, s17;
	v8 =	vtrunc.f32 v8;
	[tilespmem:v3+s5+$0x0] =	vst.idx.add.f32.msk $0xffff, v2  }
0x526: {  	v7 =	vcvt.f32.s32 v7;
	v9 =	vcvt.f32.s32 v12;
	v3 =	vld [tilespmem:s17+$0x10070]  }
0x527: {  	v6 =	vcvt.f32.s32 v6;
	v5 =	vcvt.f32.s32 v5;
	v4 =	vshll.u32 v4, $0x4;
	[tilespmem:v14+s5+$0x0] =	vst.idx.add.f32.msk $0xffff, v2  }
0x528: {  	v7 =	vshll.u32 v7, $0x4;
	v10 =	vcvt.f32.s32 v10;
	v8 =	vcvt.f32.s32 v8;
	v11 =	vld [tilespmem:s17+$0x10000]  }
0x529: {  	v6 =	vshll.u32 v6, $0x4;
	v9 =	vshll.u32 v9, $0x4;
	v5 =	vshll.u32 v5, $0x4;
	v12 =	vld [tilespmem:s17+$0x10010]  }
0x52a: {  	v14 =	vor.u32 v1, v4;
	v4 =	vshll.u32 v10, $0x4;
	v8 =	vshll.u32 v8, $0x4;
	v13 =	vld [tilespmem:s17+$0x10020]  }
0x52b: {  	v7 =	vor.u32 v1, v7;
	v6 =	vor.u32 v1, v6;
	v16 =	vor.u32 v1, v9;
	v15 =	vld [tilespmem:s17+$0x10030]  }
0x52c: {  	v5 =	vor.u32 v1, v5;
	v4 =	vor.u32 v1, v4;
	v9 =	vmul.f32 $2.550000000e+02, v3;
	v17 =	vld [tilespmem:s17+$0x10040]  }
.Ltmp22:
0x52d: {  	v3 =	vor.u32 v1, v8;
	v11 =	vmul.f32 $2.550000000e+02, v11;
	v10 =	vld [tilespmem:s17+$0x10050];
	(pc) =	sbr.rel @p0 .LBB2_46-.Ltmp22, $4  }
0x52e: {  	v9 =	vtrunc.f32 v9;
	v18 =	vmul.f32 $2.550000000e+02, v12;
	v8 =	vld [tilespmem:s17+$0x10060]  }
0x52f: {  	v19 =	vcvt.f32.s32 v9;
	v12 =	vmul.f32 $2.550000000e+02, v13;
	[tilespmem:v14+s5+$0x0] =	vst.idx.add.f32.msk $0xffff, v2  }
0x530: {  	v9 =	vtrunc.f32 v11;
	v13 =	vmul.f32 $2.550000000e+02, v15;
	[tilespmem:v7+s5+$0x0] =	vst.idx.add.f32.msk $0xffff, v2  }
0x531: {  	v7 =	vtrunc.f32 v18;
	v14 =	vshll.u32 v19, $0x4;
	v11 =	vmul.f32 $2.550000000e+02, v17;
	[tilespmem:v16+s5+$0x0] =	vst.idx.add.f32.msk $0xffff, v2  }
0x532: {  	v12 =	vtrunc.f32 v12;
	v10 =	vmul.f32 $2.550000000e+02, v10  }
0x533: {  	v13 =	vtrunc.f32 v13;
	v9 =	vcvt.f32.s32 v9  }
0x534: {  	v7 =	vcvt.f32.s32 v7;
	v8 =	vmul.f32 $2.550000000e+02, v8  }
0x535: {  	v14 =	vor.u32 v1, v14;
	v11 =	vtrunc.f32 v11;
	v12 =	vcvt.f32.s32 v12  }
0x536: {  	[tilespmem:v6+s5+$0x0] =	vst.idx.add.f32.msk $0xffff, v2;
	v6 =	vcvt.f32.s32 v13;
	v10 =	vtrunc.f32 v10;
	v9 =	vshll.u32 v9, $0x4  }
0x537: {  	[tilespmem:v5+s5+$0x0] =	vst.idx.add.f32.msk $0xffff, v2;
	v7 =	vshll.u32 v7, $0x4;
	v5 =	vcvt.f32.s32 v11;
	v9 =	vor.u32 v1, v9  }
0x538: {  	v8 =	vtrunc.f32 v8;
	v11 =	vshll.u32 v12, $0x4;
	v7 =	vor.u32 v1, v7  }
0x539: {  	[tilespmem:v4+s5+$0x0] =	vst.idx.add.f32.msk $0xffff, v2;
	v4 =	vcvt.f32.s32 v10;
	v6 =	vshll.u32 v6, $0x4;
	v10 =	vor.u32 v1, v11  }
0x53a: {  	[tilespmem:v3+s5+$0x0] =	vst.idx.add.f32.msk $0xffff, v2;
	v3 =	vcvt.f32.s32 v8;
	v5 =	vshll.u32 v5, $0x4;
	v6 =	vor.u32 v1, v6  }
0x53b: {  	[tilespmem:v14+s5+$0x0] =	vst.idx.add.f32.msk $0xffff, v2;
	v4 =	vshll.u32 v4, $0x4;
	v5 =	vor.u32 v1, v5  }
0x53c: {  	v3 =	vshll.u32 v3, $0x4;
	v4 =	vor.u32 v1, v4;
	[tilespmem:v9+s5+$0x0] =	vst.idx.add.f32.msk $0xffff, v2  }
0x53d: {  	v3 =	vor.u32 v1, v3;
	[tilespmem:v7+s5+$0x0] =	vst.idx.add.f32.msk $0xffff, v2  }
0x53e: {  	[tilespmem:v10+s5+$0x0] =	vst.idx.add.f32.msk $0xffff, v2  }
0x53f: {  	[tilespmem:v6+s5+$0x0] =	vst.idx.add.f32.msk $0xffff, v2  }
0x540: {  	[tilespmem:v5+s5+$0x0] =	vst.idx.add.f32.msk $0xffff, v2  }
0x541: {  	[tilespmem:v4+s5+$0x0] =	vst.idx.add.f32.msk $0xffff, v2  }
0x542: {  	s14 =	simm.s32 $0x0;
	s15 =	simm.s32 $0x0;
	[tilespmem:v3+s5+$0x0] =	vst.idx.add.f32.msk $0xffff, v2  }
0x543: {  	[tilespmem:s3], [sflag:$0x3] =	stream.linear.gather [hbm4b:s21+s14], $0x8000, $0x38;
	[tilespmem:$0x1A000] =	vst v63  }
0x544: {  	s15 =	sand.u32 $0x7000, s15;
	s16 =	sand.u32 $0xC00, s14;
	_ =	swait.ge [sflag:s4], $0x8000  }
0x545: {  	s15 =	sor.u32 s16, s15;
	s14 =	sand.u32 $0x380, s14;
	[sflag:s4] =	ssyncset.done $0x0  }
0x546: {  	s14 =	sor.u32 s14, s15;
	[sflag:s4] =	ssyncadd.s32 $0xFFFF8000  }
0x547: {  	v3 =	vld [tilespmem:s14+$0x70]  }
0x548: {  	v4 =	vld [tilespmem:s14+$0x0]  }
0x549: {  	v5 =	vld [tilespmem:s14+$0x10]  }
0x54a: {  	v6 =	vld [tilespmem:s14+$0x20]  }
0x54b: {  	v7 =	vld [tilespmem:s14+$0x30]  }
0x54c: {  	v8 =	vld [tilespmem:s14+$0x40]  }
0x54d: {  	v9 =	vld [tilespmem:s14+$0x50]  }
0x54e: {  	v10 =	vld [tilespmem:s14+$0x60]  }
0x54f: {  	v3 =	vmul.f32 $2.550000000e+02, v3;
	v4 =	vmul.f32 $2.550000000e+02, v4  }
0x550: {  	v5 =	vmul.f32 $2.550000000e+02, v5;
	v6 =	vmul.f32 $2.550000000e+02, v6  }
0x551: {  	s15 =	simm.s32 $0x400;
	s14 =	simm.s32 $0x80;
	v7 =	vmul.f32 $2.550000000e+02, v7;
	v3 =	vtrunc.f32 v3  }
0x552: {  	s16 =	simm.s32 $0x20;
	s18 =	sand.u32 $0xC00, s15;
	s17 =	sand.u32 $0x7000, s14;
	v8 =	vmul.f32 $2.550000000e+02, v8;
	v3 =	vcvt.f32.s32 v3  }
0x553: {  	s19 =	sand.u32 $0x380, s16;
	s17 =	sor.u32 s18, s17;
	v9 =	vmul.f32 $2.550000000e+02, v9;
	v10 =	vmul.f32 $2.550000000e+02, v10  }
0x554: {  	s17 =	sor.u32 s19, s17;
	v4 =	vtrunc.f32 v4;
	v5 =	vtrunc.f32 v5;
	v3 =	vshll.u32 v3, $0x4  }
0x555: {  	v12 =	vld [tilespmem:s17+$0x10];
	v6 =	vtrunc.f32 v6;
	v7 =	vtrunc.f32 v7;
	v3 =	vor.u32 v1, v3  }
0x556: {  	v8 =	vtrunc.f32 v8;
	v9 =	vtrunc.f32 v9  }
0x557: {  	v13 =	vld [tilespmem:s17+$0x20];
	v10 =	vtrunc.f32 v10;
	v4 =	vcvt.f32.s32 v4  }
0x558: {  	v11 =	vld [tilespmem:s17+$0x70];
	v5 =	vcvt.f32.s32 v5;
	v8 =	vcvt.f32.s32 v8  }
0x559: {  	v15 =	vld [tilespmem:s17+$0x30];
	v9 =	vcvt.f32.s32 v9;
	v10 =	vcvt.f32.s32 v10  }
0x55a: {  	v19 =	vmul.f32 $2.550000000e+02, v12;
	v4 =	vshll.u32 v4, $0x4;
	[tilespmem:v3+s5+$0x0] =	vst.idx.add.f32.msk $0xffff, v2;
	v3 =	vcvt.f32.s32 v6  }
0x55b: {  	v5 =	vshll.u32 v5, $0x4;
	v14 =	vor.u32 v1, v4;
	v6 =	vcvt.f32.s32 v7;
	v7 =	vld [tilespmem:s17+$0x0]  }
0x55c: {  	v18 =	vld [tilespmem:s17+$0x40];
	v12 =	vmul.f32 $2.550000000e+02, v13;
	v16 =	vor.u32 v1, v5;
	v3 =	vshll.u32 v3, $0x4  }
0x55d: {  	v4 =	vshll.u32 v6, $0x4;
	v17 =	vor.u32 v1, v3;
	v3 =	vmul.f32 $2.550000000e+02, v11  }
0x55e: {  	v8 =	vshll.u32 v8, $0x4;
	v11 =	vshll.u32 v10, $0x4;
	v6 =	vor.u32 v1, v4;
	v10 =	vld [tilespmem:s17+$0x50]  }
0x55f: {  	v9 =	vshll.u32 v9, $0x4;
	v5 =	vor.u32 v1, v8;
	v8 =	vld [tilespmem:s17+$0x60];
	v3 =	vtrunc.f32 v3  }
0x560: {  	[tilespmem:v14+s5+$0x0] =	vst.idx.add.f32.msk $0xffff, v2;
	v4 =	vor.u32 v1, v9;
	v7 =	vmul.f32 $2.550000000e+02, v7;
	v20 =	vcvt.f32.s32 v3  }
0x561: {  	v13 =	vmul.f32 $2.550000000e+02, v15;
	[tilespmem:v16+s5+$0x0] =	vst.idx.add.f32.msk $0xffff, v2;
	v3 =	vor.u32 v1, v11;
	v11 =	vmul.f32 $2.550000000e+02, v18  }
0x562: {  	v9 =	vtrunc.f32 v7;
	v7 =	vtrunc.f32 v19;
	v14 =	vshll.u32 v20, $0x4;
	[tilespmem:v17+s5+$0x0] =	vst.idx.add.f32.msk $0xffff, v2  }
.LBB2_48:
0x563: {  	s14 =	sadd.s32 $0x80, s14;
	v12 =	vtrunc.f32 v12;
	v10 =	vmul.f32 $2.550000000e+02, v10;
	v14 =	vor.u32 v1, v14;
	s15 =	sadd.s32 $0x400, s15;
	[tilespmem:v6+s5+$0x0] =	vst.idx.add.f32.msk $0xffff, v2  }
0x564: {  	v6 =	vtrunc.f32 v13;
	s16 =	sadd.s32 $0x20, s16;
	s17 =	sand.u32 $0x7000, s14;
	s18 =	sand.u32 $0xC00, s15;
	v8 =	vmul.f32 $2.550000000e+02, v8;
	[tilespmem:v5+s5+$0x0] =	vst.idx.add.f32.msk $0xffff, v2  }
0x565: {  	s19 =	sand.u32 $0x380, s16;
	p0 =	slt.u32 s14, $0x7F80;
	v5 =	vtrunc.f32 v11;
	s17 =	sor.u32 s18, s17;
	v10 =	vtrunc.f32 v10;
	[tilespmem:v4+s5+$0x0] =	vst.idx.add.f32.msk $0xffff, v2  }
0x566: {  	v4 =	vcvt.f32.s32 v9;
	s17 =	sor.u32 s19, s17;
	v8 =	vtrunc.f32 v8;
	[tilespmem:v3+s5+$0x0] =	vst.idx.add.f32.msk $0xffff, v2  }
0x567: {  	v7 =	vcvt.f32.s32 v7;
	v9 =	vcvt.f32.s32 v12;
	v3 =	vld [tilespmem:s17+$0x70]  }
0x568: {  	v6 =	vcvt.f32.s32 v6;
	v5 =	vcvt.f32.s32 v5;
	v4 =	vshll.u32 v4, $0x4;
	[tilespmem:v14+s5+$0x0] =	vst.idx.add.f32.msk $0xffff, v2  }
0x569: {  	v7 =	vshll.u32 v7, $0x4;
	v10 =	vcvt.f32.s32 v10;
	v8 =	vcvt.f32.s32 v8;
	v11 =	vld [tilespmem:s17+$0x0]  }
0x56a: {  	v6 =	vshll.u32 v6, $0x4;
	v9 =	vshll.u32 v9, $0x4;
	v5 =	vshll.u32 v5, $0x4;
	v12 =	vld [tilespmem:s17+$0x10]  }
0x56b: {  	v14 =	vor.u32 v1, v4;
	v4 =	vshll.u32 v10, $0x4;
	v8 =	vshll.u32 v8, $0x4;
	v13 =	vld [tilespmem:s17+$0x20]  }
0x56c: {  	v7 =	vor.u32 v1, v7;
	v6 =	vor.u32 v1, v6;
	v16 =	vor.u32 v1, v9;
	v15 =	vld [tilespmem:s17+$0x30]  }
0x56d: {  	v5 =	vor.u32 v1, v5;
	v4 =	vor.u32 v1, v4;
	v9 =	vmul.f32 $2.550000000e+02, v3;
	v17 =	vld [tilespmem:s17+$0x40]  }
.Ltmp23:
0x56e: {  	v3 =	vor.u32 v1, v8;
	v11 =	vmul.f32 $2.550000000e+02, v11;
	v10 =	vld [tilespmem:s17+$0x50];
	(pc) =	sbr.rel @p0 .LBB2_48-.Ltmp23, $4  }
0x56f: {  	v9 =	vtrunc.f32 v9;
	v18 =	vmul.f32 $2.550000000e+02, v12;
	v8 =	vld [tilespmem:s17+$0x60]  }
0x570: {  	v19 =	vcvt.f32.s32 v9;
	v12 =	vmul.f32 $2.550000000e+02, v13;
	[tilespmem:v14+s5+$0x0] =	vst.idx.add.f32.msk $0xffff, v2  }
0x571: {  	v9 =	vtrunc.f32 v11;
	v13 =	vmul.f32 $2.550000000e+02, v15;
	[tilespmem:v7+s5+$0x0] =	vst.idx.add.f32.msk $0xffff, v2  }
0x572: {  	v7 =	vtrunc.f32 v18;
	v14 =	vshll.u32 v19, $0x4;
	v11 =	vmul.f32 $2.550000000e+02, v17;
	[tilespmem:v16+s5+$0x0] =	vst.idx.add.f32.msk $0xffff, v2  }
0x573: {  	v12 =	vtrunc.f32 v12;
	v10 =	vmul.f32 $2.550000000e+02, v10  }
0x574: {  	v13 =	vtrunc.f32 v13;
	v9 =	vcvt.f32.s32 v9  }
0x575: {  	v7 =	vcvt.f32.s32 v7;
	v8 =	vmul.f32 $2.550000000e+02, v8  }
0x576: {  	v14 =	vor.u32 v1, v14;
	v11 =	vtrunc.f32 v11;
	v12 =	vcvt.f32.s32 v12  }
0x577: {  	[tilespmem:v6+s5+$0x0] =	vst.idx.add.f32.msk $0xffff, v2;
	v6 =	vcvt.f32.s32 v13;
	v10 =	vtrunc.f32 v10;
	v9 =	vshll.u32 v9, $0x4  }
0x578: {  	[tilespmem:v5+s5+$0x0] =	vst.idx.add.f32.msk $0xffff, v2;
	v7 =	vshll.u32 v7, $0x4;
	v5 =	vcvt.f32.s32 v11;
	v9 =	vor.u32 v1, v9  }
0x579: {  	v8 =	vtrunc.f32 v8;
	v11 =	vshll.u32 v12, $0x4;
	v7 =	vor.u32 v1, v7  }
0x57a: {  	[tilespmem:v4+s5+$0x0] =	vst.idx.add.f32.msk $0xffff, v2;
	v4 =	vcvt.f32.s32 v10;
	v6 =	vshll.u32 v6, $0x4;
	v10 =	vor.u32 v1, v11  }
0x57b: {  	[tilespmem:v3+s5+$0x0] =	vst.idx.add.f32.msk $0xffff, v2;
	v3 =	vcvt.f32.s32 v8;
	v5 =	vshll.u32 v5, $0x4;
	v6 =	vor.u32 v1, v6  }
0x57c: {  	[tilespmem:v14+s5+$0x0] =	vst.idx.add.f32.msk $0xffff, v2;
	v4 =	vshll.u32 v4, $0x4;
	v5 =	vor.u32 v1, v5  }
0x57d: {  	v3 =	vshll.u32 v3, $0x4;
	v4 =	vor.u32 v1, v4;
	[tilespmem:v9+s5+$0x0] =	vst.idx.add.f32.msk $0xffff, v2  }
0x57e: {  	v3 =	vor.u32 v1, v3;
	[tilespmem:v7+s5+$0x0] =	vst.idx.add.f32.msk $0xffff, v2  }
0x57f: {  	[tilespmem:v10+s5+$0x0] =	vst.idx.add.f32.msk $0xffff, v2  }
0x580: {  	[tilespmem:v6+s5+$0x0] =	vst.idx.add.f32.msk $0xffff, v2  }
0x581: {  	[tilespmem:v5+s5+$0x0] =	vst.idx.add.f32.msk $0xffff, v2  }
0x582: {  	[tilespmem:v4+s5+$0x0] =	vst.idx.add.f32.msk $0xffff, v2  }
0x583: {  	s14 =	simm.s32 $0x0;
	s15 =	simm.s32 $0x0;
	[tilespmem:v3+s5+$0x0] =	vst.idx.add.f32.msk $0xffff, v2  }
0x584: {  	[tilespmem:s14], [sflag:$0x1] =	stream.linear.gather [hbm4b:s22+s14], $0x8000, $0x38;
	[tilespmem:$0x1A000] =	vst v63  }
0x585: {  	s15 =	sand.u32 $0x7000, s15;
	s16 =	sand.u32 $0xC00, s14;
	_ =	swait.ge [sflag:s6], $0x8000  }
0x586: {  	s15 =	sor.u32 s16, s15;
	s14 =	sand.u32 $0x380, s14;
	[sflag:s6] =	ssyncset.done $0x0  }
0x587: {  	s14 =	sor.u32 s14, s15;
	[sflag:s6] =	ssyncadd.s32 $0xFFFF8000  }
0x588: {  	v3 =	vld [tilespmem:s14+$0x8070]  }
0x589: {  	v4 =	vld [tilespmem:s14+$0x8000]  }
0x58a: {  	v5 =	vld [tilespmem:s14+$0x8010]  }
0x58b: {  	v6 =	vld [tilespmem:s14+$0x8020]  }
0x58c: {  	v7 =	vld [tilespmem:s14+$0x8030]  }
0x58d: {  	v8 =	vld [tilespmem:s14+$0x8040]  }
0x58e: {  	v9 =	vld [tilespmem:s14+$0x8050]  }
0x58f: {  	v10 =	vld [tilespmem:s14+$0x8060]  }
0x590: {  	v3 =	vmul.f32 $2.550000000e+02, v3;
	v4 =	vmul.f32 $2.550000000e+02, v4  }
0x591: {  	v5 =	vmul.f32 $2.550000000e+02, v5;
	v6 =	vmul.f32 $2.550000000e+02, v6  }
0x592: {  	s15 =	simm.s32 $0x400;
	s14 =	simm.s32 $0x80;
	v7 =	vmul.f32 $2.550000000e+02, v7;
	v3 =	vtrunc.f32 v3  }
0x593: {  	s16 =	simm.s32 $0x20;
	s18 =	sand.u32 $0xC00, s15;
	s17 =	sand.u32 $0x7000, s14;
	v8 =	vmul.f32 $2.550000000e+02, v8;
	v3 =	vcvt.f32.s32 v3  }
0x594: {  	s19 =	sand.u32 $0x380, s16;
	s17 =	sor.u32 s18, s17;
	v9 =	vmul.f32 $2.550000000e+02, v9;
	v10 =	vmul.f32 $2.550000000e+02, v10  }
0x595: {  	s17 =	sor.u32 s19, s17;
	v4 =	vtrunc.f32 v4;
	v5 =	vtrunc.f32 v5;
	v3 =	vshll.u32 v3, $0x4  }
0x596: {  	v12 =	vld [tilespmem:s17+$0x8010];
	v6 =	vtrunc.f32 v6;
	v7 =	vtrunc.f32 v7;
	v3 =	vor.u32 v1, v3  }
0x597: {  	v8 =	vtrunc.f32 v8;
	v9 =	vtrunc.f32 v9  }
0x598: {  	v13 =	vld [tilespmem:s17+$0x8020];
	v10 =	vtrunc.f32 v10;
	v4 =	vcvt.f32.s32 v4  }
0x599: {  	v11 =	vld [tilespmem:s17+$0x8070];
	v5 =	vcvt.f32.s32 v5;
	v8 =	vcvt.f32.s32 v8  }
0x59a: {  	v15 =	vld [tilespmem:s17+$0x8030];
	v9 =	vcvt.f32.s32 v9;
	v10 =	vcvt.f32.s32 v10  }
0x59b: {  	v19 =	vmul.f32 $2.550000000e+02, v12;
	v4 =	vshll.u32 v4, $0x4;
	[tilespmem:v3+s5+$0x0] =	vst.idx.add.f32.msk $0xffff, v2;
	v3 =	vcvt.f32.s32 v6  }
0x59c: {  	v5 =	vshll.u32 v5, $0x4;
	v14 =	vor.u32 v1, v4;
	v6 =	vcvt.f32.s32 v7;
	v7 =	vld [tilespmem:s17+$0x8000]  }
0x59d: {  	v18 =	vld [tilespmem:s17+$0x8040];
	v12 =	vmul.f32 $2.550000000e+02, v13;
	v16 =	vor.u32 v1, v5;
	v3 =	vshll.u32 v3, $0x4  }
0x59e: {  	v4 =	vshll.u32 v6, $0x4;
	v17 =	vor.u32 v1, v3;
	v3 =	vmul.f32 $2.550000000e+02, v11  }
0x59f: {  	v8 =	vshll.u32 v8, $0x4;
	v11 =	vshll.u32 v10, $0x4;
	v6 =	vor.u32 v1, v4;
	v10 =	vld [tilespmem:s17+$0x8050]  }
0x5a0: {  	v9 =	vshll.u32 v9, $0x4;
	v5 =	vor.u32 v1, v8;
	v8 =	vld [tilespmem:s17+$0x8060];
	v3 =	vtrunc.f32 v3  }
0x5a1: {  	[tilespmem:v14+s5+$0x0] =	vst.idx.add.f32.msk $0xffff, v2;
	v4 =	vor.u32 v1, v9;
	v7 =	vmul.f32 $2.550000000e+02, v7;
	v20 =	vcvt.f32.s32 v3  }
0x5a2: {  	v13 =	vmul.f32 $2.550000000e+02, v15;
	[tilespmem:v16+s5+$0x0] =	vst.idx.add.f32.msk $0xffff, v2;
	v3 =	vor.u32 v1, v11;
	v11 =	vmul.f32 $2.550000000e+02, v18  }
0x5a3: {  	v9 =	vtrunc.f32 v7;
	v7 =	vtrunc.f32 v19;
	v14 =	vshll.u32 v20, $0x4;
	[tilespmem:v17+s5+$0x0] =	vst.idx.add.f32.msk $0xffff, v2  }
.LBB2_50:
0x5a4: {  	s14 =	sadd.s32 $0x80, s14;
	v12 =	vtrunc.f32 v12;
	v10 =	vmul.f32 $2.550000000e+02, v10;
	v14 =	vor.u32 v1, v14;
	s15 =	sadd.s32 $0x400, s15;
	[tilespmem:v6+s5+$0x0] =	vst.idx.add.f32.msk $0xffff, v2  }
0x5a5: {  	v6 =	vtrunc.f32 v13;
	s16 =	sadd.s32 $0x20, s16;
	s17 =	sand.u32 $0x7000, s14;
	s18 =	sand.u32 $0xC00, s15;
	v8 =	vmul.f32 $2.550000000e+02, v8;
	[tilespmem:v5+s5+$0x0] =	vst.idx.add.f32.msk $0xffff, v2  }
0x5a6: {  	s19 =	sand.u32 $0x380, s16;
	p0 =	slt.u32 s14, $0x7F80;
	v5 =	vtrunc.f32 v11;
	s17 =	sor.u32 s18, s17;
	v10 =	vtrunc.f32 v10;
	[tilespmem:v4+s5+$0x0] =	vst.idx.add.f32.msk $0xffff, v2  }
0x5a7: {  	v4 =	vcvt.f32.s32 v9;
	s17 =	sor.u32 s19, s17;
	v8 =	vtrunc.f32 v8;
	[tilespmem:v3+s5+$0x0] =	vst.idx.add.f32.msk $0xffff, v2  }
0x5a8: {  	v7 =	vcvt.f32.s32 v7;
	v9 =	vcvt.f32.s32 v12;
	v3 =	vld [tilespmem:s17+$0x8070]  }
0x5a9: {  	v6 =	vcvt.f32.s32 v6;
	v5 =	vcvt.f32.s32 v5;
	v4 =	vshll.u32 v4, $0x4;
	[tilespmem:v14+s5+$0x0] =	vst.idx.add.f32.msk $0xffff, v2  }
0x5aa: {  	v7 =	vshll.u32 v7, $0x4;
	v10 =	vcvt.f32.s32 v10;
	v8 =	vcvt.f32.s32 v8;
	v11 =	vld [tilespmem:s17+$0x8000]  }
0x5ab: {  	v6 =	vshll.u32 v6, $0x4;
	v9 =	vshll.u32 v9, $0x4;
	v5 =	vshll.u32 v5, $0x4;
	v12 =	vld [tilespmem:s17+$0x8010]  }
0x5ac: {  	v14 =	vor.u32 v1, v4;
	v4 =	vshll.u32 v10, $0x4;
	v8 =	vshll.u32 v8, $0x4;
	v13 =	vld [tilespmem:s17+$0x8020]  }
0x5ad: {  	v7 =	vor.u32 v1, v7;
	v6 =	vor.u32 v1, v6;
	v16 =	vor.u32 v1, v9;
	v15 =	vld [tilespmem:s17+$0x8030]  }
0x5ae: {  	v5 =	vor.u32 v1, v5;
	v4 =	vor.u32 v1, v4;
	v9 =	vmul.f32 $2.550000000e+02, v3;
	v17 =	vld [tilespmem:s17+$0x8040]  }
.Ltmp24:
0x5af: {  	v3 =	vor.u32 v1, v8;
	v11 =	vmul.f32 $2.550000000e+02, v11;
	v10 =	vld [tilespmem:s17+$0x8050];
	(pc) =	sbr.rel @p0 .LBB2_50-.Ltmp24, $4  }
0x5b0: {  	v9 =	vtrunc.f32 v9;
	v18 =	vmul.f32 $2.550000000e+02, v12;
	v8 =	vld [tilespmem:s17+$0x8060]  }
0x5b1: {  	v19 =	vcvt.f32.s32 v9;
	v12 =	vmul.f32 $2.550000000e+02, v13;
	[tilespmem:v14+s5+$0x0] =	vst.idx.add.f32.msk $0xffff, v2  }
0x5b2: {  	v9 =	vtrunc.f32 v11;
	v13 =	vmul.f32 $2.550000000e+02, v15;
	[tilespmem:v7+s5+$0x0] =	vst.idx.add.f32.msk $0xffff, v2  }
0x5b3: {  	v7 =	vtrunc.f32 v18;
	v14 =	vshll.u32 v19, $0x4;
	v11 =	vmul.f32 $2.550000000e+02, v17;
	[tilespmem:v16+s5+$0x0] =	vst.idx.add.f32.msk $0xffff, v2  }
0x5b4: {  	v12 =	vtrunc.f32 v12;
	v10 =	vmul.f32 $2.550000000e+02, v10  }
0x5b5: {  	v13 =	vtrunc.f32 v13;
	v9 =	vcvt.f32.s32 v9  }
0x5b6: {  	v7 =	vcvt.f32.s32 v7;
	v8 =	vmul.f32 $2.550000000e+02, v8  }
0x5b7: {  	v14 =	vor.u32 v1, v14;
	v11 =	vtrunc.f32 v11;
	v12 =	vcvt.f32.s32 v12  }
0x5b8: {  	v59 =	vcvt.f32.s32 v13;
	v10 =	vtrunc.f32 v10;
	v9 =	vshll.u32 v9, $0x4  }
0x5b9: {  	[tilespmem:v6+s5+$0x0] =	vst.idx.add.f32.msk $0xffff, v2;
	v7 =	vshll.u32 v7, $0x4;
	v60 =	vcvt.f32.s32 v11;
	v9 =	vor.u32 v1, v9  }
0x5ba: {  	[tilespmem:v5+s5+$0x0] =	vst.idx.add.f32.msk $0xffff, v2;
	v8 =	vtrunc.f32 v8;
	v61 =	vshll.u32 v12, $0x4;
	v7 =	vor.u32 v1, v7  }
0x5bb: {  	[tilespmem:v4+s5+$0x0] =	vst.idx.add.f32.msk $0xffff, v2;
	v62 =	vcvt.f32.s32 v10;
	v6 =	vshll.u32 v59, $0x4;
	v63 =	vor.u32 v1, v61  }
0x5bc: {  	[tilespmem:v3+s5+$0x0] =	vst.idx.add.f32.msk $0xffff, v2;
	v3 =	vcvt.f32.s32 v8;
	v5 =	vshll.u32 v60, $0x4;
	v6 =	vor.u32 v1, v6  }
0x5bd: {  	[tilespmem:v14+s5+$0x0] =	vst.idx.add.f32.msk $0xffff, v2;
	v4 =	vshll.u32 v62, $0x4;
	v5 =	vor.u32 v1, v5  }
0x5be: {  	v3 =	vshll.u32 v3, $0x4;
	v4 =	vor.u32 v1, v4;
	[tilespmem:v9+s5+$0x0] =	vst.idx.add.f32.msk $0xffff, v2  }
0x5bf: {  	v3 =	vor.u32 v1, v3;
	[tilespmem:v7+s5+$0x0] =	vst.idx.add.f32.msk $0xffff, v2  }
0x5c0: {  	[tilespmem:v63+s5+$0x0] =	vst.idx.add.f32.msk $0xffff, v2  }
0x5c1: {  	[tilespmem:v6+s5+$0x0] =	vst.idx.add.f32.msk $0xffff, v2  }
0x5c2: {  	[tilespmem:v5+s5+$0x0] =	vst.idx.add.f32.msk $0xffff, v2  }
0x5c3: {  	[tilespmem:v4+s5+$0x0] =	vst.idx.add.f32.msk $0xffff, v2  }
0x5c4: {  	[tilespmem:v3+s5+$0x0] =	vst.idx.add.f32.msk $0xffff, v2  }
0x5c5: {  	[hbm4b:s30+s8] =	stream.strided.scatter [tilespmem:s5], [sflag:$0x4], $0x1000, s9, s8, $0x38;
	[tilespmem:$0x1A000] =	vst v63  }
0x5c6: {  	_ = 	snop  }
0x5c7: {  	[tilespmem:s2], [sflag:$0x2] =	stream.linear.gather [hbm4b:s23+s25], $0x8000, $0x38;
	[tilespmem:$0x1A000] =	vst v63  }
0x5c8: {  	_ =	swait.ge [sflag:s12], $0x1000  }
0x5c9: {  	[sflag:s12] =	ssyncset.done $0x0  }
0x5ca: {  	s14 =	simm.s32 $0x19040;
	[sflag:s12] =	ssyncadd.s32 $0xFFFFF000  }
0x5cb: {  	[tilespmem:s14+$0xFFFFFFC0] =	vst v0  }
0x5cc: {  	[tilespmem:s14+$0x30] =	vst v0  }
0x5cd: {  	[tilespmem:s14+$0x20] =	vst v0  }
0x5ce: {  	[tilespmem:s14+$0x10] =	vst v0  }
0x5cf: {  	[tilespmem:s14+$0x0] =	vst v0  }
0x5d0: {  	[tilespmem:s14+$0xFFFFFFF0] =	vst v0  }
0x5d1: {  	s15 =	simm.s32 $0x0;
	[tilespmem:s14+$0xFFFFFFE0] =	vst v0  }
.LBB2_52:
0x5d2: {  	s15 =	sadd.s32 $0x80, s15;
	[tilespmem:s14+$0xFFFFFFD0] =	vst v0;
	s14 =	sadd.s32 $0x80, s14  }
0x5d3: {  	[tilespmem:s14+$0xFFFFFFC0] =	vst v0;
	p0 =	slt.u32 s15, $0xF80  }
0x5d4: {  	[tilespmem:s14+$0x30] =	vst v0  }
.Ltmp25:
0x5d5: {  	[tilespmem:s14+$0x20] =	vst v0;
	(pc) =	sbr.rel @p0 .LBB2_52-.Ltmp25, $4  }
0x5d6: {  	[tilespmem:s14+$0x10] =	vst v0  }
0x5d7: {  	[tilespmem:s14+$0x0] =	vst v0  }
0x5d8: {  	[tilespmem:s14+$0xFFFFFFF0] =	vst v0  }
0x5d9: {  	[tilespmem:s14+$0xFFFFFFE0] =	vst v0  }
0x5da: {  	[tilespmem:s14+$0xFFFFFFD0] =	vst v0;
	s19 =	simm.s32 $0x0;
	s15 =	simm.s32 $0x0  }
0x5db: {  	_ =	swait.ge [sflag:s7], $0x8000;
	s15 =	sand.u32 $0x7000, s15;
	s16 =	sand.u32 $0xC00, s19  }
0x5dc: {  	s14 =	sand.u32 $0x380, s19;
	[sflag:s7] =	ssyncset.done $0x0;
	s15 =	sor.u32 s16, s15  }
0x5dd: {  	[sflag:s7] =	ssyncadd.s32 $0xFFFF8000;
	s14 =	sor.u32 s14, s15  }
0x5de: {  	v3 =	vld [tilespmem:s14+$0x10070]  }
0x5df: {  	v4 =	vld [tilespmem:s14+$0x10000]  }
0x5e0: {  	v5 =	vld [tilespmem:s14+$0x10010]  }
0x5e1: {  	v6 =	vld [tilespmem:s14+$0x10020]  }
0x5e2: {  	v7 =	vld [tilespmem:s14+$0x10030]  }
0x5e3: {  	v8 =	vld [tilespmem:s14+$0x10040]  }
0x5e4: {  	v9 =	vld [tilespmem:s14+$0x10050]  }
0x5e5: {  	v10 =	vld [tilespmem:s14+$0x10060]  }
0x5e6: {  	v3 =	vmul.f32 $2.550000000e+02, v3;
	v4 =	vmul.f32 $2.550000000e+02, v4  }
0x5e7: {  	v5 =	vmul.f32 $2.550000000e+02, v5;
	v6 =	vmul.f32 $2.550000000e+02, v6  }
0x5e8: {  	s15 =	simm.s32 $0x400;
	s14 =	simm.s32 $0x80;
	v7 =	vmul.f32 $2.550000000e+02, v7;
	v3 =	vtrunc.f32 v3  }
0x5e9: {  	s16 =	simm.s32 $0x20;
	s18 =	sand.u32 $0xC00, s15;
	s17 =	sand.u32 $0x7000, s14;
	v8 =	vmul.f32 $2.550000000e+02, v8;
	v3 =	vcvt.f32.s32 v3  }
0x5ea: {  	s19 =	sand.u32 $0x380, s16;
	s17 =	sor.u32 s18, s17;
	v9 =	vmul.f32 $2.550000000e+02, v9;
	v10 =	vmul.f32 $2.550000000e+02, v10  }
0x5eb: {  	s17 =	sor.u32 s19, s17;
	v4 =	vtrunc.f32 v4;
	v5 =	vtrunc.f32 v5;
	v3 =	vshll.u32 v3, $0x4  }
0x5ec: {  	v12 =	vld [tilespmem:s17+$0x10010];
	v6 =	vtrunc.f32 v6;
	v7 =	vtrunc.f32 v7;
	v3 =	vor.u32 v1, v3  }
0x5ed: {  	v8 =	vtrunc.f32 v8;
	v9 =	vtrunc.f32 v9  }
0x5ee: {  	v13 =	vld [tilespmem:s17+$0x10020];
	v10 =	vtrunc.f32 v10;
	v4 =	vcvt.f32.s32 v4  }
0x5ef: {  	v11 =	vld [tilespmem:s17+$0x10070];
	v5 =	vcvt.f32.s32 v5;
	v8 =	vcvt.f32.s32 v8  }
0x5f0: {  	v15 =	vld [tilespmem:s17+$0x10030];
	v9 =	vcvt.f32.s32 v9;
	v10 =	vcvt.f32.s32 v10  }
0x5f1: {  	v19 =	vmul.f32 $2.550000000e+02, v12;
	v4 =	vshll.u32 v4, $0x4;
	[tilespmem:v3+s10+$0x0] =	vst.idx.add.f32.msk $0xffff, v2;
	v3 =	vcvt.f32.s32 v6  }
0x5f2: {  	v5 =	vshll.u32 v5, $0x4;
	v14 =	vor.u32 v1, v4;
	v6 =	vcvt.f32.s32 v7;
	v7 =	vld [tilespmem:s17+$0x10000]  }
0x5f3: {  	v18 =	vld [tilespmem:s17+$0x10040];
	v12 =	vmul.f32 $2.550000000e+02, v13;
	v16 =	vor.u32 v1, v5;
	v3 =	vshll.u32 v3, $0x4  }
0x5f4: {  	v4 =	vshll.u32 v6, $0x4;
	v17 =	vor.u32 v1, v3;
	v3 =	vmul.f32 $2.550000000e+02, v11  }
0x5f5: {  	v8 =	vshll.u32 v8, $0x4;
	v11 =	vshll.u32 v10, $0x4;
	v6 =	vor.u32 v1, v4;
	v10 =	vld [tilespmem:s17+$0x10050]  }
0x5f6: {  	v9 =	vshll.u32 v9, $0x4;
	v5 =	vor.u32 v1, v8;
	v8 =	vld [tilespmem:s17+$0x10060];
	v3 =	vtrunc.f32 v3  }
0x5f7: {  	[tilespmem:v14+s10+$0x0] =	vst.idx.add.f32.msk $0xffff, v2;
	v4 =	vor.u32 v1, v9;
	v7 =	vmul.f32 $2.550000000e+02, v7;
	v20 =	vcvt.f32.s32 v3  }
0x5f8: {  	v13 =	vmul.f32 $2.550000000e+02, v15;
	[tilespmem:v16+s10+$0x0] =	vst.idx.add.f32.msk $0xffff, v2;
	v3 =	vor.u32 v1, v11;
	v11 =	vmul.f32 $2.550000000e+02, v18  }
0x5f9: {  	v9 =	vtrunc.f32 v7;
	v7 =	vtrunc.f32 v19;
	v14 =	vshll.u32 v20, $0x4;
	[tilespmem:v17+s10+$0x0] =	vst.idx.add.f32.msk $0xffff, v2  }
.LBB2_54:
0x5fa: {  	s14 =	sadd.s32 $0x80, s14;
	v12 =	vtrunc.f32 v12;
	v10 =	vmul.f32 $2.550000000e+02, v10;
	v14 =	vor.u32 v1, v14;
	s15 =	sadd.s32 $0x400, s15;
	[tilespmem:v6+s10+$0x0] =	vst.idx.add.f32.msk $0xffff, v2  }
0x5fb: {  	v6 =	vtrunc.f32 v13;
	s16 =	sadd.s32 $0x20, s16;
	s17 =	sand.u32 $0x7000, s14;
	s18 =	sand.u32 $0xC00, s15;
	v8 =	vmul.f32 $2.550000000e+02, v8;
	[tilespmem:v5+s10+$0x0] =	vst.idx.add.f32.msk $0xffff, v2  }
0x5fc: {  	s19 =	sand.u32 $0x380, s16;
	p0 =	slt.u32 s14, $0x7F80;
	v5 =	vtrunc.f32 v11;
	s17 =	sor.u32 s18, s17;
	v10 =	vtrunc.f32 v10;
	[tilespmem:v4+s10+$0x0] =	vst.idx.add.f32.msk $0xffff, v2  }
0x5fd: {  	v4 =	vcvt.f32.s32 v9;
	s17 =	sor.u32 s19, s17;
	v8 =	vtrunc.f32 v8;
	[tilespmem:v3+s10+$0x0] =	vst.idx.add.f32.msk $0xffff, v2  }
0x5fe: {  	v7 =	vcvt.f32.s32 v7;
	v9 =	vcvt.f32.s32 v12;
	v3 =	vld [tilespmem:s17+$0x10070]  }
0x5ff: {  	v6 =	vcvt.f32.s32 v6;
	v5 =	vcvt.f32.s32 v5;
	v4 =	vshll.u32 v4, $0x4;
	[tilespmem:v14+s10+$0x0] =	vst.idx.add.f32.msk $0xffff, v2  }
0x600: {  	v7 =	vshll.u32 v7, $0x4;
	v10 =	vcvt.f32.s32 v10;
	v8 =	vcvt.f32.s32 v8;
	v11 =	vld [tilespmem:s17+$0x10000]  }
0x601: {  	v6 =	vshll.u32 v6, $0x4;
	v9 =	vshll.u32 v9, $0x4;
	v5 =	vshll.u32 v5, $0x4;
	v12 =	vld [tilespmem:s17+$0x10010]  }
0x602: {  	v14 =	vor.u32 v1, v4;
	v4 =	vshll.u32 v10, $0x4;
	v8 =	vshll.u32 v8, $0x4;
	v13 =	vld [tilespmem:s17+$0x10020]  }
0x603: {  	v7 =	vor.u32 v1, v7;
	v6 =	vor.u32 v1, v6;
	v16 =	vor.u32 v1, v9;
	v15 =	vld [tilespmem:s17+$0x10030]  }
0x604: {  	v5 =	vor.u32 v1, v5;
	v4 =	vor.u32 v1, v4;
	v9 =	vmul.f32 $2.550000000e+02, v3;
	v17 =	vld [tilespmem:s17+$0x10040]  }
.Ltmp26:
0x605: {  	v3 =	vor.u32 v1, v8;
	v11 =	vmul.f32 $2.550000000e+02, v11;
	v10 =	vld [tilespmem:s17+$0x10050];
	(pc) =	sbr.rel @p0 .LBB2_54-.Ltmp26, $4  }
0x606: {  	v9 =	vtrunc.f32 v9;
	v18 =	vmul.f32 $2.550000000e+02, v12;
	v8 =	vld [tilespmem:s17+$0x10060]  }
0x607: {  	v19 =	vcvt.f32.s32 v9;
	v12 =	vmul.f32 $2.550000000e+02, v13;
	[tilespmem:v14+s10+$0x0] =	vst.idx.add.f32.msk $0xffff, v2  }
0x608: {  	v9 =	vtrunc.f32 v11;
	v13 =	vmul.f32 $2.550000000e+02, v15;
	[tilespmem:v7+s10+$0x0] =	vst.idx.add.f32.msk $0xffff, v2  }
0x609: {  	v7 =	vtrunc.f32 v18;
	v14 =	vshll.u32 v19, $0x4;
	v11 =	vmul.f32 $2.550000000e+02, v17;
	[tilespmem:v16+s10+$0x0] =	vst.idx.add.f32.msk $0xffff, v2  }
0x60a: {  	v12 =	vtrunc.f32 v12;
	v10 =	vmul.f32 $2.550000000e+02, v10  }
0x60b: {  	v13 =	vtrunc.f32 v13;
	v9 =	vcvt.f32.s32 v9  }
0x60c: {  	v7 =	vcvt.f32.s32 v7;
	v8 =	vmul.f32 $2.550000000e+02, v8  }
0x60d: {  	v14 =	vor.u32 v1, v14;
	v11 =	vtrunc.f32 v11;
	v12 =	vcvt.f32.s32 v12  }
0x60e: {  	[tilespmem:v6+s10+$0x0] =	vst.idx.add.f32.msk $0xffff, v2;
	v6 =	vcvt.f32.s32 v13;
	v10 =	vtrunc.f32 v10;
	v9 =	vshll.u32 v9, $0x4  }
0x60f: {  	[tilespmem:v5+s10+$0x0] =	vst.idx.add.f32.msk $0xffff, v2;
	v7 =	vshll.u32 v7, $0x4;
	v5 =	vcvt.f32.s32 v11;
	v9 =	vor.u32 v1, v9  }
0x610: {  	v8 =	vtrunc.f32 v8;
	v11 =	vshll.u32 v12, $0x4;
	v7 =	vor.u32 v1, v7  }
0x611: {  	[tilespmem:v4+s10+$0x0] =	vst.idx.add.f32.msk $0xffff, v2;
	v4 =	vcvt.f32.s32 v10;
	v6 =	vshll.u32 v6, $0x4;
	v10 =	vor.u32 v1, v11  }
0x612: {  	[tilespmem:v3+s10+$0x0] =	vst.idx.add.f32.msk $0xffff, v2;
	v3 =	vcvt.f32.s32 v8;
	v5 =	vshll.u32 v5, $0x4;
	v6 =	vor.u32 v1, v6  }
0x613: {  	[tilespmem:v14+s10+$0x0] =	vst.idx.add.f32.msk $0xffff, v2;
	v4 =	vshll.u32 v4, $0x4;
	v5 =	vor.u32 v1, v5  }
0x614: {  	v3 =	vshll.u32 v3, $0x4;
	v4 =	vor.u32 v1, v4;
	[tilespmem:v9+s10+$0x0] =	vst.idx.add.f32.msk $0xffff, v2  }
0x615: {  	v3 =	vor.u32 v1, v3;
	[tilespmem:v7+s10+$0x0] =	vst.idx.add.f32.msk $0xffff, v2  }
0x616: {  	[tilespmem:v10+s10+$0x0] =	vst.idx.add.f32.msk $0xffff, v2  }
0x617: {  	[tilespmem:v6+s10+$0x0] =	vst.idx.add.f32.msk $0xffff, v2  }
0x618: {  	[tilespmem:v5+s10+$0x0] =	vst.idx.add.f32.msk $0xffff, v2  }
0x619: {  	[tilespmem:v4+s10+$0x0] =	vst.idx.add.f32.msk $0xffff, v2  }
0x61a: {  	s14 =	simm.s32 $0x0;
	s15 =	simm.s32 $0x0;
	[tilespmem:v3+s10+$0x0] =	vst.idx.add.f32.msk $0xffff, v2  }
0x61b: {  	[tilespmem:s3], [sflag:$0x3] =	stream.linear.gather [hbm4b:s24+s14], $0x8000, $0x38;
	[tilespmem:$0x1A000] =	vst v63  }
0x61c: {  	s15 =	sand.u32 $0x7000, s15;
	s16 =	sand.u32 $0xC00, s14;
	_ =	swait.ge [sflag:s4], $0x8000  }
0x61d: {  	s15 =	sor.u32 s16, s15;
	s14 =	sand.u32 $0x380, s14;
	[sflag:s4] =	ssyncset.done $0x0  }
0x61e: {  	s14 =	sor.u32 s14, s15;
	[sflag:s4] =	ssyncadd.s32 $0xFFFF8000  }
0x61f: {  	v3 =	vld [tilespmem:s14+$0x70]  }
0x620: {  	v4 =	vld [tilespmem:s14+$0x0]  }
0x621: {  	v5 =	vld [tilespmem:s14+$0x10]  }
0x622: {  	v6 =	vld [tilespmem:s14+$0x20]  }
0x623: {  	v7 =	vld [tilespmem:s14+$0x30]  }
0x624: {  	v8 =	vld [tilespmem:s14+$0x40]  }
0x625: {  	v9 =	vld [tilespmem:s14+$0x50]  }
0x626: {  	v10 =	vld [tilespmem:s14+$0x60]  }
0x627: {  	v3 =	vmul.f32 $2.550000000e+02, v3;
	v4 =	vmul.f32 $2.550000000e+02, v4  }
0x628: {  	v5 =	vmul.f32 $2.550000000e+02, v5;
	v6 =	vmul.f32 $2.550000000e+02, v6  }
0x629: {  	s15 =	simm.s32 $0x400;
	s14 =	simm.s32 $0x80;
	v7 =	vmul.f32 $2.550000000e+02, v7;
	v3 =	vtrunc.f32 v3  }
0x62a: {  	s16 =	simm.s32 $0x20;
	s18 =	sand.u32 $0xC00, s15;
	s17 =	sand.u32 $0x7000, s14;
	v8 =	vmul.f32 $2.550000000e+02, v8;
	v3 =	vcvt.f32.s32 v3  }
0x62b: {  	s19 =	sand.u32 $0x380, s16;
	s17 =	sor.u32 s18, s17;
	v9 =	vmul.f32 $2.550000000e+02, v9;
	v10 =	vmul.f32 $2.550000000e+02, v10  }
0x62c: {  	s17 =	sor.u32 s19, s17;
	v4 =	vtrunc.f32 v4;
	v5 =	vtrunc.f32 v5;
	v3 =	vshll.u32 v3, $0x4  }
0x62d: {  	v12 =	vld [tilespmem:s17+$0x10];
	v6 =	vtrunc.f32 v6;
	v7 =	vtrunc.f32 v7;
	v3 =	vor.u32 v1, v3  }
0x62e: {  	v8 =	vtrunc.f32 v8;
	v9 =	vtrunc.f32 v9  }
0x62f: {  	v13 =	vld [tilespmem:s17+$0x20];
	v10 =	vtrunc.f32 v10;
	v4 =	vcvt.f32.s32 v4  }
0x630: {  	v11 =	vld [tilespmem:s17+$0x70];
	v5 =	vcvt.f32.s32 v5;
	v8 =	vcvt.f32.s32 v8  }
0x631: {  	v15 =	vld [tilespmem:s17+$0x30];
	v9 =	vcvt.f32.s32 v9;
	v10 =	vcvt.f32.s32 v10  }
0x632: {  	v19 =	vmul.f32 $2.550000000e+02, v12;
	v4 =	vshll.u32 v4, $0x4;
	[tilespmem:v3+s10+$0x0] =	vst.idx.add.f32.msk $0xffff, v2;
	v3 =	vcvt.f32.s32 v6  }
0x633: {  	v5 =	vshll.u32 v5, $0x4;
	v14 =	vor.u32 v1, v4;
	v6 =	vcvt.f32.s32 v7;
	v7 =	vld [tilespmem:s17+$0x0]  }
0x634: {  	v18 =	vld [tilespmem:s17+$0x40];
	v12 =	vmul.f32 $2.550000000e+02, v13;
	v16 =	vor.u32 v1, v5;
	v3 =	vshll.u32 v3, $0x4  }
0x635: {  	v4 =	vshll.u32 v6, $0x4;
	v17 =	vor.u32 v1, v3;
	v3 =	vmul.f32 $2.550000000e+02, v11  }
0x636: {  	v8 =	vshll.u32 v8, $0x4;
	v11 =	vshll.u32 v10, $0x4;
	v6 =	vor.u32 v1, v4;
	v10 =	vld [tilespmem:s17+$0x50]  }
0x637: {  	v9 =	vshll.u32 v9, $0x4;
	v5 =	vor.u32 v1, v8;
	v8 =	vld [tilespmem:s17+$0x60];
	v3 =	vtrunc.f32 v3  }
0x638: {  	[tilespmem:v14+s10+$0x0] =	vst.idx.add.f32.msk $0xffff, v2;
	v4 =	vor.u32 v1, v9;
	v7 =	vmul.f32 $2.550000000e+02, v7;
	v20 =	vcvt.f32.s32 v3  }
0x639: {  	v13 =	vmul.f32 $2.550000000e+02, v15;
	[tilespmem:v16+s10+$0x0] =	vst.idx.add.f32.msk $0xffff, v2;
	v3 =	vor.u32 v1, v11;
	v11 =	vmul.f32 $2.550000000e+02, v18  }
0x63a: {  	v9 =	vtrunc.f32 v7;
	v7 =	vtrunc.f32 v19;
	v14 =	vshll.u32 v20, $0x4;
	[tilespmem:v17+s10+$0x0] =	vst.idx.add.f32.msk $0xffff, v2  }
.LBB2_56:
0x63b: {  	s14 =	sadd.s32 $0x80, s14;
	v12 =	vtrunc.f32 v12;
	v10 =	vmul.f32 $2.550000000e+02, v10;
	v14 =	vor.u32 v1, v14;
	s15 =	sadd.s32 $0x400, s15;
	[tilespmem:v6+s10+$0x0] =	vst.idx.add.f32.msk $0xffff, v2  }
0x63c: {  	v6 =	vtrunc.f32 v13;
	s16 =	sadd.s32 $0x20, s16;
	s17 =	sand.u32 $0x7000, s14;
	s18 =	sand.u32 $0xC00, s15;
	v8 =	vmul.f32 $2.550000000e+02, v8;
	[tilespmem:v5+s10+$0x0] =	vst.idx.add.f32.msk $0xffff, v2  }
0x63d: {  	s19 =	sand.u32 $0x380, s16;
	p0 =	slt.u32 s14, $0x7F80;
	v5 =	vtrunc.f32 v11;
	s17 =	sor.u32 s18, s17;
	v10 =	vtrunc.f32 v10;
	[tilespmem:v4+s10+$0x0] =	vst.idx.add.f32.msk $0xffff, v2  }
0x63e: {  	v4 =	vcvt.f32.s32 v9;
	s17 =	sor.u32 s19, s17;
	v8 =	vtrunc.f32 v8;
	[tilespmem:v3+s10+$0x0] =	vst.idx.add.f32.msk $0xffff, v2  }
0x63f: {  	v7 =	vcvt.f32.s32 v7;
	v9 =	vcvt.f32.s32 v12;
	v3 =	vld [tilespmem:s17+$0x70]  }
0x640: {  	v6 =	vcvt.f32.s32 v6;
	v5 =	vcvt.f32.s32 v5;
	v4 =	vshll.u32 v4, $0x4;
	[tilespmem:v14+s10+$0x0] =	vst.idx.add.f32.msk $0xffff, v2  }
0x641: {  	v7 =	vshll.u32 v7, $0x4;
	v10 =	vcvt.f32.s32 v10;
	v8 =	vcvt.f32.s32 v8;
	v11 =	vld [tilespmem:s17+$0x0]  }
0x642: {  	v6 =	vshll.u32 v6, $0x4;
	v9 =	vshll.u32 v9, $0x4;
	v5 =	vshll.u32 v5, $0x4;
	v12 =	vld [tilespmem:s17+$0x10]  }
0x643: {  	v14 =	vor.u32 v1, v4;
	v4 =	vshll.u32 v10, $0x4;
	v8 =	vshll.u32 v8, $0x4;
	v13 =	vld [tilespmem:s17+$0x20]  }
0x644: {  	v7 =	vor.u32 v1, v7;
	v6 =	vor.u32 v1, v6;
	v16 =	vor.u32 v1, v9;
	v15 =	vld [tilespmem:s17+$0x30]  }
0x645: {  	v5 =	vor.u32 v1, v5;
	v4 =	vor.u32 v1, v4;
	v9 =	vmul.f32 $2.550000000e+02, v3;
	v17 =	vld [tilespmem:s17+$0x40]  }
.Ltmp27:
0x646: {  	v3 =	vor.u32 v1, v8;
	v11 =	vmul.f32 $2.550000000e+02, v11;
	v10 =	vld [tilespmem:s17+$0x50];
	(pc) =	sbr.rel @p0 .LBB2_56-.Ltmp27, $4  }
0x647: {  	v9 =	vtrunc.f32 v9;
	v18 =	vmul.f32 $2.550000000e+02, v12;
	v8 =	vld [tilespmem:s17+$0x60]  }
0x648: {  	v19 =	vcvt.f32.s32 v9;
	v12 =	vmul.f32 $2.550000000e+02, v13;
	[tilespmem:v14+s10+$0x0] =	vst.idx.add.f32.msk $0xffff, v2  }
0x649: {  	v9 =	vtrunc.f32 v11;
	v13 =	vmul.f32 $2.550000000e+02, v15;
	[tilespmem:v7+s10+$0x0] =	vst.idx.add.f32.msk $0xffff, v2  }
0x64a: {  	v7 =	vtrunc.f32 v18;
	v14 =	vshll.u32 v19, $0x4;
	v11 =	vmul.f32 $2.550000000e+02, v17;
	[tilespmem:v16+s10+$0x0] =	vst.idx.add.f32.msk $0xffff, v2  }
0x64b: {  	v12 =	vtrunc.f32 v12;
	v10 =	vmul.f32 $2.550000000e+02, v10  }
0x64c: {  	v13 =	vtrunc.f32 v13;
	v9 =	vcvt.f32.s32 v9  }
0x64d: {  	v7 =	vcvt.f32.s32 v7;
	v8 =	vmul.f32 $2.550000000e+02, v8  }
0x64e: {  	v14 =	vor.u32 v1, v14;
	v11 =	vtrunc.f32 v11;
	v12 =	vcvt.f32.s32 v12  }
0x64f: {  	[tilespmem:v6+s10+$0x0] =	vst.idx.add.f32.msk $0xffff, v2;
	v6 =	vcvt.f32.s32 v13;
	v10 =	vtrunc.f32 v10;
	v9 =	vshll.u32 v9, $0x4  }
0x650: {  	[tilespmem:v5+s10+$0x0] =	vst.idx.add.f32.msk $0xffff, v2;
	v7 =	vshll.u32 v7, $0x4;
	v5 =	vcvt.f32.s32 v11;
	v9 =	vor.u32 v1, v9  }
0x651: {  	v8 =	vtrunc.f32 v8;
	v11 =	vshll.u32 v12, $0x4;
	v7 =	vor.u32 v1, v7  }
0x652: {  	[tilespmem:v4+s10+$0x0] =	vst.idx.add.f32.msk $0xffff, v2;
	v4 =	vcvt.f32.s32 v10;
	v6 =	vshll.u32 v6, $0x4;
	v10 =	vor.u32 v1, v11  }
0x653: {  	[tilespmem:v3+s10+$0x0] =	vst.idx.add.f32.msk $0xffff, v2;
	v3 =	vcvt.f32.s32 v8;
	v5 =	vshll.u32 v5, $0x4;
	v6 =	vor.u32 v1, v6  }
0x654: {  	[tilespmem:v14+s10+$0x0] =	vst.idx.add.f32.msk $0xffff, v2;
	v4 =	vshll.u32 v4, $0x4;
	v5 =	vor.u32 v1, v5  }
0x655: {  	v3 =	vshll.u32 v3, $0x4;
	v4 =	vor.u32 v1, v4;
	[tilespmem:v9+s10+$0x0] =	vst.idx.add.f32.msk $0xffff, v2  }
0x656: {  	v3 =	vor.u32 v1, v3;
	[tilespmem:v7+s10+$0x0] =	vst.idx.add.f32.msk $0xffff, v2  }
0x657: {  	[tilespmem:v10+s10+$0x0] =	vst.idx.add.f32.msk $0xffff, v2  }
0x658: {  	[tilespmem:v6+s10+$0x0] =	vst.idx.add.f32.msk $0xffff, v2  }
0x659: {  	[tilespmem:v5+s10+$0x0] =	vst.idx.add.f32.msk $0xffff, v2  }
0x65a: {  	[tilespmem:v4+s10+$0x0] =	vst.idx.add.f32.msk $0xffff, v2  }
0x65b: {  	s14 =	simm.s32 $0x0;
	s15 =	simm.s32 $0x0;
	[tilespmem:v3+s10+$0x0] =	vst.idx.add.f32.msk $0xffff, v2  }
0x65c: {  	s15 =	sand.u32 $0x7000, s15;
	s16 =	sand.u32 $0xC00, s14;
	_ =	swait.ge [sflag:s6], $0x8000  }
0x65d: {  	s14 =	sand.u32 $0x380, s14;
	s15 =	sor.u32 s16, s15;
	[sflag:s6] =	ssyncset.done $0x0  }
0x65e: {  	s14 =	sor.u32 s14, s15;
	[sflag:s6] =	ssyncadd.s32 $0xFFFF8000  }
0x65f: {  	v3 =	vld [tilespmem:s14+$0x8070]  }
0x660: {  	v4 =	vld [tilespmem:s14+$0x8000]  }
0x661: {  	v5 =	vld [tilespmem:s14+$0x8010]  }
0x662: {  	v6 =	vld [tilespmem:s14+$0x8020]  }
0x663: {  	v7 =	vld [tilespmem:s14+$0x8030]  }
0x664: {  	v8 =	vld [tilespmem:s14+$0x8040]  }
0x665: {  	v9 =	vld [tilespmem:s14+$0x8050]  }
0x666: {  	v10 =	vld [tilespmem:s14+$0x8060]  }
0x667: {  	v3 =	vmul.f32 $2.550000000e+02, v3;
	v4 =	vmul.f32 $2.550000000e+02, v4  }
0x668: {  	v5 =	vmul.f32 $2.550000000e+02, v5;
	v6 =	vmul.f32 $2.550000000e+02, v6  }
0x669: {  	s15 =	simm.s32 $0x400;
	s14 =	simm.s32 $0x80;
	v7 =	vmul.f32 $2.550000000e+02, v7;
	v3 =	vtrunc.f32 v3  }
0x66a: {  	s16 =	simm.s32 $0x20;
	s18 =	sand.u32 $0xC00, s15;
	s17 =	sand.u32 $0x7000, s14;
	v8 =	vmul.f32 $2.550000000e+02, v8;
	v3 =	vcvt.f32.s32 v3  }
0x66b: {  	s19 =	sand.u32 $0x380, s16;
	s17 =	sor.u32 s18, s17;
	v9 =	vmul.f32 $2.550000000e+02, v9;
	v10 =	vmul.f32 $2.550000000e+02, v10  }
0x66c: {  	s17 =	sor.u32 s19, s17;
	v4 =	vtrunc.f32 v4;
	v5 =	vtrunc.f32 v5;
	v3 =	vshll.u32 v3, $0x4  }
0x66d: {  	v12 =	vld [tilespmem:s17+$0x8010];
	v6 =	vtrunc.f32 v6;
	v7 =	vtrunc.f32 v7;
	v3 =	vor.u32 v1, v3  }
0x66e: {  	v8 =	vtrunc.f32 v8;
	v9 =	vtrunc.f32 v9  }
0x66f: {  	v13 =	vld [tilespmem:s17+$0x8020];
	v10 =	vtrunc.f32 v10;
	v4 =	vcvt.f32.s32 v4  }
0x670: {  	v11 =	vld [tilespmem:s17+$0x8070];
	v5 =	vcvt.f32.s32 v5;
	v8 =	vcvt.f32.s32 v8  }
0x671: {  	v15 =	vld [tilespmem:s17+$0x8030];
	v9 =	vcvt.f32.s32 v9;
	v10 =	vcvt.f32.s32 v10  }
0x672: {  	v19 =	vmul.f32 $2.550000000e+02, v12;
	v4 =	vshll.u32 v4, $0x4;
	[tilespmem:v3+s10+$0x0] =	vst.idx.add.f32.msk $0xffff, v2;
	v3 =	vcvt.f32.s32 v6  }
0x673: {  	v5 =	vshll.u32 v5, $0x4;
	v14 =	vor.u32 v1, v4;
	v6 =	vcvt.f32.s32 v7;
	v7 =	vld [tilespmem:s17+$0x8000]  }
0x674: {  	v18 =	vld [tilespmem:s17+$0x8040];
	v12 =	vmul.f32 $2.550000000e+02, v13;
	v16 =	vor.u32 v1, v5;
	v3 =	vshll.u32 v3, $0x4  }
0x675: {  	v4 =	vshll.u32 v6, $0x4;
	v17 =	vor.u32 v1, v3;
	v3 =	vmul.f32 $2.550000000e+02, v11  }
0x676: {  	v8 =	vshll.u32 v8, $0x4;
	v11 =	vshll.u32 v10, $0x4;
	v6 =	vor.u32 v1, v4;
	v10 =	vld [tilespmem:s17+$0x8050]  }
0x677: {  	v9 =	vshll.u32 v9, $0x4;
	v5 =	vor.u32 v1, v8;
	v8 =	vld [tilespmem:s17+$0x8060];
	v3 =	vtrunc.f32 v3  }
0x678: {  	[tilespmem:v14+s10+$0x0] =	vst.idx.add.f32.msk $0xffff, v2;
	v4 =	vor.u32 v1, v9;
	v7 =	vmul.f32 $2.550000000e+02, v7;
	v20 =	vcvt.f32.s32 v3  }
0x679: {  	v13 =	vmul.f32 $2.550000000e+02, v15;
	[tilespmem:v16+s10+$0x0] =	vst.idx.add.f32.msk $0xffff, v2;
	v3 =	vor.u32 v1, v11;
	v11 =	vmul.f32 $2.550000000e+02, v18  }
0x67a: {  	v9 =	vtrunc.f32 v7;
	v7 =	vtrunc.f32 v19;
	v14 =	vshll.u32 v20, $0x4;
	[tilespmem:v17+s10+$0x0] =	vst.idx.add.f32.msk $0xffff, v2  }
.LBB2_58:
0x67b: {  	s14 =	sadd.s32 $0x80, s14;
	v12 =	vtrunc.f32 v12;
	v10 =	vmul.f32 $2.550000000e+02, v10;
	v14 =	vor.u32 v1, v14;
	s15 =	sadd.s32 $0x400, s15;
	[tilespmem:v6+s10+$0x0] =	vst.idx.add.f32.msk $0xffff, v2  }
0x67c: {  	v6 =	vtrunc.f32 v13;
	s16 =	sadd.s32 $0x20, s16;
	s17 =	sand.u32 $0x7000, s14;
	s18 =	sand.u32 $0xC00, s15;
	v8 =	vmul.f32 $2.550000000e+02, v8;
	[tilespmem:v5+s10+$0x0] =	vst.idx.add.f32.msk $0xffff, v2  }
0x67d: {  	s19 =	sand.u32 $0x380, s16;
	p0 =	slt.u32 s14, $0x7F80;
	v5 =	vtrunc.f32 v11;
	s17 =	sor.u32 s18, s17;
	v10 =	vtrunc.f32 v10;
	[tilespmem:v4+s10+$0x0] =	vst.idx.add.f32.msk $0xffff, v2  }
0x67e: {  	v4 =	vcvt.f32.s32 v9;
	s17 =	sor.u32 s19, s17;
	v8 =	vtrunc.f32 v8;
	[tilespmem:v3+s10+$0x0] =	vst.idx.add.f32.msk $0xffff, v2  }
0x67f: {  	v7 =	vcvt.f32.s32 v7;
	v9 =	vcvt.f32.s32 v12;
	v3 =	vld [tilespmem:s17+$0x8070]  }
0x680: {  	v6 =	vcvt.f32.s32 v6;
	v5 =	vcvt.f32.s32 v5;
	v4 =	vshll.u32 v4, $0x4;
	[tilespmem:v14+s10+$0x0] =	vst.idx.add.f32.msk $0xffff, v2  }
0x681: {  	v7 =	vshll.u32 v7, $0x4;
	v10 =	vcvt.f32.s32 v10;
	v8 =	vcvt.f32.s32 v8;
	v11 =	vld [tilespmem:s17+$0x8000]  }
0x682: {  	v6 =	vshll.u32 v6, $0x4;
	v9 =	vshll.u32 v9, $0x4;
	v5 =	vshll.u32 v5, $0x4;
	v12 =	vld [tilespmem:s17+$0x8010]  }
0x683: {  	v14 =	vor.u32 v1, v4;
	v4 =	vshll.u32 v10, $0x4;
	v8 =	vshll.u32 v8, $0x4;
	v13 =	vld [tilespmem:s17+$0x8020]  }
0x684: {  	v7 =	vor.u32 v1, v7;
	v6 =	vor.u32 v1, v6;
	v16 =	vor.u32 v1, v9;
	v15 =	vld [tilespmem:s17+$0x8030]  }
0x685: {  	v5 =	vor.u32 v1, v5;
	v4 =	vor.u32 v1, v4;
	v9 =	vmul.f32 $2.550000000e+02, v3;
	v17 =	vld [tilespmem:s17+$0x8040]  }
.Ltmp28:
0x686: {  	v3 =	vor.u32 v1, v8;
	v11 =	vmul.f32 $2.550000000e+02, v11;
	v10 =	vld [tilespmem:s17+$0x8050];
	(pc) =	sbr.rel @p0 .LBB2_58-.Ltmp28, $4  }
0x687: {  	v9 =	vtrunc.f32 v9;
	v18 =	vmul.f32 $2.550000000e+02, v12;
	v8 =	vld [tilespmem:s17+$0x8060]  }
0x688: {  	v19 =	vcvt.f32.s32 v9;
	v12 =	vmul.f32 $2.550000000e+02, v13;
	[tilespmem:v14+s10+$0x0] =	vst.idx.add.f32.msk $0xffff, v2  }
0x689: {  	v9 =	vtrunc.f32 v11;
	v13 =	vmul.f32 $2.550000000e+02, v15;
	[tilespmem:v7+s10+$0x0] =	vst.idx.add.f32.msk $0xffff, v2  }
0x68a: {  	v7 =	vtrunc.f32 v18;
	v14 =	vshll.u32 v19, $0x4;
	v11 =	vmul.f32 $2.550000000e+02, v17;
	[tilespmem:v16+s10+$0x0] =	vst.idx.add.f32.msk $0xffff, v2  }
0x68b: {  	v12 =	vtrunc.f32 v12;
	v10 =	vmul.f32 $2.550000000e+02, v10  }
0x68c: {  	v13 =	vtrunc.f32 v13;
	v9 =	vcvt.f32.s32 v9  }
0x68d: {  	v7 =	vcvt.f32.s32 v7;
	v8 =	vmul.f32 $2.550000000e+02, v8  }
0x68e: {  	v14 =	vor.u32 v1, v14;
	v11 =	vtrunc.f32 v11;
	v12 =	vcvt.f32.s32 v12  }
0x68f: {  	[tilespmem:v6+s10+$0x0] =	vst.idx.add.f32.msk $0xffff, v2;
	v6 =	vcvt.f32.s32 v13;
	v10 =	vtrunc.f32 v10;
	v9 =	vshll.u32 v9, $0x4  }
0x690: {  	[tilespmem:v5+s10+$0x0] =	vst.idx.add.f32.msk $0xffff, v2;
	v7 =	vshll.u32 v7, $0x4;
	v5 =	vcvt.f32.s32 v11;
	v9 =	vor.u32 v1, v9  }
0x691: {  	v8 =	vtrunc.f32 v8;
	v11 =	vshll.u32 v12, $0x4;
	v7 =	vor.u32 v1, v7  }
0x692: {  	[tilespmem:v4+s10+$0x0] =	vst.idx.add.f32.msk $0xffff, v2;
	v4 =	vcvt.f32.s32 v10;
	v6 =	vshll.u32 v6, $0x4;
	v10 =	vor.u32 v1, v11  }
0x693: {  	[tilespmem:v3+s10+$0x0] =	vst.idx.add.f32.msk $0xffff, v2;
	v3 =	vcvt.f32.s32 v8;
	v5 =	vshll.u32 v5, $0x4;
	v6 =	vor.u32 v1, v6  }
0x694: {  	[tilespmem:v14+s10+$0x0] =	vst.idx.add.f32.msk $0xffff, v2;
	v4 =	vshll.u32 v4, $0x4;
	v5 =	vor.u32 v1, v5  }
0x695: {  	v3 =	vshll.u32 v3, $0x4;
	v4 =	vor.u32 v1, v4;
	[tilespmem:v9+s10+$0x0] =	vst.idx.add.f32.msk $0xffff, v2  }
0x696: {  	v3 =	vor.u32 v1, v3;
	[tilespmem:v7+s10+$0x0] =	vst.idx.add.f32.msk $0xffff, v2  }
0x697: {  	[tilespmem:v10+s10+$0x0] =	vst.idx.add.f32.msk $0xffff, v2  }
0x698: {  	[tilespmem:v6+s10+$0x0] =	vst.idx.add.f32.msk $0xffff, v2  }
0x699: {  	[tilespmem:v5+s10+$0x0] =	vst.idx.add.f32.msk $0xffff, v2  }
0x69a: {  	[tilespmem:v4+s10+$0x0] =	vst.idx.add.f32.msk $0xffff, v2  }
0x69b: {  	s14 =	simm.s32 $0x0;
	s15 =	simm.s32 $0x0;
	[tilespmem:v3+s10+$0x0] =	vst.idx.add.f32.msk $0xffff, v2  }
0x69c: {  	s15 =	sand.u32 $0x7000, s15;
	s16 =	sand.u32 $0xC00, s14;
	_ =	swait.ge [sflag:s7], $0x8000  }
0x69d: {  	s14 =	sand.u32 $0x380, s14;
	s15 =	sor.u32 s16, s15;
	[sflag:s7] =	ssyncset.done $0x0  }
0x69e: {  	s14 =	sor.u32 s14, s15;
	[sflag:s7] =	ssyncadd.s32 $0xFFFF8000  }
0x69f: {  	v3 =	vld [tilespmem:s14+$0x10070]  }
0x6a0: {  	v4 =	vld [tilespmem:s14+$0x10000]  }
0x6a1: {  	v5 =	vld [tilespmem:s14+$0x10010]  }
0x6a2: {  	v6 =	vld [tilespmem:s14+$0x10020]  }
0x6a3: {  	v7 =	vld [tilespmem:s14+$0x10030]  }
0x6a4: {  	v8 =	vld [tilespmem:s14+$0x10040]  }
0x6a5: {  	v9 =	vld [tilespmem:s14+$0x10050]  }
0x6a6: {  	v10 =	vld [tilespmem:s14+$0x10060]  }
0x6a7: {  	v3 =	vmul.f32 $2.550000000e+02, v3;
	v4 =	vmul.f32 $2.550000000e+02, v4  }
0x6a8: {  	v5 =	vmul.f32 $2.550000000e+02, v5;
	v6 =	vmul.f32 $2.550000000e+02, v6  }
0x6a9: {  	s15 =	simm.s32 $0x400;
	s14 =	simm.s32 $0x80;
	v7 =	vmul.f32 $2.550000000e+02, v7;
	v3 =	vtrunc.f32 v3  }
0x6aa: {  	s16 =	simm.s32 $0x20;
	s18 =	sand.u32 $0xC00, s15;
	s17 =	sand.u32 $0x7000, s14;
	v8 =	vmul.f32 $2.550000000e+02, v8;
	v3 =	vcvt.f32.s32 v3  }
0x6ab: {  	s19 =	sand.u32 $0x380, s16;
	s17 =	sor.u32 s18, s17;
	v9 =	vmul.f32 $2.550000000e+02, v9;
	v10 =	vmul.f32 $2.550000000e+02, v10  }
0x6ac: {  	s17 =	sor.u32 s19, s17;
	v4 =	vtrunc.f32 v4;
	v5 =	vtrunc.f32 v5;
	v3 =	vshll.u32 v3, $0x4  }
0x6ad: {  	v12 =	vld [tilespmem:s17+$0x10010];
	v6 =	vtrunc.f32 v6;
	v7 =	vtrunc.f32 v7;
	v3 =	vor.u32 v1, v3  }
0x6ae: {  	v8 =	vtrunc.f32 v8;
	v9 =	vtrunc.f32 v9  }
0x6af: {  	v13 =	vld [tilespmem:s17+$0x10020];
	v10 =	vtrunc.f32 v10;
	v4 =	vcvt.f32.s32 v4  }
0x6b0: {  	v11 =	vld [tilespmem:s17+$0x10070];
	v5 =	vcvt.f32.s32 v5;
	v8 =	vcvt.f32.s32 v8  }
0x6b1: {  	v15 =	vld [tilespmem:s17+$0x10030];
	v9 =	vcvt.f32.s32 v9;
	v10 =	vcvt.f32.s32 v10  }
0x6b2: {  	v19 =	vmul.f32 $2.550000000e+02, v12;
	v4 =	vshll.u32 v4, $0x4;
	[tilespmem:v3+s10+$0x0] =	vst.idx.add.f32.msk $0xffff, v2;
	v3 =	vcvt.f32.s32 v6  }
0x6b3: {  	v5 =	vshll.u32 v5, $0x4;
	v14 =	vor.u32 v1, v4;
	v6 =	vcvt.f32.s32 v7;
	v7 =	vld [tilespmem:s17+$0x10000]  }
0x6b4: {  	v18 =	vld [tilespmem:s17+$0x10040];
	v12 =	vmul.f32 $2.550000000e+02, v13;
	v16 =	vor.u32 v1, v5;
	v3 =	vshll.u32 v3, $0x4  }
0x6b5: {  	v4 =	vshll.u32 v6, $0x4;
	v17 =	vor.u32 v1, v3;
	v3 =	vmul.f32 $2.550000000e+02, v11  }
0x6b6: {  	v8 =	vshll.u32 v8, $0x4;
	v11 =	vshll.u32 v10, $0x4;
	v6 =	vor.u32 v1, v4;
	v10 =	vld [tilespmem:s17+$0x10050]  }
0x6b7: {  	v9 =	vshll.u32 v9, $0x4;
	v5 =	vor.u32 v1, v8;
	v8 =	vld [tilespmem:s17+$0x10060];
	v3 =	vtrunc.f32 v3  }
0x6b8: {  	[tilespmem:v14+s10+$0x0] =	vst.idx.add.f32.msk $0xffff, v2;
	v4 =	vor.u32 v1, v9;
	v7 =	vmul.f32 $2.550000000e+02, v7;
	v20 =	vcvt.f32.s32 v3  }
0x6b9: {  	v13 =	vmul.f32 $2.550000000e+02, v15;
	[tilespmem:v16+s10+$0x0] =	vst.idx.add.f32.msk $0xffff, v2;
	v3 =	vor.u32 v1, v11;
	v11 =	vmul.f32 $2.550000000e+02, v18  }
0x6ba: {  	v9 =	vtrunc.f32 v7;
	v7 =	vtrunc.f32 v19;
	v14 =	vshll.u32 v20, $0x4;
	[tilespmem:v17+s10+$0x0] =	vst.idx.add.f32.msk $0xffff, v2  }
.LBB2_60:
0x6bb: {  	s14 =	sadd.s32 $0x80, s14;
	v12 =	vtrunc.f32 v12;
	v10 =	vmul.f32 $2.550000000e+02, v10;
	v14 =	vor.u32 v1, v14;
	s15 =	sadd.s32 $0x400, s15;
	[tilespmem:v6+s10+$0x0] =	vst.idx.add.f32.msk $0xffff, v2  }
0x6bc: {  	v6 =	vtrunc.f32 v13;
	s16 =	sadd.s32 $0x20, s16;
	s17 =	sand.u32 $0x7000, s14;
	s18 =	sand.u32 $0xC00, s15;
	v8 =	vmul.f32 $2.550000000e+02, v8;
	[tilespmem:v5+s10+$0x0] =	vst.idx.add.f32.msk $0xffff, v2  }
0x6bd: {  	s19 =	sand.u32 $0x380, s16;
	p0 =	slt.u32 s14, $0x7F80;
	v5 =	vtrunc.f32 v11;
	s17 =	sor.u32 s18, s17;
	v10 =	vtrunc.f32 v10;
	[tilespmem:v4+s10+$0x0] =	vst.idx.add.f32.msk $0xffff, v2  }
0x6be: {  	v4 =	vcvt.f32.s32 v9;
	s17 =	sor.u32 s19, s17;
	v8 =	vtrunc.f32 v8;
	[tilespmem:v3+s10+$0x0] =	vst.idx.add.f32.msk $0xffff, v2  }
0x6bf: {  	v7 =	vcvt.f32.s32 v7;
	v9 =	vcvt.f32.s32 v12;
	v3 =	vld [tilespmem:s17+$0x10070]  }
0x6c0: {  	v6 =	vcvt.f32.s32 v6;
	v5 =	vcvt.f32.s32 v5;
	v4 =	vshll.u32 v4, $0x4;
	[tilespmem:v14+s10+$0x0] =	vst.idx.add.f32.msk $0xffff, v2  }
0x6c1: {  	v7 =	vshll.u32 v7, $0x4;
	v10 =	vcvt.f32.s32 v10;
	v8 =	vcvt.f32.s32 v8;
	v11 =	vld [tilespmem:s17+$0x10000]  }
0x6c2: {  	v6 =	vshll.u32 v6, $0x4;
	v9 =	vshll.u32 v9, $0x4;
	v5 =	vshll.u32 v5, $0x4;
	v12 =	vld [tilespmem:s17+$0x10010]  }
0x6c3: {  	v14 =	vor.u32 v1, v4;
	v4 =	vshll.u32 v10, $0x4;
	v8 =	vshll.u32 v8, $0x4;
	v13 =	vld [tilespmem:s17+$0x10020]  }
0x6c4: {  	v7 =	vor.u32 v1, v7;
	v6 =	vor.u32 v1, v6;
	v16 =	vor.u32 v1, v9;
	v15 =	vld [tilespmem:s17+$0x10030]  }
0x6c5: {  	v5 =	vor.u32 v1, v5;
	v4 =	vor.u32 v1, v4;
	v9 =	vmul.f32 $2.550000000e+02, v3;
	v17 =	vld [tilespmem:s17+$0x10040]  }
.Ltmp29:
0x6c6: {  	v3 =	vor.u32 v1, v8;
	v11 =	vmul.f32 $2.550000000e+02, v11;
	v10 =	vld [tilespmem:s17+$0x10050];
	(pc) =	sbr.rel @p0 .LBB2_60-.Ltmp29, $4  }
0x6c7: {  	v9 =	vtrunc.f32 v9;
	v18 =	vmul.f32 $2.550000000e+02, v12;
	v8 =	vld [tilespmem:s17+$0x10060]  }
0x6c8: {  	v19 =	vcvt.f32.s32 v9;
	v12 =	vmul.f32 $2.550000000e+02, v13;
	[tilespmem:v14+s10+$0x0] =	vst.idx.add.f32.msk $0xffff, v2  }
0x6c9: {  	v9 =	vtrunc.f32 v11;
	v13 =	vmul.f32 $2.550000000e+02, v15;
	[tilespmem:v7+s10+$0x0] =	vst.idx.add.f32.msk $0xffff, v2  }
0x6ca: {  	v7 =	vtrunc.f32 v18;
	v14 =	vshll.u32 v19, $0x4;
	v11 =	vmul.f32 $2.550000000e+02, v17;
	[tilespmem:v16+s10+$0x0] =	vst.idx.add.f32.msk $0xffff, v2  }
0x6cb: {  	v12 =	vtrunc.f32 v12;
	v10 =	vmul.f32 $2.550000000e+02, v10  }
0x6cc: {  	v13 =	vtrunc.f32 v13;
	v9 =	vcvt.f32.s32 v9  }
0x6cd: {  	v7 =	vcvt.f32.s32 v7;
	v8 =	vmul.f32 $2.550000000e+02, v8  }
0x6ce: {  	v14 =	vor.u32 v1, v14;
	v11 =	vtrunc.f32 v11;
	v12 =	vcvt.f32.s32 v12  }
0x6cf: {  	v59 =	vcvt.f32.s32 v13;
	v10 =	vtrunc.f32 v10;
	v9 =	vshll.u32 v9, $0x4  }
0x6d0: {  	[tilespmem:v6+s10+$0x0] =	vst.idx.add.f32.msk $0xffff, v2;
	v7 =	vshll.u32 v7, $0x4;
	v60 =	vcvt.f32.s32 v11;
	v9 =	vor.u32 v1, v9  }
0x6d1: {  	[tilespmem:v5+s10+$0x0] =	vst.idx.add.f32.msk $0xffff, v2;
	v8 =	vtrunc.f32 v8;
	v61 =	vshll.u32 v12, $0x4;
	v7 =	vor.u32 v1, v7  }
0x6d2: {  	[tilespmem:v4+s10+$0x0] =	vst.idx.add.f32.msk $0xffff, v2;
	v62 =	vcvt.f32.s32 v10;
	v6 =	vshll.u32 v59, $0x4;
	v63 =	vor.u32 v1, v61  }
0x6d3: {  	[tilespmem:v3+s10+$0x0] =	vst.idx.add.f32.msk $0xffff, v2;
	v3 =	vcvt.f32.s32 v8;
	v5 =	vshll.u32 v60, $0x4;
	v6 =	vor.u32 v1, v6  }
0x6d4: {  	[tilespmem:v14+s10+$0x0] =	vst.idx.add.f32.msk $0xffff, v2;
	v4 =	vshll.u32 v62, $0x4;
	v5 =	vor.u32 v1, v5  }
0x6d5: {  	v3 =	vshll.u32 v3, $0x4;
	v4 =	vor.u32 v1, v4;
	[tilespmem:v9+s10+$0x0] =	vst.idx.add.f32.msk $0xffff, v2  }
0x6d6: {  	v3 =	vor.u32 v1, v3;
	[tilespmem:v7+s10+$0x0] =	vst.idx.add.f32.msk $0xffff, v2  }
0x6d7: {  	[tilespmem:v63+s10+$0x0] =	vst.idx.add.f32.msk $0xffff, v2  }
0x6d8: {  	[tilespmem:v6+s10+$0x0] =	vst.idx.add.f32.msk $0xffff, v2  }
0x6d9: {  	[tilespmem:v5+s10+$0x0] =	vst.idx.add.f32.msk $0xffff, v2  }
0x6da: {  	[tilespmem:v4+s10+$0x0] =	vst.idx.add.f32.msk $0xffff, v2  }
0x6db: {  	s13 =	sadd.s32 $0x1, s13;
	[tilespmem:v3+s10+$0x0] =	vst.idx.add.f32.msk $0xffff, v2  }
0x6dc: {  	[hbm4b:s0+s8] =	stream.strided.scatter [tilespmem:s10], [sflag:$0x5], $0x1000, s9, s8, $0x38;
	[tilespmem:$0x1A000] =	vst v63  }
0x6dd: {  	p0 =	sne.s32 s13, s1;
	_ =	swait.ge [sflag:s11], $0x1000  }
.Ltmp30:
0x6de: {  	[sflag:s11] =	ssyncset.done $0x0;
	(pc) =	sbr.rel @p0 .LBB2_1-.Ltmp30, $4  }
0x6df: {  	[sflag:s11] =	ssyncadd.s32 $0xFFFFF000  }
0x6e0: {  	_ =	swait.ge [sflag:s12], $0x1000  }
0x6e1: {  	[sflag:s12] =	ssyncset.done $0x0  }
0x6e2: {  	[sflag:s12] =	ssyncadd.s32 $0xFFFFF000  }
0x6e3: {  	_ =	sfence.sel $0x180000  }
0x6e4: {  	[bflag:$0x0] =	sbarrier.arrive $0xFFFF  }
0x6e5: {  	_ =	strace $0x90000047  }
0x6e6: {  	s0 =	stileid.u32;
	[bflag:$0x2] =	sbarrier.arrive $0xFFFF  }
0x6e7: {  	p0 =	sne.s32 s0, $0x0;
	s0 =	rddreg [dreg:$0x3]  }
0x6e8: {  	s0 =	sadd.s32 @!p0 $0x100000, s0  }
0x6e9: {  	[sflag:s0] =	ssyncadd.tile.s32 @!p0 $0x1;
	_ =	shalt  }
.Lfunc_end2:
_tile_overlayer_lowered:
.L_overlay_start_2:
0x6ea: {  	(tag) =	ssettag $0x2  }
0x6eb: {  	s0 =	rddreg [dreg:$0x0];
	s2 =	stileid.u32  }
0x6ec: {  	s1 =	rddreg [dreg:$0x1];
	p0 =	sne.s32 s2, $0x0  }
0x6ed: {  	s3 =	rddreg [dreg:$0x2];
	[bflag:$0x3] =	sbarrier.arrive $0xFFFF;
	s2 =	simm.s32 @!p0 $0x1C06  }
0x6ee: {  	[timem:s3], [sflag:s2] =	dma.local @!p0 [hbm:s0], s1  }
0x6ef: {  	s0 =	simm.s32 @!p0 $0x6  }
0x6f0: {  	_ =	swait.ge @!p0 [sflag:s0], s1  }
0x6f1: {  	s1 =	ssub.s32 @!p0 $0x0, s1;
	[sflag:s0] =	ssyncset.done @!p0 $0x0  }
0x6f2: {  	[sflag:s0] =	ssyncadd.s32 @!p0 s1  }
0x6f3: {  	[bflag:$0x3] =	sbarrier.arrive $0xFFFF  }
0x6f4: {  	_ =	shalt  }

</sc_bundles>
